<compile_context>
chip_gen: v7x
topology: tpu7x:2x2x1
jax: 0.10.2.dev20260603
libtpu: 0.0.44.dev20260713+nightly
codegen_flags: <defaults>
</compile_context>

<pallas_src>
import functools

import jax
import jax.numpy as jnp
from jax import lax
from jax.experimental import pallas as pl
from jax.experimental.pallas import tpu as pltpu
from jax.experimental.pallas import tpu_sc as plsc

NC = 2
NS = 16
NW = NC * NS
EC = 128
DW = 16
ZC = 208
ZB = 48


def _rows_out(acc, out_hbm, c, s, n, copy, chunk):
    rb = (n // NS) & ~7
    ex = n - NS * rb
    assert rb % chunk == 0 and ex % 8 == 0 and ex < chunk
    base = pl.multiple_of(s * rb, 8)
    for k in range(rb // chunk):
        copy(base + k * chunk, chunk, False)
    if ex:
        @pl.when(s == NS - 1)
        def _():
            copy(n - ex, ex, True)


NB = 3


def _deg_sc(dst, n):
    e = dst.shape[0]
    ept = e // NW
    nfull, tail = ept // EC, ept % EC
    assert e % NW == 0 and tail % 8 == 0 and ept % 8 == 0

    mesh = plsc.VectorSubcoreMesh(core_axis_name="c", subcore_axis_name="s")

    def body(dst_hbm, out_hbm, acc, ones_v, ones_t,
             didx0, didx_t, zbuf):
        c = lax.axis_index("c")
        s = lax.axis_index("s")
        wid = s * NC + c

        zero16 = jnp.zeros((16,), jnp.float32)
        one16 = jnp.ones((16,), jnp.float32)

        def fill(i, _):
            zbuf[i, :] = zero16
            return 0

        lax.fori_loop(0, ZB, fill, 0)

        def fill2(i, _):
            ones_v[i, :] = one16
            return 0

        lax.fori_loop(0, EC, fill2, 0)
        if tail:
            def fill3(i, _):
                ones_t[i, :] = one16
                return 0

            lax.fori_loop(0, tail, fill3, 0)

        def zcopy(off, cnt, is_tail):
            zsrc = zbuf.at[pl.ds(0, cnt)] if is_tail else zbuf
            pltpu.sync_copy(zsrc, acc.at[pl.ds(off, cnt)])

        _rows_out(acc, out_hbm, c, s, n, zcopy, ZB)
        plsc.subcore_barrier()

        eb = wid * ept

        def chunk(j, _):
            pltpu.sync_copy(dst_hbm.at[pl.ds(eb + j * EC, EC)], didx0)
            pltpu.sync_copy(ones_v, acc.at[didx0], add=True)
            return 0

        lax.fori_loop(0, nfull, chunk, 0)
        if tail:
            pltpu.sync_copy(dst_hbm.at[pl.ds(eb + nfull * EC, tail)], didx_t)
            pltpu.sync_copy(ones_t, acc.at[didx_t], add=True)

        plsc.subcore_barrier()

        def wcopy(off, cnt, is_tail):
            pltpu.sync_copy(acc.at[pl.ds(off, cnt)],
                            out_hbm.at[c, pl.ds(off, cnt)])

        _rows_out(acc, out_hbm, c, s, n, wcopy, ZC)

    scratch = [
        pltpu.VMEM_SHARED((n, DW), jnp.float32),
        pltpu.VMEM((EC, DW), jnp.float32),
        pltpu.VMEM((max(tail, 8), DW), jnp.float32),
        pltpu.VMEM((EC,), jnp.int32),
        pltpu.VMEM((max(tail, 8),), jnp.int32),
        pltpu.VMEM((ZB, DW), jnp.float32),
    ]
    return pl.kernel(
        body,
        jax.ShapeDtypeStruct((NC, n, DW), jnp.float32),
        mesh=mesh,
        scratch_types=scratch,
    )(dst)


def _agg_sc(hp, src, dst):
    n, d = hp.shape
    e = src.shape[0]
    ept = e // NW
    nfull, tail = ept // EC, ept % EC
    assert e % NW == 0 and d % 16 == 0
    assert tail % 8 == 0 and ept % 8 == 0
    assert nfull % 2 == 0

    mesh = plsc.VectorSubcoreMesh(core_axis_name="c", subcore_axis_name="s")

    def body(hp_hbm, src_hbm, dst_hbm, out_hbm, acc,
             rows0, rows1, sidx0, sidx1, didx0, didx1,
             rows_t, sidx_t, didx_t, zbuf,
             gsem0, gsem1, isem0, isem1, tsem):
        rows = [rows0, rows1]
        sidx = [sidx0, sidx1]
        didx = [didx0, didx1]
        gsem = [gsem0, gsem1]
        isem = [isem0, isem1]
        c = lax.axis_index("c")
        s = lax.axis_index("s")
        wid = s * NC + c

        zero16 = jnp.zeros((16,), jnp.float32)

        def fill(i, _):
            for q in range(d // 16):
                zbuf[i, pl.ds(q * 16, 16)] = zero16
            return 0

        lax.fori_loop(0, ZB, fill, 0)

        def zcopy(off, cnt, is_tail):
            zsrc = zbuf.at[pl.ds(0, cnt)] if is_tail else zbuf
            pltpu.sync_copy(zsrc, acc.at[pl.ds(off, cnt)])

        _rows_out(acc, out_hbm, c, s, n, zcopy, ZB)
        plsc.subcore_barrier()

        eb = wid * ept

        def pair(k, _):
            j0 = k * 2
            b0 = eb + j0 * EC
            b1 = eb + (j0 + 1) * EC
            pltpu.sync_copy(src_hbm.at[pl.ds(b0, EC)], sidx0)
            pltpu.sync_copy(dst_hbm.at[pl.ds(b0, EC)], didx0)
            pltpu.sync_copy(src_hbm.at[pl.ds(b1, EC)], sidx1)
            pltpu.sync_copy(dst_hbm.at[pl.ds(b1, EC)], didx1)
            da = pltpu.async_copy(hp_hbm.at[sidx0], rows0, gsem0)
            db = pltpu.async_copy(hp_hbm.at[sidx1], rows1, gsem1)
            da.wait()
            pltpu.sync_copy(rows0, acc.at[didx0], add=True)
            db.wait()
            pltpu.sync_copy(rows1, acc.at[didx1], add=True)
            return 0

        lax.fori_loop(0, nfull // 2, pair, 0)
        if tail:
            b0 = eb + nfull * EC
            pltpu.sync_copy(src_hbm.at[pl.ds(b0, tail)], sidx_t)
            pltpu.sync_copy(dst_hbm.at[pl.ds(b0, tail)], didx_t)
            pltpu.async_copy(hp_hbm.at[sidx_t], rows_t, tsem).wait()
            pltpu.sync_copy(rows_t, acc.at[didx_t], add=True)

        plsc.subcore_barrier()

        def wcopy(off, cnt, is_tail):
            pltpu.sync_copy(acc.at[pl.ds(off, cnt)],
                            out_hbm.at[c, pl.ds(off, cnt)])

        _rows_out(acc, out_hbm, c, s, n, wcopy, ZC)

    scratch = [
        pltpu.VMEM_SHARED((n, d), jnp.float32),
        pltpu.VMEM((EC, d), jnp.float32),
        pltpu.VMEM((EC, d), jnp.float32),
        pltpu.VMEM((EC,), jnp.int32),
        pltpu.VMEM((EC,), jnp.int32),
        pltpu.VMEM((EC,), jnp.int32),
        pltpu.VMEM((EC,), jnp.int32),
        pltpu.VMEM((max(tail, 8), d), jnp.float32),
        pltpu.VMEM((max(tail, 8),), jnp.int32),
        pltpu.VMEM((max(tail, 8),), jnp.int32),
        pltpu.VMEM((ZB, d), jnp.float32),
        pltpu.SemaphoreType.DMA,
        pltpu.SemaphoreType.DMA,
        pltpu.SemaphoreType.DMA,
        pltpu.SemaphoreType.DMA,
        pltpu.SemaphoreType.DMA,
    ]
    return pl.kernel(
        body,
        jax.ShapeDtypeStruct((NC, n, d), jnp.float32),
        mesh=mesh,
        scratch_types=scratch,
    )(hp, src, dst)


_TC_R = 1000


def _dinv_of(g):
    deg = g[0, :, :1] + g[1, :, :1] + 1.0
    return lax.rsqrt(deg)


def _tc_first(degp, x, w):
    n, d = x.shape

    def body(g_ref, x_ref, w_ref, o_ref):
        dinv = _dinv_of(g_ref[...])
        o_ref[...] = dinv * jnp.dot(x_ref[...], w_ref[...],
                                    preferred_element_type=jnp.float32)

    return pl.pallas_call(
        body,
        grid=(n // _TC_R,),
        in_specs=[
            pl.BlockSpec((2, _TC_R, DW), lambda i: (0, i, 0)),
            pl.BlockSpec((_TC_R, d), lambda i: (i, 0)),
            pl.BlockSpec((d, w.shape[1]), lambda i: (0, 0)),
        ],
        out_specs=pl.BlockSpec((_TC_R, w.shape[1]), lambda i: (i, 0)),
        out_shape=jax.ShapeDtypeStruct((n, w.shape[1]), jnp.float32),
    )(degp, x, w)


def _tc_mid(degp, tmpp, hp, b, w):
    n, d = hp.shape

    def body(g_ref, t_ref, hp_ref, b_ref, w_ref, o_ref):
        dinv = _dinv_of(g_ref[...])
        t = t_ref[...]
        h = jnp.maximum(dinv * (t[0] + t[1] + hp_ref[...]) + b_ref[...], 0.0)
        o_ref[...] = dinv * jnp.dot(h, w_ref[...],
                                    preferred_element_type=jnp.float32)

    return pl.pallas_call(
        body,
        grid=(n // _TC_R,),
        in_specs=[
            pl.BlockSpec((2, _TC_R, DW), lambda i: (0, i, 0)),
            pl.BlockSpec((2, _TC_R, d), lambda i: (0, i, 0)),
            pl.BlockSpec((_TC_R, d), lambda i: (i, 0)),
            pl.BlockSpec((1, d), lambda i: (0, 0)),
            pl.BlockSpec((d, w.shape[1]), lambda i: (0, 0)),
        ],
        out_specs=pl.BlockSpec((_TC_R, w.shape[1]), lambda i: (i, 0)),
        out_shape=jax.ShapeDtypeStruct((n, w.shape[1]), jnp.float32),
    )(degp, tmpp, hp, b, w)


def _tc_last(degp, tmpp, hp, b, wc, bc):
    n, d = hp.shape
    dout = wc.shape[1]

    def body(g_ref, t_ref, hp_ref, b_ref, w_ref, bc_ref, o_ref):
        dinv = _dinv_of(g_ref[...])
        t = t_ref[...]
        h = jnp.maximum(dinv * (t[0] + t[1] + hp_ref[...]) + b_ref[...], 0.0)
        o_ref[...] = jnp.dot(h, w_ref[...],
                             preferred_element_type=jnp.float32) + bc_ref[...]

    return pl.pallas_call(
        body,
        grid=(n // _TC_R,),
        in_specs=[
            pl.BlockSpec((2, _TC_R, DW), lambda i: (0, i, 0)),
            pl.BlockSpec((2, _TC_R, d), lambda i: (0, i, 0)),
            pl.BlockSpec((_TC_R, d), lambda i: (i, 0)),
            pl.BlockSpec((1, d), lambda i: (0, 0)),
            pl.BlockSpec((d, dout), lambda i: (0, 0)),
            pl.BlockSpec((1, dout), lambda i: (0, 0)),
        ],
        out_specs=pl.BlockSpec((_TC_R, dout), lambda i: (i, 0)),
        out_shape=jax.ShapeDtypeStruct((n, dout), jnp.float32),
    )(degp, tmpp, hp, b, wc, bc)


def kernel(x, edge_index, W1, b1, W2, b2, W3, b3, Wc, bc):
    src = edge_index[0]
    dst = edge_index[1]
    n = x.shape[0]

    degp = _deg_sc(dst, n)
    hp = _tc_first(degp, x, W1)
    for (b, wn) in ((b1, W2), (b2, W3)):
        tmpp = _agg_sc(hp, src, dst)
        hp = _tc_mid(degp, tmpp, hp, b.reshape(1, -1), wn)
    tmpp = _agg_sc(hp, src, dst)
    return _tc_last(degp, tmpp, hp, b3.reshape(1, -1), Wc, bc.reshape(1, -1))

# --- scband reference (transcript-rebuilt; emitter-appended) ---
"""Pipeline reference for scband-stacked-gcn-55568286876147 (READ-ONLY COPY).

The authoritative reference and input builder live on the scoring server;
editing this copy changes nothing except your own understanding.
"""

import jax, jax.numpy as jnp
import numpy as np

N = 10000
E = 320000
D_IN = 128
D_H = 128
D_OUT = 32


def setup_inputs(seed: int = 0) -> dict:
    key = jax.random.key(seed)
    ks = jax.random.split(key, 12)
    x = jax.random.normal(ks[0], (N, D_IN), dtype=jnp.float32)
    edge_index = jax.random.randint(ks[1], (2, E), 0, N, dtype=jnp.int32)
    def lin(k, fan_in, fan_out):
        kw, kb = jax.random.split(k)
        W = jax.random.normal(kw, (fan_in, fan_out), dtype=jnp.float32) * (1.0 / np.sqrt(fan_in))
        b = jnp.zeros((fan_out,), dtype=jnp.float32)
        return W, b
    W1, b1 = lin(ks[2], D_IN, D_H)
    W2, b2 = lin(ks[3], D_H, D_H)
    W3, b3 = lin(ks[4], D_H, D_H)
    Wc, bc = lin(ks[5], D_H, D_OUT)
    return {"x": x, "edge_index": edge_index, "W1": W1, "b1": b1, "W2": W2, "b2": b2, "W3": W3, "b3": b3, "Wc": Wc, "bc": bc}


def _gcn_conv(h, edge_index, W, b):
    loop = jnp.arange(N, dtype=edge_index.dtype)
    src = jnp.concatenate([edge_index[0], loop])
    dst = jnp.concatenate([edge_index[1], loop])
    ones = jnp.ones(src.shape[0], dtype=h.dtype)
    deg = jax.ops.segment_sum(ones, dst, num_segments=N)
    dinv = jnp.where(deg > 0, jax.lax.rsqrt(jnp.maximum(deg, 1e-12)), 0.0)
    norm = dinv[src] * dinv[dst]
    hw = h @ W
    msg = hw[src] * norm[:, None]
    agg = jax.ops.segment_sum(msg, dst, num_segments=N)
    return agg + b


def reference(x, edge_index, W1, b1, W2, b2, W3, b3, Wc, bc):
    h = x
    for (W, b) in ((W1, b1), (W2, b2), (W3, b3)):
        h = _gcn_conv(h, edge_index, W, b)
        h = jax.nn.relu(h)
        # dropout p=0.0 (eval): identity
    return h @ Wc + bc

if __name__ == "__main__":
    import jax
    _d = setup_inputs()
    print(jax.jit(kernel)(*tuple(_d.values())))

</pallas_src>

<mosaic_0001>
#map = affine_map<(d0, d1) -> (0, 0)>
#map1 = affine_map<(d0, d1) -> (0)>
#map2 = affine_map<(d0, d1) -> (0, 0, 0)>
module attributes {stable_mosaic.version = 14 : i64} {
  func.func @body(%arg0: i32, %arg1: i32, %arg2: memref<10000x128xf32, #tpu.memory_space<hbm>>, %arg3: memref<320000xi32, #tpu.memory_space<hbm>>, %arg4: memref<320000xi32, #tpu.memory_space<hbm>>, %arg5: memref<2x10000x128xf32, #tpu.memory_space<hbm>>, %arg6: memref<10000x128xf32, #tpu.memory_space<vmem_shared>>, %arg7: memref<128x128xf32, #tpu.memory_space<vmem>>, %arg8: memref<128x128xf32, #tpu.memory_space<vmem>>, %arg9: memref<128xi32, #tpu.memory_space<vmem>>, %arg10: memref<128xi32, #tpu.memory_space<vmem>>, %arg11: memref<128xi32, #tpu.memory_space<vmem>>, %arg12: memref<128xi32, #tpu.memory_space<vmem>>, %arg13: memref<16x128xf32, #tpu.memory_space<vmem>>, %arg14: memref<16xi32, #tpu.memory_space<vmem>>, %arg15: memref<16xi32, #tpu.memory_space<vmem>>, %arg16: memref<48x128xf32, #tpu.memory_space<vmem>>, %arg17: memref<!tpu.dma_semaphore, #tpu.memory_space<semaphore_mem>>, %arg18: memref<!tpu.dma_semaphore, #tpu.memory_space<semaphore_mem>>, %arg19: memref<!tpu.dma_semaphore, #tpu.memory_space<semaphore_mem>>, %arg20: memref<!tpu.dma_semaphore, #tpu.memory_space<semaphore_mem>>, %arg21: memref<!tpu.dma_semaphore, #tpu.memory_space<semaphore_mem>>) attributes {dimension_semantics = [#tpu.dimension_semantics<core_parallel>, #tpu.dimension_semantics<subcore_parallel>], iteration_bounds = array<i64: 2, 16>, scalar_prefetch = 0 : i64, scratch_operands = 16 : i64, tpu.core_type = #tpu.core_type<sc_vector_subcore>, window_params = [{transform_indices = #map}, {transform_indices = #map1}, {transform_indices = #map1}, {transform_indices = #map2}]} {
    %mul3A = arith.constant 2 : i32
    %mul3A_0 = arith.muli %arg1, %mul3A : i32
    %add3A = arith.addi %mul3A_0, %arg0 : i32
    %broadcast_in_dim3A = arith.constant 0.000000e+00 : f32
    %broadcast_in_dim3A_1 = vector.broadcast %broadcast_in_dim3A : f32 to vector<16xf32>
    %scan3A = arith.constant 0 : i32
    %scan3A_2 = arith.constant 0 : i32
    %scan3A_3 = arith.constant 48 : i32
    %scan3A_4 = arith.addi %scan3A_2, %scan3A_3 : i32
    %scan3A_5 = arith.constant 1 : i32
    %scan3A_6 = scf.for %scan3A_68 = %scan3A_2 to %scan3A_4 step %scan3A_5 iter_args(%scan3A_69 = %scan3A) -> (i32)  : i32 {
      %swap3A = arith.index_cast %scan3A_68 : i32 to index
      %swap3A_70 = arith.constant 0 : index
      %swap3A_71 = tpu.vector_load %arg16[%swap3A, %swap3A_70] {strides = array<i32>} : memref<48x128xf32, #tpu.memory_space<vmem>>, vector<1x16xf32>,
      %swap3A_72 = vector.shape_cast %swap3A_71 : vector<1x16xf32> to vector<16xf32>
      %swap3A_73 = vector.shape_cast %broadcast_in_dim3A_1 : vector<16xf32> to vector<1x16xf32>
      tpu.vector_store %arg16[%swap3A, %swap3A_70], %swap3A_73 {strides = array<i32>} : memref<48x128xf32, #tpu.memory_space<vmem>>, vector<1x16xf32>,
      %swap3A_74 = arith.index_cast %scan3A_68 : i32 to index
      %swap3A_75 = arith.constant 16 : index
      %swap3A_76 = tpu.vector_load %arg16[%swap3A_74, %swap3A_75] {strides = array<i32>} : memref<48x128xf32, #tpu.memory_space<vmem>>, vector<1x16xf32>,
      %swap3A_77 = vector.shape_cast %swap3A_76 : vector<1x16xf32> to vector<16xf32>
      %swap3A_78 = vector.shape_cast %broadcast_in_dim3A_1 : vector<16xf32> to vector<1x16xf32>
      tpu.vector_store %arg16[%swap3A_74, %swap3A_75], %swap3A_78 {strides = array<i32>} : memref<48x128xf32, #tpu.memory_space<vmem>>, vector<1x16xf32>,
      %swap3A_79 = arith.index_cast %scan3A_68 : i32 to index
      %swap3A_80 = arith.constant 32 : index
      %swap3A_81 = tpu.vector_load %arg16[%swap3A_79, %swap3A_80] {strides = array<i32>} : memref<48x128xf32, #tpu.memory_space<vmem>>, vector<1x16xf32>,
      %swap3A_82 = vector.shape_cast %swap3A_81 : vector<1x16xf32> to vector<16xf32>
      %swap3A_83 = vector.shape_cast %broadcast_in_dim3A_1 : vector<16xf32> to vector<1x16xf32>
      tpu.vector_store %arg16[%swap3A_79, %swap3A_80], %swap3A_83 {strides = array<i32>} : memref<48x128xf32, #tpu.memory_space<vmem>>, vector<1x16xf32>,
      %swap3A_84 = arith.index_cast %scan3A_68 : i32 to index
      %swap3A_85 = arith.constant 48 : index
      %swap3A_86 = tpu.vector_load %arg16[%swap3A_84, %swap3A_85] {strides = array<i32>} : memref<48x128xf32, #tpu.memory_space<vmem>>, vector<1x16xf32>,
      %swap3A_87 = vector.shape_cast %swap3A_86 : vector<1x16xf32> to vector<16xf32>
      %swap3A_88 = vector.shape_cast %broadcast_in_dim3A_1 : vector<16xf32> to vector<1x16xf32>
      tpu.vector_store %arg16[%swap3A_84, %swap3A_85], %swap3A_88 {strides = array<i32>} : memref<48x128xf32, #tpu.memory_space<vmem>>, vector<1x16xf32>,
      %swap3A_89 = arith.index_cast %scan3A_68 : i32 to index
      %swap3A_90 = arith.constant 64 : index
      %swap3A_91 = tpu.vector_load %arg16[%swap3A_89, %swap3A_90] {strides = array<i32>} : memref<48x128xf32, #tpu.memory_space<vmem>>, vector<1x16xf32>,
      %swap3A_92 = vector.shape_cast %swap3A_91 : vector<1x16xf32> to vector<16xf32>
      %swap3A_93 = vector.shape_cast %broadcast_in_dim3A_1 : vector<16xf32> to vector<1x16xf32>
      tpu.vector_store %arg16[%swap3A_89, %swap3A_90], %swap3A_93 {strides = array<i32>} : memref<48x128xf32, #tpu.memory_space<vmem>>, vector<1x16xf32>,
      %swap3A_94 = arith.index_cast %scan3A_68 : i32 to index
      %swap3A_95 = arith.constant 80 : index
      %swap3A_96 = tpu.vector_load %arg16[%swap3A_94, %swap3A_95] {strides = array<i32>} : memref<48x128xf32, #tpu.memory_space<vmem>>, vector<1x16xf32>,
      %swap3A_97 = vector.shape_cast %swap3A_96 : vector<1x16xf32> to vector<16xf32>
      %swap3A_98 = vector.shape_cast %broadcast_in_dim3A_1 : vector<16xf32> to vector<1x16xf32>
      tpu.vector_store %arg16[%swap3A_94, %swap3A_95], %swap3A_98 {strides = array<i32>} : memref<48x128xf32, #tpu.memory_space<vmem>>, vector<1x16xf32>,
      %swap3A_99 = arith.index_cast %scan3A_68 : i32 to index
      %swap3A_100 = arith.constant 96 : index
      %swap3A_101 = tpu.vector_load %arg16[%swap3A_99, %swap3A_100] {strides = array<i32>} : memref<48x128xf32, #tpu.memory_space<vmem>>, vector<1x16xf32>,
      %swap3A_102 = vector.shape_cast %swap3A_101 : vector<1x16xf32> to vector<16xf32>
      %swap3A_103 = vector.shape_cast %broadcast_in_dim3A_1 : vector<16xf32> to vector<1x16xf32>
      tpu.vector_store %arg16[%swap3A_99, %swap3A_100], %swap3A_103 {strides = array<i32>} : memref<48x128xf32, #tpu.memory_space<vmem>>, vector<1x16xf32>,
      %swap3A_104 = arith.index_cast %scan3A_68 : i32 to index
      %swap3A_105 = arith.constant 112 : index
      %swap3A_106 = tpu.vector_load %arg16[%swap3A_104, %swap3A_105] {strides = array<i32>} : memref<48x128xf32, #tpu.memory_space<vmem>>, vector<1x16xf32>,
      %swap3A_107 = vector.shape_cast %swap3A_106 : vector<1x16xf32> to vector<16xf32>
      %swap3A_108 = vector.shape_cast %broadcast_in_dim3A_1 : vector<16xf32> to vector<1x16xf32>
      tpu.vector_store %arg16[%swap3A_104, %swap3A_105], %swap3A_108 {strides = array<i32>} : memref<48x128xf32, #tpu.memory_space<vmem>>, vector<1x16xf32>,
      %scan3A_109 = arith.constant 0 : i32
      scf.yield %scan3A_109 : i32
    }
    %scan3A_7 = arith.constant 48 : i32
    %mul3A_8 = arith.constant 624 : i32
    %mul3A_9 = arith.muli %arg1, %mul3A_8 : i32
    %multiple_of3A = tpu.assume_multiple %mul3A_9, 8 : i32
    %add3A_10 = arith.constant 0 : i32
    %add3A_11 = arith.addi %multiple_of3A, %add3A_10 : i32
    "tpu.region"() ({
      %run_scoped3A = tpu.sem_alloc : memref<!tpu.dma_semaphore, #tpu.memory_space<semaphore_mem>>
      %dma_start3A_68 = arith.constant 0 : i32
      %dma_start3A_69 = tpu.memref_slice %arg6[%add3A_11, %dma_start3A_68] : memref<10000x128xf32, #tpu.memory_space<vmem_shared>> -> memref<48x128xf32, #tpu.memory_space<vmem_shared>>
      %dma_start3A_70 = arith.constant 0 : i32
      %dma_start3A_71 = tpu.memref_slice %arg6[%add3A_11, %dma_start3A_70] : memref<10000x128xf32, #tpu.memory_space<vmem_shared>> -> memref<48x128xf32, #tpu.memory_space<vmem_shared>>
      tpu.enqueue_dma source(%arg16 : memref<48x128xf32, #tpu.memory_space<vmem>>) target(%dma_start3A_71 : memref<48x128xf32, #tpu.memory_space<vmem_shared>>) target_semaphore(%run_scoped3A : memref<!tpu.dma_semaphore, #tpu.memory_space<semaphore_mem>>)
      %dma_wait3A_72 = arith.constant 0 : i32
      %dma_wait3A_73 = tpu.memref_slice %arg6[%add3A_11, %dma_wait3A_72] : memref<10000x128xf32, #tpu.memory_space<vmem_shared>> -> memref<48x128xf32, #tpu.memory_space<vmem_shared>>
      %dma_wait3A_74 = arith.constant 0 : i32
      %dma_wait3A_75 = tpu.memref_slice %arg6[%add3A_11, %dma_wait3A_74] : memref<10000x128xf32, #tpu.memory_space<vmem_shared>> -> memref<48x128xf32, #tpu.memory_space<vmem_shared>>
      tpu.wait_dma2 semaphore(%run_scoped3A : memref<!tpu.dma_semaphore, #tpu.memory_space<semaphore_mem>>) src(%arg16 : memref<48x128xf32, #tpu.memory_space<vmem>>) dst(%dma_wait3A_75 : memref<48x128xf32, #tpu.memory_space<vmem_shared>>)
      tpu.yield
    }) : () -> ()
    %add3A_12 = arith.constant 48 : i32
    %add3A_13 = arith.addi %multiple_of3A, %add3A_12 : i32
    "tpu.region"() ({
      %run_scoped3A = tpu.sem_alloc : memref<!tpu.dma_semaphore, #tpu.memory_space<semaphore_mem>>
      %dma_start3A_68 = arith.constant 0 : i32
      %dma_start3A_69 = tpu.memref_slice %arg6[%add3A_13, %dma_start3A_68] : memref<10000x128xf32, #tpu.memory_space<vmem_shared>> -> memref<48x128xf32, #tpu.memory_space<vmem_shared>>
      %dma_start3A_70 = arith.constant 0 : i32
      %dma_start3A_71 = tpu.memref_slice %arg6[%add3A_13, %dma_start3A_70] : memref<10000x128xf32, #tpu.memory_space<vmem_shared>> -> memref<48x128xf32, #tpu.memory_space<vmem_shared>>
      tpu.enqueue_dma source(%arg16 : memref<48x128xf32, #tpu.memory_space<vmem>>) target(%dma_start3A_71 : memref<48x128xf32, #tpu.memory_space<vmem_shared>>) target_semaphore(%run_scoped3A : memref<!tpu.dma_semaphore, #tpu.memory_space<semaphore_mem>>)
      %dma_wait3A_72 = arith.constant 0 : i32
      %dma_wait3A_73 = tpu.memref_slice %arg6[%add3A_13, %dma_wait3A_72] : memref<10000x128xf32, #tpu.memory_space<vmem_shared>> -> memref<48x128xf32, #tpu.memory_space<vmem_shared>>
      %dma_wait3A_74 = arith.constant 0 : i32
      %dma_wait3A_75 = tpu.memref_slice %arg6[%add3A_13, %dma_wait3A_74] : memref<10000x128xf32, #tpu.memory_space<vmem_shared>> -> memref<48x128xf32, #tpu.memory_space<vmem_shared>>
      tpu.wait_dma2 semaphore(%run_scoped3A : memref<!tpu.dma_semaphore, #tpu.memory_space<semaphore_mem>>) src(%arg16 : memref<48x128xf32, #tpu.memory_space<vmem>>) dst(%dma_wait3A_75 : memref<48x128xf32, #tpu.memory_space<vmem_shared>>)
      tpu.yield
    }) : () -> ()
    %add3A_14 = arith.constant 96 : i32
    %add3A_15 = arith.addi %multiple_of3A, %add3A_14 : i32
    "tpu.region"() ({
      %run_scoped3A = tpu.sem_alloc : memref<!tpu.dma_semaphore, #tpu.memory_space<semaphore_mem>>
      %dma_start3A_68 = arith.constant 0 : i32
      %dma_start3A_69 = tpu.memref_slice %arg6[%add3A_15, %dma_start3A_68] : memref<10000x128xf32, #tpu.memory_space<vmem_shared>> -> memref<48x128xf32, #tpu.memory_space<vmem_shared>>
      %dma_start3A_70 = arith.constant 0 : i32
      %dma_start3A_71 = tpu.memref_slice %arg6[%add3A_15, %dma_start3A_70] : memref<10000x128xf32, #tpu.memory_space<vmem_shared>> -> memref<48x128xf32, #tpu.memory_space<vmem_shared>>
      tpu.enqueue_dma source(%arg16 : memref<48x128xf32, #tpu.memory_space<vmem>>) target(%dma_start3A_71 : memref<48x128xf32, #tpu.memory_space<vmem_shared>>) target_semaphore(%run_scoped3A : memref<!tpu.dma_semaphore, #tpu.memory_space<semaphore_mem>>)
      %dma_wait3A_72 = arith.constant 0 : i32
      %dma_wait3A_73 = tpu.memref_slice %arg6[%add3A_15, %dma_wait3A_72] : memref<10000x128xf32, #tpu.memory_space<vmem_shared>> -> memref<48x128xf32, #tpu.memory_space<vmem_shared>>
      %dma_wait3A_74 = arith.constant 0 : i32
      %dma_wait3A_75 = tpu.memref_slice %arg6[%add3A_15, %dma_wait3A_74] : memref<10000x128xf32, #tpu.memory_space<vmem_shared>> -> memref<48x128xf32, #tpu.memory_space<vmem_shared>>
      tpu.wait_dma2 semaphore(%run_scoped3A : memref<!tpu.dma_semaphore, #tpu.memory_space<semaphore_mem>>) src(%arg16 : memref<48x128xf32, #tpu.memory_space<vmem>>) dst(%dma_wait3A_75 : memref<48x128xf32, #tpu.memory_space<vmem_shared>>)
      tpu.yield
    }) : () -> ()
    %add3A_16 = arith.constant 144 : i32
    %add3A_17 = arith.addi %multiple_of3A, %add3A_16 : i32
    "tpu.region"() ({
      %run_scoped3A = tpu.sem_alloc : memref<!tpu.dma_semaphore, #tpu.memory_space<semaphore_mem>>
      %dma_start3A_68 = arith.constant 0 : i32
      %dma_start3A_69 = tpu.memref_slice %arg6[%add3A_17, %dma_start3A_68] : memref<10000x128xf32, #tpu.memory_space<vmem_shared>> -> memref<48x128xf32, #tpu.memory_space<vmem_shared>>
      %dma_start3A_70 = arith.constant 0 : i32
      %dma_start3A_71 = tpu.memref_slice %arg6[%add3A_17, %dma_start3A_70] : memref<10000x128xf32, #tpu.memory_space<vmem_shared>> -> memref<48x128xf32, #tpu.memory_space<vmem_shared>>
      tpu.enqueue_dma source(%arg16 : memref<48x128xf32, #tpu.memory_space<vmem>>) target(%dma_start3A_71 : memref<48x128xf32, #tpu.memory_space<vmem_shared>>) target_semaphore(%run_scoped3A : memref<!tpu.dma_semaphore, #tpu.memory_space<semaphore_mem>>)
      %dma_wait3A_72 = arith.constant 0 : i32
      %dma_wait3A_73 = tpu.memref_slice %arg6[%add3A_17, %dma_wait3A_72] : memref<10000x128xf32, #tpu.memory_space<vmem_shared>> -> memref<48x128xf32, #tpu.memory_space<vmem_shared>>
      %dma_wait3A_74 = arith.constant 0 : i32
      %dma_wait3A_75 = tpu.memref_slice %arg6[%add3A_17, %dma_wait3A_74] : memref<10000x128xf32, #tpu.memory_space<vmem_shared>> -> memref<48x128xf32, #tpu.memory_space<vmem_shared>>
      tpu.wait_dma2 semaphore(%run_scoped3A : memref<!tpu.dma_semaphore, #tpu.memory_space<semaphore_mem>>) src(%arg16 : memref<48x128xf32, #tpu.memory_space<vmem>>) dst(%dma_wait3A_75 : memref<48x128xf32, #tpu.memory_space<vmem_shared>>)
      tpu.yield
    }) : () -> ()
    %add3A_18 = arith.constant 192 : i32
    %add3A_19 = arith.addi %multiple_of3A, %add3A_18 : i32
    "tpu.region"() ({
      %run_scoped3A = tpu.sem_alloc : memref<!tpu.dma_semaphore, #tpu.memory_space<semaphore_mem>>
      %dma_start3A_68 = arith.constant 0 : i32
      %dma_start3A_69 = tpu.memref_slice %arg6[%add3A_19, %dma_start3A_68] : memref<10000x128xf32, #tpu.memory_space<vmem_shared>> -> memref<48x128xf32, #tpu.memory_space<vmem_shared>>
      %dma_start3A_70 = arith.constant 0 : i32
      %dma_start3A_71 = tpu.memref_slice %arg6[%add3A_19, %dma_start3A_70] : memref<10000x128xf32, #tpu.memory_space<vmem_shared>> -> memref<48x128xf32, #tpu.memory_space<vmem_shared>>
      tpu.enqueue_dma source(%arg16 : memref<48x128xf32, #tpu.memory_space<vmem>>) target(%dma_start3A_71 : memref<48x128xf32, #tpu.memory_space<vmem_shared>>) target_semaphore(%run_scoped3A : memref<!tpu.dma_semaphore, #tpu.memory_space<semaphore_mem>>)
      %dma_wait3A_72 = arith.constant 0 : i32
      %dma_wait3A_73 = tpu.memref_slice %arg6[%add3A_19, %dma_wait3A_72] : memref<10000x128xf32, #tpu.memory_space<vmem_shared>> -> memref<48x128xf32, #tpu.memory_space<vmem_shared>>
      %dma_wait3A_74 = arith.constant 0 : i32
      %dma_wait3A_75 = tpu.memref_slice %arg6[%add3A_19, %dma_wait3A_74] : memref<10000x128xf32, #tpu.memory_space<vmem_shared>> -> memref<48x128xf32, #tpu.memory_space<vmem_shared>>
      tpu.wait_dma2 semaphore(%run_scoped3A : memref<!tpu.dma_semaphore, #tpu.memory_space<semaphore_mem>>) src(%arg16 : memref<48x128xf32, #tpu.memory_space<vmem>>) dst(%dma_wait3A_75 : memref<48x128xf32, #tpu.memory_space<vmem_shared>>)
      tpu.yield
    }) : () -> ()
    %add3A_20 = arith.constant 240 : i32
    %add3A_21 = arith.addi %multiple_of3A, %add3A_20 : i32
    "tpu.region"() ({
      %run_scoped3A = tpu.sem_alloc : memref<!tpu.dma_semaphore, #tpu.memory_space<semaphore_mem>>
      %dma_start3A_68 = arith.constant 0 : i32
      %dma_start3A_69 = tpu.memref_slice %arg6[%add3A_21, %dma_start3A_68] : memref<10000x128xf32, #tpu.memory_space<vmem_shared>> -> memref<48x128xf32, #tpu.memory_space<vmem_shared>>
      %dma_start3A_70 = arith.constant 0 : i32
      %dma_start3A_71 = tpu.memref_slice %arg6[%add3A_21, %dma_start3A_70] : memref<10000x128xf32, #tpu.memory_space<vmem_shared>> -> memref<48x128xf32, #tpu.memory_space<vmem_shared>>
      tpu.enqueue_dma source(%arg16 : memref<48x128xf32, #tpu.memory_space<vmem>>) target(%dma_start3A_71 : memref<48x128xf32, #tpu.memory_space<vmem_shared>>) target_semaphore(%run_scoped3A : memref<!tpu.dma_semaphore, #tpu.memory_space<semaphore_mem>>)
      %dma_wait3A_72 = arith.constant 0 : i32
      %dma_wait3A_73 = tpu.memref_slice %arg6[%add3A_21, %dma_wait3A_72] : memref<10000x128xf32, #tpu.memory_space<vmem_shared>> -> memref<48x128xf32, #tpu.memory_space<vmem_shared>>
      %dma_wait3A_74 = arith.constant 0 : i32
      %dma_wait3A_75 = tpu.memref_slice %arg6[%add3A_21, %dma_wait3A_74] : memref<10000x128xf32, #tpu.memory_space<vmem_shared>> -> memref<48x128xf32, #tpu.memory_space<vmem_shared>>
      tpu.wait_dma2 semaphore(%run_scoped3A : memref<!tpu.dma_semaphore, #tpu.memory_space<semaphore_mem>>) src(%arg16 : memref<48x128xf32, #tpu.memory_space<vmem>>) dst(%dma_wait3A_75 : memref<48x128xf32, #tpu.memory_space<vmem_shared>>)
      tpu.yield
    }) : () -> ()
    %add3A_22 = arith.constant 288 : i32
    %add3A_23 = arith.addi %multiple_of3A, %add3A_22 : i32
    "tpu.region"() ({
      %run_scoped3A = tpu.sem_alloc : memref<!tpu.dma_semaphore, #tpu.memory_space<semaphore_mem>>
      %dma_start3A_68 = arith.constant 0 : i32
      %dma_start3A_69 = tpu.memref_slice %arg6[%add3A_23, %dma_start3A_68] : memref<10000x128xf32, #tpu.memory_space<vmem_shared>> -> memref<48x128xf32, #tpu.memory_space<vmem_shared>>
      %dma_start3A_70 = arith.constant 0 : i32
      %dma_start3A_71 = tpu.memref_slice %arg6[%add3A_23, %dma_start3A_70] : memref<10000x128xf32, #tpu.memory_space<vmem_shared>> -> memref<48x128xf32, #tpu.memory_space<vmem_shared>>
      tpu.enqueue_dma source(%arg16 : memref<48x128xf32, #tpu.memory_space<vmem>>) target(%dma_start3A_71 : memref<48x128xf32, #tpu.memory_space<vmem_shared>>) target_semaphore(%run_scoped3A : memref<!tpu.dma_semaphore, #tpu.memory_space<semaphore_mem>>)
      %dma_wait3A_72 = arith.constant 0 : i32
      %dma_wait3A_73 = tpu.memref_slice %arg6[%add3A_23, %dma_wait3A_72] : memref<10000x128xf32, #tpu.memory_space<vmem_shared>> -> memref<48x128xf32, #tpu.memory_space<vmem_shared>>
      %dma_wait3A_74 = arith.constant 0 : i32
      %dma_wait3A_75 = tpu.memref_slice %arg6[%add3A_23, %dma_wait3A_74] : memref<10000x128xf32, #tpu.memory_space<vmem_shared>> -> memref<48x128xf32, #tpu.memory_space<vmem_shared>>
      tpu.wait_dma2 semaphore(%run_scoped3A : memref<!tpu.dma_semaphore, #tpu.memory_space<semaphore_mem>>) src(%arg16 : memref<48x128xf32, #tpu.memory_space<vmem>>) dst(%dma_wait3A_75 : memref<48x128xf32, #tpu.memory_space<vmem_shared>>)
      tpu.yield
    }) : () -> ()
    %add3A_24 = arith.constant 336 : i32
    %add3A_25 = arith.addi %multiple_of3A, %add3A_24 : i32
    "tpu.region"() ({
      %run_scoped3A = tpu.sem_alloc : memref<!tpu.dma_semaphore, #tpu.memory_space<semaphore_mem>>
      %dma_start3A_68 = arith.constant 0 : i32
      %dma_start3A_69 = tpu.memref_slice %arg6[%add3A_25, %dma_start3A_68] : memref<10000x128xf32, #tpu.memory_space<vmem_shared>> -> memref<48x128xf32, #tpu.memory_space<vmem_shared>>
      %dma_start3A_70 = arith.constant 0 : i32
      %dma_start3A_71 = tpu.memref_slice %arg6[%add3A_25, %dma_start3A_70] : memref<10000x128xf32, #tpu.memory_space<vmem_shared>> -> memref<48x128xf32, #tpu.memory_space<vmem_shared>>
      tpu.enqueue_dma source(%arg16 : memref<48x128xf32, #tpu.memory_space<vmem>>) target(%dma_start3A_71 : memref<48x128xf32, #tpu.memory_space<vmem_shared>>) target_semaphore(%run_scoped3A : memref<!tpu.dma_semaphore, #tpu.memory_space<semaphore_mem>>)
      %dma_wait3A_72 = arith.constant 0 : i32
      %dma_wait3A_73 = tpu.memref_slice %arg6[%add3A_25, %dma_wait3A_72] : memref<10000x128xf32, #tpu.memory_space<vmem_shared>> -> memref<48x128xf32, #tpu.memory_space<vmem_shared>>
      %dma_wait3A_74 = arith.constant 0 : i32
      %dma_wait3A_75 = tpu.memref_slice %arg6[%add3A_25, %dma_wait3A_74] : memref<10000x128xf32, #tpu.memory_space<vmem_shared>> -> memref<48x128xf32, #tpu.memory_space<vmem_shared>>
      tpu.wait_dma2 semaphore(%run_scoped3A : memref<!tpu.dma_semaphore, #tpu.memory_space<semaphore_mem>>) src(%arg16 : memref<48x128xf32, #tpu.memory_space<vmem>>) dst(%dma_wait3A_75 : memref<48x128xf32, #tpu.memory_space<vmem_shared>>)
      tpu.yield
    }) : () -> ()
    %add3A_26 = arith.constant 384 : i32
    %add3A_27 = arith.addi %multiple_of3A, %add3A_26 : i32
    "tpu.region"() ({
      %run_scoped3A = tpu.sem_alloc : memref<!tpu.dma_semaphore, #tpu.memory_space<semaphore_mem>>
      %dma_start3A_68 = arith.constant 0 : i32
      %dma_start3A_69 = tpu.memref_slice %arg6[%add3A_27, %dma_start3A_68] : memref<10000x128xf32, #tpu.memory_space<vmem_shared>> -> memref<48x128xf32, #tpu.memory_space<vmem_shared>>
      %dma_start3A_70 = arith.constant 0 : i32
      %dma_start3A_71 = tpu.memref_slice %arg6[%add3A_27, %dma_start3A_70] : memref<10000x128xf32, #tpu.memory_space<vmem_shared>> -> memref<48x128xf32, #tpu.memory_space<vmem_shared>>
      tpu.enqueue_dma source(%arg16 : memref<48x128xf32, #tpu.memory_space<vmem>>) target(%dma_start3A_71 : memref<48x128xf32, #tpu.memory_space<vmem_shared>>) target_semaphore(%run_scoped3A : memref<!tpu.dma_semaphore, #tpu.memory_space<semaphore_mem>>)
      %dma_wait3A_72 = arith.constant 0 : i32
      %dma_wait3A_73 = tpu.memref_slice %arg6[%add3A_27, %dma_wait3A_72] : memref<10000x128xf32, #tpu.memory_space<vmem_shared>> -> memref<48x128xf32, #tpu.memory_space<vmem_shared>>
      %dma_wait3A_74 = arith.constant 0 : i32
      %dma_wait3A_75 = tpu.memref_slice %arg6[%add3A_27, %dma_wait3A_74] : memref<10000x128xf32, #tpu.memory_space<vmem_shared>> -> memref<48x128xf32, #tpu.memory_space<vmem_shared>>
      tpu.wait_dma2 semaphore(%run_scoped3A : memref<!tpu.dma_semaphore, #tpu.memory_space<semaphore_mem>>) src(%arg16 : memref<48x128xf32, #tpu.memory_space<vmem>>) dst(%dma_wait3A_75 : memref<48x128xf32, #tpu.memory_space<vmem_shared>>)
      tpu.yield
    }) : () -> ()
    %add3A_28 = arith.constant 432 : i32
    %add3A_29 = arith.addi %multiple_of3A, %add3A_28 : i32
    "tpu.region"() ({
      %run_scoped3A = tpu.sem_alloc : memref<!tpu.dma_semaphore, #tpu.memory_space<semaphore_mem>>
      %dma_start3A_68 = arith.constant 0 : i32
      %dma_start3A_69 = tpu.memref_slice %arg6[%add3A_29, %dma_start3A_68] : memref<10000x128xf32, #tpu.memory_space<vmem_shared>> -> memref<48x128xf32, #tpu.memory_space<vmem_shared>>
      %dma_start3A_70 = arith.constant 0 : i32
      %dma_start3A_71 = tpu.memref_slice %arg6[%add3A_29, %dma_start3A_70] : memref<10000x128xf32, #tpu.memory_space<vmem_shared>> -> memref<48x128xf32, #tpu.memory_space<vmem_shared>>
      tpu.enqueue_dma source(%arg16 : memref<48x128xf32, #tpu.memory_space<vmem>>) target(%dma_start3A_71 : memref<48x128xf32, #tpu.memory_space<vmem_shared>>) target_semaphore(%run_scoped3A : memref<!tpu.dma_semaphore, #tpu.memory_space<semaphore_mem>>)
      %dma_wait3A_72 = arith.constant 0 : i32
      %dma_wait3A_73 = tpu.memref_slice %arg6[%add3A_29, %dma_wait3A_72] : memref<10000x128xf32, #tpu.memory_space<vmem_shared>> -> memref<48x128xf32, #tpu.memory_space<vmem_shared>>
      %dma_wait3A_74 = arith.constant 0 : i32
      %dma_wait3A_75 = tpu.memref_slice %arg6[%add3A_29, %dma_wait3A_74] : memref<10000x128xf32, #tpu.memory_space<vmem_shared>> -> memref<48x128xf32, #tpu.memory_space<vmem_shared>>
      tpu.wait_dma2 semaphore(%run_scoped3A : memref<!tpu.dma_semaphore, #tpu.memory_space<semaphore_mem>>) src(%arg16 : memref<48x128xf32, #tpu.memory_space<vmem>>) dst(%dma_wait3A_75 : memref<48x128xf32, #tpu.memory_space<vmem_shared>>)
      tpu.yield
    }) : () -> ()
    %add3A_30 = arith.constant 480 : i32
    %add3A_31 = arith.addi %multiple_of3A, %add3A_30 : i32
    "tpu.region"() ({
      %run_scoped3A = tpu.sem_alloc : memref<!tpu.dma_semaphore, #tpu.memory_space<semaphore_mem>>
      %dma_start3A_68 = arith.constant 0 : i32
      %dma_start3A_69 = tpu.memref_slice %arg6[%add3A_31, %dma_start3A_68] : memref<10000x128xf32, #tpu.memory_space<vmem_shared>> -> memref<48x128xf32, #tpu.memory_space<vmem_shared>>
      %dma_start3A_70 = arith.constant 0 : i32
      %dma_start3A_71 = tpu.memref_slice %arg6[%add3A_31, %dma_start3A_70] : memref<10000x128xf32, #tpu.memory_space<vmem_shared>> -> memref<48x128xf32, #tpu.memory_space<vmem_shared>>
      tpu.enqueue_dma source(%arg16 : memref<48x128xf32, #tpu.memory_space<vmem>>) target(%dma_start3A_71 : memref<48x128xf32, #tpu.memory_space<vmem_shared>>) target_semaphore(%run_scoped3A : memref<!tpu.dma_semaphore, #tpu.memory_space<semaphore_mem>>)
      %dma_wait3A_72 = arith.constant 0 : i32
      %dma_wait3A_73 = tpu.memref_slice %arg6[%add3A_31, %dma_wait3A_72] : memref<10000x128xf32, #tpu.memory_space<vmem_shared>> -> memref<48x128xf32, #tpu.memory_space<vmem_shared>>
      %dma_wait3A_74 = arith.constant 0 : i32
      %dma_wait3A_75 = tpu.memref_slice %arg6[%add3A_31, %dma_wait3A_74] : memref<10000x128xf32, #tpu.memory_space<vmem_shared>> -> memref<48x128xf32, #tpu.memory_space<vmem_shared>>
      tpu.wait_dma2 semaphore(%run_scoped3A : memref<!tpu.dma_semaphore, #tpu.memory_space<semaphore_mem>>) src(%arg16 : memref<48x128xf32, #tpu.memory_space<vmem>>) dst(%dma_wait3A_75 : memref<48x128xf32, #tpu.memory_space<vmem_shared>>)
      tpu.yield
    }) : () -> ()
    %add3A_32 = arith.constant 528 : i32
    %add3A_33 = arith.addi %multiple_of3A, %add3A_32 : i32
    "tpu.region"() ({
      %run_scoped3A = tpu.sem_alloc : memref<!tpu.dma_semaphore, #tpu.memory_space<semaphore_mem>>
      %dma_start3A_68 = arith.constant 0 : i32
      %dma_start3A_69 = tpu.memref_slice %arg6[%add3A_33, %dma_start3A_68] : memref<10000x128xf32, #tpu.memory_space<vmem_shared>> -> memref<48x128xf32, #tpu.memory_space<vmem_shared>>
      %dma_start3A_70 = arith.constant 0 : i32
      %dma_start3A_71 = tpu.memref_slice %arg6[%add3A_33, %dma_start3A_70] : memref<10000x128xf32, #tpu.memory_space<vmem_shared>> -> memref<48x128xf32, #tpu.memory_space<vmem_shared>>
      tpu.enqueue_dma source(%arg16 : memref<48x128xf32, #tpu.memory_space<vmem>>) target(%dma_start3A_71 : memref<48x128xf32, #tpu.memory_space<vmem_shared>>) target_semaphore(%run_scoped3A : memref<!tpu.dma_semaphore, #tpu.memory_space<semaphore_mem>>)
      %dma_wait3A_72 = arith.constant 0 : i32
      %dma_wait3A_73 = tpu.memref_slice %arg6[%add3A_33, %dma_wait3A_72] : memref<10000x128xf32, #tpu.memory_space<vmem_shared>> -> memref<48x128xf32, #tpu.memory_space<vmem_shared>>
      %dma_wait3A_74 = arith.constant 0 : i32
      %dma_wait3A_75 = tpu.memref_slice %arg6[%add3A_33, %dma_wait3A_74] : memref<10000x128xf32, #tpu.memory_space<vmem_shared>> -> memref<48x128xf32, #tpu.memory_space<vmem_shared>>
      tpu.wait_dma2 semaphore(%run_scoped3A : memref<!tpu.dma_semaphore, #tpu.memory_space<semaphore_mem>>) src(%arg16 : memref<48x128xf32, #tpu.memory_space<vmem>>) dst(%dma_wait3A_75 : memref<48x128xf32, #tpu.memory_space<vmem_shared>>)
      tpu.yield
    }) : () -> ()
    %add3A_34 = arith.constant 576 : i32
    %add3A_35 = arith.addi %multiple_of3A, %add3A_34 : i32
    "tpu.region"() ({
      %run_scoped3A = tpu.sem_alloc : memref<!tpu.dma_semaphore, #tpu.memory_space<semaphore_mem>>
      %dma_start3A_68 = arith.constant 0 : i32
      %dma_start3A_69 = tpu.memref_slice %arg6[%add3A_35, %dma_start3A_68] : memref<10000x128xf32, #tpu.memory_space<vmem_shared>> -> memref<48x128xf32, #tpu.memory_space<vmem_shared>>
      %dma_start3A_70 = arith.constant 0 : i32
      %dma_start3A_71 = tpu.memref_slice %arg6[%add3A_35, %dma_start3A_70] : memref<10000x128xf32, #tpu.memory_space<vmem_shared>> -> memref<48x128xf32, #tpu.memory_space<vmem_shared>>
      tpu.enqueue_dma source(%arg16 : memref<48x128xf32, #tpu.memory_space<vmem>>) target(%dma_start3A_71 : memref<48x128xf32, #tpu.memory_space<vmem_shared>>) target_semaphore(%run_scoped3A : memref<!tpu.dma_semaphore, #tpu.memory_space<semaphore_mem>>)
      %dma_wait3A_72 = arith.constant 0 : i32
      %dma_wait3A_73 = tpu.memref_slice %arg6[%add3A_35, %dma_wait3A_72] : memref<10000x128xf32, #tpu.memory_space<vmem_shared>> -> memref<48x128xf32, #tpu.memory_space<vmem_shared>>
      %dma_wait3A_74 = arith.constant 0 : i32
      %dma_wait3A_75 = tpu.memref_slice %arg6[%add3A_35, %dma_wait3A_74] : memref<10000x128xf32, #tpu.memory_space<vmem_shared>> -> memref<48x128xf32, #tpu.memory_space<vmem_shared>>
      tpu.wait_dma2 semaphore(%run_scoped3A : memref<!tpu.dma_semaphore, #tpu.memory_space<semaphore_mem>>) src(%arg16 : memref<48x128xf32, #tpu.memory_space<vmem>>) dst(%dma_wait3A_75 : memref<48x128xf32, #tpu.memory_space<vmem_shared>>)
      tpu.yield
    }) : () -> ()
    %eq3A = arith.constant 15 : i32
    %eq3A_36 = arith.cmpi eq, %arg1, %eq3A : i32
    %convert_element_type3A = arith.extui %eq3A_36 : i1 to i32
    %cond3A = arith.constant 0 : i32
    %cond3A_37 = arith.cmpi ne, %convert_element_type3A, %cond3A : i32
    scf.if %cond3A_37 {
      "tpu.region"() ({
        %run_scoped3A = tpu.sem_alloc : memref<!tpu.dma_semaphore, #tpu.memory_space<semaphore_mem>>
        %dma_start3A_68 = arith.constant 0 : i32
        %dma_start3A_69 = arith.constant 0 : i32
        %dma_start3A_70 = tpu.memref_slice %arg16[%dma_start3A_68, %dma_start3A_69] : memref<48x128xf32, #tpu.memory_space<vmem>> -> memref<16x128xf32, #tpu.memory_space<vmem>>
        %dma_start3A_71 = arith.constant 9984 : i32
        %dma_start3A_72 = arith.constant 0 : i32
        %dma_start3A_73 = tpu.memref_slice %arg6[%dma_start3A_71, %dma_start3A_72] : memref<10000x128xf32, #tpu.memory_space<vmem_shared>> -> memref<16x128xf32, #tpu.memory_space<vmem_shared>>
        %dma_start3A_74 = arith.constant 9984 : i32
        %dma_start3A_75 = arith.constant 0 : i32
        %dma_start3A_76 = tpu.memref_slice %arg6[%dma_start3A_74, %dma_start3A_75] : memref<10000x128xf32, #tpu.memory_space<vmem_shared>> -> memref<16x128xf32, #tpu.memory_space<vmem_shared>>
        %dma_start3A_77 = arith.constant 0 : i32
        %dma_start3A_78 = arith.constant 0 : i32
        %dma_start3A_79 = tpu.memref_slice %arg16[%dma_start3A_77, %dma_start3A_78] : memref<48x128xf32, #tpu.memory_space<vmem>> -> memref<16x128xf32, #tpu.memory_space<vmem>>
        tpu.enqueue_dma source(%dma_start3A_79 : memref<16x128xf32, #tpu.memory_space<vmem>>) target(%dma_start3A_76 : memref<16x128xf32, #tpu.memory_space<vmem_shared>>) target_semaphore(%run_scoped3A : memref<!tpu.dma_semaphore, #tpu.memory_space<semaphore_mem>>)
        %dma_wait3A_80 = arith.constant 0 : i32
        %dma_wait3A_81 = arith.constant 0 : i32
        %dma_wait3A_82 = tpu.memref_slice %arg16[%dma_wait3A_80, %dma_wait3A_81] : memref<48x128xf32, #tpu.memory_space<vmem>> -> memref<16x128xf32, #tpu.memory_space<vmem>>
        %dma_wait3A_83 = arith.constant 9984 : i32
        %dma_wait3A_84 = arith.constant 0 : i32
        %dma_wait3A_85 = tpu.memref_slice %arg6[%dma_wait3A_83, %dma_wait3A_84] : memref<10000x128xf32, #tpu.memory_space<vmem_shared>> -> memref<16x128xf32, #tpu.memory_space<vmem_shared>>
        %dma_wait3A_86 = arith.constant 9984 : i32
        %dma_wait3A_87 = arith.constant 0 : i32
        %dma_wait3A_88 = tpu.memref_slice %arg6[%dma_wait3A_86, %dma_wait3A_87] : memref<10000x128xf32, #tpu.memory_space<vmem_shared>> -> memref<16x128xf32, #tpu.memory_space<vmem_shared>>
        %dma_wait3A_89 = arith.constant 0 : i32
        %dma_wait3A_90 = arith.constant 0 : i32
        %dma_wait3A_91 = tpu.memref_slice %arg16[%dma_wait3A_89, %dma_wait3A_90] : memref<48x128xf32, #tpu.memory_space<vmem>> -> memref<16x128xf32, #tpu.memory_space<vmem>>
        tpu.wait_dma2 semaphore(%run_scoped3A : memref<!tpu.dma_semaphore, #tpu.memory_space<semaphore_mem>>) src(%dma_wait3A_91 : memref<16x128xf32, #tpu.memory_space<vmem>>) dst(%dma_wait3A_88 : memref<16x128xf32, #tpu.memory_space<vmem_shared>>)
        tpu.yield
      }) : () -> ()
    } else {
    }
    %barrier3A = arith.constant 0 : index
    tpu.barrier barrier_id(%barrier3A)
    %mul3A_38 = arith.constant 10000 : i32
    %mul3A_39 = arith.muli %add3A, %mul3A_38 : i32
    %scan3A_40 = arith.constant 0 : i32
    %scan3A_41 = arith.constant 0 : i32
    %scan3A_42 = arith.constant 39 : i32
    %scan3A_43 = arith.addi %scan3A_41, %scan3A_42 : i32
    %scan3A_44 = arith.constant 1 : i32
    %scan3A_45 = scf.for %scan3A_68 = %scan3A_41 to %scan3A_43 step %scan3A_44 iter_args(%scan3A_69 = %scan3A_40) -> (i32)  : i32 {
      %mul3A_70 = arith.constant 2 : i32
      %mul3A_71 = arith.muli %scan3A_68, %mul3A_70 : i32
      %mul3A_72 = arith.constant 128 : i32
      %mul3A_73 = arith.muli %mul3A_71, %mul3A_72 : i32
      %add3A_74 = arith.addi %mul3A_39, %mul3A_73 : i32
      %add3A_75 = arith.constant 1 : i32
      %add3A_76 = arith.addi %mul3A_71, %add3A_75 : i32
      %mul3A_77 = arith.constant 128 : i32
      %mul3A_78 = arith.muli %add3A_76, %mul3A_77 : i32
      %add3A_79 = arith.addi %mul3A_39, %mul3A_78 : i32
      "tpu.region"() ({
        %run_scoped3A = tpu.sem_alloc : memref<!tpu.dma_semaphore, #tpu.memory_space<semaphore_mem>>
        %dma_start3A_93 = tpu.memref_slice %arg3[%add3A_74] : memref<320000xi32, #tpu.memory_space<hbm>> -> memref<128xi32, #tpu.memory_space<hbm>>
        %dma_start3A_94 = tpu.memref_slice %arg3[%add3A_74] : memref<320000xi32, #tpu.memory_space<hbm>> -> memref<128xi32, #tpu.memory_space<hbm>>
        tpu.enqueue_dma source(%dma_start3A_94 : memref<128xi32, #tpu.memory_space<hbm>>) target(%arg9 : memref<128xi32, #tpu.memory_space<vmem>>) target_semaphore(%run_scoped3A : memref<!tpu.dma_semaphore, #tpu.memory_space<semaphore_mem>>)
        %dma_wait3A_95 = tpu.memref_slice %arg3[%add3A_74] : memref<320000xi32, #tpu.memory_space<hbm>> -> memref<128xi32, #tpu.memory_space<hbm>>
        %dma_wait3A_96 = tpu.memref_slice %arg3[%add3A_74] : memref<320000xi32, #tpu.memory_space<hbm>> -> memref<128xi32, #tpu.memory_space<hbm>>
        tpu.wait_dma2 semaphore(%run_scoped3A : memref<!tpu.dma_semaphore, #tpu.memory_space<semaphore_mem>>) src(%dma_wait3A_96 : memref<128xi32, #tpu.memory_space<hbm>>) dst(%arg9 : memref<128xi32, #tpu.memory_space<vmem>>)
        tpu.yield
      }) : () -> ()
      "tpu.region"() ({
        %run_scoped3A = tpu.sem_alloc : memref<!tpu.dma_semaphore, #tpu.memory_space<semaphore_mem>>
        %dma_start3A_93 = tpu.memref_slice %arg4[%add3A_74] : memref<320000xi32, #tpu.memory_space<hbm>> -> memref<128xi32, #tpu.memory_space<hbm>>
        %dma_start3A_94 = tpu.memref_slice %arg4[%add3A_74] : memref<320000xi32, #tpu.memory_space<hbm>> -> memref<128xi32, #tpu.memory_space<hbm>>
        tpu.enqueue_dma source(%dma_start3A_94 : memref<128xi32, #tpu.memory_space<hbm>>) target(%arg11 : memref<128xi32, #tpu.memory_space<vmem>>) target_semaphore(%run_scoped3A : memref<!tpu.dma_semaphore, #tpu.memory_space<semaphore_mem>>)
        %dma_wait3A_95 = tpu.memref_slice %arg4[%add3A_74] : memref<320000xi32, #tpu.memory_space<hbm>> -> memref<128xi32, #tpu.memory_space<hbm>>
        %dma_wait3A_96 = tpu.memref_slice %arg4[%add3A_74] : memref<320000xi32, #tpu.memory_space<hbm>> -> memref<128xi32, #tpu.memory_space<hbm>>
        tpu.wait_dma2 semaphore(%run_scoped3A : memref<!tpu.dma_semaphore, #tpu.memory_space<semaphore_mem>>) src(%dma_wait3A_96 : memref<128xi32, #tpu.memory_space<hbm>>) dst(%arg11 : memref<128xi32, #tpu.memory_space<vmem>>)
        tpu.yield
      }) : () -> ()
      "tpu.region"() ({
        %run_scoped3A = tpu.sem_alloc : memref<!tpu.dma_semaphore, #tpu.memory_space<semaphore_mem>>
        %dma_start3A_93 = tpu.memref_slice %arg3[%add3A_79] : memref<320000xi32, #tpu.memory_space<hbm>> -> memref<128xi32, #tpu.memory_space<hbm>>
        %dma_start3A_94 = tpu.memref_slice %arg3[%add3A_79] : memref<320000xi32, #tpu.memory_space<hbm>> -> memref<128xi32, #tpu.memory_space<hbm>>
        tpu.enqueue_dma source(%dma_start3A_94 : memref<128xi32, #tpu.memory_space<hbm>>) target(%arg10 : memref<128xi32, #tpu.memory_space<vmem>>) target_semaphore(%run_scoped3A : memref<!tpu.dma_semaphore, #tpu.memory_space<semaphore_mem>>)
        %dma_wait3A_95 = tpu.memref_slice %arg3[%add3A_79] : memref<320000xi32, #tpu.memory_space<hbm>> -> memref<128xi32, #tpu.memory_space<hbm>>
        %dma_wait3A_96 = tpu.memref_slice %arg3[%add3A_79] : memref<320000xi32, #tpu.memory_space<hbm>> -> memref<128xi32, #tpu.memory_space<hbm>>
        tpu.wait_dma2 semaphore(%run_scoped3A : memref<!tpu.dma_semaphore, #tpu.memory_space<semaphore_mem>>) src(%dma_wait3A_96 : memref<128xi32, #tpu.memory_space<hbm>>) dst(%arg10 : memref<128xi32, #tpu.memory_space<vmem>>)
        tpu.yield
      }) : () -> ()
      "tpu.region"() ({
        %run_scoped3A = tpu.sem_alloc : memref<!tpu.dma_semaphore, #tpu.memory_space<semaphore_mem>>
        %dma_start3A_93 = tpu.memref_slice %arg4[%add3A_79] : memref<320000xi32, #tpu.memory_space<hbm>> -> memref<128xi32, #tpu.memory_space<hbm>>
        %dma_start3A_94 = tpu.memref_slice %arg4[%add3A_79] : memref<320000xi32, #tpu.memory_space<hbm>> -> memref<128xi32, #tpu.memory_space<hbm>>
        tpu.enqueue_dma source(%dma_start3A_94 : memref<128xi32, #tpu.memory_space<hbm>>) target(%arg12 : memref<128xi32, #tpu.memory_space<vmem>>) target_semaphore(%run_scoped3A : memref<!tpu.dma_semaphore, #tpu.memory_space<semaphore_mem>>)
        %dma_wait3A_95 = tpu.memref_slice %arg4[%add3A_79] : memref<320000xi32, #tpu.memory_space<hbm>> -> memref<128xi32, #tpu.memory_space<hbm>>
        %dma_wait3A_96 = tpu.memref_slice %arg4[%add3A_79] : memref<320000xi32, #tpu.memory_space<hbm>> -> memref<128xi32, #tpu.memory_space<hbm>>
        tpu.wait_dma2 semaphore(%run_scoped3A : memref<!tpu.dma_semaphore, #tpu.memory_space<semaphore_mem>>) src(%dma_wait3A_96 : memref<128xi32, #tpu.memory_space<hbm>>) dst(%arg12 : memref<128xi32, #tpu.memory_space<vmem>>)
        tpu.yield
      }) : () -> ()
      %dma_start3A_80 = arith.constant 0 : i32
      %dma_start3A_81 = arith.constant 0 : i32
      %dma_start3A_82 = tpu.memref_slice %arg2[%dma_start3A_80, %dma_start3A_81] : memref<10000x128xf32, #tpu.memory_space<hbm>> -> memref<10000x128xf32, #tpu.memory_space<hbm>>
      tpu.enqueue_indirect_dma source(%dma_start3A_82 : memref<10000x128xf32, #tpu.memory_space<hbm>>) target(%arg7 : memref<128x128xf32, #tpu.memory_space<vmem>>) offsets(%arg9 : memref<128xi32, #tpu.memory_space<vmem>>) semaphore(%arg17 : memref<!tpu.dma_semaphore, #tpu.memory_space<semaphore_mem>>)
      %dma_start3A_83 = arith.constant 0 : i32
      %dma_start3A_84 = arith.constant 0 : i32
      %dma_start3A_85 = tpu.memref_slice %arg2[%dma_start3A_83, %dma_start3A_84] : memref<10000x128xf32, #tpu.memory_space<hbm>> -> memref<10000x128xf32, #tpu.memory_space<hbm>>
      tpu.enqueue_indirect_dma source(%dma_start3A_85 : memref<10000x128xf32, #tpu.memory_space<hbm>>) target(%arg8 : memref<128x128xf32, #tpu.memory_space<vmem>>) offsets(%arg10 : memref<128xi32, #tpu.memory_space<vmem>>) semaphore(%arg18 : memref<!tpu.dma_semaphore, #tpu.memory_space<semaphore_mem>>)
      %dma_wait3A_86 = arith.constant 0 : i32
      %dma_wait3A_87 = arith.constant 0 : i32
      %dma_wait3A_88 = tpu.memref_slice %arg2[%dma_wait3A_86, %dma_wait3A_87] : memref<10000x128xf32, #tpu.memory_space<hbm>> -> memref<10000x128xf32, #tpu.memory_space<hbm>>
      tpu.wait_indirect_dma semaphore(%arg17 : memref<!tpu.dma_semaphore, #tpu.memory_space<semaphore_mem>>) src(%dma_wait3A_88 : memref<10000x128xf32, #tpu.memory_space<hbm>>) dst(%arg7 : memref<128x128xf32, #tpu.memory_space<vmem>>)
      "tpu.region"() ({
        %run_scoped3A = tpu.sem_alloc : memref<!tpu.dma_semaphore, #tpu.memory_space<semaphore_mem>>
        %dma_start3A_93 = arith.constant 0 : i32
        %dma_start3A_94 = arith.constant 0 : i32
        %dma_start3A_95 = tpu.memref_slice %arg6[%dma_start3A_93, %dma_start3A_94] : memref<10000x128xf32, #tpu.memory_space<vmem_shared>> -> memref<10000x128xf32, #tpu.memory_space<vmem_shared>>
        tpu.enqueue_indirect_dma source(%arg7 : memref<128x128xf32, #tpu.memory_space<vmem>>) target(%dma_start3A_95 : memref<10000x128xf32, #tpu.memory_space<vmem_shared>>) offsets(%arg11 : memref<128xi32, #tpu.memory_space<vmem>>) semaphore(%run_scoped3A : memref<!tpu.dma_semaphore, #tpu.memory_space<semaphore_mem>>) {add = true}
        %dma_wait3A_96 = arith.constant 0 : i32
        %dma_wait3A_97 = arith.constant 0 : i32
        %dma_wait3A_98 = tpu.memref_slice %arg6[%dma_wait3A_96, %dma_wait3A_97] : memref<10000x128xf32, #tpu.memory_space<vmem_shared>> -> memref<10000x128xf32, #tpu.memory_space<vmem_shared>>
        tpu.wait_indirect_dma semaphore(%run_scoped3A : memref<!tpu.dma_semaphore, #tpu.memory_space<semaphore_mem>>) src(%arg7 : memref<128x128xf32, #tpu.memory_space<vmem>>) dst(%dma_wait3A_98 : memref<10000x128xf32, #tpu.memory_space<vmem_shared>>)
        tpu.yield
      }) : () -> ()
      %dma_wait3A_89 = arith.constant 0 : i32
      %dma_wait3A_90 = arith.constant 0 : i32
      %dma_wait3A_91 = tpu.memref_slice %arg2[%dma_wait3A_89, %dma_wait3A_90] : memref<10000x128xf32, #tpu.memory_space<hbm>> -> memref<10000x128xf32, #tpu.memory_space<hbm>>
      tpu.wait_indirect_dma semaphore(%arg18 : memref<!tpu.dma_semaphore, #tpu.memory_space<semaphore_mem>>) src(%dma_wait3A_91 : memref<10000x128xf32, #tpu.memory_space<hbm>>) dst(%arg8 : memref<128x128xf32, #tpu.memory_space<vmem>>)
      "tpu.region"() ({
        %run_scoped3A = tpu.sem_alloc : memref<!tpu.dma_semaphore, #tpu.memory_space<semaphore_mem>>
        %dma_start3A_93 = arith.constant 0 : i32
        %dma_start3A_94 = arith.constant 0 : i32
        %dma_start3A_95 = tpu.memref_slice %arg6[%dma_start3A_93, %dma_start3A_94] : memref<10000x128xf32, #tpu.memory_space<vmem_shared>> -> memref<10000x128xf32, #tpu.memory_space<vmem_shared>>
        tpu.enqueue_indirect_dma source(%arg8 : memref<128x128xf32, #tpu.memory_space<vmem>>) target(%dma_start3A_95 : memref<10000x128xf32, #tpu.memory_space<vmem_shared>>) offsets(%arg12 : memref<128xi32, #tpu.memory_space<vmem>>) semaphore(%run_scoped3A : memref<!tpu.dma_semaphore, #tpu.memory_space<semaphore_mem>>) {add = true}
        %dma_wait3A_96 = arith.constant 0 : i32
        %dma_wait3A_97 = arith.constant 0 : i32
        %dma_wait3A_98 = tpu.memref_slice %arg6[%dma_wait3A_96, %dma_wait3A_97] : memref<10000x128xf32, #tpu.memory_space<vmem_shared>> -> memref<10000x128xf32, #tpu.memory_space<vmem_shared>>
        tpu.wait_indirect_dma semaphore(%run_scoped3A : memref<!tpu.dma_semaphore, #tpu.memory_space<semaphore_mem>>) src(%arg8 : memref<128x128xf32, #tpu.memory_space<vmem>>) dst(%dma_wait3A_98 : memref<10000x128xf32, #tpu.memory_space<vmem_shared>>)
        tpu.yield
      }) : () -> ()
      %scan3A_92 = arith.constant 0 : i32
      scf.yield %scan3A_92 : i32
    }
    %scan3A_46 = arith.constant 39 : i32
    %add3A_47 = arith.constant 9984 : i32
    %add3A_48 = arith.addi %mul3A_39, %add3A_47 : i32
    "tpu.region"() ({
      %run_scoped3A = tpu.sem_alloc : memref<!tpu.dma_semaphore, #tpu.memory_space<semaphore_mem>>
      %dma_start3A_68 = tpu.memref_slice %arg3[%add3A_48] : memref<320000xi32, #tpu.memory_space<hbm>> -> memref<16xi32, #tpu.memory_space<hbm>>
      %dma_start3A_69 = tpu.memref_slice %arg3[%add3A_48] : memref<320000xi32, #tpu.memory_space<hbm>> -> memref<16xi32, #tpu.memory_space<hbm>>
      tpu.enqueue_dma source(%dma_start3A_69 : memref<16xi32, #tpu.memory_space<hbm>>) target(%arg14 : memref<16xi32, #tpu.memory_space<vmem>>) target_semaphore(%run_scoped3A : memref<!tpu.dma_semaphore, #tpu.memory_space<semaphore_mem>>)
      %dma_wait3A_70 = tpu.memref_slice %arg3[%add3A_48] : memref<320000xi32, #tpu.memory_space<hbm>> -> memref<16xi32, #tpu.memory_space<hbm>>
      %dma_wait3A_71 = tpu.memref_slice %arg3[%add3A_48] : memref<320000xi32, #tpu.memory_space<hbm>> -> memref<16xi32, #tpu.memory_space<hbm>>
      tpu.wait_dma2 semaphore(%run_scoped3A : memref<!tpu.dma_semaphore, #tpu.memory_space<semaphore_mem>>) src(%dma_wait3A_71 : memref<16xi32, #tpu.memory_space<hbm>>) dst(%arg14 : memref<16xi32, #tpu.memory_space<vmem>>)
      tpu.yield
    }) : () -> ()
    "tpu.region"() ({
      %run_scoped3A = tpu.sem_alloc : memref<!tpu.dma_semaphore, #tpu.memory_space<semaphore_mem>>
      %dma_start3A_68 = tpu.memref_slice %arg4[%add3A_48] : memref<320000xi32, #tpu.memory_space<hbm>> -> memref<16xi32, #tpu.memory_space<hbm>>
      %dma_start3A_69 = tpu.memref_slice %arg4[%add3A_48] : memref<320000xi32, #tpu.memory_space<hbm>> -> memref<16xi32, #tpu.memory_space<hbm>>
      tpu.enqueue_dma source(%dma_start3A_69 : memref<16xi32, #tpu.memory_space<hbm>>) target(%arg15 : memref<16xi32, #tpu.memory_space<vmem>>) target_semaphore(%run_scoped3A : memref<!tpu.dma_semaphore, #tpu.memory_space<semaphore_mem>>)
      %dma_wait3A_70 = tpu.memref_slice %arg4[%add3A_48] : memref<320000xi32, #tpu.memory_space<hbm>> -> memref<16xi32, #tpu.memory_space<hbm>>
      %dma_wait3A_71 = tpu.memref_slice %arg4[%add3A_48] : memref<320000xi32, #tpu.memory_space<hbm>> -> memref<16xi32, #tpu.memory_space<hbm>>
      tpu.wait_dma2 semaphore(%run_scoped3A : memref<!tpu.dma_semaphore, #tpu.memory_space<semaphore_mem>>) src(%dma_wait3A_71 : memref<16xi32, #tpu.memory_space<hbm>>) dst(%arg15 : memref<16xi32, #tpu.memory_space<vmem>>)
      tpu.yield
    }) : () -> ()
    %dma_start3A = arith.constant 0 : i32
    %dma_start3A_49 = arith.constant 0 : i32
    %dma_start3A_50 = tpu.memref_slice %arg2[%dma_start3A, %dma_start3A_49] : memref<10000x128xf32, #tpu.memory_space<hbm>> -> memref<10000x128xf32, #tpu.memory_space<hbm>>
    tpu.enqueue_indirect_dma source(%dma_start3A_50 : memref<10000x128xf32, #tpu.memory_space<hbm>>) target(%arg13 : memref<16x128xf32, #tpu.memory_space<vmem>>) offsets(%arg14 : memref<16xi32, #tpu.memory_space<vmem>>) semaphore(%arg21 : memref<!tpu.dma_semaphore, #tpu.memory_space<semaphore_mem>>)
    %dma_wait3A = arith.constant 0 : i32
    %dma_wait3A_51 = arith.constant 0 : i32
    %dma_wait3A_52 = tpu.memref_slice %arg2[%dma_wait3A, %dma_wait3A_51] : memref<10000x128xf32, #tpu.memory_space<hbm>> -> memref<10000x128xf32, #tpu.memory_space<hbm>>
    tpu.wait_indirect_dma semaphore(%arg21 : memref<!tpu.dma_semaphore, #tpu.memory_space<semaphore_mem>>) src(%dma_wait3A_52 : memref<10000x128xf32, #tpu.memory_space<hbm>>) dst(%arg13 : memref<16x128xf32, #tpu.memory_space<vmem>>)
    "tpu.region"() ({
      %run_scoped3A = tpu.sem_alloc : memref<!tpu.dma_semaphore, #tpu.memory_space<semaphore_mem>>
      %dma_start3A_68 = arith.constant 0 : i32
      %dma_start3A_69 = arith.constant 0 : i32
      %dma_start3A_70 = tpu.memref_slice %arg6[%dma_start3A_68, %dma_start3A_69] : memref<10000x128xf32, #tpu.memory_space<vmem_shared>> -> memref<10000x128xf32, #tpu.memory_space<vmem_shared>>
      tpu.enqueue_indirect_dma source(%arg13 : memref<16x128xf32, #tpu.memory_space<vmem>>) target(%dma_start3A_70 : memref<10000x128xf32, #tpu.memory_space<vmem_shared>>) offsets(%arg15 : memref<16xi32, #tpu.memory_space<vmem>>) semaphore(%run_scoped3A : memref<!tpu.dma_semaphore, #tpu.memory_space<semaphore_mem>>) {add = true}
      %dma_wait3A_71 = arith.constant 0 : i32
      %dma_wait3A_72 = arith.constant 0 : i32
      %dma_wait3A_73 = tpu.memref_slice %arg6[%dma_wait3A_71, %dma_wait3A_72] : memref<10000x128xf32, #tpu.memory_space<vmem_shared>> -> memref<10000x128xf32, #tpu.memory_space<vmem_shared>>
      tpu.wait_indirect_dma semaphore(%run_scoped3A : memref<!tpu.dma_semaphore, #tpu.memory_space<semaphore_mem>>) src(%arg13 : memref<16x128xf32, #tpu.memory_space<vmem>>) dst(%dma_wait3A_73 : memref<10000x128xf32, #tpu.memory_space<vmem_shared>>)
      tpu.yield
    }) : () -> ()
    %barrier3A_53 = arith.constant 0 : index
    tpu.barrier barrier_id(%barrier3A_53)
    %mul3A_54 = arith.constant 624 : i32
    %mul3A_55 = arith.muli %arg1, %mul3A_54 : i32
    %multiple_of3A_56 = tpu.assume_multiple %mul3A_55, 8 : i32
    %add3A_57 = arith.constant 0 : i32
    %add3A_58 = arith.addi %multiple_of3A_56, %add3A_57 : i32
    "tpu.region"() ({
      %run_scoped3A = tpu.sem_alloc : memref<!tpu.dma_semaphore, #tpu.memory_space<semaphore_mem>>
      %dma_start3A_68 = arith.constant 0 : i32
      %dma_start3A_69 = tpu.memref_slice %arg5[%arg0, %add3A_58, %dma_start3A_68] : memref<2x10000x128xf32, #tpu.memory_space<hbm>> -> memref<1x208x128xf32, #tpu.memory_space<hbm>>
      %dma_start3A_70 = tpu.memref_squeeze %dma_start3A_69 : memref<1x208x128xf32, #tpu.memory_space<hbm>> -> memref<208x128xf32, #tpu.memory_space<hbm>>
      %dma_start3A_71 = arith.constant 0 : i32
      %dma_start3A_72 = tpu.memref_slice %arg6[%add3A_58, %dma_start3A_71] : memref<10000x128xf32, #tpu.memory_space<vmem_shared>> -> memref<208x128xf32, #tpu.memory_space<vmem_shared>>
      tpu.enqueue_dma source(%dma_start3A_72 : memref<208x128xf32, #tpu.memory_space<vmem_shared>>) target(%dma_start3A_70 : memref<208x128xf32, #tpu.memory_space<hbm>>) target_semaphore(%run_scoped3A : memref<!tpu.dma_semaphore, #tpu.memory_space<semaphore_mem>>)
      %dma_wait3A_73 = arith.constant 0 : i32
      %dma_wait3A_74 = tpu.memref_slice %arg5[%arg0, %add3A_58, %dma_wait3A_73] : memref<2x10000x128xf32, #tpu.memory_space<hbm>> -> memref<1x208x128xf32, #tpu.memory_space<hbm>>
      %dma_wait3A_75 = tpu.memref_squeeze %dma_wait3A_74 : memref<1x208x128xf32, #tpu.memory_space<hbm>> -> memref<208x128xf32, #tpu.memory_space<hbm>>
      %dma_wait3A_76 = arith.constant 0 : i32
      %dma_wait3A_77 = tpu.memref_slice %arg6[%add3A_58, %dma_wait3A_76] : memref<10000x128xf32, #tpu.memory_space<vmem_shared>> -> memref<208x128xf32, #tpu.memory_space<vmem_shared>>
      tpu.wait_dma2 semaphore(%run_scoped3A : memref<!tpu.dma_semaphore, #tpu.memory_space<semaphore_mem>>) src(%dma_wait3A_77 : memref<208x128xf32, #tpu.memory_space<vmem_shared>>) dst(%dma_wait3A_75 : memref<208x128xf32, #tpu.memory_space<hbm>>)
      tpu.yield
    }) : () -> ()
    %add3A_59 = arith.constant 208 : i32
    %add3A_60 = arith.addi %multiple_of3A_56, %add3A_59 : i32
    "tpu.region"() ({
      %run_scoped3A = tpu.sem_alloc : memref<!tpu.dma_semaphore, #tpu.memory_space<semaphore_mem>>
      %dma_start3A_68 = arith.constant 0 : i32
      %dma_start3A_69 = tpu.memref_slice %arg5[%arg0, %add3A_60, %dma_start3A_68] : memref<2x10000x128xf32, #tpu.memory_space<hbm>> -> memref<1x208x128xf32, #tpu.memory_space<hbm>>
      %dma_start3A_70 = tpu.memref_squeeze %dma_start3A_69 : memref<1x208x128xf32, #tpu.memory_space<hbm>> -> memref<208x128xf32, #tpu.memory_space<hbm>>
      %dma_start3A_71 = arith.constant 0 : i32
      %dma_start3A_72 = tpu.memref_slice %arg6[%add3A_60, %dma_start3A_71] : memref<10000x128xf32, #tpu.memory_space<vmem_shared>> -> memref<208x128xf32, #tpu.memory_space<vmem_shared>>
      tpu.enqueue_dma source(%dma_start3A_72 : memref<208x128xf32, #tpu.memory_space<vmem_shared>>) target(%dma_start3A_70 : memref<208x128xf32, #tpu.memory_space<hbm>>) target_semaphore(%run_scoped3A : memref<!tpu.dma_semaphore, #tpu.memory_space<semaphore_mem>>)
      %dma_wait3A_73 = arith.constant 0 : i32
      %dma_wait3A_74 = tpu.memref_slice %arg5[%arg0, %add3A_60, %dma_wait3A_73] : memref<2x10000x128xf32, #tpu.memory_space<hbm>> -> memref<1x208x128xf32, #tpu.memory_space<hbm>>
      %dma_wait3A_75 = tpu.memref_squeeze %dma_wait3A_74 : memref<1x208x128xf32, #tpu.memory_space<hbm>> -> memref<208x128xf32, #tpu.memory_space<hbm>>
      %dma_wait3A_76 = arith.constant 0 : i32
      %dma_wait3A_77 = tpu.memref_slice %arg6[%add3A_60, %dma_wait3A_76] : memref<10000x128xf32, #tpu.memory_space<vmem_shared>> -> memref<208x128xf32, #tpu.memory_space<vmem_shared>>
      tpu.wait_dma2 semaphore(%run_scoped3A : memref<!tpu.dma_semaphore, #tpu.memory_space<semaphore_mem>>) src(%dma_wait3A_77 : memref<208x128xf32, #tpu.memory_space<vmem_shared>>) dst(%dma_wait3A_75 : memref<208x128xf32, #tpu.memory_space<hbm>>)
      tpu.yield
    }) : () -> ()
    %add3A_61 = arith.constant 416 : i32
    %add3A_62 = arith.addi %multiple_of3A_56, %add3A_61 : i32
    "tpu.region"() ({
      %run_scoped3A = tpu.sem_alloc : memref<!tpu.dma_semaphore, #tpu.memory_space<semaphore_mem>>
      %dma_start3A_68 = arith.constant 0 : i32
      %dma_start3A_69 = tpu.memref_slice %arg5[%arg0, %add3A_62, %dma_start3A_68] : memref<2x10000x128xf32, #tpu.memory_space<hbm>> -> memref<1x208x128xf32, #tpu.memory_space<hbm>>
      %dma_start3A_70 = tpu.memref_squeeze %dma_start3A_69 : memref<1x208x128xf32, #tpu.memory_space<hbm>> -> memref<208x128xf32, #tpu.memory_space<hbm>>
      %dma_start3A_71 = arith.constant 0 : i32
      %dma_start3A_72 = tpu.memref_slice %arg6[%add3A_62, %dma_start3A_71] : memref<10000x128xf32, #tpu.memory_space<vmem_shared>> -> memref<208x128xf32, #tpu.memory_space<vmem_shared>>
      tpu.enqueue_dma source(%dma_start3A_72 : memref<208x128xf32, #tpu.memory_space<vmem_shared>>) target(%dma_start3A_70 : memref<208x128xf32, #tpu.memory_space<hbm>>) target_semaphore(%run_scoped3A : memref<!tpu.dma_semaphore, #tpu.memory_space<semaphore_mem>>)
      %dma_wait3A_73 = arith.constant 0 : i32
      %dma_wait3A_74 = tpu.memref_slice %arg5[%arg0, %add3A_62, %dma_wait3A_73] : memref<2x10000x128xf32, #tpu.memory_space<hbm>> -> memref<1x208x128xf32, #tpu.memory_space<hbm>>
      %dma_wait3A_75 = tpu.memref_squeeze %dma_wait3A_74 : memref<1x208x128xf32, #tpu.memory_space<hbm>> -> memref<208x128xf32, #tpu.memory_space<hbm>>
      %dma_wait3A_76 = arith.constant 0 : i32
      %dma_wait3A_77 = tpu.memref_slice %arg6[%add3A_62, %dma_wait3A_76] : memref<10000x128xf32, #tpu.memory_space<vmem_shared>> -> memref<208x128xf32, #tpu.memory_space<vmem_shared>>
      tpu.wait_dma2 semaphore(%run_scoped3A : memref<!tpu.dma_semaphore, #tpu.memory_space<semaphore_mem>>) src(%dma_wait3A_77 : memref<208x128xf32, #tpu.memory_space<vmem_shared>>) dst(%dma_wait3A_75 : memref<208x128xf32, #tpu.memory_space<hbm>>)
      tpu.yield
    }) : () -> ()
    %eq3A_63 = arith.constant 15 : i32
    %eq3A_64 = arith.cmpi eq, %arg1, %eq3A_63 : i32
    %convert_element_type3A_65 = arith.extui %eq3A_64 : i1 to i32
    %cond3A_66 = arith.constant 0 : i32
    %cond3A_67 = arith.cmpi ne, %convert_element_type3A_65, %cond3A_66 : i32
    scf.if %cond3A_67 {
      "tpu.region"() ({
        %run_scoped3A = tpu.sem_alloc : memref<!tpu.dma_semaphore, #tpu.memory_space<semaphore_mem>>
        %dma_start3A_68 = arith.constant 9984 : i32
        %dma_start3A_69 = arith.constant 0 : i32
        %dma_start3A_70 = tpu.memref_slice %arg5[%arg0, %dma_start3A_68, %dma_start3A_69] : memref<2x10000x128xf32, #tpu.memory_space<hbm>> -> memref<1x16x128xf32, #tpu.memory_space<hbm>>
        %dma_start3A_71 = tpu.memref_squeeze %dma_start3A_70 : memref<1x16x128xf32, #tpu.memory_space<hbm>> -> memref<16x128xf32, #tpu.memory_space<hbm>>
        %dma_start3A_72 = arith.constant 9984 : i32
        %dma_start3A_73 = arith.constant 0 : i32
        %dma_start3A_74 = tpu.memref_slice %arg6[%dma_start3A_72, %dma_start3A_73] : memref<10000x128xf32, #tpu.memory_space<vmem_shared>> -> memref<16x128xf32, #tpu.memory_space<vmem_shared>>
        tpu.enqueue_dma source(%dma_start3A_74 : memref<16x128xf32, #tpu.memory_space<vmem_shared>>) target(%dma_start3A_71 : memref<16x128xf32, #tpu.memory_space<hbm>>) target_semaphore(%run_scoped3A : memref<!tpu.dma_semaphore, #tpu.memory_space<semaphore_mem>>)
        %dma_wait3A_75 = arith.constant 9984 : i32
        %dma_wait3A_76 = arith.constant 0 : i32
        %dma_wait3A_77 = tpu.memref_slice %arg5[%arg0, %dma_wait3A_75, %dma_wait3A_76] : memref<2x10000x128xf32, #tpu.memory_space<hbm>> -> memref<1x16x128xf32, #tpu.memory_space<hbm>>
        %dma_wait3A_78 = tpu.memref_squeeze %dma_wait3A_77 : memref<1x16x128xf32, #tpu.memory_space<hbm>> -> memref<16x128xf32, #tpu.memory_space<hbm>>
        %dma_wait3A_79 = arith.constant 9984 : i32
        %dma_wait3A_80 = arith.constant 0 : i32
        %dma_wait3A_81 = tpu.memref_slice %arg6[%dma_wait3A_79, %dma_wait3A_80] : memref<10000x128xf32, #tpu.memory_space<vmem_shared>> -> memref<16x128xf32, #tpu.memory_space<vmem_shared>>
        tpu.wait_dma2 semaphore(%run_scoped3A : memref<!tpu.dma_semaphore, #tpu.memory_space<semaphore_mem>>) src(%dma_wait3A_81 : memref<16x128xf32, #tpu.memory_space<vmem_shared>>) dst(%dma_wait3A_78 : memref<16x128xf32, #tpu.memory_space<hbm>>)
        tpu.yield
      }) : () -> ()
    } else {
    }
    return
  }
}

#map = affine_map<(d0, d1) -> (0)>
#map1 = affine_map<(d0, d1) -> (0, 0, 0)>
module attributes {stable_mosaic.version = 14 : i64} {
  func.func @body(%arg0: i32, %arg1: i32, %arg2: memref<320000xi32, #tpu.memory_space<hbm>>, %arg3: memref<2x10000x16xf32, #tpu.memory_space<hbm>>, %arg4: memref<10000x16xf32, #tpu.memory_space<vmem_shared>>, %arg5: memref<128x16xf32, #tpu.memory_space<vmem>>, %arg6: memref<16x16xf32, #tpu.memory_space<vmem>>, %arg7: memref<128xi32, #tpu.memory_space<vmem>>, %arg8: memref<16xi32, #tpu.memory_space<vmem>>, %arg9: memref<48x16xf32, #tpu.memory_space<vmem>>) attributes {dimension_semantics = [#tpu.dimension_semantics<core_parallel>, #tpu.dimension_semantics<subcore_parallel>], iteration_bounds = array<i64: 2, 16>, scalar_prefetch = 0 : i64, scratch_operands = 6 : i64, tpu.core_type = #tpu.core_type<sc_vector_subcore>, window_params = [{transform_indices = #map}, {transform_indices = #map1}]} {
    %mul3A = arith.constant 2 : i32
    %mul3A_0 = arith.muli %arg1, %mul3A : i32
    %add3A = arith.addi %mul3A_0, %arg0 : i32
    %broadcast_in_dim3A = arith.constant 0.000000e+00 : f32
    %broadcast_in_dim3A_1 = vector.broadcast %broadcast_in_dim3A : f32 to vector<16xf32>
    %broadcast_in_dim3A_2 = arith.constant 1.000000e+00 : f32
    %broadcast_in_dim3A_3 = vector.broadcast %broadcast_in_dim3A_2 : f32 to vector<16xf32>
    %scan3A = arith.constant 0 : i32
    %scan3A_4 = arith.constant 0 : i32
    %scan3A_5 = arith.constant 48 : i32
    %scan3A_6 = arith.addi %scan3A_4, %scan3A_5 : i32
    %scan3A_7 = arith.constant 1 : i32
    %scan3A_8 = scf.for %scan3A_80 = %scan3A_4 to %scan3A_6 step %scan3A_7 iter_args(%scan3A_81 = %scan3A) -> (i32)  : i32 {
      %swap3A = arith.index_cast %scan3A_80 : i32 to index
      %swap3A_82 = arith.constant 0 : index
      %swap3A_83 = tpu.vector_load %arg9[%swap3A, %swap3A_82] {strides = array<i32>} : memref<48x16xf32, #tpu.memory_space<vmem>>, vector<1x16xf32>,
      %swap3A_84 = vector.shape_cast %swap3A_83 : vector<1x16xf32> to vector<16xf32>
      %swap3A_85 = vector.shape_cast %broadcast_in_dim3A_1 : vector<16xf32> to vector<1x16xf32>
      tpu.vector_store %arg9[%swap3A, %swap3A_82], %swap3A_85 {strides = array<i32>} : memref<48x16xf32, #tpu.memory_space<vmem>>, vector<1x16xf32>,
      %scan3A_86 = arith.constant 0 : i32
      scf.yield %scan3A_86 : i32
    }
    %scan3A_9 = arith.constant 48 : i32
    %scan3A_10 = arith.constant 0 : i32
    %scan3A_11 = arith.constant 0 : i32
    %scan3A_12 = arith.constant 128 : i32
    %scan3A_13 = arith.addi %scan3A_11, %scan3A_12 : i32
    %scan3A_14 = arith.constant 1 : i32
    %scan3A_15 = scf.for %scan3A_80 = %scan3A_11 to %scan3A_13 step %scan3A_14 iter_args(%scan3A_81 = %scan3A_10) -> (i32)  : i32 {
      %swap3A = arith.index_cast %scan3A_80 : i32 to index
      %swap3A_82 = arith.constant 0 : index
      %swap3A_83 = tpu.vector_load %arg5[%swap3A, %swap3A_82] {strides = array<i32>} : memref<128x16xf32, #tpu.memory_space<vmem>>, vector<1x16xf32>,
      %swap3A_84 = vector.shape_cast %swap3A_83 : vector<1x16xf32> to vector<16xf32>
      %swap3A_85 = vector.shape_cast %broadcast_in_dim3A_3 : vector<16xf32> to vector<1x16xf32>
      tpu.vector_store %arg5[%swap3A, %swap3A_82], %swap3A_85 {strides = array<i32>} : memref<128x16xf32, #tpu.memory_space<vmem>>, vector<1x16xf32>,
      %scan3A_86 = arith.constant 0 : i32
      scf.yield %scan3A_86 : i32
    }
    %scan3A_16 = arith.constant 128 : i32
    %scan3A_17 = arith.constant 0 : i32
    %scan3A_18 = arith.constant 0 : i32
    %scan3A_19 = arith.constant 16 : i32
    %scan3A_20 = arith.addi %scan3A_18, %scan3A_19 : i32
    %scan3A_21 = arith.constant 1 : i32
    %scan3A_22 = scf.for %scan3A_80 = %scan3A_18 to %scan3A_20 step %scan3A_21 iter_args(%scan3A_81 = %scan3A_17) -> (i32)  : i32 {
      %swap3A = arith.index_cast %scan3A_80 : i32 to index
      %swap3A_82 = arith.constant 0 : index
      %swap3A_83 = tpu.vector_load %arg6[%swap3A, %swap3A_82] {strides = array<i32>} : memref<16x16xf32, #tpu.memory_space<vmem>>, vector<1x16xf32>,
      %swap3A_84 = vector.shape_cast %swap3A_83 : vector<1x16xf32> to vector<16xf32>
      %swap3A_85 = vector.shape_cast %broadcast_in_dim3A_3 : vector<16xf32> to vector<1x16xf32>
      tpu.vector_store %arg6[%swap3A, %swap3A_82], %swap3A_85 {strides = array<i32>} : memref<16x16xf32, #tpu.memory_space<vmem>>, vector<1x16xf32>,
      %scan3A_86 = arith.constant 0 : i32
      scf.yield %scan3A_86 : i32
    }
    %scan3A_23 = arith.constant 16 : i32
    %mul3A_24 = arith.constant 624 : i32
    %mul3A_25 = arith.muli %arg1, %mul3A_24 : i32
    %multiple_of3A = tpu.assume_multiple %mul3A_25, 8 : i32
    %add3A_26 = arith.constant 0 : i32
    %add3A_27 = arith.addi %multiple_of3A, %add3A_26 : i32
    "tpu.region"() ({
      %run_scoped3A = tpu.sem_alloc : memref<!tpu.dma_semaphore, #tpu.memory_space<semaphore_mem>>
      %dma_start3A = arith.constant 0 : i32
      %dma_start3A_80 = tpu.memref_slice %arg4[%add3A_27, %dma_start3A] : memref<10000x16xf32, #tpu.memory_space<vmem_shared>> -> memref<48x16xf32, #tpu.memory_space<vmem_shared>>
      %dma_start3A_81 = arith.constant 0 : i32
      %dma_start3A_82 = tpu.memref_slice %arg4[%add3A_27, %dma_start3A_81] : memref<10000x16xf32, #tpu.memory_space<vmem_shared>> -> memref<48x16xf32, #tpu.memory_space<vmem_shared>>
      tpu.enqueue_dma source(%arg9 : memref<48x16xf32, #tpu.memory_space<vmem>>) target(%dma_start3A_82 : memref<48x16xf32, #tpu.memory_space<vmem_shared>>) target_semaphore(%run_scoped3A : memref<!tpu.dma_semaphore, #tpu.memory_space<semaphore_mem>>)
      %dma_wait3A = arith.constant 0 : i32
      %dma_wait3A_83 = tpu.memref_slice %arg4[%add3A_27, %dma_wait3A] : memref<10000x16xf32, #tpu.memory_space<vmem_shared>> -> memref<48x16xf32, #tpu.memory_space<vmem_shared>>
      %dma_wait3A_84 = arith.constant 0 : i32
      %dma_wait3A_85 = tpu.memref_slice %arg4[%add3A_27, %dma_wait3A_84] : memref<10000x16xf32, #tpu.memory_space<vmem_shared>> -> memref<48x16xf32, #tpu.memory_space<vmem_shared>>
      tpu.wait_dma2 semaphore(%run_scoped3A : memref<!tpu.dma_semaphore, #tpu.memory_space<semaphore_mem>>) src(%arg9 : memref<48x16xf32, #tpu.memory_space<vmem>>) dst(%dma_wait3A_85 : memref<48x16xf32, #tpu.memory_space<vmem_shared>>)
      tpu.yield
    }) : () -> ()
    %add3A_28 = arith.constant 48 : i32
    %add3A_29 = arith.addi %multiple_of3A, %add3A_28 : i32
    "tpu.region"() ({
      %run_scoped3A = tpu.sem_alloc : memref<!tpu.dma_semaphore, #tpu.memory_space<semaphore_mem>>
      %dma_start3A = arith.constant 0 : i32
      %dma_start3A_80 = tpu.memref_slice %arg4[%add3A_29, %dma_start3A] : memref<10000x16xf32, #tpu.memory_space<vmem_shared>> -> memref<48x16xf32, #tpu.memory_space<vmem_shared>>
      %dma_start3A_81 = arith.constant 0 : i32
      %dma_start3A_82 = tpu.memref_slice %arg4[%add3A_29, %dma_start3A_81] : memref<10000x16xf32, #tpu.memory_space<vmem_shared>> -> memref<48x16xf32, #tpu.memory_space<vmem_shared>>
      tpu.enqueue_dma source(%arg9 : memref<48x16xf32, #tpu.memory_space<vmem>>) target(%dma_start3A_82 : memref<48x16xf32, #tpu.memory_space<vmem_shared>>) target_semaphore(%run_scoped3A : memref<!tpu.dma_semaphore, #tpu.memory_space<semaphore_mem>>)
      %dma_wait3A = arith.constant 0 : i32
      %dma_wait3A_83 = tpu.memref_slice %arg4[%add3A_29, %dma_wait3A] : memref<10000x16xf32, #tpu.memory_space<vmem_shared>> -> memref<48x16xf32, #tpu.memory_space<vmem_shared>>
      %dma_wait3A_84 = arith.constant 0 : i32
      %dma_wait3A_85 = tpu.memref_slice %arg4[%add3A_29, %dma_wait3A_84] : memref<10000x16xf32, #tpu.memory_space<vmem_shared>> -> memref<48x16xf32, #tpu.memory_space<vmem_shared>>
      tpu.wait_dma2 semaphore(%run_scoped3A : memref<!tpu.dma_semaphore, #tpu.memory_space<semaphore_mem>>) src(%arg9 : memref<48x16xf32, #tpu.memory_space<vmem>>) dst(%dma_wait3A_85 : memref<48x16xf32, #tpu.memory_space<vmem_shared>>)
      tpu.yield
    }) : () -> ()
    %add3A_30 = arith.constant 96 : i32
    %add3A_31 = arith.addi %multiple_of3A, %add3A_30 : i32
    "tpu.region"() ({
      %run_scoped3A = tpu.sem_alloc : memref<!tpu.dma_semaphore, #tpu.memory_space<semaphore_mem>>
      %dma_start3A = arith.constant 0 : i32
      %dma_start3A_80 = tpu.memref_slice %arg4[%add3A_31, %dma_start3A] : memref<10000x16xf32, #tpu.memory_space<vmem_shared>> -> memref<48x16xf32, #tpu.memory_space<vmem_shared>>
      %dma_start3A_81 = arith.constant 0 : i32
      %dma_start3A_82 = tpu.memref_slice %arg4[%add3A_31, %dma_start3A_81] : memref<10000x16xf32, #tpu.memory_space<vmem_shared>> -> memref<48x16xf32, #tpu.memory_space<vmem_shared>>
      tpu.enqueue_dma source(%arg9 : memref<48x16xf32, #tpu.memory_space<vmem>>) target(%dma_start3A_82 : memref<48x16xf32, #tpu.memory_space<vmem_shared>>) target_semaphore(%run_scoped3A : memref<!tpu.dma_semaphore, #tpu.memory_space<semaphore_mem>>)
      %dma_wait3A = arith.constant 0 : i32
      %dma_wait3A_83 = tpu.memref_slice %arg4[%add3A_31, %dma_wait3A] : memref<10000x16xf32, #tpu.memory_space<vmem_shared>> -> memref<48x16xf32, #tpu.memory_space<vmem_shared>>
      %dma_wait3A_84 = arith.constant 0 : i32
      %dma_wait3A_85 = tpu.memref_slice %arg4[%add3A_31, %dma_wait3A_84] : memref<10000x16xf32, #tpu.memory_space<vmem_shared>> -> memref<48x16xf32, #tpu.memory_space<vmem_shared>>
      tpu.wait_dma2 semaphore(%run_scoped3A : memref<!tpu.dma_semaphore, #tpu.memory_space<semaphore_mem>>) src(%arg9 : memref<48x16xf32, #tpu.memory_space<vmem>>) dst(%dma_wait3A_85 : memref<48x16xf32, #tpu.memory_space<vmem_shared>>)
      tpu.yield
    }) : () -> ()
    %add3A_32 = arith.constant 144 : i32
    %add3A_33 = arith.addi %multiple_of3A, %add3A_32 : i32
    "tpu.region"() ({
      %run_scoped3A = tpu.sem_alloc : memref<!tpu.dma_semaphore, #tpu.memory_space<semaphore_mem>>
      %dma_start3A = arith.constant 0 : i32
      %dma_start3A_80 = tpu.memref_slice %arg4[%add3A_33, %dma_start3A] : memref<10000x16xf32, #tpu.memory_space<vmem_shared>> -> memref<48x16xf32, #tpu.memory_space<vmem_shared>>
      %dma_start3A_81 = arith.constant 0 : i32
      %dma_start3A_82 = tpu.memref_slice %arg4[%add3A_33, %dma_start3A_81] : memref<10000x16xf32, #tpu.memory_space<vmem_shared>> -> memref<48x16xf32, #tpu.memory_space<vmem_shared>>
      tpu.enqueue_dma source(%arg9 : memref<48x16xf32, #tpu.memory_space<vmem>>) target(%dma_start3A_82 : memref<48x16xf32, #tpu.memory_space<vmem_shared>>) target_semaphore(%run_scoped3A : memref<!tpu.dma_semaphore, #tpu.memory_space<semaphore_mem>>)
      %dma_wait3A = arith.constant 0 : i32
      %dma_wait3A_83 = tpu.memref_slice %arg4[%add3A_33, %dma_wait3A] : memref<10000x16xf32, #tpu.memory_space<vmem_shared>> -> memref<48x16xf32, #tpu.memory_space<vmem_shared>>
      %dma_wait3A_84 = arith.constant 0 : i32
      %dma_wait3A_85 = tpu.memref_slice %arg4[%add3A_33, %dma_wait3A_84] : memref<10000x16xf32, #tpu.memory_space<vmem_shared>> -> memref<48x16xf32, #tpu.memory_space<vmem_shared>>
      tpu.wait_dma2 semaphore(%run_scoped3A : memref<!tpu.dma_semaphore, #tpu.memory_space<semaphore_mem>>) src(%arg9 : memref<48x16xf32, #tpu.memory_space<vmem>>) dst(%dma_wait3A_85 : memref<48x16xf32, #tpu.memory_space<vmem_shared>>)
      tpu.yield
    }) : () -> ()
    %add3A_34 = arith.constant 192 : i32
    %add3A_35 = arith.addi %multiple_of3A, %add3A_34 : i32
    "tpu.region"() ({
      %run_scoped3A = tpu.sem_alloc : memref<!tpu.dma_semaphore, #tpu.memory_space<semaphore_mem>>
      %dma_start3A = arith.constant 0 : i32
      %dma_start3A_80 = tpu.memref_slice %arg4[%add3A_35, %dma_start3A] : memref<10000x16xf32, #tpu.memory_space<vmem_shared>> -> memref<48x16xf32, #tpu.memory_space<vmem_shared>>
      %dma_start3A_81 = arith.constant 0 : i32
      %dma_start3A_82 = tpu.memref_slice %arg4[%add3A_35, %dma_start3A_81] : memref<10000x16xf32, #tpu.memory_space<vmem_shared>> -> memref<48x16xf32, #tpu.memory_space<vmem_shared>>
      tpu.enqueue_dma source(%arg9 : memref<48x16xf32, #tpu.memory_space<vmem>>) target(%dma_start3A_82 : memref<48x16xf32, #tpu.memory_space<vmem_shared>>) target_semaphore(%run_scoped3A : memref<!tpu.dma_semaphore, #tpu.memory_space<semaphore_mem>>)
      %dma_wait3A = arith.constant 0 : i32
      %dma_wait3A_83 = tpu.memref_slice %arg4[%add3A_35, %dma_wait3A] : memref<10000x16xf32, #tpu.memory_space<vmem_shared>> -> memref<48x16xf32, #tpu.memory_space<vmem_shared>>
      %dma_wait3A_84 = arith.constant 0 : i32
      %dma_wait3A_85 = tpu.memref_slice %arg4[%add3A_35, %dma_wait3A_84] : memref<10000x16xf32, #tpu.memory_space<vmem_shared>> -> memref<48x16xf32, #tpu.memory_space<vmem_shared>>
      tpu.wait_dma2 semaphore(%run_scoped3A : memref<!tpu.dma_semaphore, #tpu.memory_space<semaphore_mem>>) src(%arg9 : memref<48x16xf32, #tpu.memory_space<vmem>>) dst(%dma_wait3A_85 : memref<48x16xf32, #tpu.memory_space<vmem_shared>>)
      tpu.yield
    }) : () -> ()
    %add3A_36 = arith.constant 240 : i32
    %add3A_37 = arith.addi %multiple_of3A, %add3A_36 : i32
    "tpu.region"() ({
      %run_scoped3A = tpu.sem_alloc : memref<!tpu.dma_semaphore, #tpu.memory_space<semaphore_mem>>
      %dma_start3A = arith.constant 0 : i32
      %dma_start3A_80 = tpu.memref_slice %arg4[%add3A_37, %dma_start3A] : memref<10000x16xf32, #tpu.memory_space<vmem_shared>> -> memref<48x16xf32, #tpu.memory_space<vmem_shared>>
      %dma_start3A_81 = arith.constant 0 : i32
      %dma_start3A_82 = tpu.memref_slice %arg4[%add3A_37, %dma_start3A_81] : memref<10000x16xf32, #tpu.memory_space<vmem_shared>> -> memref<48x16xf32, #tpu.memory_space<vmem_shared>>
      tpu.enqueue_dma source(%arg9 : memref<48x16xf32, #tpu.memory_space<vmem>>) target(%dma_start3A_82 : memref<48x16xf32, #tpu.memory_space<vmem_shared>>) target_semaphore(%run_scoped3A : memref<!tpu.dma_semaphore, #tpu.memory_space<semaphore_mem>>)
      %dma_wait3A = arith.constant 0 : i32
      %dma_wait3A_83 = tpu.memref_slice %arg4[%add3A_37, %dma_wait3A] : memref<10000x16xf32, #tpu.memory_space<vmem_shared>> -> memref<48x16xf32, #tpu.memory_space<vmem_shared>>
      %dma_wait3A_84 = arith.constant 0 : i32
      %dma_wait3A_85 = tpu.memref_slice %arg4[%add3A_37, %dma_wait3A_84] : memref<10000x16xf32, #tpu.memory_space<vmem_shared>> -> memref<48x16xf32, #tpu.memory_space<vmem_shared>>
      tpu.wait_dma2 semaphore(%run_scoped3A : memref<!tpu.dma_semaphore, #tpu.memory_space<semaphore_mem>>) src(%arg9 : memref<48x16xf32, #tpu.memory_space<vmem>>) dst(%dma_wait3A_85 : memref<48x16xf32, #tpu.memory_space<vmem_shared>>)
      tpu.yield
    }) : () -> ()
    %add3A_38 = arith.constant 288 : i32
    %add3A_39 = arith.addi %multiple_of3A, %add3A_38 : i32
    "tpu.region"() ({
      %run_scoped3A = tpu.sem_alloc : memref<!tpu.dma_semaphore, #tpu.memory_space<semaphore_mem>>
      %dma_start3A = arith.constant 0 : i32
      %dma_start3A_80 = tpu.memref_slice %arg4[%add3A_39, %dma_start3A] : memref<10000x16xf32, #tpu.memory_space<vmem_shared>> -> memref<48x16xf32, #tpu.memory_space<vmem_shared>>
      %dma_start3A_81 = arith.constant 0 : i32
      %dma_start3A_82 = tpu.memref_slice %arg4[%add3A_39, %dma_start3A_81] : memref<10000x16xf32, #tpu.memory_space<vmem_shared>> -> memref<48x16xf32, #tpu.memory_space<vmem_shared>>
      tpu.enqueue_dma source(%arg9 : memref<48x16xf32, #tpu.memory_space<vmem>>) target(%dma_start3A_82 : memref<48x16xf32, #tpu.memory_space<vmem_shared>>) target_semaphore(%run_scoped3A : memref<!tpu.dma_semaphore, #tpu.memory_space<semaphore_mem>>)
      %dma_wait3A = arith.constant 0 : i32
      %dma_wait3A_83 = tpu.memref_slice %arg4[%add3A_39, %dma_wait3A] : memref<10000x16xf32, #tpu.memory_space<vmem_shared>> -> memref<48x16xf32, #tpu.memory_space<vmem_shared>>
      %dma_wait3A_84 = arith.constant 0 : i32
      %dma_wait3A_85 = tpu.memref_slice %arg4[%add3A_39, %dma_wait3A_84] : memref<10000x16xf32, #tpu.memory_space<vmem_shared>> -> memref<48x16xf32, #tpu.memory_space<vmem_shared>>
      tpu.wait_dma2 semaphore(%run_scoped3A : memref<!tpu.dma_semaphore, #tpu.memory_space<semaphore_mem>>) src(%arg9 : memref<48x16xf32, #tpu.memory_space<vmem>>) dst(%dma_wait3A_85 : memref<48x16xf32, #tpu.memory_space<vmem_shared>>)
      tpu.yield
    }) : () -> ()
    %add3A_40 = arith.constant 336 : i32
    %add3A_41 = arith.addi %multiple_of3A, %add3A_40 : i32
    "tpu.region"() ({
      %run_scoped3A = tpu.sem_alloc : memref<!tpu.dma_semaphore, #tpu.memory_space<semaphore_mem>>
      %dma_start3A = arith.constant 0 : i32
      %dma_start3A_80 = tpu.memref_slice %arg4[%add3A_41, %dma_start3A] : memref<10000x16xf32, #tpu.memory_space<vmem_shared>> -> memref<48x16xf32, #tpu.memory_space<vmem_shared>>
      %dma_start3A_81 = arith.constant 0 : i32
      %dma_start3A_82 = tpu.memref_slice %arg4[%add3A_41, %dma_start3A_81] : memref<10000x16xf32, #tpu.memory_space<vmem_shared>> -> memref<48x16xf32, #tpu.memory_space<vmem_shared>>
      tpu.enqueue_dma source(%arg9 : memref<48x16xf32, #tpu.memory_space<vmem>>) target(%dma_start3A_82 : memref<48x16xf32, #tpu.memory_space<vmem_shared>>) target_semaphore(%run_scoped3A : memref<!tpu.dma_semaphore, #tpu.memory_space<semaphore_mem>>)
      %dma_wait3A = arith.constant 0 : i32
      %dma_wait3A_83 = tpu.memref_slice %arg4[%add3A_41, %dma_wait3A] : memref<10000x16xf32, #tpu.memory_space<vmem_shared>> -> memref<48x16xf32, #tpu.memory_space<vmem_shared>>
      %dma_wait3A_84 = arith.constant 0 : i32
      %dma_wait3A_85 = tpu.memref_slice %arg4[%add3A_41, %dma_wait3A_84] : memref<10000x16xf32, #tpu.memory_space<vmem_shared>> -> memref<48x16xf32, #tpu.memory_space<vmem_shared>>
      tpu.wait_dma2 semaphore(%run_scoped3A : memref<!tpu.dma_semaphore, #tpu.memory_space<semaphore_mem>>) src(%arg9 : memref<48x16xf32, #tpu.memory_space<vmem>>) dst(%dma_wait3A_85 : memref<48x16xf32, #tpu.memory_space<vmem_shared>>)
      tpu.yield
    }) : () -> ()
    %add3A_42 = arith.constant 384 : i32
    %add3A_43 = arith.addi %multiple_of3A, %add3A_42 : i32
    "tpu.region"() ({
      %run_scoped3A = tpu.sem_alloc : memref<!tpu.dma_semaphore, #tpu.memory_space<semaphore_mem>>
      %dma_start3A = arith.constant 0 : i32
      %dma_start3A_80 = tpu.memref_slice %arg4[%add3A_43, %dma_start3A] : memref<10000x16xf32, #tpu.memory_space<vmem_shared>> -> memref<48x16xf32, #tpu.memory_space<vmem_shared>>
      %dma_start3A_81 = arith.constant 0 : i32
      %dma_start3A_82 = tpu.memref_slice %arg4[%add3A_43, %dma_start3A_81] : memref<10000x16xf32, #tpu.memory_space<vmem_shared>> -> memref<48x16xf32, #tpu.memory_space<vmem_shared>>
      tpu.enqueue_dma source(%arg9 : memref<48x16xf32, #tpu.memory_space<vmem>>) target(%dma_start3A_82 : memref<48x16xf32, #tpu.memory_space<vmem_shared>>) target_semaphore(%run_scoped3A : memref<!tpu.dma_semaphore, #tpu.memory_space<semaphore_mem>>)
      %dma_wait3A = arith.constant 0 : i32
      %dma_wait3A_83 = tpu.memref_slice %arg4[%add3A_43, %dma_wait3A] : memref<10000x16xf32, #tpu.memory_space<vmem_shared>> -> memref<48x16xf32, #tpu.memory_space<vmem_shared>>
      %dma_wait3A_84 = arith.constant 0 : i32
      %dma_wait3A_85 = tpu.memref_slice %arg4[%add3A_43, %dma_wait3A_84] : memref<10000x16xf32, #tpu.memory_space<vmem_shared>> -> memref<48x16xf32, #tpu.memory_space<vmem_shared>>
      tpu.wait_dma2 semaphore(%run_scoped3A : memref<!tpu.dma_semaphore, #tpu.memory_space<semaphore_mem>>) src(%arg9 : memref<48x16xf32, #tpu.memory_space<vmem>>) dst(%dma_wait3A_85 : memref<48x16xf32, #tpu.memory_space<vmem_shared>>)
      tpu.yield
    }) : () -> ()
    %add3A_44 = arith.constant 432 : i32
    %add3A_45 = arith.addi %multiple_of3A, %add3A_44 : i32
    "tpu.region"() ({
      %run_scoped3A = tpu.sem_alloc : memref<!tpu.dma_semaphore, #tpu.memory_space<semaphore_mem>>
      %dma_start3A = arith.constant 0 : i32
      %dma_start3A_80 = tpu.memref_slice %arg4[%add3A_45, %dma_start3A] : memref<10000x16xf32, #tpu.memory_space<vmem_shared>> -> memref<48x16xf32, #tpu.memory_space<vmem_shared>>
      %dma_start3A_81 = arith.constant 0 : i32
      %dma_start3A_82 = tpu.memref_slice %arg4[%add3A_45, %dma_start3A_81] : memref<10000x16xf32, #tpu.memory_space<vmem_shared>> -> memref<48x16xf32, #tpu.memory_space<vmem_shared>>
      tpu.enqueue_dma source(%arg9 : memref<48x16xf32, #tpu.memory_space<vmem>>) target(%dma_start3A_82 : memref<48x16xf32, #tpu.memory_space<vmem_shared>>) target_semaphore(%run_scoped3A : memref<!tpu.dma_semaphore, #tpu.memory_space<semaphore_mem>>)
      %dma_wait3A = arith.constant 0 : i32
      %dma_wait3A_83 = tpu.memref_slice %arg4[%add3A_45, %dma_wait3A] : memref<10000x16xf32, #tpu.memory_space<vmem_shared>> -> memref<48x16xf32, #tpu.memory_space<vmem_shared>>
      %dma_wait3A_84 = arith.constant 0 : i32
      %dma_wait3A_85 = tpu.memref_slice %arg4[%add3A_45, %dma_wait3A_84] : memref<10000x16xf32, #tpu.memory_space<vmem_shared>> -> memref<48x16xf32, #tpu.memory_space<vmem_shared>>
      tpu.wait_dma2 semaphore(%run_scoped3A : memref<!tpu.dma_semaphore, #tpu.memory_space<semaphore_mem>>) src(%arg9 : memref<48x16xf32, #tpu.memory_space<vmem>>) dst(%dma_wait3A_85 : memref<48x16xf32, #tpu.memory_space<vmem_shared>>)
      tpu.yield
    }) : () -> ()
    %add3A_46 = arith.constant 480 : i32
    %add3A_47 = arith.addi %multiple_of3A, %add3A_46 : i32
    "tpu.region"() ({
      %run_scoped3A = tpu.sem_alloc : memref<!tpu.dma_semaphore, #tpu.memory_space<semaphore_mem>>
      %dma_start3A = arith.constant 0 : i32
      %dma_start3A_80 = tpu.memref_slice %arg4[%add3A_47, %dma_start3A] : memref<10000x16xf32, #tpu.memory_space<vmem_shared>> -> memref<48x16xf32, #tpu.memory_space<vmem_shared>>
      %dma_start3A_81 = arith.constant 0 : i32
      %dma_start3A_82 = tpu.memref_slice %arg4[%add3A_47, %dma_start3A_81] : memref<10000x16xf32, #tpu.memory_space<vmem_shared>> -> memref<48x16xf32, #tpu.memory_space<vmem_shared>>
      tpu.enqueue_dma source(%arg9 : memref<48x16xf32, #tpu.memory_space<vmem>>) target(%dma_start3A_82 : memref<48x16xf32, #tpu.memory_space<vmem_shared>>) target_semaphore(%run_scoped3A : memref<!tpu.dma_semaphore, #tpu.memory_space<semaphore_mem>>)
      %dma_wait3A = arith.constant 0 : i32
      %dma_wait3A_83 = tpu.memref_slice %arg4[%add3A_47, %dma_wait3A] : memref<10000x16xf32, #tpu.memory_space<vmem_shared>> -> memref<48x16xf32, #tpu.memory_space<vmem_shared>>
      %dma_wait3A_84 = arith.constant 0 : i32
      %dma_wait3A_85 = tpu.memref_slice %arg4[%add3A_47, %dma_wait3A_84] : memref<10000x16xf32, #tpu.memory_space<vmem_shared>> -> memref<48x16xf32, #tpu.memory_space<vmem_shared>>
      tpu.wait_dma2 semaphore(%run_scoped3A : memref<!tpu.dma_semaphore, #tpu.memory_space<semaphore_mem>>) src(%arg9 : memref<48x16xf32, #tpu.memory_space<vmem>>) dst(%dma_wait3A_85 : memref<48x16xf32, #tpu.memory_space<vmem_shared>>)
      tpu.yield
    }) : () -> ()
    %add3A_48 = arith.constant 528 : i32
    %add3A_49 = arith.addi %multiple_of3A, %add3A_48 : i32
    "tpu.region"() ({
      %run_scoped3A = tpu.sem_alloc : memref<!tpu.dma_semaphore, #tpu.memory_space<semaphore_mem>>
      %dma_start3A = arith.constant 0 : i32
      %dma_start3A_80 = tpu.memref_slice %arg4[%add3A_49, %dma_start3A] : memref<10000x16xf32, #tpu.memory_space<vmem_shared>> -> memref<48x16xf32, #tpu.memory_space<vmem_shared>>
      %dma_start3A_81 = arith.constant 0 : i32
      %dma_start3A_82 = tpu.memref_slice %arg4[%add3A_49, %dma_start3A_81] : memref<10000x16xf32, #tpu.memory_space<vmem_shared>> -> memref<48x16xf32, #tpu.memory_space<vmem_shared>>
      tpu.enqueue_dma source(%arg9 : memref<48x16xf32, #tpu.memory_space<vmem>>) target(%dma_start3A_82 : memref<48x16xf32, #tpu.memory_space<vmem_shared>>) target_semaphore(%run_scoped3A : memref<!tpu.dma_semaphore, #tpu.memory_space<semaphore_mem>>)
      %dma_wait3A = arith.constant 0 : i32
      %dma_wait3A_83 = tpu.memref_slice %arg4[%add3A_49, %dma_wait3A] : memref<10000x16xf32, #tpu.memory_space<vmem_shared>> -> memref<48x16xf32, #tpu.memory_space<vmem_shared>>
      %dma_wait3A_84 = arith.constant 0 : i32
      %dma_wait3A_85 = tpu.memref_slice %arg4[%add3A_49, %dma_wait3A_84] : memref<10000x16xf32, #tpu.memory_space<vmem_shared>> -> memref<48x16xf32, #tpu.memory_space<vmem_shared>>
      tpu.wait_dma2 semaphore(%run_scoped3A : memref<!tpu.dma_semaphore, #tpu.memory_space<semaphore_mem>>) src(%arg9 : memref<48x16xf32, #tpu.memory_space<vmem>>) dst(%dma_wait3A_85 : memref<48x16xf32, #tpu.memory_space<vmem_shared>>)
      tpu.yield
    }) : () -> ()
    %add3A_50 = arith.constant 576 : i32
    %add3A_51 = arith.addi %multiple_of3A, %add3A_50 : i32
    "tpu.region"() ({
      %run_scoped3A = tpu.sem_alloc : memref<!tpu.dma_semaphore, #tpu.memory_space<semaphore_mem>>
      %dma_start3A = arith.constant 0 : i32
      %dma_start3A_80 = tpu.memref_slice %arg4[%add3A_51, %dma_start3A] : memref<10000x16xf32, #tpu.memory_space<vmem_shared>> -> memref<48x16xf32, #tpu.memory_space<vmem_shared>>
      %dma_start3A_81 = arith.constant 0 : i32
      %dma_start3A_82 = tpu.memref_slice %arg4[%add3A_51, %dma_start3A_81] : memref<10000x16xf32, #tpu.memory_space<vmem_shared>> -> memref<48x16xf32, #tpu.memory_space<vmem_shared>>
      tpu.enqueue_dma source(%arg9 : memref<48x16xf32, #tpu.memory_space<vmem>>) target(%dma_start3A_82 : memref<48x16xf32, #tpu.memory_space<vmem_shared>>) target_semaphore(%run_scoped3A : memref<!tpu.dma_semaphore, #tpu.memory_space<semaphore_mem>>)
      %dma_wait3A = arith.constant 0 : i32
      %dma_wait3A_83 = tpu.memref_slice %arg4[%add3A_51, %dma_wait3A] : memref<10000x16xf32, #tpu.memory_space<vmem_shared>> -> memref<48x16xf32, #tpu.memory_space<vmem_shared>>
      %dma_wait3A_84 = arith.constant 0 : i32
      %dma_wait3A_85 = tpu.memref_slice %arg4[%add3A_51, %dma_wait3A_84] : memref<10000x16xf32, #tpu.memory_space<vmem_shared>> -> memref<48x16xf32, #tpu.memory_space<vmem_shared>>
      tpu.wait_dma2 semaphore(%run_scoped3A : memref<!tpu.dma_semaphore, #tpu.memory_space<semaphore_mem>>) src(%arg9 : memref<48x16xf32, #tpu.memory_space<vmem>>) dst(%dma_wait3A_85 : memref<48x16xf32, #tpu.memory_space<vmem_shared>>)
      tpu.yield
    }) : () -> ()
    %eq3A = arith.constant 15 : i32
    %eq3A_52 = arith.cmpi eq, %arg1, %eq3A : i32
    %convert_element_type3A = arith.extui %eq3A_52 : i1 to i32
    %cond3A = arith.constant 0 : i32
    %cond3A_53 = arith.cmpi ne, %convert_element_type3A, %cond3A : i32
    scf.if %cond3A_53 {
      "tpu.region"() ({
        %run_scoped3A = tpu.sem_alloc : memref<!tpu.dma_semaphore, #tpu.memory_space<semaphore_mem>>
        %dma_start3A = arith.constant 0 : i32
        %dma_start3A_80 = arith.constant 0 : i32
        %dma_start3A_81 = tpu.memref_slice %arg9[%dma_start3A, %dma_start3A_80] : memref<48x16xf32, #tpu.memory_space<vmem>> -> memref<16x16xf32, #tpu.memory_space<vmem>>
        %dma_start3A_82 = arith.constant 9984 : i32
        %dma_start3A_83 = arith.constant 0 : i32
        %dma_start3A_84 = tpu.memref_slice %arg4[%dma_start3A_82, %dma_start3A_83] : memref<10000x16xf32, #tpu.memory_space<vmem_shared>> -> memref<16x16xf32, #tpu.memory_space<vmem_shared>>
        %dma_start3A_85 = arith.constant 9984 : i32
        %dma_start3A_86 = arith.constant 0 : i32
        %dma_start3A_87 = tpu.memref_slice %arg4[%dma_start3A_85, %dma_start3A_86] : memref<10000x16xf32, #tpu.memory_space<vmem_shared>> -> memref<16x16xf32, #tpu.memory_space<vmem_shared>>
        %dma_start3A_88 = arith.constant 0 : i32
        %dma_start3A_89 = arith.constant 0 : i32
        %dma_start3A_90 = tpu.memref_slice %arg9[%dma_start3A_88, %dma_start3A_89] : memref<48x16xf32, #tpu.memory_space<vmem>> -> memref<16x16xf32, #tpu.memory_space<vmem>>
        tpu.enqueue_dma source(%dma_start3A_90 : memref<16x16xf32, #tpu.memory_space<vmem>>) target(%dma_start3A_87 : memref<16x16xf32, #tpu.memory_space<vmem_shared>>) target_semaphore(%run_scoped3A : memref<!tpu.dma_semaphore, #tpu.memory_space<semaphore_mem>>)
        %dma_wait3A = arith.constant 0 : i32
        %dma_wait3A_91 = arith.constant 0 : i32
        %dma_wait3A_92 = tpu.memref_slice %arg9[%dma_wait3A, %dma_wait3A_91] : memref<48x16xf32, #tpu.memory_space<vmem>> -> memref<16x16xf32, #tpu.memory_space<vmem>>
        %dma_wait3A_93 = arith.constant 9984 : i32
        %dma_wait3A_94 = arith.constant 0 : i32
        %dma_wait3A_95 = tpu.memref_slice %arg4[%dma_wait3A_93, %dma_wait3A_94] : memref<10000x16xf32, #tpu.memory_space<vmem_shared>> -> memref<16x16xf32, #tpu.memory_space<vmem_shared>>
        %dma_wait3A_96 = arith.constant 9984 : i32
        %dma_wait3A_97 = arith.constant 0 : i32
        %dma_wait3A_98 = tpu.memref_slice %arg4[%dma_wait3A_96, %dma_wait3A_97] : memref<10000x16xf32, #tpu.memory_space<vmem_shared>> -> memref<16x16xf32, #tpu.memory_space<vmem_shared>>
        %dma_wait3A_99 = arith.constant 0 : i32
        %dma_wait3A_100 = arith.constant 0 : i32
        %dma_wait3A_101 = tpu.memref_slice %arg9[%dma_wait3A_99, %dma_wait3A_100] : memref<48x16xf32, #tpu.memory_space<vmem>> -> memref<16x16xf32, #tpu.memory_space<vmem>>
        tpu.wait_dma2 semaphore(%run_scoped3A : memref<!tpu.dma_semaphore, #tpu.memory_space<semaphore_mem>>) src(%dma_wait3A_101 : memref<16x16xf32, #tpu.memory_space<vmem>>) dst(%dma_wait3A_98 : memref<16x16xf32, #tpu.memory_space<vmem_shared>>)
        tpu.yield
      }) : () -> ()
    } else {
    }
    %barrier3A = arith.constant 0 : index
    tpu.barrier barrier_id(%barrier3A)
    %mul3A_54 = arith.constant 10000 : i32
    %mul3A_55 = arith.muli %add3A, %mul3A_54 : i32
    %scan3A_56 = arith.constant 0 : i32
    %scan3A_57 = arith.constant 0 : i32
    %scan3A_58 = arith.constant 78 : i32
    %scan3A_59 = arith.addi %scan3A_57, %scan3A_58 : i32
    %scan3A_60 = arith.constant 1 : i32
    %scan3A_61 = scf.for %scan3A_80 = %scan3A_57 to %scan3A_59 step %scan3A_60 iter_args(%scan3A_81 = %scan3A_56) -> (i32)  : i32 {
      %mul3A_82 = arith.constant 128 : i32
      %mul3A_83 = arith.muli %scan3A_80, %mul3A_82 : i32
      %add3A_84 = arith.addi %mul3A_55, %mul3A_83 : i32
      "tpu.region"() ({
        %run_scoped3A = tpu.sem_alloc : memref<!tpu.dma_semaphore, #tpu.memory_space<semaphore_mem>>
        %dma_start3A = tpu.memref_slice %arg2[%add3A_84] : memref<320000xi32, #tpu.memory_space<hbm>> -> memref<128xi32, #tpu.memory_space<hbm>>
        %dma_start3A_86 = tpu.memref_slice %arg2[%add3A_84] : memref<320000xi32, #tpu.memory_space<hbm>> -> memref<128xi32, #tpu.memory_space<hbm>>
        tpu.enqueue_dma source(%dma_start3A_86 : memref<128xi32, #tpu.memory_space<hbm>>) target(%arg7 : memref<128xi32, #tpu.memory_space<vmem>>) target_semaphore(%run_scoped3A : memref<!tpu.dma_semaphore, #tpu.memory_space<semaphore_mem>>)
        %dma_wait3A = tpu.memref_slice %arg2[%add3A_84] : memref<320000xi32, #tpu.memory_space<hbm>> -> memref<128xi32, #tpu.memory_space<hbm>>
        %dma_wait3A_87 = tpu.memref_slice %arg2[%add3A_84] : memref<320000xi32, #tpu.memory_space<hbm>> -> memref<128xi32, #tpu.memory_space<hbm>>
        tpu.wait_dma2 semaphore(%run_scoped3A : memref<!tpu.dma_semaphore, #tpu.memory_space<semaphore_mem>>) src(%dma_wait3A_87 : memref<128xi32, #tpu.memory_space<hbm>>) dst(%arg7 : memref<128xi32, #tpu.memory_space<vmem>>)
        tpu.yield
      }) : () -> ()
      "tpu.region"() ({
        %run_scoped3A = tpu.sem_alloc : memref<!tpu.dma_semaphore, #tpu.memory_space<semaphore_mem>>
        %dma_start3A = arith.constant 0 : i32
        %dma_start3A_86 = arith.constant 0 : i32
        %dma_start3A_87 = tpu.memref_slice %arg4[%dma_start3A, %dma_start3A_86] : memref<10000x16xf32, #tpu.memory_space<vmem_shared>> -> memref<10000x16xf32, #tpu.memory_space<vmem_shared>>
        tpu.enqueue_indirect_dma source(%arg5 : memref<128x16xf32, #tpu.memory_space<vmem>>) target(%dma_start3A_87 : memref<10000x16xf32, #tpu.memory_space<vmem_shared>>) offsets(%arg7 : memref<128xi32, #tpu.memory_space<vmem>>) semaphore(%run_scoped3A : memref<!tpu.dma_semaphore, #tpu.memory_space<semaphore_mem>>) {add = true}
        %dma_wait3A = arith.constant 0 : i32
        %dma_wait3A_88 = arith.constant 0 : i32
        %dma_wait3A_89 = tpu.memref_slice %arg4[%dma_wait3A, %dma_wait3A_88] : memref<10000x16xf32, #tpu.memory_space<vmem_shared>> -> memref<10000x16xf32, #tpu.memory_space<vmem_shared>>
        tpu.wait_indirect_dma semaphore(%run_scoped3A : memref<!tpu.dma_semaphore, #tpu.memory_space<semaphore_mem>>) src(%arg5 : memref<128x16xf32, #tpu.memory_space<vmem>>) dst(%dma_wait3A_89 : memref<10000x16xf32, #tpu.memory_space<vmem_shared>>)
        tpu.yield
      }) : () -> ()
      %scan3A_85 = arith.constant 0 : i32
      scf.yield %scan3A_85 : i32
    }
    %scan3A_62 = arith.constant 78 : i32
    %add3A_63 = arith.constant 9984 : i32
    %add3A_64 = arith.addi %mul3A_55, %add3A_63 : i32
    "tpu.region"() ({
      %run_scoped3A = tpu.sem_alloc : memref<!tpu.dma_semaphore, #tpu.memory_space<semaphore_mem>>
      %dma_start3A = tpu.memref_slice %arg2[%add3A_64] : memref<320000xi32, #tpu.memory_space<hbm>> -> memref<16xi32, #tpu.memory_space<hbm>>
      %dma_start3A_80 = tpu.memref_slice %arg2[%add3A_64] : memref<320000xi32, #tpu.memory_space<hbm>> -> memref<16xi32, #tpu.memory_space<hbm>>
      tpu.enqueue_dma source(%dma_start3A_80 : memref<16xi32, #tpu.memory_space<hbm>>) target(%arg8 : memref<16xi32, #tpu.memory_space<vmem>>) target_semaphore(%run_scoped3A : memref<!tpu.dma_semaphore, #tpu.memory_space<semaphore_mem>>)
      %dma_wait3A = tpu.memref_slice %arg2[%add3A_64] : memref<320000xi32, #tpu.memory_space<hbm>> -> memref<16xi32, #tpu.memory_space<hbm>>
      %dma_wait3A_81 = tpu.memref_slice %arg2[%add3A_64] : memref<320000xi32, #tpu.memory_space<hbm>> -> memref<16xi32, #tpu.memory_space<hbm>>
      tpu.wait_dma2 semaphore(%run_scoped3A : memref<!tpu.dma_semaphore, #tpu.memory_space<semaphore_mem>>) src(%dma_wait3A_81 : memref<16xi32, #tpu.memory_space<hbm>>) dst(%arg8 : memref<16xi32, #tpu.memory_space<vmem>>)
      tpu.yield
    }) : () -> ()
    "tpu.region"() ({
      %run_scoped3A = tpu.sem_alloc : memref<!tpu.dma_semaphore, #tpu.memory_space<semaphore_mem>>
      %dma_start3A = arith.constant 0 : i32
      %dma_start3A_80 = arith.constant 0 : i32
      %dma_start3A_81 = tpu.memref_slice %arg4[%dma_start3A, %dma_start3A_80] : memref<10000x16xf32, #tpu.memory_space<vmem_shared>> -> memref<10000x16xf32, #tpu.memory_space<vmem_shared>>
      tpu.enqueue_indirect_dma source(%arg6 : memref<16x16xf32, #tpu.memory_space<vmem>>) target(%dma_start3A_81 : memref<10000x16xf32, #tpu.memory_space<vmem_shared>>) offsets(%arg8 : memref<16xi32, #tpu.memory_space<vmem>>) semaphore(%run_scoped3A : memref<!tpu.dma_semaphore, #tpu.memory_space<semaphore_mem>>) {add = true}
      %dma_wait3A = arith.constant 0 : i32
      %dma_wait3A_82 = arith.constant 0 : i32
      %dma_wait3A_83 = tpu.memref_slice %arg4[%dma_wait3A, %dma_wait3A_82] : memref<10000x16xf32, #tpu.memory_space<vmem_shared>> -> memref<10000x16xf32, #tpu.memory_space<vmem_shared>>
      tpu.wait_indirect_dma semaphore(%run_scoped3A : memref<!tpu.dma_semaphore, #tpu.memory_space<semaphore_mem>>) src(%arg6 : memref<16x16xf32, #tpu.memory_space<vmem>>) dst(%dma_wait3A_83 : memref<10000x16xf32, #tpu.memory_space<vmem_shared>>)
      tpu.yield
    }) : () -> ()
    %barrier3A_65 = arith.constant 0 : index
    tpu.barrier barrier_id(%barrier3A_65)
    %mul3A_66 = arith.constant 624 : i32
    %mul3A_67 = arith.muli %arg1, %mul3A_66 : i32
    %multiple_of3A_68 = tpu.assume_multiple %mul3A_67, 8 : i32
    %add3A_69 = arith.constant 0 : i32
    %add3A_70 = arith.addi %multiple_of3A_68, %add3A_69 : i32
    "tpu.region"() ({
      %run_scoped3A = tpu.sem_alloc : memref<!tpu.dma_semaphore, #tpu.memory_space<semaphore_mem>>
      %dma_start3A = arith.constant 0 : i32
      %dma_start3A_80 = tpu.memref_slice %arg3[%arg0, %add3A_70, %dma_start3A] : memref<2x10000x16xf32, #tpu.memory_space<hbm>> -> memref<1x208x16xf32, #tpu.memory_space<hbm>>
      %dma_start3A_81 = tpu.memref_squeeze %dma_start3A_80 : memref<1x208x16xf32, #tpu.memory_space<hbm>> -> memref<208x16xf32, #tpu.memory_space<hbm>>
      %dma_start3A_82 = arith.constant 0 : i32
      %dma_start3A_83 = tpu.memref_slice %arg4[%add3A_70, %dma_start3A_82] : memref<10000x16xf32, #tpu.memory_space<vmem_shared>> -> memref<208x16xf32, #tpu.memory_space<vmem_shared>>
      tpu.enqueue_dma source(%dma_start3A_83 : memref<208x16xf32, #tpu.memory_space<vmem_shared>>) target(%dma_start3A_81 : memref<208x16xf32, #tpu.memory_space<hbm>>) target_semaphore(%run_scoped3A : memref<!tpu.dma_semaphore, #tpu.memory_space<semaphore_mem>>)
      %dma_wait3A = arith.constant 0 : i32
      %dma_wait3A_84 = tpu.memref_slice %arg3[%arg0, %add3A_70, %dma_wait3A] : memref<2x10000x16xf32, #tpu.memory_space<hbm>> -> memref<1x208x16xf32, #tpu.memory_space<hbm>>
      %dma_wait3A_85 = tpu.memref_squeeze %dma_wait3A_84 : memref<1x208x16xf32, #tpu.memory_space<hbm>> -> memref<208x16xf32, #tpu.memory_space<hbm>>
      %dma_wait3A_86 = arith.constant 0 : i32
      %dma_wait3A_87 = tpu.memref_slice %arg4[%add3A_70, %dma_wait3A_86] : memref<10000x16xf32, #tpu.memory_space<vmem_shared>> -> memref<208x16xf32, #tpu.memory_space<vmem_shared>>
      tpu.wait_dma2 semaphore(%run_scoped3A : memref<!tpu.dma_semaphore, #tpu.memory_space<semaphore_mem>>) src(%dma_wait3A_87 : memref<208x16xf32, #tpu.memory_space<vmem_shared>>) dst(%dma_wait3A_85 : memref<208x16xf32, #tpu.memory_space<hbm>>)
      tpu.yield
    }) : () -> ()
    %add3A_71 = arith.constant 208 : i32
    %add3A_72 = arith.addi %multiple_of3A_68, %add3A_71 : i32
    "tpu.region"() ({
      %run_scoped3A = tpu.sem_alloc : memref<!tpu.dma_semaphore, #tpu.memory_space<semaphore_mem>>
      %dma_start3A = arith.constant 0 : i32
      %dma_start3A_80 = tpu.memref_slice %arg3[%arg0, %add3A_72, %dma_start3A] : memref<2x10000x16xf32, #tpu.memory_space<hbm>> -> memref<1x208x16xf32, #tpu.memory_space<hbm>>
      %dma_start3A_81 = tpu.memref_squeeze %dma_start3A_80 : memref<1x208x16xf32, #tpu.memory_space<hbm>> -> memref<208x16xf32, #tpu.memory_space<hbm>>
      %dma_start3A_82 = arith.constant 0 : i32
      %dma_start3A_83 = tpu.memref_slice %arg4[%add3A_72, %dma_start3A_82] : memref<10000x16xf32, #tpu.memory_space<vmem_shared>> -> memref<208x16xf32, #tpu.memory_space<vmem_shared>>
      tpu.enqueue_dma source(%dma_start3A_83 : memref<208x16xf32, #tpu.memory_space<vmem_shared>>) target(%dma_start3A_81 : memref<208x16xf32, #tpu.memory_space<hbm>>) target_semaphore(%run_scoped3A : memref<!tpu.dma_semaphore, #tpu.memory_space<semaphore_mem>>)
      %dma_wait3A = arith.constant 0 : i32
      %dma_wait3A_84 = tpu.memref_slice %arg3[%arg0, %add3A_72, %dma_wait3A] : memref<2x10000x16xf32, #tpu.memory_space<hbm>> -> memref<1x208x16xf32, #tpu.memory_space<hbm>>
      %dma_wait3A_85 = tpu.memref_squeeze %dma_wait3A_84 : memref<1x208x16xf32, #tpu.memory_space<hbm>> -> memref<208x16xf32, #tpu.memory_space<hbm>>
      %dma_wait3A_86 = arith.constant 0 : i32
      %dma_wait3A_87 = tpu.memref_slice %arg4[%add3A_72, %dma_wait3A_86] : memref<10000x16xf32, #tpu.memory_space<vmem_shared>> -> memref<208x16xf32, #tpu.memory_space<vmem_shared>>
      tpu.wait_dma2 semaphore(%run_scoped3A : memref<!tpu.dma_semaphore, #tpu.memory_space<semaphore_mem>>) src(%dma_wait3A_87 : memref<208x16xf32, #tpu.memory_space<vmem_shared>>) dst(%dma_wait3A_85 : memref<208x16xf32, #tpu.memory_space<hbm>>)
      tpu.yield
    }) : () -> ()
    %add3A_73 = arith.constant 416 : i32
    %add3A_74 = arith.addi %multiple_of3A_68, %add3A_73 : i32
    "tpu.region"() ({
      %run_scoped3A = tpu.sem_alloc : memref<!tpu.dma_semaphore, #tpu.memory_space<semaphore_mem>>
      %dma_start3A = arith.constant 0 : i32
      %dma_start3A_80 = tpu.memref_slice %arg3[%arg0, %add3A_74, %dma_start3A] : memref<2x10000x16xf32, #tpu.memory_space<hbm>> -> memref<1x208x16xf32, #tpu.memory_space<hbm>>
      %dma_start3A_81 = tpu.memref_squeeze %dma_start3A_80 : memref<1x208x16xf32, #tpu.memory_space<hbm>> -> memref<208x16xf32, #tpu.memory_space<hbm>>
      %dma_start3A_82 = arith.constant 0 : i32
      %dma_start3A_83 = tpu.memref_slice %arg4[%add3A_74, %dma_start3A_82] : memref<10000x16xf32, #tpu.memory_space<vmem_shared>> -> memref<208x16xf32, #tpu.memory_space<vmem_shared>>
      tpu.enqueue_dma source(%dma_start3A_83 : memref<208x16xf32, #tpu.memory_space<vmem_shared>>) target(%dma_start3A_81 : memref<208x16xf32, #tpu.memory_space<hbm>>) target_semaphore(%run_scoped3A : memref<!tpu.dma_semaphore, #tpu.memory_space<semaphore_mem>>)
      %dma_wait3A = arith.constant 0 : i32
      %dma_wait3A_84 = tpu.memref_slice %arg3[%arg0, %add3A_74, %dma_wait3A] : memref<2x10000x16xf32, #tpu.memory_space<hbm>> -> memref<1x208x16xf32, #tpu.memory_space<hbm>>
      %dma_wait3A_85 = tpu.memref_squeeze %dma_wait3A_84 : memref<1x208x16xf32, #tpu.memory_space<hbm>> -> memref<208x16xf32, #tpu.memory_space<hbm>>
      %dma_wait3A_86 = arith.constant 0 : i32
      %dma_wait3A_87 = tpu.memref_slice %arg4[%add3A_74, %dma_wait3A_86] : memref<10000x16xf32, #tpu.memory_space<vmem_shared>> -> memref<208x16xf32, #tpu.memory_space<vmem_shared>>
      tpu.wait_dma2 semaphore(%run_scoped3A : memref<!tpu.dma_semaphore, #tpu.memory_space<semaphore_mem>>) src(%dma_wait3A_87 : memref<208x16xf32, #tpu.memory_space<vmem_shared>>) dst(%dma_wait3A_85 : memref<208x16xf32, #tpu.memory_space<hbm>>)
      tpu.yield
    }) : () -> ()
    %eq3A_75 = arith.constant 15 : i32
    %eq3A_76 = arith.cmpi eq, %arg1, %eq3A_75 : i32
    %convert_element_type3A_77 = arith.extui %eq3A_76 : i1 to i32
    %cond3A_78 = arith.constant 0 : i32
    %cond3A_79 = arith.cmpi ne, %convert_element_type3A_77, %cond3A_78 : i32
    scf.if %cond3A_79 {
      "tpu.region"() ({
        %run_scoped3A = tpu.sem_alloc : memref<!tpu.dma_semaphore, #tpu.memory_space<semaphore_mem>>
        %dma_start3A = arith.constant 9984 : i32
        %dma_start3A_80 = arith.constant 0 : i32
        %dma_start3A_81 = tpu.memref_slice %arg3[%arg0, %dma_start3A, %dma_start3A_80] : memref<2x10000x16xf32, #tpu.memory_space<hbm>> -> memref<1x16x16xf32, #tpu.memory_space<hbm>>
        %dma_start3A_82 = tpu.memref_squeeze %dma_start3A_81 : memref<1x16x16xf32, #tpu.memory_space<hbm>> -> memref<16x16xf32, #tpu.memory_space<hbm>>
        %dma_start3A_83 = arith.constant 9984 : i32
        %dma_start3A_84 = arith.constant 0 : i32
        %dma_start3A_85 = tpu.memref_slice %arg4[%dma_start3A_83, %dma_start3A_84] : memref<10000x16xf32, #tpu.memory_space<vmem_shared>> -> memref<16x16xf32, #tpu.memory_space<vmem_shared>>
        tpu.enqueue_dma source(%dma_start3A_85 : memref<16x16xf32, #tpu.memory_space<vmem_shared>>) target(%dma_start3A_82 : memref<16x16xf32, #tpu.memory_space<hbm>>) target_semaphore(%run_scoped3A : memref<!tpu.dma_semaphore, #tpu.memory_space<semaphore_mem>>)
        %dma_wait3A = arith.constant 9984 : i32
        %dma_wait3A_86 = arith.constant 0 : i32
        %dma_wait3A_87 = tpu.memref_slice %arg3[%arg0, %dma_wait3A, %dma_wait3A_86] : memref<2x10000x16xf32, #tpu.memory_space<hbm>> -> memref<1x16x16xf32, #tpu.memory_space<hbm>>
        %dma_wait3A_88 = tpu.memref_squeeze %dma_wait3A_87 : memref<1x16x16xf32, #tpu.memory_space<hbm>> -> memref<16x16xf32, #tpu.memory_space<hbm>>
        %dma_wait3A_89 = arith.constant 9984 : i32
        %dma_wait3A_90 = arith.constant 0 : i32
        %dma_wait3A_91 = tpu.memref_slice %arg4[%dma_wait3A_89, %dma_wait3A_90] : memref<10000x16xf32, #tpu.memory_space<vmem_shared>> -> memref<16x16xf32, #tpu.memory_space<vmem_shared>>
        tpu.wait_dma2 semaphore(%run_scoped3A : memref<!tpu.dma_semaphore, #tpu.memory_space<semaphore_mem>>) src(%dma_wait3A_91 : memref<16x16xf32, #tpu.memory_space<vmem_shared>>) dst(%dma_wait3A_88 : memref<16x16xf32, #tpu.memory_space<hbm>>)
        tpu.yield
      }) : () -> ()
    } else {
    }
    return
  }
}

#map = affine_map<(d0, d1) -> (0, 0)>
#map1 = affine_map<(d0, d1) -> (0)>
#map2 = affine_map<(d0, d1) -> (0, 0, 0)>
module attributes {stable_mosaic.version = 14 : i64} {
  func.func @body(%arg0: i32, %arg1: i32, %arg2: memref<10000x128xf32, #tpu.memory_space<hbm>>, %arg3: memref<320000xi32, #tpu.memory_space<hbm>>, %arg4: memref<320000xi32, #tpu.memory_space<hbm>>, %arg5: memref<2x10000x128xf32, #tpu.memory_space<hbm>>, %arg6: memref<10000x128xf32, #tpu.memory_space<vmem_shared>>, %arg7: memref<128x128xf32, #tpu.memory_space<vmem>>, %arg8: memref<128x128xf32, #tpu.memory_space<vmem>>, %arg9: memref<128xi32, #tpu.memory_space<vmem>>, %arg10: memref<128xi32, #tpu.memory_space<vmem>>, %arg11: memref<128xi32, #tpu.memory_space<vmem>>, %arg12: memref<128xi32, #tpu.memory_space<vmem>>, %arg13: memref<16x128xf32, #tpu.memory_space<vmem>>, %arg14: memref<16xi32, #tpu.memory_space<vmem>>, %arg15: memref<16xi32, #tpu.memory_space<vmem>>, %arg16: memref<48x128xf32, #tpu.memory_space<vmem>>, %arg17: memref<!tpu.dma_semaphore, #tpu.memory_space<semaphore_mem>>, %arg18: memref<!tpu.dma_semaphore, #tpu.memory_space<semaphore_mem>>, %arg19: memref<!tpu.dma_semaphore, #tpu.memory_space<semaphore_mem>>, %arg20: memref<!tpu.dma_semaphore, #tpu.memory_space<semaphore_mem>>, %arg21: memref<!tpu.dma_semaphore, #tpu.memory_space<semaphore_mem>>) attributes {dimension_semantics = [#tpu.dimension_semantics<core_parallel>, #tpu.dimension_semantics<subcore_parallel>], iteration_bounds = array<i64: 2, 16>, scalar_prefetch = 0 : i64, scratch_operands = 16 : i64, tpu.core_type = #tpu.core_type<sc_vector_subcore>, window_params = [{transform_indices = #map}, {transform_indices = #map1}, {transform_indices = #map1}, {transform_indices = #map2}]} {
    %mul3A = arith.constant 2 : i32
    %mul3A_0 = arith.muli %arg1, %mul3A : i32
    %add3A = arith.addi %mul3A_0, %arg0 : i32
    %broadcast_in_dim3A = arith.constant 0.000000e+00 : f32
    %broadcast_in_dim3A_1 = vector.broadcast %broadcast_in_dim3A : f32 to vector<16xf32>
    %scan3A = arith.constant 0 : i32
    %scan3A_2 = arith.constant 0 : i32
    %scan3A_3 = arith.constant 48 : i32
    %scan3A_4 = arith.addi %scan3A_2, %scan3A_3 : i32
    %scan3A_5 = arith.constant 1 : i32
    %scan3A_6 = scf.for %scan3A_68 = %scan3A_2 to %scan3A_4 step %scan3A_5 iter_args(%scan3A_69 = %scan3A) -> (i32)  : i32 {
      %swap3A = arith.index_cast %scan3A_68 : i32 to index
      %swap3A_70 = arith.constant 0 : index
      %swap3A_71 = tpu.vector_load %arg16[%swap3A, %swap3A_70] {strides = array<i32>} : memref<48x128xf32, #tpu.memory_space<vmem>>, vector<1x16xf32>,
      %swap3A_72 = vector.shape_cast %swap3A_71 : vector<1x16xf32> to vector<16xf32>
      %swap3A_73 = vector.shape_cast %broadcast_in_dim3A_1 : vector<16xf32> to vector<1x16xf32>
      tpu.vector_store %arg16[%swap3A, %swap3A_70], %swap3A_73 {strides = array<i32>} : memref<48x128xf32, #tpu.memory_space<vmem>>, vector<1x16xf32>,
      %swap3A_74 = arith.index_cast %scan3A_68 : i32 to index
      %swap3A_75 = arith.constant 16 : index
      %swap3A_76 = tpu.vector_load %arg16[%swap3A_74, %swap3A_75] {strides = array<i32>} : memref<48x128xf32, #tpu.memory_space<vmem>>, vector<1x16xf32>,
      %swap3A_77 = vector.shape_cast %swap3A_76 : vector<1x16xf32> to vector<16xf32>
      %swap3A_78 = vector.shape_cast %broadcast_in_dim3A_1 : vector<16xf32> to vector<1x16xf32>
      tpu.vector_store %arg16[%swap3A_74, %swap3A_75], %swap3A_78 {strides = array<i32>} : memref<48x128xf32, #tpu.memory_space<vmem>>, vector<1x16xf32>,
      %swap3A_79 = arith.index_cast %scan3A_68 : i32 to index
      %swap3A_80 = arith.constant 32 : index
      %swap3A_81 = tpu.vector_load %arg16[%swap3A_79, %swap3A_80] {strides = array<i32>} : memref<48x128xf32, #tpu.memory_space<vmem>>, vector<1x16xf32>,
      %swap3A_82 = vector.shape_cast %swap3A_81 : vector<1x16xf32> to vector<16xf32>
      %swap3A_83 = vector.shape_cast %broadcast_in_dim3A_1 : vector<16xf32> to vector<1x16xf32>
      tpu.vector_store %arg16[%swap3A_79, %swap3A_80], %swap3A_83 {strides = array<i32>} : memref<48x128xf32, #tpu.memory_space<vmem>>, vector<1x16xf32>,
      %swap3A_84 = arith.index_cast %scan3A_68 : i32 to index
      %swap3A_85 = arith.constant 48 : index
      %swap3A_86 = tpu.vector_load %arg16[%swap3A_84, %swap3A_85] {strides = array<i32>} : memref<48x128xf32, #tpu.memory_space<vmem>>, vector<1x16xf32>,
      %swap3A_87 = vector.shape_cast %swap3A_86 : vector<1x16xf32> to vector<16xf32>
      %swap3A_88 = vector.shape_cast %broadcast_in_dim3A_1 : vector<16xf32> to vector<1x16xf32>
      tpu.vector_store %arg16[%swap3A_84, %swap3A_85], %swap3A_88 {strides = array<i32>} : memref<48x128xf32, #tpu.memory_space<vmem>>, vector<1x16xf32>,
      %swap3A_89 = arith.index_cast %scan3A_68 : i32 to index
      %swap3A_90 = arith.constant 64 : index
      %swap3A_91 = tpu.vector_load %arg16[%swap3A_89, %swap3A_90] {strides = array<i32>} : memref<48x128xf32, #tpu.memory_space<vmem>>, vector<1x16xf32>,
      %swap3A_92 = vector.shape_cast %swap3A_91 : vector<1x16xf32> to vector<16xf32>
      %swap3A_93 = vector.shape_cast %broadcast_in_dim3A_1 : vector<16xf32> to vector<1x16xf32>
      tpu.vector_store %arg16[%swap3A_89, %swap3A_90], %swap3A_93 {strides = array<i32>} : memref<48x128xf32, #tpu.memory_space<vmem>>, vector<1x16xf32>,
      %swap3A_94 = arith.index_cast %scan3A_68 : i32 to index
      %swap3A_95 = arith.constant 80 : index
      %swap3A_96 = tpu.vector_load %arg16[%swap3A_94, %swap3A_95] {strides = array<i32>} : memref<48x128xf32, #tpu.memory_space<vmem>>, vector<1x16xf32>,
      %swap3A_97 = vector.shape_cast %swap3A_96 : vector<1x16xf32> to vector<16xf32>
      %swap3A_98 = vector.shape_cast %broadcast_in_dim3A_1 : vector<16xf32> to vector<1x16xf32>
      tpu.vector_store %arg16[%swap3A_94, %swap3A_95], %swap3A_98 {strides = array<i32>} : memref<48x128xf32, #tpu.memory_space<vmem>>, vector<1x16xf32>,
      %swap3A_99 = arith.index_cast %scan3A_68 : i32 to index
      %swap3A_100 = arith.constant 96 : index
      %swap3A_101 = tpu.vector_load %arg16[%swap3A_99, %swap3A_100] {strides = array<i32>} : memref<48x128xf32, #tpu.memory_space<vmem>>, vector<1x16xf32>,
      %swap3A_102 = vector.shape_cast %swap3A_101 : vector<1x16xf32> to vector<16xf32>
      %swap3A_103 = vector.shape_cast %broadcast_in_dim3A_1 : vector<16xf32> to vector<1x16xf32>
      tpu.vector_store %arg16[%swap3A_99, %swap3A_100], %swap3A_103 {strides = array<i32>} : memref<48x128xf32, #tpu.memory_space<vmem>>, vector<1x16xf32>,
      %swap3A_104 = arith.index_cast %scan3A_68 : i32 to index
      %swap3A_105 = arith.constant 112 : index
      %swap3A_106 = tpu.vector_load %arg16[%swap3A_104, %swap3A_105] {strides = array<i32>} : memref<48x128xf32, #tpu.memory_space<vmem>>, vector<1x16xf32>,
      %swap3A_107 = vector.shape_cast %swap3A_106 : vector<1x16xf32> to vector<16xf32>
      %swap3A_108 = vector.shape_cast %broadcast_in_dim3A_1 : vector<16xf32> to vector<1x16xf32>
      tpu.vector_store %arg16[%swap3A_104, %swap3A_105], %swap3A_108 {strides = array<i32>} : memref<48x128xf32, #tpu.memory_space<vmem>>, vector<1x16xf32>,
      %scan3A_109 = arith.constant 0 : i32
      scf.yield %scan3A_109 : i32
    }
    %scan3A_7 = arith.constant 48 : i32
    %mul3A_8 = arith.constant 624 : i32
    %mul3A_9 = arith.muli %arg1, %mul3A_8 : i32
    %multiple_of3A = tpu.assume_multiple %mul3A_9, 8 : i32
    %add3A_10 = arith.constant 0 : i32
    %add3A_11 = arith.addi %multiple_of3A, %add3A_10 : i32
    "tpu.region"() ({
      %run_scoped3A = tpu.sem_alloc : memref<!tpu.dma_semaphore, #tpu.memory_space<semaphore_mem>>
      %dma_start3A_68 = arith.constant 0 : i32
      %dma_start3A_69 = tpu.memref_slice %arg6[%add3A_11, %dma_start3A_68] : memref<10000x128xf32, #tpu.memory_space<vmem_shared>> -> memref<48x128xf32, #tpu.memory_space<vmem_shared>>
      %dma_start3A_70 = arith.constant 0 : i32
      %dma_start3A_71 = tpu.memref_slice %arg6[%add3A_11, %dma_start3A_70] : memref<10000x128xf32, #tpu.memory_space<vmem_shared>> -> memref<48x128xf32, #tpu.memory_space<vmem_shared>>
      tpu.enqueue_dma source(%arg16 : memref<48x128xf32, #tpu.memory_space<vmem>>) target(%dma_start3A_71 : memref<48x128xf32, #tpu.memory_space<vmem_shared>>) target_semaphore(%run_scoped3A : memref<!tpu.dma_semaphore, #tpu.memory_space<semaphore_mem>>)
      %dma_wait3A_72 = arith.constant 0 : i32
      %dma_wait3A_73 = tpu.memref_slice %arg6[%add3A_11, %dma_wait3A_72] : memref<10000x128xf32, #tpu.memory_space<vmem_shared>> -> memref<48x128xf32, #tpu.memory_space<vmem_shared>>
      %dma_wait3A_74 = arith.constant 0 : i32
      %dma_wait3A_75 = tpu.memref_slice %arg6[%add3A_11, %dma_wait3A_74] : memref<10000x128xf32, #tpu.memory_space<vmem_shared>> -> memref<48x128xf32, #tpu.memory_space<vmem_shared>>
      tpu.wait_dma2 semaphore(%run_scoped3A : memref<!tpu.dma_semaphore, #tpu.memory_space<semaphore_mem>>) src(%arg16 : memref<48x128xf32, #tpu.memory_space<vmem>>) dst(%dma_wait3A_75 : memref<48x128xf32, #tpu.memory_space<vmem_shared>>)
      tpu.yield
    }) : () -> ()
    %add3A_12 = arith.constant 48 : i32
    %add3A_13 = arith.addi %multiple_of3A, %add3A_12 : i32
    "tpu.region"() ({
      %run_scoped3A = tpu.sem_alloc : memref<!tpu.dma_semaphore, #tpu.memory_space<semaphore_mem>>
      %dma_start3A_68 = arith.constant 0 : i32
      %dma_start3A_69 = tpu.memref_slice %arg6[%add3A_13, %dma_start3A_68] : memref<10000x128xf32, #tpu.memory_space<vmem_shared>> -> memref<48x128xf32, #tpu.memory_space<vmem_shared>>
      %dma_start3A_70 = arith.constant 0 : i32
      %dma_start3A_71 = tpu.memref_slice %arg6[%add3A_13, %dma_start3A_70] : memref<10000x128xf32, #tpu.memory_space<vmem_shared>> -> memref<48x128xf32, #tpu.memory_space<vmem_shared>>
      tpu.enqueue_dma source(%arg16 : memref<48x128xf32, #tpu.memory_space<vmem>>) target(%dma_start3A_71 : memref<48x128xf32, #tpu.memory_space<vmem_shared>>) target_semaphore(%run_scoped3A : memref<!tpu.dma_semaphore, #tpu.memory_space<semaphore_mem>>)
      %dma_wait3A_72 = arith.constant 0 : i32
      %dma_wait3A_73 = tpu.memref_slice %arg6[%add3A_13, %dma_wait3A_72] : memref<10000x128xf32, #tpu.memory_space<vmem_shared>> -> memref<48x128xf32, #tpu.memory_space<vmem_shared>>
      %dma_wait3A_74 = arith.constant 0 : i32
      %dma_wait3A_75 = tpu.memref_slice %arg6[%add3A_13, %dma_wait3A_74] : memref<10000x128xf32, #tpu.memory_space<vmem_shared>> -> memref<48x128xf32, #tpu.memory_space<vmem_shared>>
      tpu.wait_dma2 semaphore(%run_scoped3A : memref<!tpu.dma_semaphore, #tpu.memory_space<semaphore_mem>>) src(%arg16 : memref<48x128xf32, #tpu.memory_space<vmem>>) dst(%dma_wait3A_75 : memref<48x128xf32, #tpu.memory_space<vmem_shared>>)
      tpu.yield
    }) : () -> ()
    %add3A_14 = arith.constant 96 : i32
    %add3A_15 = arith.addi %multiple_of3A, %add3A_14 : i32
    "tpu.region"() ({
      %run_scoped3A = tpu.sem_alloc : memref<!tpu.dma_semaphore, #tpu.memory_space<semaphore_mem>>
      %dma_start3A_68 = arith.constant 0 : i32
      %dma_start3A_69 = tpu.memref_slice %arg6[%add3A_15, %dma_start3A_68] : memref<10000x128xf32, #tpu.memory_space<vmem_shared>> -> memref<48x128xf32, #tpu.memory_space<vmem_shared>>
      %dma_start3A_70 = arith.constant 0 : i32
      %dma_start3A_71 = tpu.memref_slice %arg6[%add3A_15, %dma_start3A_70] : memref<10000x128xf32, #tpu.memory_space<vmem_shared>> -> memref<48x128xf32, #tpu.memory_space<vmem_shared>>
      tpu.enqueue_dma source(%arg16 : memref<48x128xf32, #tpu.memory_space<vmem>>) target(%dma_start3A_71 : memref<48x128xf32, #tpu.memory_space<vmem_shared>>) target_semaphore(%run_scoped3A : memref<!tpu.dma_semaphore, #tpu.memory_space<semaphore_mem>>)
      %dma_wait3A_72 = arith.constant 0 : i32
      %dma_wait3A_73 = tpu.memref_slice %arg6[%add3A_15, %dma_wait3A_72] : memref<10000x128xf32, #tpu.memory_space<vmem_shared>> -> memref<48x128xf32, #tpu.memory_space<vmem_shared>>
      %dma_wait3A_74 = arith.constant 0 : i32
      %dma_wait3A_75 = tpu.memref_slice %arg6[%add3A_15, %dma_wait3A_74] : memref<10000x128xf32, #tpu.memory_space<vmem_shared>> -> memref<48x128xf32, #tpu.memory_space<vmem_shared>>
      tpu.wait_dma2 semaphore(%run_scoped3A : memref<!tpu.dma_semaphore, #tpu.memory_space<semaphore_mem>>) src(%arg16 : memref<48x128xf32, #tpu.memory_space<vmem>>) dst(%dma_wait3A_75 : memref<48x128xf32, #tpu.memory_space<vmem_shared>>)
      tpu.yield
    }) : () -> ()
    %add3A_16 = arith.constant 144 : i32
    %add3A_17 = arith.addi %multiple_of3A, %add3A_16 : i32
    "tpu.region"() ({
      %run_scoped3A = tpu.sem_alloc : memref<!tpu.dma_semaphore, #tpu.memory_space<semaphore_mem>>
      %dma_start3A_68 = arith.constant 0 : i32
      %dma_start3A_69 = tpu.memref_slice %arg6[%add3A_17, %dma_start3A_68] : memref<10000x128xf32, #tpu.memory_space<vmem_shared>> -> memref<48x128xf32, #tpu.memory_space<vmem_shared>>
      %dma_start3A_70 = arith.constant 0 : i32
      %dma_start3A_71 = tpu.memref_slice %arg6[%add3A_17, %dma_start3A_70] : memref<10000x128xf32, #tpu.memory_space<vmem_shared>> -> memref<48x128xf32, #tpu.memory_space<vmem_shared>>
      tpu.enqueue_dma source(%arg16 : memref<48x128xf32, #tpu.memory_space<vmem>>) target(%dma_start3A_71 : memref<48x128xf32, #tpu.memory_space<vmem_shared>>) target_semaphore(%run_scoped3A : memref<!tpu.dma_semaphore, #tpu.memory_space<semaphore_mem>>)
      %dma_wait3A_72 = arith.constant 0 : i32
      %dma_wait3A_73 = tpu.memref_slice %arg6[%add3A_17, %dma_wait3A_72] : memref<10000x128xf32, #tpu.memory_space<vmem_shared>> -> memref<48x128xf32, #tpu.memory_space<vmem_shared>>
      %dma_wait3A_74 = arith.constant 0 : i32
      %dma_wait3A_75 = tpu.memref_slice %arg6[%add3A_17, %dma_wait3A_74] : memref<10000x128xf32, #tpu.memory_space<vmem_shared>> -> memref<48x128xf32, #tpu.memory_space<vmem_shared>>
      tpu.wait_dma2 semaphore(%run_scoped3A : memref<!tpu.dma_semaphore, #tpu.memory_space<semaphore_mem>>) src(%arg16 : memref<48x128xf32, #tpu.memory_space<vmem>>) dst(%dma_wait3A_75 : memref<48x128xf32, #tpu.memory_space<vmem_shared>>)
      tpu.yield
    }) : () -> ()
    %add3A_18 = arith.constant 192 : i32
    %add3A_19 = arith.addi %multiple_of3A, %add3A_18 : i32
    "tpu.region"() ({
      %run_scoped3A = tpu.sem_alloc : memref<!tpu.dma_semaphore, #tpu.memory_space<semaphore_mem>>
      %dma_start3A_68 = arith.constant 0 : i32
      %dma_start3A_69 = tpu.memref_slice %arg6[%add3A_19, %dma_start3A_68] : memref<10000x128xf32, #tpu.memory_space<vmem_shared>> -> memref<48x128xf32, #tpu.memory_space<vmem_shared>>
      %dma_start3A_70 = arith.constant 0 : i32
      %dma_start3A_71 = tpu.memref_slice %arg6[%add3A_19, %dma_start3A_70] : memref<10000x128xf32, #tpu.memory_space<vmem_shared>> -> memref<48x128xf32, #tpu.memory_space<vmem_shared>>
      tpu.enqueue_dma source(%arg16 : memref<48x128xf32, #tpu.memory_space<vmem>>) target(%dma_start3A_71 : memref<48x128xf32, #tpu.memory_space<vmem_shared>>) target_semaphore(%run_scoped3A : memref<!tpu.dma_semaphore, #tpu.memory_space<semaphore_mem>>)
      %dma_wait3A_72 = arith.constant 0 : i32
      %dma_wait3A_73 = tpu.memref_slice %arg6[%add3A_19, %dma_wait3A_72] : memref<10000x128xf32, #tpu.memory_space<vmem_shared>> -> memref<48x128xf32, #tpu.memory_space<vmem_shared>>
      %dma_wait3A_74 = arith.constant 0 : i32
      %dma_wait3A_75 = tpu.memref_slice %arg6[%add3A_19, %dma_wait3A_74] : memref<10000x128xf32, #tpu.memory_space<vmem_shared>> -> memref<48x128xf32, #tpu.memory_space<vmem_shared>>
      tpu.wait_dma2 semaphore(%run_scoped3A : memref<!tpu.dma_semaphore, #tpu.memory_space<semaphore_mem>>) src(%arg16 : memref<48x128xf32, #tpu.memory_space<vmem>>) dst(%dma_wait3A_75 : memref<48x128xf32, #tpu.memory_space<vmem_shared>>)
      tpu.yield
    }) : () -> ()
    %add3A_20 = arith.constant 240 : i32
    %add3A_21 = arith.addi %multiple_of3A, %add3A_20 : i32
    "tpu.region"() ({
      %run_scoped3A = tpu.sem_alloc : memref<!tpu.dma_semaphore, #tpu.memory_space<semaphore_mem>>
      %dma_start3A_68 = arith.constant 0 : i32
      %dma_start3A_69 = tpu.memref_slice %arg6[%add3A_21, %dma_start3A_68] : memref<10000x128xf32, #tpu.memory_space<vmem_shared>> -> memref<48x128xf32, #tpu.memory_space<vmem_shared>>
      %dma_start3A_70 = arith.constant 0 : i32
      %dma_start3A_71 = tpu.memref_slice %arg6[%add3A_21, %dma_start3A_70] : memref<10000x128xf32, #tpu.memory_space<vmem_shared>> -> memref<48x128xf32, #tpu.memory_space<vmem_shared>>
      tpu.enqueue_dma source(%arg16 : memref<48x128xf32, #tpu.memory_space<vmem>>) target(%dma_start3A_71 : memref<48x128xf32, #tpu.memory_space<vmem_shared>>) target_semaphore(%run_scoped3A : memref<!tpu.dma_semaphore, #tpu.memory_space<semaphore_mem>>)
      %dma_wait3A_72 = arith.constant 0 : i32
      %dma_wait3A_73 = tpu.memref_slice %arg6[%add3A_21, %dma_wait3A_72] : memref<10000x128xf32, #tpu.memory_space<vmem_shared>> -> memref<48x128xf32, #tpu.memory_space<vmem_shared>>
      %dma_wait3A_74 = arith.constant 0 : i32
      %dma_wait3A_75 = tpu.memref_slice %arg6[%add3A_21, %dma_wait3A_74] : memref<10000x128xf32, #tpu.memory_space<vmem_shared>> -> memref<48x128xf32, #tpu.memory_space<vmem_shared>>
      tpu.wait_dma2 semaphore(%run_scoped3A : memref<!tpu.dma_semaphore, #tpu.memory_space<semaphore_mem>>) src(%arg16 : memref<48x128xf32, #tpu.memory_space<vmem>>) dst(%dma_wait3A_75 : memref<48x128xf32, #tpu.memory_space<vmem_shared>>)
      tpu.yield
    }) : () -> ()
    %add3A_22 = arith.constant 288 : i32
    %add3A_23 = arith.addi %multiple_of3A, %add3A_22 : i32
    "tpu.region"() ({
      %run_scoped3A = tpu.sem_alloc : memref<!tpu.dma_semaphore, #tpu.memory_space<semaphore_mem>>
      %dma_start3A_68 = arith.constant 0 : i32
      %dma_start3A_69 = tpu.memref_slice %arg6[%add3A_23, %dma_start3A_68] : memref<10000x128xf32, #tpu.memory_space<vmem_shared>> -> memref<48x128xf32, #tpu.memory_space<vmem_shared>>
      %dma_start3A_70 = arith.constant 0 : i32
      %dma_start3A_71 = tpu.memref_slice %arg6[%add3A_23, %dma_start3A_70] : memref<10000x128xf32, #tpu.memory_space<vmem_shared>> -> memref<48x128xf32, #tpu.memory_space<vmem_shared>>
      tpu.enqueue_dma source(%arg16 : memref<48x128xf32, #tpu.memory_space<vmem>>) target(%dma_start3A_71 : memref<48x128xf32, #tpu.memory_space<vmem_shared>>) target_semaphore(%run_scoped3A : memref<!tpu.dma_semaphore, #tpu.memory_space<semaphore_mem>>)
      %dma_wait3A_72 = arith.constant 0 : i32
      %dma_wait3A_73 = tpu.memref_slice %arg6[%add3A_23, %dma_wait3A_72] : memref<10000x128xf32, #tpu.memory_space<vmem_shared>> -> memref<48x128xf32, #tpu.memory_space<vmem_shared>>
      %dma_wait3A_74 = arith.constant 0 : i32
      %dma_wait3A_75 = tpu.memref_slice %arg6[%add3A_23, %dma_wait3A_74] : memref<10000x128xf32, #tpu.memory_space<vmem_shared>> -> memref<48x128xf32, #tpu.memory_space<vmem_shared>>
      tpu.wait_dma2 semaphore(%run_scoped3A : memref<!tpu.dma_semaphore, #tpu.memory_space<semaphore_mem>>) src(%arg16 : memref<48x128xf32, #tpu.memory_space<vmem>>) dst(%dma_wait3A_75 : memref<48x128xf32, #tpu.memory_space<vmem_shared>>)
      tpu.yield
    }) : () -> ()
    %add3A_24 = arith.constant 336 : i32
    %add3A_25 = arith.addi %multiple_of3A, %add3A_24 : i32
    "tpu.region"() ({
      %run_scoped3A = tpu.sem_alloc : memref<!tpu.dma_semaphore, #tpu.memory_space<semaphore_mem>>
      %dma_start3A_68 = arith.constant 0 : i32
      %dma_start3A_69 = tpu.memref_slice %arg6[%add3A_25, %dma_start3A_68] : memref<10000x128xf32, #tpu.memory_space<vmem_shared>> -> memref<48x128xf32, #tpu.memory_space<vmem_shared>>
      %dma_start3A_70 = arith.constant 0 : i32
      %dma_start3A_71 = tpu.memref_slice %arg6[%add3A_25, %dma_start3A_70] : memref<10000x128xf32, #tpu.memory_space<vmem_shared>> -> memref<48x128xf32, #tpu.memory_space<vmem_shared>>
      tpu.enqueue_dma source(%arg16 : memref<48x128xf32, #tpu.memory_space<vmem>>) target(%dma_start3A_71 : memref<48x128xf32, #tpu.memory_space<vmem_shared>>) target_semaphore(%run_scoped3A : memref<!tpu.dma_semaphore, #tpu.memory_space<semaphore_mem>>)
      %dma_wait3A_72 = arith.constant 0 : i32
      %dma_wait3A_73 = tpu.memref_slice %arg6[%add3A_25, %dma_wait3A_72] : memref<10000x128xf32, #tpu.memory_space<vmem_shared>> -> memref<48x128xf32, #tpu.memory_space<vmem_shared>>
      %dma_wait3A_74 = arith.constant 0 : i32
      %dma_wait3A_75 = tpu.memref_slice %arg6[%add3A_25, %dma_wait3A_74] : memref<10000x128xf32, #tpu.memory_space<vmem_shared>> -> memref<48x128xf32, #tpu.memory_space<vmem_shared>>
      tpu.wait_dma2 semaphore(%run_scoped3A : memref<!tpu.dma_semaphore, #tpu.memory_space<semaphore_mem>>) src(%arg16 : memref<48x128xf32, #tpu.memory_space<vmem>>) dst(%dma_wait3A_75 : memref<48x128xf32, #tpu.memory_space<vmem_shared>>)
      tpu.yield
    }) : () -> ()
    %add3A_26 = arith.constant 384 : i32
    %add3A_27 = arith.addi %multiple_of3A, %add3A_26 : i32
    "tpu.region"() ({
      %run_scoped3A = tpu.sem_alloc : memref<!tpu.dma_semaphore, #tpu.memory_space<semaphore_mem>>
      %dma_start3A_68 = arith.constant 0 : i32
      %dma_start3A_69 = tpu.memref_slice %arg6[%add3A_27, %dma_start3A_68] : memref<10000x128xf32, #tpu.memory_space<vmem_shared>> -> memref<48x128xf32, #tpu.memory_space<vmem_shared>>
      %dma_start3A_70 = arith.constant 0 : i32
      %dma_start3A_71 = tpu.memref_slice %arg6[%add3A_27, %dma_start3A_70] : memref<10000x128xf32, #tpu.memory_space<vmem_shared>> -> memref<48x128xf32, #tpu.memory_space<vmem_shared>>
      tpu.enqueue_dma source(%arg16 : memref<48x128xf32, #tpu.memory_space<vmem>>) target(%dma_start3A_71 : memref<48x128xf32, #tpu.memory_space<vmem_shared>>) target_semaphore(%run_scoped3A : memref<!tpu.dma_semaphore, #tpu.memory_space<semaphore_mem>>)
      %dma_wait3A_72 = arith.constant 0 : i32
      %dma_wait3A_73 = tpu.memref_slice %arg6[%add3A_27, %dma_wait3A_72] : memref<10000x128xf32, #tpu.memory_space<vmem_shared>> -> memref<48x128xf32, #tpu.memory_space<vmem_shared>>
      %dma_wait3A_74 = arith.constant 0 : i32
      %dma_wait3A_75 = tpu.memref_slice %arg6[%add3A_27, %dma_wait3A_74] : memref<10000x128xf32, #tpu.memory_space<vmem_shared>> -> memref<48x128xf32, #tpu.memory_space<vmem_shared>>
      tpu.wait_dma2 semaphore(%run_scoped3A : memref<!tpu.dma_semaphore, #tpu.memory_space<semaphore_mem>>) src(%arg16 : memref<48x128xf32, #tpu.memory_space<vmem>>) dst(%dma_wait3A_75 : memref<48x128xf32, #tpu.memory_space<vmem_shared>>)
      tpu.yield
    }) : () -> ()
    %add3A_28 = arith.constant 432 : i32
    %add3A_29 = arith.addi %multiple_of3A, %add3A_28 : i32
    "tpu.region"() ({
      %run_scoped3A = tpu.sem_alloc : memref<!tpu.dma_semaphore, #tpu.memory_space<semaphore_mem>>
      %dma_start3A_68 = arith.constant 0 : i32
      %dma_start3A_69 = tpu.memref_slice %arg6[%add3A_29, %dma_start3A_68] : memref<10000x128xf32, #tpu.memory_space<vmem_shared>> -> memref<48x128xf32, #tpu.memory_space<vmem_shared>>
      %dma_start3A_70 = arith.constant 0 : i32
      %dma_start3A_71 = tpu.memref_slice %arg6[%add3A_29, %dma_start3A_70] : memref<10000x128xf32, #tpu.memory_space<vmem_shared>> -> memref<48x128xf32, #tpu.memory_space<vmem_shared>>
      tpu.enqueue_dma source(%arg16 : memref<48x128xf32, #tpu.memory_space<vmem>>) target(%dma_start3A_71 : memref<48x128xf32, #tpu.memory_space<vmem_shared>>) target_semaphore(%run_scoped3A : memref<!tpu.dma_semaphore, #tpu.memory_space<semaphore_mem>>)
      %dma_wait3A_72 = arith.constant 0 : i32
      %dma_wait3A_73 = tpu.memref_slice %arg6[%add3A_29, %dma_wait3A_72] : memref<10000x128xf32, #tpu.memory_space<vmem_shared>> -> memref<48x128xf32, #tpu.memory_space<vmem_shared>>
      %dma_wait3A_74 = arith.constant 0 : i32
      %dma_wait3A_75 = tpu.memref_slice %arg6[%add3A_29, %dma_wait3A_74] : memref<10000x128xf32, #tpu.memory_space<vmem_shared>> -> memref<48x128xf32, #tpu.memory_space<vmem_shared>>
      tpu.wait_dma2 semaphore(%run_scoped3A : memref<!tpu.dma_semaphore, #tpu.memory_space<semaphore_mem>>) src(%arg16 : memref<48x128xf32, #tpu.memory_space<vmem>>) dst(%dma_wait3A_75 : memref<48x128xf32, #tpu.memory_space<vmem_shared>>)
      tpu.yield
    }) : () -> ()
    %add3A_30 = arith.constant 480 : i32
    %add3A_31 = arith.addi %multiple_of3A, %add3A_30 : i32
    "tpu.region"() ({
      %run_scoped3A = tpu.sem_alloc : memref<!tpu.dma_semaphore, #tpu.memory_space<semaphore_mem>>
      %dma_start3A_68 = arith.constant 0 : i32
      %dma_start3A_69 = tpu.memref_slice %arg6[%add3A_31, %dma_start3A_68] : memref<10000x128xf32, #tpu.memory_space<vmem_shared>> -> memref<48x128xf32, #tpu.memory_space<vmem_shared>>
      %dma_start3A_70 = arith.constant 0 : i32
      %dma_start3A_71 = tpu.memref_slice %arg6[%add3A_31, %dma_start3A_70] : memref<10000x128xf32, #tpu.memory_space<vmem_shared>> -> memref<48x128xf32, #tpu.memory_space<vmem_shared>>
      tpu.enqueue_dma source(%arg16 : memref<48x128xf32, #tpu.memory_space<vmem>>) target(%dma_start3A_71 : memref<48x128xf32, #tpu.memory_space<vmem_shared>>) target_semaphore(%run_scoped3A : memref<!tpu.dma_semaphore, #tpu.memory_space<semaphore_mem>>)
      %dma_wait3A_72 = arith.constant 0 : i32
      %dma_wait3A_73 = tpu.memref_slice %arg6[%add3A_31, %dma_wait3A_72] : memref<10000x128xf32, #tpu.memory_space<vmem_shared>> -> memref<48x128xf32, #tpu.memory_space<vmem_shared>>
      %dma_wait3A_74 = arith.constant 0 : i32
      %dma_wait3A_75 = tpu.memref_slice %arg6[%add3A_31, %dma_wait3A_74] : memref<10000x128xf32, #tpu.memory_space<vmem_shared>> -> memref<48x128xf32, #tpu.memory_space<vmem_shared>>
      tpu.wait_dma2 semaphore(%run_scoped3A : memref<!tpu.dma_semaphore, #tpu.memory_space<semaphore_mem>>) src(%arg16 : memref<48x128xf32, #tpu.memory_space<vmem>>) dst(%dma_wait3A_75 : memref<48x128xf32, #tpu.memory_space<vmem_shared>>)
      tpu.yield
    }) : () -> ()
    %add3A_32 = arith.constant 528 : i32
    %add3A_33 = arith.addi %multiple_of3A, %add3A_32 : i32
    "tpu.region"() ({
      %run_scoped3A = tpu.sem_alloc : memref<!tpu.dma_semaphore, #tpu.memory_space<semaphore_mem>>
      %dma_start3A_68 = arith.constant 0 : i32
      %dma_start3A_69 = tpu.memref_slice %arg6[%add3A_33, %dma_start3A_68] : memref<10000x128xf32, #tpu.memory_space<vmem_shared>> -> memref<48x128xf32, #tpu.memory_space<vmem_shared>>
      %dma_start3A_70 = arith.constant 0 : i32
      %dma_start3A_71 = tpu.memref_slice %arg6[%add3A_33, %dma_start3A_70] : memref<10000x128xf32, #tpu.memory_space<vmem_shared>> -> memref<48x128xf32, #tpu.memory_space<vmem_shared>>
      tpu.enqueue_dma source(%arg16 : memref<48x128xf32, #tpu.memory_space<vmem>>) target(%dma_start3A_71 : memref<48x128xf32, #tpu.memory_space<vmem_shared>>) target_semaphore(%run_scoped3A : memref<!tpu.dma_semaphore, #tpu.memory_space<semaphore_mem>>)
      %dma_wait3A_72 = arith.constant 0 : i32
      %dma_wait3A_73 = tpu.memref_slice %arg6[%add3A_33, %dma_wait3A_72] : memref<10000x128xf32, #tpu.memory_space<vmem_shared>> -> memref<48x128xf32, #tpu.memory_space<vmem_shared>>
      %dma_wait3A_74 = arith.constant 0 : i32
      %dma_wait3A_75 = tpu.memref_slice %arg6[%add3A_33, %dma_wait3A_74] : memref<10000x128xf32, #tpu.memory_space<vmem_shared>> -> memref<48x128xf32, #tpu.memory_space<vmem_shared>>
      tpu.wait_dma2 semaphore(%run_scoped3A : memref<!tpu.dma_semaphore, #tpu.memory_space<semaphore_mem>>) src(%arg16 : memref<48x128xf32, #tpu.memory_space<vmem>>) dst(%dma_wait3A_75 : memref<48x128xf32, #tpu.memory_space<vmem_shared>>)
      tpu.yield
    }) : () -> ()
    %add3A_34 = arith.constant 576 : i32
    %add3A_35 = arith.addi %multiple_of3A, %add3A_34 : i32
    "tpu.region"() ({
      %run_scoped3A = tpu.sem_alloc : memref<!tpu.dma_semaphore, #tpu.memory_space<semaphore_mem>>
      %dma_start3A_68 = arith.constant 0 : i32
      %dma_start3A_69 = tpu.memref_slice %arg6[%add3A_35, %dma_start3A_68] : memref<10000x128xf32, #tpu.memory_space<vmem_shared>> -> memref<48x128xf32, #tpu.memory_space<vmem_shared>>
      %dma_start3A_70 = arith.constant 0 : i32
      %dma_start3A_71 = tpu.memref_slice %arg6[%add3A_35, %dma_start3A_70] : memref<10000x128xf32, #tpu.memory_space<vmem_shared>> -> memref<48x128xf32, #tpu.memory_space<vmem_shared>>
      tpu.enqueue_dma source(%arg16 : memref<48x128xf32, #tpu.memory_space<vmem>>) target(%dma_start3A_71 : memref<48x128xf32, #tpu.memory_space<vmem_shared>>) target_semaphore(%run_scoped3A : memref<!tpu.dma_semaphore, #tpu.memory_space<semaphore_mem>>)
      %dma_wait3A_72 = arith.constant 0 : i32
      %dma_wait3A_73 = tpu.memref_slice %arg6[%add3A_35, %dma_wait3A_72] : memref<10000x128xf32, #tpu.memory_space<vmem_shared>> -> memref<48x128xf32, #tpu.memory_space<vmem_shared>>
      %dma_wait3A_74 = arith.constant 0 : i32
      %dma_wait3A_75 = tpu.memref_slice %arg6[%add3A_35, %dma_wait3A_74] : memref<10000x128xf32, #tpu.memory_space<vmem_shared>> -> memref<48x128xf32, #tpu.memory_space<vmem_shared>>
      tpu.wait_dma2 semaphore(%run_scoped3A : memref<!tpu.dma_semaphore, #tpu.memory_space<semaphore_mem>>) src(%arg16 : memref<48x128xf32, #tpu.memory_space<vmem>>) dst(%dma_wait3A_75 : memref<48x128xf32, #tpu.memory_space<vmem_shared>>)
      tpu.yield
    }) : () -> ()
    %eq3A = arith.constant 15 : i32
    %eq3A_36 = arith.cmpi eq, %arg1, %eq3A : i32
    %convert_element_type3A = arith.extui %eq3A_36 : i1 to i32
    %cond3A = arith.constant 0 : i32
    %cond3A_37 = arith.cmpi ne, %convert_element_type3A, %cond3A : i32
    scf.if %cond3A_37 {
      "tpu.region"() ({
        %run_scoped3A = tpu.sem_alloc : memref<!tpu.dma_semaphore, #tpu.memory_space<semaphore_mem>>
        %dma_start3A_68 = arith.constant 0 : i32
        %dma_start3A_69 = arith.constant 0 : i32
        %dma_start3A_70 = tpu.memref_slice %arg16[%dma_start3A_68, %dma_start3A_69] : memref<48x128xf32, #tpu.memory_space<vmem>> -> memref<16x128xf32, #tpu.memory_space<vmem>>
        %dma_start3A_71 = arith.constant 9984 : i32
        %dma_start3A_72 = arith.constant 0 : i32
        %dma_start3A_73 = tpu.memref_slice %arg6[%dma_start3A_71, %dma_start3A_72] : memref<10000x128xf32, #tpu.memory_space<vmem_shared>> -> memref<16x128xf32, #tpu.memory_space<vmem_shared>>
        %dma_start3A_74 = arith.constant 9984 : i32
        %dma_start3A_75 = arith.constant 0 : i32
        %dma_start3A_76 = tpu.memref_slice %arg6[%dma_start3A_74, %dma_start3A_75] : memref<10000x128xf32, #tpu.memory_space<vmem_shared>> -> memref<16x128xf32, #tpu.memory_space<vmem_shared>>
        %dma_start3A_77 = arith.constant 0 : i32
        %dma_start3A_78 = arith.constant 0 : i32
        %dma_start3A_79 = tpu.memref_slice %arg16[%dma_start3A_77, %dma_start3A_78] : memref<48x128xf32, #tpu.memory_space<vmem>> -> memref<16x128xf32, #tpu.memory_space<vmem>>
        tpu.enqueue_dma source(%dma_start3A_79 : memref<16x128xf32, #tpu.memory_space<vmem>>) target(%dma_start3A_76 : memref<16x128xf32, #tpu.memory_space<vmem_shared>>) target_semaphore(%run_scoped3A : memref<!tpu.dma_semaphore, #tpu.memory_space<semaphore_mem>>)
        %dma_wait3A_80 = arith.constant 0 : i32
        %dma_wait3A_81 = arith.constant 0 : i32
        %dma_wait3A_82 = tpu.memref_slice %arg16[%dma_wait3A_80, %dma_wait3A_81] : memref<48x128xf32, #tpu.memory_space<vmem>> -> memref<16x128xf32, #tpu.memory_space<vmem>>
        %dma_wait3A_83 = arith.constant 9984 : i32
        %dma_wait3A_84 = arith.constant 0 : i32
        %dma_wait3A_85 = tpu.memref_slice %arg6[%dma_wait3A_83, %dma_wait3A_84] : memref<10000x128xf32, #tpu.memory_space<vmem_shared>> -> memref<16x128xf32, #tpu.memory_space<vmem_shared>>
        %dma_wait3A_86 = arith.constant 9984 : i32
        %dma_wait3A_87 = arith.constant 0 : i32
        %dma_wait3A_88 = tpu.memref_slice %arg6[%dma_wait3A_86, %dma_wait3A_87] : memref<10000x128xf32, #tpu.memory_space<vmem_shared>> -> memref<16x128xf32, #tpu.memory_space<vmem_shared>>
        %dma_wait3A_89 = arith.constant 0 : i32
        %dma_wait3A_90 = arith.constant 0 : i32
        %dma_wait3A_91 = tpu.memref_slice %arg16[%dma_wait3A_89, %dma_wait3A_90] : memref<48x128xf32, #tpu.memory_space<vmem>> -> memref<16x128xf32, #tpu.memory_space<vmem>>
        tpu.wait_dma2 semaphore(%run_scoped3A : memref<!tpu.dma_semaphore, #tpu.memory_space<semaphore_mem>>) src(%dma_wait3A_91 : memref<16x128xf32, #tpu.memory_space<vmem>>) dst(%dma_wait3A_88 : memref<16x128xf32, #tpu.memory_space<vmem_shared>>)
        tpu.yield
      }) : () -> ()
    } else {
    }
    %barrier3A = arith.constant 0 : index
    tpu.barrier barrier_id(%barrier3A)
    %mul3A_38 = arith.constant 10000 : i32
    %mul3A_39 = arith.muli %add3A, %mul3A_38 : i32
    %scan3A_40 = arith.constant 0 : i32
    %scan3A_41 = arith.constant 0 : i32
    %scan3A_42 = arith.constant 39 : i32
    %scan3A_43 = arith.addi %scan3A_41, %scan3A_42 : i32
    %scan3A_44 = arith.constant 1 : i32
    %scan3A_45 = scf.for %scan3A_68 = %scan3A_41 to %scan3A_43 step %scan3A_44 iter_args(%scan3A_69 = %scan3A_40) -> (i32)  : i32 {
      %mul3A_70 = arith.constant 2 : i32
      %mul3A_71 = arith.muli %scan3A_68, %mul3A_70 : i32
      %mul3A_72 = arith.constant 128 : i32
      %mul3A_73 = arith.muli %mul3A_71, %mul3A_72 : i32
      %add3A_74 = arith.addi %mul3A_39, %mul3A_73 : i32
      %add3A_75 = arith.constant 1 : i32
      %add3A_76 = arith.addi %mul3A_71, %add3A_75 : i32
      %mul3A_77 = arith.constant 128 : i32
      %mul3A_78 = arith.muli %add3A_76, %mul3A_77 : i32
      %add3A_79 = arith.addi %mul3A_39, %mul3A_78 : i32
      "tpu.region"() ({
        %run_scoped3A = tpu.sem_alloc : memref<!tpu.dma_semaphore, #tpu.memory_space<semaphore_mem>>
        %dma_start3A_93 = tpu.memref_slice %arg3[%add3A_74] : memref<320000xi32, #tpu.memory_space<hbm>> -> memref<128xi32, #tpu.memory_space<hbm>>
        %dma_start3A_94 = tpu.memref_slice %arg3[%add3A_74] : memref<320000xi32, #tpu.memory_space<hbm>> -> memref<128xi32, #tpu.memory_space<hbm>>
        tpu.enqueue_dma source(%dma_start3A_94 : memref<128xi32, #tpu.memory_space<hbm>>) target(%arg9 : memref<128xi32, #tpu.memory_space<vmem>>) target_semaphore(%run_scoped3A : memref<!tpu.dma_semaphore, #tpu.memory_space<semaphore_mem>>)
        %dma_wait3A_95 = tpu.memref_slice %arg3[%add3A_74] : memref<320000xi32, #tpu.memory_space<hbm>> -> memref<128xi32, #tpu.memory_space<hbm>>
        %dma_wait3A_96 = tpu.memref_slice %arg3[%add3A_74] : memref<320000xi32, #tpu.memory_space<hbm>> -> memref<128xi32, #tpu.memory_space<hbm>>
        tpu.wait_dma2 semaphore(%run_scoped3A : memref<!tpu.dma_semaphore, #tpu.memory_space<semaphore_mem>>) src(%dma_wait3A_96 : memref<128xi32, #tpu.memory_space<hbm>>) dst(%arg9 : memref<128xi32, #tpu.memory_space<vmem>>)
        tpu.yield
      }) : () -> ()
      "tpu.region"() ({
        %run_scoped3A = tpu.sem_alloc : memref<!tpu.dma_semaphore, #tpu.memory_space<semaphore_mem>>
        %dma_start3A_93 = tpu.memref_slice %arg4[%add3A_74] : memref<320000xi32, #tpu.memory_space<hbm>> -> memref<128xi32, #tpu.memory_space<hbm>>
        %dma_start3A_94 = tpu.memref_slice %arg4[%add3A_74] : memref<320000xi32, #tpu.memory_space<hbm>> -> memref<128xi32, #tpu.memory_space<hbm>>
        tpu.enqueue_dma source(%dma_start3A_94 : memref<128xi32, #tpu.memory_space<hbm>>) target(%arg11 : memref<128xi32, #tpu.memory_space<vmem>>) target_semaphore(%run_scoped3A : memref<!tpu.dma_semaphore, #tpu.memory_space<semaphore_mem>>)
        %dma_wait3A_95 = tpu.memref_slice %arg4[%add3A_74] : memref<320000xi32, #tpu.memory_space<hbm>> -> memref<128xi32, #tpu.memory_space<hbm>>
        %dma_wait3A_96 = tpu.memref_slice %arg4[%add3A_74] : memref<320000xi32, #tpu.memory_space<hbm>> -> memref<128xi32, #tpu.memory_space<hbm>>
        tpu.wait_dma2 semaphore(%run_scoped3A : memref<!tpu.dma_semaphore, #tpu.memory_space<semaphore_mem>>) src(%dma_wait3A_96 : memref<128xi32, #tpu.memory_space<hbm>>) dst(%arg11 : memref<128xi32, #tpu.memory_space<vmem>>)
        tpu.yield
      }) : () -> ()
      "tpu.region"() ({
        %run_scoped3A = tpu.sem_alloc : memref<!tpu.dma_semaphore, #tpu.memory_space<semaphore_mem>>
        %dma_start3A_93 = tpu.memref_slice %arg3[%add3A_79] : memref<320000xi32, #tpu.memory_space<hbm>> -> memref<128xi32, #tpu.memory_space<hbm>>
        %dma_start3A_94 = tpu.memref_slice %arg3[%add3A_79] : memref<320000xi32, #tpu.memory_space<hbm>> -> memref<128xi32, #tpu.memory_space<hbm>>
        tpu.enqueue_dma source(%dma_start3A_94 : memref<128xi32, #tpu.memory_space<hbm>>) target(%arg10 : memref<128xi32, #tpu.memory_space<vmem>>) target_semaphore(%run_scoped3A : memref<!tpu.dma_semaphore, #tpu.memory_space<semaphore_mem>>)
        %dma_wait3A_95 = tpu.memref_slice %arg3[%add3A_79] : memref<320000xi32, #tpu.memory_space<hbm>> -> memref<128xi32, #tpu.memory_space<hbm>>
        %dma_wait3A_96 = tpu.memref_slice %arg3[%add3A_79] : memref<320000xi32, #tpu.memory_space<hbm>> -> memref<128xi32, #tpu.memory_space<hbm>>
        tpu.wait_dma2 semaphore(%run_scoped3A : memref<!tpu.dma_semaphore, #tpu.memory_space<semaphore_mem>>) src(%dma_wait3A_96 : memref<128xi32, #tpu.memory_space<hbm>>) dst(%arg10 : memref<128xi32, #tpu.memory_space<vmem>>)
        tpu.yield
      }) : () -> ()
      "tpu.region"() ({
        %run_scoped3A = tpu.sem_alloc : memref<!tpu.dma_semaphore, #tpu.memory_space<semaphore_mem>>
        %dma_start3A_93 = tpu.memref_slice %arg4[%add3A_79] : memref<320000xi32, #tpu.memory_space<hbm>> -> memref<128xi32, #tpu.memory_space<hbm>>
        %dma_start3A_94 = tpu.memref_slice %arg4[%add3A_79] : memref<320000xi32, #tpu.memory_space<hbm>> -> memref<128xi32, #tpu.memory_space<hbm>>
        tpu.enqueue_dma source(%dma_start3A_94 : memref<128xi32, #tpu.memory_space<hbm>>) target(%arg12 : memref<128xi32, #tpu.memory_space<vmem>>) target_semaphore(%run_scoped3A : memref<!tpu.dma_semaphore, #tpu.memory_space<semaphore_mem>>)
        %dma_wait3A_95 = tpu.memref_slice %arg4[%add3A_79] : memref<320000xi32, #tpu.memory_space<hbm>> -> memref<128xi32, #tpu.memory_space<hbm>>
        %dma_wait3A_96 = tpu.memref_slice %arg4[%add3A_79] : memref<320000xi32, #tpu.memory_space<hbm>> -> memref<128xi32, #tpu.memory_space<hbm>>
        tpu.wait_dma2 semaphore(%run_scoped3A : memref<!tpu.dma_semaphore, #tpu.memory_space<semaphore_mem>>) src(%dma_wait3A_96 : memref<128xi32, #tpu.memory_space<hbm>>) dst(%arg12 : memref<128xi32, #tpu.memory_space<vmem>>)
        tpu.yield
      }) : () -> ()
      %dma_start3A_80 = arith.constant 0 : i32
      %dma_start3A_81 = arith.constant 0 : i32
      %dma_start3A_82 = tpu.memref_slice %arg2[%dma_start3A_80, %dma_start3A_81] : memref<10000x128xf32, #tpu.memory_space<hbm>> -> memref<10000x128xf32, #tpu.memory_space<hbm>>
      tpu.enqueue_indirect_dma source(%dma_start3A_82 : memref<10000x128xf32, #tpu.memory_space<hbm>>) target(%arg7 : memref<128x128xf32, #tpu.memory_space<vmem>>) offsets(%arg9 : memref<128xi32, #tpu.memory_space<vmem>>) semaphore(%arg17 : memref<!tpu.dma_semaphore, #tpu.memory_space<semaphore_mem>>)
      %dma_start3A_83 = arith.constant 0 : i32
      %dma_start3A_84 = arith.constant 0 : i32
      %dma_start3A_85 = tpu.memref_slice %arg2[%dma_start3A_83, %dma_start3A_84] : memref<10000x128xf32, #tpu.memory_space<hbm>> -> memref<10000x128xf32, #tpu.memory_space<hbm>>
      tpu.enqueue_indirect_dma source(%dma_start3A_85 : memref<10000x128xf32, #tpu.memory_space<hbm>>) target(%arg8 : memref<128x128xf32, #tpu.memory_space<vmem>>) offsets(%arg10 : memref<128xi32, #tpu.memory_space<vmem>>) semaphore(%arg18 : memref<!tpu.dma_semaphore, #tpu.memory_space<semaphore_mem>>)
      %dma_wait3A_86 = arith.constant 0 : i32
      %dma_wait3A_87 = arith.constant 0 : i32
      %dma_wait3A_88 = tpu.memref_slice %arg2[%dma_wait3A_86, %dma_wait3A_87] : memref<10000x128xf32, #tpu.memory_space<hbm>> -> memref<10000x128xf32, #tpu.memory_space<hbm>>
      tpu.wait_indirect_dma semaphore(%arg17 : memref<!tpu.dma_semaphore, #tpu.memory_space<semaphore_mem>>) src(%dma_wait3A_88 : memref<10000x128xf32, #tpu.memory_space<hbm>>) dst(%arg7 : memref<128x128xf32, #tpu.memory_space<vmem>>)
      "tpu.region"() ({
        %run_scoped3A = tpu.sem_alloc : memref<!tpu.dma_semaphore, #tpu.memory_space<semaphore_mem>>
        %dma_start3A_93 = arith.constant 0 : i32
        %dma_start3A_94 = arith.constant 0 : i32
        %dma_start3A_95 = tpu.memref_slice %arg6[%dma_start3A_93, %dma_start3A_94] : memref<10000x128xf32, #tpu.memory_space<vmem_shared>> -> memref<10000x128xf32, #tpu.memory_space<vmem_shared>>
        tpu.enqueue_indirect_dma source(%arg7 : memref<128x128xf32, #tpu.memory_space<vmem>>) target(%dma_start3A_95 : memref<10000x128xf32, #tpu.memory_space<vmem_shared>>) offsets(%arg11 : memref<128xi32, #tpu.memory_space<vmem>>) semaphore(%run_scoped3A : memref<!tpu.dma_semaphore, #tpu.memory_space<semaphore_mem>>) {add = true}
        %dma_wait3A_96 = arith.constant 0 : i32
        %dma_wait3A_97 = arith.constant 0 : i32
        %dma_wait3A_98 = tpu.memref_slice %arg6[%dma_wait3A_96, %dma_wait3A_97] : memref<10000x128xf32, #tpu.memory_space<vmem_shared>> -> memref<10000x128xf32, #tpu.memory_space<vmem_shared>>
        tpu.wait_indirect_dma semaphore(%run_scoped3A : memref<!tpu.dma_semaphore, #tpu.memory_space<semaphore_mem>>) src(%arg7 : memref<128x128xf32, #tpu.memory_space<vmem>>) dst(%dma_wait3A_98 : memref<10000x128xf32, #tpu.memory_space<vmem_shared>>)
        tpu.yield
      }) : () -> ()
      %dma_wait3A_89 = arith.constant 0 : i32
      %dma_wait3A_90 = arith.constant 0 : i32
      %dma_wait3A_91 = tpu.memref_slice %arg2[%dma_wait3A_89, %dma_wait3A_90] : memref<10000x128xf32, #tpu.memory_space<hbm>> -> memref<10000x128xf32, #tpu.memory_space<hbm>>
      tpu.wait_indirect_dma semaphore(%arg18 : memref<!tpu.dma_semaphore, #tpu.memory_space<semaphore_mem>>) src(%dma_wait3A_91 : memref<10000x128xf32, #tpu.memory_space<hbm>>) dst(%arg8 : memref<128x128xf32, #tpu.memory_space<vmem>>)
      "tpu.region"() ({
        %run_scoped3A = tpu.sem_alloc : memref<!tpu.dma_semaphore, #tpu.memory_space<semaphore_mem>>
        %dma_start3A_93 = arith.constant 0 : i32
        %dma_start3A_94 = arith.constant 0 : i32
        %dma_start3A_95 = tpu.memref_slice %arg6[%dma_start3A_93, %dma_start3A_94] : memref<10000x128xf32, #tpu.memory_space<vmem_shared>> -> memref<10000x128xf32, #tpu.memory_space<vmem_shared>>
        tpu.enqueue_indirect_dma source(%arg8 : memref<128x128xf32, #tpu.memory_space<vmem>>) target(%dma_start3A_95 : memref<10000x128xf32, #tpu.memory_space<vmem_shared>>) offsets(%arg12 : memref<128xi32, #tpu.memory_space<vmem>>) semaphore(%run_scoped3A : memref<!tpu.dma_semaphore, #tpu.memory_space<semaphore_mem>>) {add = true}
        %dma_wait3A_96 = arith.constant 0 : i32
        %dma_wait3A_97 = arith.constant 0 : i32
        %dma_wait3A_98 = tpu.memref_slice %arg6[%dma_wait3A_96, %dma_wait3A_97] : memref<10000x128xf32, #tpu.memory_space<vmem_shared>> -> memref<10000x128xf32, #tpu.memory_space<vmem_shared>>
        tpu.wait_indirect_dma semaphore(%run_scoped3A : memref<!tpu.dma_semaphore, #tpu.memory_space<semaphore_mem>>) src(%arg8 : memref<128x128xf32, #tpu.memory_space<vmem>>) dst(%dma_wait3A_98 : memref<10000x128xf32, #tpu.memory_space<vmem_shared>>)
        tpu.yield
      }) : () -> ()
      %scan3A_92 = arith.constant 0 : i32
      scf.yield %scan3A_92 : i32
    }
    %scan3A_46 = arith.constant 39 : i32
    %add3A_47 = arith.constant 9984 : i32
    %add3A_48 = arith.addi %mul3A_39, %add3A_47 : i32
    "tpu.region"() ({
      %run_scoped3A = tpu.sem_alloc : memref<!tpu.dma_semaphore, #tpu.memory_space<semaphore_mem>>
      %dma_start3A_68 = tpu.memref_slice %arg3[%add3A_48] : memref<320000xi32, #tpu.memory_space<hbm>> -> memref<16xi32, #tpu.memory_space<hbm>>
      %dma_start3A_69 = tpu.memref_slice %arg3[%add3A_48] : memref<320000xi32, #tpu.memory_space<hbm>> -> memref<16xi32, #tpu.memory_space<hbm>>
      tpu.enqueue_dma source(%dma_start3A_69 : memref<16xi32, #tpu.memory_space<hbm>>) target(%arg14 : memref<16xi32, #tpu.memory_space<vmem>>) target_semaphore(%run_scoped3A : memref<!tpu.dma_semaphore, #tpu.memory_space<semaphore_mem>>)
      %dma_wait3A_70 = tpu.memref_slice %arg3[%add3A_48] : memref<320000xi32, #tpu.memory_space<hbm>> -> memref<16xi32, #tpu.memory_space<hbm>>
      %dma_wait3A_71 = tpu.memref_slice %arg3[%add3A_48] : memref<320000xi32, #tpu.memory_space<hbm>> -> memref<16xi32, #tpu.memory_space<hbm>>
      tpu.wait_dma2 semaphore(%run_scoped3A : memref<!tpu.dma_semaphore, #tpu.memory_space<semaphore_mem>>) src(%dma_wait3A_71 : memref<16xi32, #tpu.memory_space<hbm>>) dst(%arg14 : memref<16xi32, #tpu.memory_space<vmem>>)
      tpu.yield
    }) : () -> ()
    "tpu.region"() ({
      %run_scoped3A = tpu.sem_alloc : memref<!tpu.dma_semaphore, #tpu.memory_space<semaphore_mem>>
      %dma_start3A_68 = tpu.memref_slice %arg4[%add3A_48] : memref<320000xi32, #tpu.memory_space<hbm>> -> memref<16xi32, #tpu.memory_space<hbm>>
      %dma_start3A_69 = tpu.memref_slice %arg4[%add3A_48] : memref<320000xi32, #tpu.memory_space<hbm>> -> memref<16xi32, #tpu.memory_space<hbm>>
      tpu.enqueue_dma source(%dma_start3A_69 : memref<16xi32, #tpu.memory_space<hbm>>) target(%arg15 : memref<16xi32, #tpu.memory_space<vmem>>) target_semaphore(%run_scoped3A : memref<!tpu.dma_semaphore, #tpu.memory_space<semaphore_mem>>)
      %dma_wait3A_70 = tpu.memref_slice %arg4[%add3A_48] : memref<320000xi32, #tpu.memory_space<hbm>> -> memref<16xi32, #tpu.memory_space<hbm>>
      %dma_wait3A_71 = tpu.memref_slice %arg4[%add3A_48] : memref<320000xi32, #tpu.memory_space<hbm>> -> memref<16xi32, #tpu.memory_space<hbm>>
      tpu.wait_dma2 semaphore(%run_scoped3A : memref<!tpu.dma_semaphore, #tpu.memory_space<semaphore_mem>>) src(%dma_wait3A_71 : memref<16xi32, #tpu.memory_space<hbm>>) dst(%arg15 : memref<16xi32, #tpu.memory_space<vmem>>)
      tpu.yield
    }) : () -> ()
    %dma_start3A = arith.constant 0 : i32
    %dma_start3A_49 = arith.constant 0 : i32
    %dma_start3A_50 = tpu.memref_slice %arg2[%dma_start3A, %dma_start3A_49] : memref<10000x128xf32, #tpu.memory_space<hbm>> -> memref<10000x128xf32, #tpu.memory_space<hbm>>
    tpu.enqueue_indirect_dma source(%dma_start3A_50 : memref<10000x128xf32, #tpu.memory_space<hbm>>) target(%arg13 : memref<16x128xf32, #tpu.memory_space<vmem>>) offsets(%arg14 : memref<16xi32, #tpu.memory_space<vmem>>) semaphore(%arg21 : memref<!tpu.dma_semaphore, #tpu.memory_space<semaphore_mem>>)
    %dma_wait3A = arith.constant 0 : i32
    %dma_wait3A_51 = arith.constant 0 : i32
    %dma_wait3A_52 = tpu.memref_slice %arg2[%dma_wait3A, %dma_wait3A_51] : memref<10000x128xf32, #tpu.memory_space<hbm>> -> memref<10000x128xf32, #tpu.memory_space<hbm>>
    tpu.wait_indirect_dma semaphore(%arg21 : memref<!tpu.dma_semaphore, #tpu.memory_space<semaphore_mem>>) src(%dma_wait3A_52 : memref<10000x128xf32, #tpu.memory_space<hbm>>) dst(%arg13 : memref<16x128xf32, #tpu.memory_space<vmem>>)
    "tpu.region"() ({
      %run_scoped3A = tpu.sem_alloc : memref<!tpu.dma_semaphore, #tpu.memory_space<semaphore_mem>>
      %dma_start3A_68 = arith.constant 0 : i32
      %dma_start3A_69 = arith.constant 0 : i32
      %dma_start3A_70 = tpu.memref_slice %arg6[%dma_start3A_68, %dma_start3A_69] : memref<10000x128xf32, #tpu.memory_space<vmem_shared>> -> memref<10000x128xf32, #tpu.memory_space<vmem_shared>>
      tpu.enqueue_indirect_dma source(%arg13 : memref<16x128xf32, #tpu.memory_space<vmem>>) target(%dma_start3A_70 : memref<10000x128xf32, #tpu.memory_space<vmem_shared>>) offsets(%arg15 : memref<16xi32, #tpu.memory_space<vmem>>) semaphore(%run_scoped3A : memref<!tpu.dma_semaphore, #tpu.memory_space<semaphore_mem>>) {add = true}
      %dma_wait3A_71 = arith.constant 0 : i32
      %dma_wait3A_72 = arith.constant 0 : i32
      %dma_wait3A_73 = tpu.memref_slice %arg6[%dma_wait3A_71, %dma_wait3A_72] : memref<10000x128xf32, #tpu.memory_space<vmem_shared>> -> memref<10000x128xf32, #tpu.memory_space<vmem_shared>>
      tpu.wait_indirect_dma semaphore(%run_scoped3A : memref<!tpu.dma_semaphore, #tpu.memory_space<semaphore_mem>>) src(%arg13 : memref<16x128xf32, #tpu.memory_space<vmem>>) dst(%dma_wait3A_73 : memref<10000x128xf32, #tpu.memory_space<vmem_shared>>)
      tpu.yield
    }) : () -> ()
    %barrier3A_53 = arith.constant 0 : index
    tpu.barrier barrier_id(%barrier3A_53)
    %mul3A_54 = arith.constant 624 : i32
    %mul3A_55 = arith.muli %arg1, %mul3A_54 : i32
    %multiple_of3A_56 = tpu.assume_multiple %mul3A_55, 8 : i32
    %add3A_57 = arith.constant 0 : i32
    %add3A_58 = arith.addi %multiple_of3A_56, %add3A_57 : i32
    "tpu.region"() ({
      %run_scoped3A = tpu.sem_alloc : memref<!tpu.dma_semaphore, #tpu.memory_space<semaphore_mem>>
      %dma_start3A_68 = arith.constant 0 : i32
      %dma_start3A_69 = tpu.memref_slice %arg5[%arg0, %add3A_58, %dma_start3A_68] : memref<2x10000x128xf32, #tpu.memory_space<hbm>> -> memref<1x208x128xf32, #tpu.memory_space<hbm>>
      %dma_start3A_70 = tpu.memref_squeeze %dma_start3A_69 : memref<1x208x128xf32, #tpu.memory_space<hbm>> -> memref<208x128xf32, #tpu.memory_space<hbm>>
      %dma_start3A_71 = arith.constant 0 : i32
      %dma_start3A_72 = tpu.memref_slice %arg6[%add3A_58, %dma_start3A_71] : memref<10000x128xf32, #tpu.memory_space<vmem_shared>> -> memref<208x128xf32, #tpu.memory_space<vmem_shared>>
      tpu.enqueue_dma source(%dma_start3A_72 : memref<208x128xf32, #tpu.memory_space<vmem_shared>>) target(%dma_start3A_70 : memref<208x128xf32, #tpu.memory_space<hbm>>) target_semaphore(%run_scoped3A : memref<!tpu.dma_semaphore, #tpu.memory_space<semaphore_mem>>)
      %dma_wait3A_73 = arith.constant 0 : i32
      %dma_wait3A_74 = tpu.memref_slice %arg5[%arg0, %add3A_58, %dma_wait3A_73] : memref<2x10000x128xf32, #tpu.memory_space<hbm>> -> memref<1x208x128xf32, #tpu.memory_space<hbm>>
      %dma_wait3A_75 = tpu.memref_squeeze %dma_wait3A_74 : memref<1x208x128xf32, #tpu.memory_space<hbm>> -> memref<208x128xf32, #tpu.memory_space<hbm>>
      %dma_wait3A_76 = arith.constant 0 : i32
      %dma_wait3A_77 = tpu.memref_slice %arg6[%add3A_58, %dma_wait3A_76] : memref<10000x128xf32, #tpu.memory_space<vmem_shared>> -> memref<208x128xf32, #tpu.memory_space<vmem_shared>>
      tpu.wait_dma2 semaphore(%run_scoped3A : memref<!tpu.dma_semaphore, #tpu.memory_space<semaphore_mem>>) src(%dma_wait3A_77 : memref<208x128xf32, #tpu.memory_space<vmem_shared>>) dst(%dma_wait3A_75 : memref<208x128xf32, #tpu.memory_space<hbm>>)
      tpu.yield
    }) : () -> ()
    %add3A_59 = arith.constant 208 : i32
    %add3A_60 = arith.addi %multiple_of3A_56, %add3A_59 : i32
    "tpu.region"() ({
      %run_scoped3A = tpu.sem_alloc : memref<!tpu.dma_semaphore, #tpu.memory_space<semaphore_mem>>
      %dma_start3A_68 = arith.constant 0 : i32
      %dma_start3A_69 = tpu.memref_slice %arg5[%arg0, %add3A_60, %dma_start3A_68] : memref<2x10000x128xf32, #tpu.memory_space<hbm>> -> memref<1x208x128xf32, #tpu.memory_space<hbm>>
      %dma_start3A_70 = tpu.memref_squeeze %dma_start3A_69 : memref<1x208x128xf32, #tpu.memory_space<hbm>> -> memref<208x128xf32, #tpu.memory_space<hbm>>
      %dma_start3A_71 = arith.constant 0 : i32
      %dma_start3A_72 = tpu.memref_slice %arg6[%add3A_60, %dma_start3A_71] : memref<10000x128xf32, #tpu.memory_space<vmem_shared>> -> memref<208x128xf32, #tpu.memory_space<vmem_shared>>
      tpu.enqueue_dma source(%dma_start3A_72 : memref<208x128xf32, #tpu.memory_space<vmem_shared>>) target(%dma_start3A_70 : memref<208x128xf32, #tpu.memory_space<hbm>>) target_semaphore(%run_scoped3A : memref<!tpu.dma_semaphore, #tpu.memory_space<semaphore_mem>>)
      %dma_wait3A_73 = arith.constant 0 : i32
      %dma_wait3A_74 = tpu.memref_slice %arg5[%arg0, %add3A_60, %dma_wait3A_73] : memref<2x10000x128xf32, #tpu.memory_space<hbm>> -> memref<1x208x128xf32, #tpu.memory_space<hbm>>
      %dma_wait3A_75 = tpu.memref_squeeze %dma_wait3A_74 : memref<1x208x128xf32, #tpu.memory_space<hbm>> -> memref<208x128xf32, #tpu.memory_space<hbm>>
      %dma_wait3A_76 = arith.constant 0 : i32
      %dma_wait3A_77 = tpu.memref_slice %arg6[%add3A_60, %dma_wait3A_76] : memref<10000x128xf32, #tpu.memory_space<vmem_shared>> -> memref<208x128xf32, #tpu.memory_space<vmem_shared>>
      tpu.wait_dma2 semaphore(%run_scoped3A : memref<!tpu.dma_semaphore, #tpu.memory_space<semaphore_mem>>) src(%dma_wait3A_77 : memref<208x128xf32, #tpu.memory_space<vmem_shared>>) dst(%dma_wait3A_75 : memref<208x128xf32, #tpu.memory_space<hbm>>)
      tpu.yield
    }) : () -> ()
    %add3A_61 = arith.constant 416 : i32
    %add3A_62 = arith.addi %multiple_of3A_56, %add3A_61 : i32
    "tpu.region"() ({
      %run_scoped3A = tpu.sem_alloc : memref<!tpu.dma_semaphore, #tpu.memory_space<semaphore_mem>>
      %dma_start3A_68 = arith.constant 0 : i32
      %dma_start3A_69 = tpu.memref_slice %arg5[%arg0, %add3A_62, %dma_start3A_68] : memref<2x10000x128xf32, #tpu.memory_space<hbm>> -> memref<1x208x128xf32, #tpu.memory_space<hbm>>
      %dma_start3A_70 = tpu.memref_squeeze %dma_start3A_69 : memref<1x208x128xf32, #tpu.memory_space<hbm>> -> memref<208x128xf32, #tpu.memory_space<hbm>>
      %dma_start3A_71 = arith.constant 0 : i32
      %dma_start3A_72 = tpu.memref_slice %arg6[%add3A_62, %dma_start3A_71] : memref<10000x128xf32, #tpu.memory_space<vmem_shared>> -> memref<208x128xf32, #tpu.memory_space<vmem_shared>>
      tpu.enqueue_dma source(%dma_start3A_72 : memref<208x128xf32, #tpu.memory_space<vmem_shared>>) target(%dma_start3A_70 : memref<208x128xf32, #tpu.memory_space<hbm>>) target_semaphore(%run_scoped3A : memref<!tpu.dma_semaphore, #tpu.memory_space<semaphore_mem>>)
      %dma_wait3A_73 = arith.constant 0 : i32
      %dma_wait3A_74 = tpu.memref_slice %arg5[%arg0, %add3A_62, %dma_wait3A_73] : memref<2x10000x128xf32, #tpu.memory_space<hbm>> -> memref<1x208x128xf32, #tpu.memory_space<hbm>>
      %dma_wait3A_75 = tpu.memref_squeeze %dma_wait3A_74 : memref<1x208x128xf32, #tpu.memory_space<hbm>> -> memref<208x128xf32, #tpu.memory_space<hbm>>
      %dma_wait3A_76 = arith.constant 0 : i32
      %dma_wait3A_77 = tpu.memref_slice %arg6[%add3A_62, %dma_wait3A_76] : memref<10000x128xf32, #tpu.memory_space<vmem_shared>> -> memref<208x128xf32, #tpu.memory_space<vmem_shared>>
      tpu.wait_dma2 semaphore(%run_scoped3A : memref<!tpu.dma_semaphore, #tpu.memory_space<semaphore_mem>>) src(%dma_wait3A_77 : memref<208x128xf32, #tpu.memory_space<vmem_shared>>) dst(%dma_wait3A_75 : memref<208x128xf32, #tpu.memory_space<hbm>>)
      tpu.yield
    }) : () -> ()
    %eq3A_63 = arith.constant 15 : i32
    %eq3A_64 = arith.cmpi eq, %arg1, %eq3A_63 : i32
    %convert_element_type3A_65 = arith.extui %eq3A_64 : i1 to i32
    %cond3A_66 = arith.constant 0 : i32
    %cond3A_67 = arith.cmpi ne, %convert_element_type3A_65, %cond3A_66 : i32
    scf.if %cond3A_67 {
      "tpu.region"() ({
        %run_scoped3A = tpu.sem_alloc : memref<!tpu.dma_semaphore, #tpu.memory_space<semaphore_mem>>
        %dma_start3A_68 = arith.constant 9984 : i32
        %dma_start3A_69 = arith.constant 0 : i32
        %dma_start3A_70 = tpu.memref_slice %arg5[%arg0, %dma_start3A_68, %dma_start3A_69] : memref<2x10000x128xf32, #tpu.memory_space<hbm>> -> memref<1x16x128xf32, #tpu.memory_space<hbm>>
        %dma_start3A_71 = tpu.memref_squeeze %dma_start3A_70 : memref<1x16x128xf32, #tpu.memory_space<hbm>> -> memref<16x128xf32, #tpu.memory_space<hbm>>
        %dma_start3A_72 = arith.constant 9984 : i32
        %dma_start3A_73 = arith.constant 0 : i32
        %dma_start3A_74 = tpu.memref_slice %arg6[%dma_start3A_72, %dma_start3A_73] : memref<10000x128xf32, #tpu.memory_space<vmem_shared>> -> memref<16x128xf32, #tpu.memory_space<vmem_shared>>
        tpu.enqueue_dma source(%dma_start3A_74 : memref<16x128xf32, #tpu.memory_space<vmem_shared>>) target(%dma_start3A_71 : memref<16x128xf32, #tpu.memory_space<hbm>>) target_semaphore(%run_scoped3A : memref<!tpu.dma_semaphore, #tpu.memory_space<semaphore_mem>>)
        %dma_wait3A_75 = arith.constant 9984 : i32
        %dma_wait3A_76 = arith.constant 0 : i32
        %dma_wait3A_77 = tpu.memref_slice %arg5[%arg0, %dma_wait3A_75, %dma_wait3A_76] : memref<2x10000x128xf32, #tpu.memory_space<hbm>> -> memref<1x16x128xf32, #tpu.memory_space<hbm>>
        %dma_wait3A_78 = tpu.memref_squeeze %dma_wait3A_77 : memref<1x16x128xf32, #tpu.memory_space<hbm>> -> memref<16x128xf32, #tpu.memory_space<hbm>>
        %dma_wait3A_79 = arith.constant 9984 : i32
        %dma_wait3A_80 = arith.constant 0 : i32
        %dma_wait3A_81 = tpu.memref_slice %arg6[%dma_wait3A_79, %dma_wait3A_80] : memref<10000x128xf32, #tpu.memory_space<vmem_shared>> -> memref<16x128xf32, #tpu.memory_space<vmem_shared>>
        tpu.wait_dma2 semaphore(%run_scoped3A : memref<!tpu.dma_semaphore, #tpu.memory_space<semaphore_mem>>) src(%dma_wait3A_81 : memref<16x128xf32, #tpu.memory_space<vmem_shared>>) dst(%dma_wait3A_78 : memref<16x128xf32, #tpu.memory_space<hbm>>)
        tpu.yield
      }) : () -> ()
    } else {
    }
    return
  }
}

#map = affine_map<(d0, d1) -> (0, 0)>
#map1 = affine_map<(d0, d1) -> (0)>
#map2 = affine_map<(d0, d1) -> (0, 0, 0)>
module attributes {stable_mosaic.version = 14 : i64} {
  func.func @body(%arg0: i32, %arg1: i32, %arg2: memref<10000x128xf32, #tpu.memory_space<hbm>>, %arg3: memref<320000xi32, #tpu.memory_space<hbm>>, %arg4: memref<320000xi32, #tpu.memory_space<hbm>>, %arg5: memref<2x10000x128xf32, #tpu.memory_space<hbm>>, %arg6: memref<10000x128xf32, #tpu.memory_space<vmem_shared>>, %arg7: memref<128x128xf32, #tpu.memory_space<vmem>>, %arg8: memref<128x128xf32, #tpu.memory_space<vmem>>, %arg9: memref<128xi32, #tpu.memory_space<vmem>>, %arg10: memref<128xi32, #tpu.memory_space<vmem>>, %arg11: memref<128xi32, #tpu.memory_space<vmem>>, %arg12: memref<128xi32, #tpu.memory_space<vmem>>, %arg13: memref<16x128xf32, #tpu.memory_space<vmem>>, %arg14: memref<16xi32, #tpu.memory_space<vmem>>, %arg15: memref<16xi32, #tpu.memory_space<vmem>>, %arg16: memref<48x128xf32, #tpu.memory_space<vmem>>, %arg17: memref<!tpu.dma_semaphore, #tpu.memory_space<semaphore_mem>>, %arg18: memref<!tpu.dma_semaphore, #tpu.memory_space<semaphore_mem>>, %arg19: memref<!tpu.dma_semaphore, #tpu.memory_space<semaphore_mem>>, %arg20: memref<!tpu.dma_semaphore, #tpu.memory_space<semaphore_mem>>, %arg21: memref<!tpu.dma_semaphore, #tpu.memory_space<semaphore_mem>>) attributes {dimension_semantics = [#tpu.dimension_semantics<core_parallel>, #tpu.dimension_semantics<subcore_parallel>], iteration_bounds = array<i64: 2, 16>, scalar_prefetch = 0 : i64, scratch_operands = 16 : i64, tpu.core_type = #tpu.core_type<sc_vector_subcore>, window_params = [{transform_indices = #map}, {transform_indices = #map1}, {transform_indices = #map1}, {transform_indices = #map2}]} {
    %mul3A = arith.constant 2 : i32
    %mul3A_0 = arith.muli %arg1, %mul3A : i32
    %add3A = arith.addi %mul3A_0, %arg0 : i32
    %broadcast_in_dim3A = arith.constant 0.000000e+00 : f32
    %broadcast_in_dim3A_1 = vector.broadcast %broadcast_in_dim3A : f32 to vector<16xf32>
    %scan3A = arith.constant 0 : i32
    %scan3A_2 = arith.constant 0 : i32
    %scan3A_3 = arith.constant 48 : i32
    %scan3A_4 = arith.addi %scan3A_2, %scan3A_3 : i32
    %scan3A_5 = arith.constant 1 : i32
    %scan3A_6 = scf.for %scan3A_68 = %scan3A_2 to %scan3A_4 step %scan3A_5 iter_args(%scan3A_69 = %scan3A) -> (i32)  : i32 {
      %swap3A = arith.index_cast %scan3A_68 : i32 to index
      %swap3A_70 = arith.constant 0 : index
      %swap3A_71 = tpu.vector_load %arg16[%swap3A, %swap3A_70] {strides = array<i32>} : memref<48x128xf32, #tpu.memory_space<vmem>>, vector<1x16xf32>,
      %swap3A_72 = vector.shape_cast %swap3A_71 : vector<1x16xf32> to vector<16xf32>
      %swap3A_73 = vector.shape_cast %broadcast_in_dim3A_1 : vector<16xf32> to vector<1x16xf32>
      tpu.vector_store %arg16[%swap3A, %swap3A_70], %swap3A_73 {strides = array<i32>} : memref<48x128xf32, #tpu.memory_space<vmem>>, vector<1x16xf32>,
      %swap3A_74 = arith.index_cast %scan3A_68 : i32 to index
      %swap3A_75 = arith.constant 16 : index
      %swap3A_76 = tpu.vector_load %arg16[%swap3A_74, %swap3A_75] {strides = array<i32>} : memref<48x128xf32, #tpu.memory_space<vmem>>, vector<1x16xf32>,
      %swap3A_77 = vector.shape_cast %swap3A_76 : vector<1x16xf32> to vector<16xf32>
      %swap3A_78 = vector.shape_cast %broadcast_in_dim3A_1 : vector<16xf32> to vector<1x16xf32>
      tpu.vector_store %arg16[%swap3A_74, %swap3A_75], %swap3A_78 {strides = array<i32>} : memref<48x128xf32, #tpu.memory_space<vmem>>, vector<1x16xf32>,
      %swap3A_79 = arith.index_cast %scan3A_68 : i32 to index
      %swap3A_80 = arith.constant 32 : index
      %swap3A_81 = tpu.vector_load %arg16[%swap3A_79, %swap3A_80] {strides = array<i32>} : memref<48x128xf32, #tpu.memory_space<vmem>>, vector<1x16xf32>,
      %swap3A_82 = vector.shape_cast %swap3A_81 : vector<1x16xf32> to vector<16xf32>
      %swap3A_83 = vector.shape_cast %broadcast_in_dim3A_1 : vector<16xf32> to vector<1x16xf32>
      tpu.vector_store %arg16[%swap3A_79, %swap3A_80], %swap3A_83 {strides = array<i32>} : memref<48x128xf32, #tpu.memory_space<vmem>>, vector<1x16xf32>,
      %swap3A_84 = arith.index_cast %scan3A_68 : i32 to index
      %swap3A_85 = arith.constant 48 : index
      %swap3A_86 = tpu.vector_load %arg16[%swap3A_84, %swap3A_85] {strides = array<i32>} : memref<48x128xf32, #tpu.memory_space<vmem>>, vector<1x16xf32>,
      %swap3A_87 = vector.shape_cast %swap3A_86 : vector<1x16xf32> to vector<16xf32>
      %swap3A_88 = vector.shape_cast %broadcast_in_dim3A_1 : vector<16xf32> to vector<1x16xf32>
      tpu.vector_store %arg16[%swap3A_84, %swap3A_85], %swap3A_88 {strides = array<i32>} : memref<48x128xf32, #tpu.memory_space<vmem>>, vector<1x16xf32>,
      %swap3A_89 = arith.index_cast %scan3A_68 : i32 to index
      %swap3A_90 = arith.constant 64 : index
      %swap3A_91 = tpu.vector_load %arg16[%swap3A_89, %swap3A_90] {strides = array<i32>} : memref<48x128xf32, #tpu.memory_space<vmem>>, vector<1x16xf32>,
      %swap3A_92 = vector.shape_cast %swap3A_91 : vector<1x16xf32> to vector<16xf32>
      %swap3A_93 = vector.shape_cast %broadcast_in_dim3A_1 : vector<16xf32> to vector<1x16xf32>
      tpu.vector_store %arg16[%swap3A_89, %swap3A_90], %swap3A_93 {strides = array<i32>} : memref<48x128xf32, #tpu.memory_space<vmem>>, vector<1x16xf32>,
      %swap3A_94 = arith.index_cast %scan3A_68 : i32 to index
      %swap3A_95 = arith.constant 80 : index
      %swap3A_96 = tpu.vector_load %arg16[%swap3A_94, %swap3A_95] {strides = array<i32>} : memref<48x128xf32, #tpu.memory_space<vmem>>, vector<1x16xf32>,
      %swap3A_97 = vector.shape_cast %swap3A_96 : vector<1x16xf32> to vector<16xf32>
      %swap3A_98 = vector.shape_cast %broadcast_in_dim3A_1 : vector<16xf32> to vector<1x16xf32>
      tpu.vector_store %arg16[%swap3A_94, %swap3A_95], %swap3A_98 {strides = array<i32>} : memref<48x128xf32, #tpu.memory_space<vmem>>, vector<1x16xf32>,
      %swap3A_99 = arith.index_cast %scan3A_68 : i32 to index
      %swap3A_100 = arith.constant 96 : index
      %swap3A_101 = tpu.vector_load %arg16[%swap3A_99, %swap3A_100] {strides = array<i32>} : memref<48x128xf32, #tpu.memory_space<vmem>>, vector<1x16xf32>,
      %swap3A_102 = vector.shape_cast %swap3A_101 : vector<1x16xf32> to vector<16xf32>
      %swap3A_103 = vector.shape_cast %broadcast_in_dim3A_1 : vector<16xf32> to vector<1x16xf32>
      tpu.vector_store %arg16[%swap3A_99, %swap3A_100], %swap3A_103 {strides = array<i32>} : memref<48x128xf32, #tpu.memory_space<vmem>>, vector<1x16xf32>,
      %swap3A_104 = arith.index_cast %scan3A_68 : i32 to index
      %swap3A_105 = arith.constant 112 : index
      %swap3A_106 = tpu.vector_load %arg16[%swap3A_104, %swap3A_105] {strides = array<i32>} : memref<48x128xf32, #tpu.memory_space<vmem>>, vector<1x16xf32>,
      %swap3A_107 = vector.shape_cast %swap3A_106 : vector<1x16xf32> to vector<16xf32>
      %swap3A_108 = vector.shape_cast %broadcast_in_dim3A_1 : vector<16xf32> to vector<1x16xf32>
      tpu.vector_store %arg16[%swap3A_104, %swap3A_105], %swap3A_108 {strides = array<i32>} : memref<48x128xf32, #tpu.memory_space<vmem>>, vector<1x16xf32>,
      %scan3A_109 = arith.constant 0 : i32
      scf.yield %scan3A_109 : i32
    }
    %scan3A_7 = arith.constant 48 : i32
    %mul3A_8 = arith.constant 624 : i32
    %mul3A_9 = arith.muli %arg1, %mul3A_8 : i32
    %multiple_of3A = tpu.assume_multiple %mul3A_9, 8 : i32
    %add3A_10 = arith.constant 0 : i32
    %add3A_11 = arith.addi %multiple_of3A, %add3A_10 : i32
    "tpu.region"() ({
      %run_scoped3A = tpu.sem_alloc : memref<!tpu.dma_semaphore, #tpu.memory_space<semaphore_mem>>
      %dma_start3A_68 = arith.constant 0 : i32
      %dma_start3A_69 = tpu.memref_slice %arg6[%add3A_11, %dma_start3A_68] : memref<10000x128xf32, #tpu.memory_space<vmem_shared>> -> memref<48x128xf32, #tpu.memory_space<vmem_shared>>
      %dma_start3A_70 = arith.constant 0 : i32
      %dma_start3A_71 = tpu.memref_slice %arg6[%add3A_11, %dma_start3A_70] : memref<10000x128xf32, #tpu.memory_space<vmem_shared>> -> memref<48x128xf32, #tpu.memory_space<vmem_shared>>
      tpu.enqueue_dma source(%arg16 : memref<48x128xf32, #tpu.memory_space<vmem>>) target(%dma_start3A_71 : memref<48x128xf32, #tpu.memory_space<vmem_shared>>) target_semaphore(%run_scoped3A : memref<!tpu.dma_semaphore, #tpu.memory_space<semaphore_mem>>)
      %dma_wait3A_72 = arith.constant 0 : i32
      %dma_wait3A_73 = tpu.memref_slice %arg6[%add3A_11, %dma_wait3A_72] : memref<10000x128xf32, #tpu.memory_space<vmem_shared>> -> memref<48x128xf32, #tpu.memory_space<vmem_shared>>
      %dma_wait3A_74 = arith.constant 0 : i32
      %dma_wait3A_75 = tpu.memref_slice %arg6[%add3A_11, %dma_wait3A_74] : memref<10000x128xf32, #tpu.memory_space<vmem_shared>> -> memref<48x128xf32, #tpu.memory_space<vmem_shared>>
      tpu.wait_dma2 semaphore(%run_scoped3A : memref<!tpu.dma_semaphore, #tpu.memory_space<semaphore_mem>>) src(%arg16 : memref<48x128xf32, #tpu.memory_space<vmem>>) dst(%dma_wait3A_75 : memref<48x128xf32, #tpu.memory_space<vmem_shared>>)
      tpu.yield
    }) : () -> ()
    %add3A_12 = arith.constant 48 : i32
    %add3A_13 = arith.addi %multiple_of3A, %add3A_12 : i32
    "tpu.region"() ({
      %run_scoped3A = tpu.sem_alloc : memref<!tpu.dma_semaphore, #tpu.memory_space<semaphore_mem>>
      %dma_start3A_68 = arith.constant 0 : i32
      %dma_start3A_69 = tpu.memref_slice %arg6[%add3A_13, %dma_start3A_68] : memref<10000x128xf32, #tpu.memory_space<vmem_shared>> -> memref<48x128xf32, #tpu.memory_space<vmem_shared>>
      %dma_start3A_70 = arith.constant 0 : i32
      %dma_start3A_71 = tpu.memref_slice %arg6[%add3A_13, %dma_start3A_70] : memref<10000x128xf32, #tpu.memory_space<vmem_shared>> -> memref<48x128xf32, #tpu.memory_space<vmem_shared>>
      tpu.enqueue_dma source(%arg16 : memref<48x128xf32, #tpu.memory_space<vmem>>) target(%dma_start3A_71 : memref<48x128xf32, #tpu.memory_space<vmem_shared>>) target_semaphore(%run_scoped3A : memref<!tpu.dma_semaphore, #tpu.memory_space<semaphore_mem>>)
      %dma_wait3A_72 = arith.constant 0 : i32
      %dma_wait3A_73 = tpu.memref_slice %arg6[%add3A_13, %dma_wait3A_72] : memref<10000x128xf32, #tpu.memory_space<vmem_shared>> -> memref<48x128xf32, #tpu.memory_space<vmem_shared>>
      %dma_wait3A_74 = arith.constant 0 : i32
      %dma_wait3A_75 = tpu.memref_slice %arg6[%add3A_13, %dma_wait3A_74] : memref<10000x128xf32, #tpu.memory_space<vmem_shared>> -> memref<48x128xf32, #tpu.memory_space<vmem_shared>>
      tpu.wait_dma2 semaphore(%run_scoped3A : memref<!tpu.dma_semaphore, #tpu.memory_space<semaphore_mem>>) src(%arg16 : memref<48x128xf32, #tpu.memory_space<vmem>>) dst(%dma_wait3A_75 : memref<48x128xf32, #tpu.memory_space<vmem_shared>>)
      tpu.yield
    }) : () -> ()
    %add3A_14 = arith.constant 96 : i32
    %add3A_15 = arith.addi %multiple_of3A, %add3A_14 : i32
    "tpu.region"() ({
      %run_scoped3A = tpu.sem_alloc : memref<!tpu.dma_semaphore, #tpu.memory_space<semaphore_mem>>
      %dma_start3A_68 = arith.constant 0 : i32
      %dma_start3A_69 = tpu.memref_slice %arg6[%add3A_15, %dma_start3A_68] : memref<10000x128xf32, #tpu.memory_space<vmem_shared>> -> memref<48x128xf32, #tpu.memory_space<vmem_shared>>
      %dma_start3A_70 = arith.constant 0 : i32
      %dma_start3A_71 = tpu.memref_slice %arg6[%add3A_15, %dma_start3A_70] : memref<10000x128xf32, #tpu.memory_space<vmem_shared>> -> memref<48x128xf32, #tpu.memory_space<vmem_shared>>
      tpu.enqueue_dma source(%arg16 : memref<48x128xf32, #tpu.memory_space<vmem>>) target(%dma_start3A_71 : memref<48x128xf32, #tpu.memory_space<vmem_shared>>) target_semaphore(%run_scoped3A : memref<!tpu.dma_semaphore, #tpu.memory_space<semaphore_mem>>)
      %dma_wait3A_72 = arith.constant 0 : i32
      %dma_wait3A_73 = tpu.memref_slice %arg6[%add3A_15, %dma_wait3A_72] : memref<10000x128xf32, #tpu.memory_space<vmem_shared>> -> memref<48x128xf32, #tpu.memory_space<vmem_shared>>
      %dma_wait3A_74 = arith.constant 0 : i32
      %dma_wait3A_75 = tpu.memref_slice %arg6[%add3A_15, %dma_wait3A_74] : memref<10000x128xf32, #tpu.memory_space<vmem_shared>> -> memref<48x128xf32, #tpu.memory_space<vmem_shared>>
      tpu.wait_dma2 semaphore(%run_scoped3A : memref<!tpu.dma_semaphore, #tpu.memory_space<semaphore_mem>>) src(%arg16 : memref<48x128xf32, #tpu.memory_space<vmem>>) dst(%dma_wait3A_75 : memref<48x128xf32, #tpu.memory_space<vmem_shared>>)
      tpu.yield
    }) : () -> ()
    %add3A_16 = arith.constant 144 : i32
    %add3A_17 = arith.addi %multiple_of3A, %add3A_16 : i32
    "tpu.region"() ({
      %run_scoped3A = tpu.sem_alloc : memref<!tpu.dma_semaphore, #tpu.memory_space<semaphore_mem>>
      %dma_start3A_68 = arith.constant 0 : i32
      %dma_start3A_69 = tpu.memref_slice %arg6[%add3A_17, %dma_start3A_68] : memref<10000x128xf32, #tpu.memory_space<vmem_shared>> -> memref<48x128xf32, #tpu.memory_space<vmem_shared>>
      %dma_start3A_70 = arith.constant 0 : i32
      %dma_start3A_71 = tpu.memref_slice %arg6[%add3A_17, %dma_start3A_70] : memref<10000x128xf32, #tpu.memory_space<vmem_shared>> -> memref<48x128xf32, #tpu.memory_space<vmem_shared>>
      tpu.enqueue_dma source(%arg16 : memref<48x128xf32, #tpu.memory_space<vmem>>) target(%dma_start3A_71 : memref<48x128xf32, #tpu.memory_space<vmem_shared>>) target_semaphore(%run_scoped3A : memref<!tpu.dma_semaphore, #tpu.memory_space<semaphore_mem>>)
      %dma_wait3A_72 = arith.constant 0 : i32
      %dma_wait3A_73 = tpu.memref_slice %arg6[%add3A_17, %dma_wait3A_72] : memref<10000x128xf32, #tpu.memory_space<vmem_shared>> -> memref<48x128xf32, #tpu.memory_space<vmem_shared>>
      %dma_wait3A_74 = arith.constant 0 : i32
      %dma_wait3A_75 = tpu.memref_slice %arg6[%add3A_17, %dma_wait3A_74] : memref<10000x128xf32, #tpu.memory_space<vmem_shared>> -> memref<48x128xf32, #tpu.memory_space<vmem_shared>>
      tpu.wait_dma2 semaphore(%run_scoped3A : memref<!tpu.dma_semaphore, #tpu.memory_space<semaphore_mem>>) src(%arg16 : memref<48x128xf32, #tpu.memory_space<vmem>>) dst(%dma_wait3A_75 : memref<48x128xf32, #tpu.memory_space<vmem_shared>>)
      tpu.yield
    }) : () -> ()
    %add3A_18 = arith.constant 192 : i32
    %add3A_19 = arith.addi %multiple_of3A, %add3A_18 : i32
    "tpu.region"() ({
      %run_scoped3A = tpu.sem_alloc : memref<!tpu.dma_semaphore, #tpu.memory_space<semaphore_mem>>
      %dma_start3A_68 = arith.constant 0 : i32
      %dma_start3A_69 = tpu.memref_slice %arg6[%add3A_19, %dma_start3A_68] : memref<10000x128xf32, #tpu.memory_space<vmem_shared>> -> memref<48x128xf32, #tpu.memory_space<vmem_shared>>
      %dma_start3A_70 = arith.constant 0 : i32
      %dma_start3A_71 = tpu.memref_slice %arg6[%add3A_19, %dma_start3A_70] : memref<10000x128xf32, #tpu.memory_space<vmem_shared>> -> memref<48x128xf32, #tpu.memory_space<vmem_shared>>
      tpu.enqueue_dma source(%arg16 : memref<48x128xf32, #tpu.memory_space<vmem>>) target(%dma_start3A_71 : memref<48x128xf32, #tpu.memory_space<vmem_shared>>) target_semaphore(%run_scoped3A : memref<!tpu.dma_semaphore, #tpu.memory_space<semaphore_mem>>)
      %dma_wait3A_72 = arith.constant 0 : i32
      %dma_wait3A_73 = tpu.memref_slice %arg6[%add3A_19, %dma_wait3A_72] : memref<10000x128xf32, #tpu.memory_space<vmem_shared>> -> memref<48x128xf32, #tpu.memory_space<vmem_shared>>
      %dma_wait3A_74 = arith.constant 0 : i32
      %dma_wait3A_75 = tpu.memref_slice %arg6[%add3A_19, %dma_wait3A_74] : memref<10000x128xf32, #tpu.memory_space<vmem_shared>> -> memref<48x128xf32, #tpu.memory_space<vmem_shared>>
      tpu.wait_dma2 semaphore(%run_scoped3A : memref<!tpu.dma_semaphore, #tpu.memory_space<semaphore_mem>>) src(%arg16 : memref<48x128xf32, #tpu.memory_space<vmem>>) dst(%dma_wait3A_75 : memref<48x128xf32, #tpu.memory_space<vmem_shared>>)
      tpu.yield
    }) : () -> ()
    %add3A_20 = arith.constant 240 : i32
    %add3A_21 = arith.addi %multiple_of3A, %add3A_20 : i32
    "tpu.region"() ({
      %run_scoped3A = tpu.sem_alloc : memref<!tpu.dma_semaphore, #tpu.memory_space<semaphore_mem>>
      %dma_start3A_68 = arith.constant 0 : i32
      %dma_start3A_69 = tpu.memref_slice %arg6[%add3A_21, %dma_start3A_68] : memref<10000x128xf32, #tpu.memory_space<vmem_shared>> -> memref<48x128xf32, #tpu.memory_space<vmem_shared>>
      %dma_start3A_70 = arith.constant 0 : i32
      %dma_start3A_71 = tpu.memref_slice %arg6[%add3A_21, %dma_start3A_70] : memref<10000x128xf32, #tpu.memory_space<vmem_shared>> -> memref<48x128xf32, #tpu.memory_space<vmem_shared>>
      tpu.enqueue_dma source(%arg16 : memref<48x128xf32, #tpu.memory_space<vmem>>) target(%dma_start3A_71 : memref<48x128xf32, #tpu.memory_space<vmem_shared>>) target_semaphore(%run_scoped3A : memref<!tpu.dma_semaphore, #tpu.memory_space<semaphore_mem>>)
      %dma_wait3A_72 = arith.constant 0 : i32
      %dma_wait3A_73 = tpu.memref_slice %arg6[%add3A_21, %dma_wait3A_72] : memref<10000x128xf32, #tpu.memory_space<vmem_shared>> -> memref<48x128xf32, #tpu.memory_space<vmem_shared>>
      %dma_wait3A_74 = arith.constant 0 : i32
      %dma_wait3A_75 = tpu.memref_slice %arg6[%add3A_21, %dma_wait3A_74] : memref<10000x128xf32, #tpu.memory_space<vmem_shared>> -> memref<48x128xf32, #tpu.memory_space<vmem_shared>>
      tpu.wait_dma2 semaphore(%run_scoped3A : memref<!tpu.dma_semaphore, #tpu.memory_space<semaphore_mem>>) src(%arg16 : memref<48x128xf32, #tpu.memory_space<vmem>>) dst(%dma_wait3A_75 : memref<48x128xf32, #tpu.memory_space<vmem_shared>>)
      tpu.yield
    }) : () -> ()
    %add3A_22 = arith.constant 288 : i32
    %add3A_23 = arith.addi %multiple_of3A, %add3A_22 : i32
    "tpu.region"() ({
      %run_scoped3A = tpu.sem_alloc : memref<!tpu.dma_semaphore, #tpu.memory_space<semaphore_mem>>
      %dma_start3A_68 = arith.constant 0 : i32
      %dma_start3A_69 = tpu.memref_slice %arg6[%add3A_23, %dma_start3A_68] : memref<10000x128xf32, #tpu.memory_space<vmem_shared>> -> memref<48x128xf32, #tpu.memory_space<vmem_shared>>
      %dma_start3A_70 = arith.constant 0 : i32
      %dma_start3A_71 = tpu.memref_slice %arg6[%add3A_23, %dma_start3A_70] : memref<10000x128xf32, #tpu.memory_space<vmem_shared>> -> memref<48x128xf32, #tpu.memory_space<vmem_shared>>
      tpu.enqueue_dma source(%arg16 : memref<48x128xf32, #tpu.memory_space<vmem>>) target(%dma_start3A_71 : memref<48x128xf32, #tpu.memory_space<vmem_shared>>) target_semaphore(%run_scoped3A : memref<!tpu.dma_semaphore, #tpu.memory_space<semaphore_mem>>)
      %dma_wait3A_72 = arith.constant 0 : i32
      %dma_wait3A_73 = tpu.memref_slice %arg6[%add3A_23, %dma_wait3A_72] : memref<10000x128xf32, #tpu.memory_space<vmem_shared>> -> memref<48x128xf32, #tpu.memory_space<vmem_shared>>
      %dma_wait3A_74 = arith.constant 0 : i32
      %dma_wait3A_75 = tpu.memref_slice %arg6[%add3A_23, %dma_wait3A_74] : memref<10000x128xf32, #tpu.memory_space<vmem_shared>> -> memref<48x128xf32, #tpu.memory_space<vmem_shared>>
      tpu.wait_dma2 semaphore(%run_scoped3A : memref<!tpu.dma_semaphore, #tpu.memory_space<semaphore_mem>>) src(%arg16 : memref<48x128xf32, #tpu.memory_space<vmem>>) dst(%dma_wait3A_75 : memref<48x128xf32, #tpu.memory_space<vmem_shared>>)
      tpu.yield
    }) : () -> ()
    %add3A_24 = arith.constant 336 : i32
    %add3A_25 = arith.addi %multiple_of3A, %add3A_24 : i32
    "tpu.region"() ({
      %run_scoped3A = tpu.sem_alloc : memref<!tpu.dma_semaphore, #tpu.memory_space<semaphore_mem>>
      %dma_start3A_68 = arith.constant 0 : i32
      %dma_start3A_69 = tpu.memref_slice %arg6[%add3A_25, %dma_start3A_68] : memref<10000x128xf32, #tpu.memory_space<vmem_shared>> -> memref<48x128xf32, #tpu.memory_space<vmem_shared>>
      %dma_start3A_70 = arith.constant 0 : i32
      %dma_start3A_71 = tpu.memref_slice %arg6[%add3A_25, %dma_start3A_70] : memref<10000x128xf32, #tpu.memory_space<vmem_shared>> -> memref<48x128xf32, #tpu.memory_space<vmem_shared>>
      tpu.enqueue_dma source(%arg16 : memref<48x128xf32, #tpu.memory_space<vmem>>) target(%dma_start3A_71 : memref<48x128xf32, #tpu.memory_space<vmem_shared>>) target_semaphore(%run_scoped3A : memref<!tpu.dma_semaphore, #tpu.memory_space<semaphore_mem>>)
      %dma_wait3A_72 = arith.constant 0 : i32
      %dma_wait3A_73 = tpu.memref_slice %arg6[%add3A_25, %dma_wait3A_72] : memref<10000x128xf32, #tpu.memory_space<vmem_shared>> -> memref<48x128xf32, #tpu.memory_space<vmem_shared>>
      %dma_wait3A_74 = arith.constant 0 : i32
      %dma_wait3A_75 = tpu.memref_slice %arg6[%add3A_25, %dma_wait3A_74] : memref<10000x128xf32, #tpu.memory_space<vmem_shared>> -> memref<48x128xf32, #tpu.memory_space<vmem_shared>>
      tpu.wait_dma2 semaphore(%run_scoped3A : memref<!tpu.dma_semaphore, #tpu.memory_space<semaphore_mem>>) src(%arg16 : memref<48x128xf32, #tpu.memory_space<vmem>>) dst(%dma_wait3A_75 : memref<48x128xf32, #tpu.memory_space<vmem_shared>>)
      tpu.yield
    }) : () -> ()
    %add3A_26 = arith.constant 384 : i32
    %add3A_27 = arith.addi %multiple_of3A, %add3A_26 : i32
    "tpu.region"() ({
      %run_scoped3A = tpu.sem_alloc : memref<!tpu.dma_semaphore, #tpu.memory_space<semaphore_mem>>
      %dma_start3A_68 = arith.constant 0 : i32
      %dma_start3A_69 = tpu.memref_slice %arg6[%add3A_27, %dma_start3A_68] : memref<10000x128xf32, #tpu.memory_space<vmem_shared>> -> memref<48x128xf32, #tpu.memory_space<vmem_shared>>
      %dma_start3A_70 = arith.constant 0 : i32
      %dma_start3A_71 = tpu.memref_slice %arg6[%add3A_27, %dma_start3A_70] : memref<10000x128xf32, #tpu.memory_space<vmem_shared>> -> memref<48x128xf32, #tpu.memory_space<vmem_shared>>
      tpu.enqueue_dma source(%arg16 : memref<48x128xf32, #tpu.memory_space<vmem>>) target(%dma_start3A_71 : memref<48x128xf32, #tpu.memory_space<vmem_shared>>) target_semaphore(%run_scoped3A : memref<!tpu.dma_semaphore, #tpu.memory_space<semaphore_mem>>)
      %dma_wait3A_72 = arith.constant 0 : i32
      %dma_wait3A_73 = tpu.memref_slice %arg6[%add3A_27, %dma_wait3A_72] : memref<10000x128xf32, #tpu.memory_space<vmem_shared>> -> memref<48x128xf32, #tpu.memory_space<vmem_shared>>
      %dma_wait3A_74 = arith.constant 0 : i32
      %dma_wait3A_75 = tpu.memref_slice %arg6[%add3A_27, %dma_wait3A_74] : memref<10000x128xf32, #tpu.memory_space<vmem_shared>> -> memref<48x128xf32, #tpu.memory_space<vmem_shared>>
      tpu.wait_dma2 semaphore(%run_scoped3A : memref<!tpu.dma_semaphore, #tpu.memory_space<semaphore_mem>>) src(%arg16 : memref<48x128xf32, #tpu.memory_space<vmem>>) dst(%dma_wait3A_75 : memref<48x128xf32, #tpu.memory_space<vmem_shared>>)
      tpu.yield
    }) : () -> ()
    %add3A_28 = arith.constant 432 : i32
    %add3A_29 = arith.addi %multiple_of3A, %add3A_28 : i32
    "tpu.region"() ({
      %run_scoped3A = tpu.sem_alloc : memref<!tpu.dma_semaphore, #tpu.memory_space<semaphore_mem>>
      %dma_start3A_68 = arith.constant 0 : i32
      %dma_start3A_69 = tpu.memref_slice %arg6[%add3A_29, %dma_start3A_68] : memref<10000x128xf32, #tpu.memory_space<vmem_shared>> -> memref<48x128xf32, #tpu.memory_space<vmem_shared>>
      %dma_start3A_70 = arith.constant 0 : i32
      %dma_start3A_71 = tpu.memref_slice %arg6[%add3A_29, %dma_start3A_70] : memref<10000x128xf32, #tpu.memory_space<vmem_shared>> -> memref<48x128xf32, #tpu.memory_space<vmem_shared>>
      tpu.enqueue_dma source(%arg16 : memref<48x128xf32, #tpu.memory_space<vmem>>) target(%dma_start3A_71 : memref<48x128xf32, #tpu.memory_space<vmem_shared>>) target_semaphore(%run_scoped3A : memref<!tpu.dma_semaphore, #tpu.memory_space<semaphore_mem>>)
      %dma_wait3A_72 = arith.constant 0 : i32
      %dma_wait3A_73 = tpu.memref_slice %arg6[%add3A_29, %dma_wait3A_72] : memref<10000x128xf32, #tpu.memory_space<vmem_shared>> -> memref<48x128xf32, #tpu.memory_space<vmem_shared>>
      %dma_wait3A_74 = arith.constant 0 : i32
      %dma_wait3A_75 = tpu.memref_slice %arg6[%add3A_29, %dma_wait3A_74] : memref<10000x128xf32, #tpu.memory_space<vmem_shared>> -> memref<48x128xf32, #tpu.memory_space<vmem_shared>>
      tpu.wait_dma2 semaphore(%run_scoped3A : memref<!tpu.dma_semaphore, #tpu.memory_space<semaphore_mem>>) src(%arg16 : memref<48x128xf32, #tpu.memory_space<vmem>>) dst(%dma_wait3A_75 : memref<48x128xf32, #tpu.memory_space<vmem_shared>>)
      tpu.yield
    }) : () -> ()
    %add3A_30 = arith.constant 480 : i32
    %add3A_31 = arith.addi %multiple_of3A, %add3A_30 : i32
    "tpu.region"() ({
      %run_scoped3A = tpu.sem_alloc : memref<!tpu.dma_semaphore, #tpu.memory_space<semaphore_mem>>
      %dma_start3A_68 = arith.constant 0 : i32
      %dma_start3A_69 = tpu.memref_slice %arg6[%add3A_31, %dma_start3A_68] : memref<10000x128xf32, #tpu.memory_space<vmem_shared>> -> memref<48x128xf32, #tpu.memory_space<vmem_shared>>
      %dma_start3A_70 = arith.constant 0 : i32
      %dma_start3A_71 = tpu.memref_slice %arg6[%add3A_31, %dma_start3A_70] : memref<10000x128xf32, #tpu.memory_space<vmem_shared>> -> memref<48x128xf32, #tpu.memory_space<vmem_shared>>
      tpu.enqueue_dma source(%arg16 : memref<48x128xf32, #tpu.memory_space<vmem>>) target(%dma_start3A_71 : memref<48x128xf32, #tpu.memory_space<vmem_shared>>) target_semaphore(%run_scoped3A : memref<!tpu.dma_semaphore, #tpu.memory_space<semaphore_mem>>)
      %dma_wait3A_72 = arith.constant 0 : i32
      %dma_wait3A_73 = tpu.memref_slice %arg6[%add3A_31, %dma_wait3A_72] : memref<10000x128xf32, #tpu.memory_space<vmem_shared>> -> memref<48x128xf32, #tpu.memory_space<vmem_shared>>
      %dma_wait3A_74 = arith.constant 0 : i32
      %dma_wait3A_75 = tpu.memref_slice %arg6[%add3A_31, %dma_wait3A_74] : memref<10000x128xf32, #tpu.memory_space<vmem_shared>> -> memref<48x128xf32, #tpu.memory_space<vmem_shared>>
      tpu.wait_dma2 semaphore(%run_scoped3A : memref<!tpu.dma_semaphore, #tpu.memory_space<semaphore_mem>>) src(%arg16 : memref<48x128xf32, #tpu.memory_space<vmem>>) dst(%dma_wait3A_75 : memref<48x128xf32, #tpu.memory_space<vmem_shared>>)
      tpu.yield
    }) : () -> ()
    %add3A_32 = arith.constant 528 : i32
    %add3A_33 = arith.addi %multiple_of3A, %add3A_32 : i32
    "tpu.region"() ({
      %run_scoped3A = tpu.sem_alloc : memref<!tpu.dma_semaphore, #tpu.memory_space<semaphore_mem>>
      %dma_start3A_68 = arith.constant 0 : i32
      %dma_start3A_69 = tpu.memref_slice %arg6[%add3A_33, %dma_start3A_68] : memref<10000x128xf32, #tpu.memory_space<vmem_shared>> -> memref<48x128xf32, #tpu.memory_space<vmem_shared>>
      %dma_start3A_70 = arith.constant 0 : i32
      %dma_start3A_71 = tpu.memref_slice %arg6[%add3A_33, %dma_start3A_70] : memref<10000x128xf32, #tpu.memory_space<vmem_shared>> -> memref<48x128xf32, #tpu.memory_space<vmem_shared>>
      tpu.enqueue_dma source(%arg16 : memref<48x128xf32, #tpu.memory_space<vmem>>) target(%dma_start3A_71 : memref<48x128xf32, #tpu.memory_space<vmem_shared>>) target_semaphore(%run_scoped3A : memref<!tpu.dma_semaphore, #tpu.memory_space<semaphore_mem>>)
      %dma_wait3A_72 = arith.constant 0 : i32
      %dma_wait3A_73 = tpu.memref_slice %arg6[%add3A_33, %dma_wait3A_72] : memref<10000x128xf32, #tpu.memory_space<vmem_shared>> -> memref<48x128xf32, #tpu.memory_space<vmem_shared>>
      %dma_wait3A_74 = arith.constant 0 : i32
      %dma_wait3A_75 = tpu.memref_slice %arg6[%add3A_33, %dma_wait3A_74] : memref<10000x128xf32, #tpu.memory_space<vmem_shared>> -> memref<48x128xf32, #tpu.memory_space<vmem_shared>>
      tpu.wait_dma2 semaphore(%run_scoped3A : memref<!tpu.dma_semaphore, #tpu.memory_space<semaphore_mem>>) src(%arg16 : memref<48x128xf32, #tpu.memory_space<vmem>>) dst(%dma_wait3A_75 : memref<48x128xf32, #tpu.memory_space<vmem_shared>>)
      tpu.yield
    }) : () -> ()
    %add3A_34 = arith.constant 576 : i32
    %add3A_35 = arith.addi %multiple_of3A, %add3A_34 : i32
    "tpu.region"() ({
      %run_scoped3A = tpu.sem_alloc : memref<!tpu.dma_semaphore, #tpu.memory_space<semaphore_mem>>
      %dma_start3A_68 = arith.constant 0 : i32
      %dma_start3A_69 = tpu.memref_slice %arg6[%add3A_35, %dma_start3A_68] : memref<10000x128xf32, #tpu.memory_space<vmem_shared>> -> memref<48x128xf32, #tpu.memory_space<vmem_shared>>
      %dma_start3A_70 = arith.constant 0 : i32
      %dma_start3A_71 = tpu.memref_slice %arg6[%add3A_35, %dma_start3A_70] : memref<10000x128xf32, #tpu.memory_space<vmem_shared>> -> memref<48x128xf32, #tpu.memory_space<vmem_shared>>
      tpu.enqueue_dma source(%arg16 : memref<48x128xf32, #tpu.memory_space<vmem>>) target(%dma_start3A_71 : memref<48x128xf32, #tpu.memory_space<vmem_shared>>) target_semaphore(%run_scoped3A : memref<!tpu.dma_semaphore, #tpu.memory_space<semaphore_mem>>)
      %dma_wait3A_72 = arith.constant 0 : i32
      %dma_wait3A_73 = tpu.memref_slice %arg6[%add3A_35, %dma_wait3A_72] : memref<10000x128xf32, #tpu.memory_space<vmem_shared>> -> memref<48x128xf32, #tpu.memory_space<vmem_shared>>
      %dma_wait3A_74 = arith.constant 0 : i32
      %dma_wait3A_75 = tpu.memref_slice %arg6[%add3A_35, %dma_wait3A_74] : memref<10000x128xf32, #tpu.memory_space<vmem_shared>> -> memref<48x128xf32, #tpu.memory_space<vmem_shared>>
      tpu.wait_dma2 semaphore(%run_scoped3A : memref<!tpu.dma_semaphore, #tpu.memory_space<semaphore_mem>>) src(%arg16 : memref<48x128xf32, #tpu.memory_space<vmem>>) dst(%dma_wait3A_75 : memref<48x128xf32, #tpu.memory_space<vmem_shared>>)
      tpu.yield
    }) : () -> ()
    %eq3A = arith.constant 15 : i32
    %eq3A_36 = arith.cmpi eq, %arg1, %eq3A : i32
    %convert_element_type3A = arith.extui %eq3A_36 : i1 to i32
    %cond3A = arith.constant 0 : i32
    %cond3A_37 = arith.cmpi ne, %convert_element_type3A, %cond3A : i32
    scf.if %cond3A_37 {
      "tpu.region"() ({
        %run_scoped3A = tpu.sem_alloc : memref<!tpu.dma_semaphore, #tpu.memory_space<semaphore_mem>>
        %dma_start3A_68 = arith.constant 0 : i32
        %dma_start3A_69 = arith.constant 0 : i32
        %dma_start3A_70 = tpu.memref_slice %arg16[%dma_start3A_68, %dma_start3A_69] : memref<48x128xf32, #tpu.memory_space<vmem>> -> memref<16x128xf32, #tpu.memory_space<vmem>>
        %dma_start3A_71 = arith.constant 9984 : i32
        %dma_start3A_72 = arith.constant 0 : i32
        %dma_start3A_73 = tpu.memref_slice %arg6[%dma_start3A_71, %dma_start3A_72] : memref<10000x128xf32, #tpu.memory_space<vmem_shared>> -> memref<16x128xf32, #tpu.memory_space<vmem_shared>>
        %dma_start3A_74 = arith.constant 9984 : i32
        %dma_start3A_75 = arith.constant 0 : i32
        %dma_start3A_76 = tpu.memref_slice %arg6[%dma_start3A_74, %dma_start3A_75] : memref<10000x128xf32, #tpu.memory_space<vmem_shared>> -> memref<16x128xf32, #tpu.memory_space<vmem_shared>>
        %dma_start3A_77 = arith.constant 0 : i32
        %dma_start3A_78 = arith.constant 0 : i32
        %dma_start3A_79 = tpu.memref_slice %arg16[%dma_start3A_77, %dma_start3A_78] : memref<48x128xf32, #tpu.memory_space<vmem>> -> memref<16x128xf32, #tpu.memory_space<vmem>>
        tpu.enqueue_dma source(%dma_start3A_79 : memref<16x128xf32, #tpu.memory_space<vmem>>) target(%dma_start3A_76 : memref<16x128xf32, #tpu.memory_space<vmem_shared>>) target_semaphore(%run_scoped3A : memref<!tpu.dma_semaphore, #tpu.memory_space<semaphore_mem>>)
        %dma_wait3A_80 = arith.constant 0 : i32
        %dma_wait3A_81 = arith.constant 0 : i32
        %dma_wait3A_82 = tpu.memref_slice %arg16[%dma_wait3A_80, %dma_wait3A_81] : memref<48x128xf32, #tpu.memory_space<vmem>> -> memref<16x128xf32, #tpu.memory_space<vmem>>
        %dma_wait3A_83 = arith.constant 9984 : i32
        %dma_wait3A_84 = arith.constant 0 : i32
        %dma_wait3A_85 = tpu.memref_slice %arg6[%dma_wait3A_83, %dma_wait3A_84] : memref<10000x128xf32, #tpu.memory_space<vmem_shared>> -> memref<16x128xf32, #tpu.memory_space<vmem_shared>>
        %dma_wait3A_86 = arith.constant 9984 : i32
        %dma_wait3A_87 = arith.constant 0 : i32
        %dma_wait3A_88 = tpu.memref_slice %arg6[%dma_wait3A_86, %dma_wait3A_87] : memref<10000x128xf32, #tpu.memory_space<vmem_shared>> -> memref<16x128xf32, #tpu.memory_space<vmem_shared>>
        %dma_wait3A_89 = arith.constant 0 : i32
        %dma_wait3A_90 = arith.constant 0 : i32
        %dma_wait3A_91 = tpu.memref_slice %arg16[%dma_wait3A_89, %dma_wait3A_90] : memref<48x128xf32, #tpu.memory_space<vmem>> -> memref<16x128xf32, #tpu.memory_space<vmem>>
        tpu.wait_dma2 semaphore(%run_scoped3A : memref<!tpu.dma_semaphore, #tpu.memory_space<semaphore_mem>>) src(%dma_wait3A_91 : memref<16x128xf32, #tpu.memory_space<vmem>>) dst(%dma_wait3A_88 : memref<16x128xf32, #tpu.memory_space<vmem_shared>>)
        tpu.yield
      }) : () -> ()
    } else {
    }
    %barrier3A = arith.constant 0 : index
    tpu.barrier barrier_id(%barrier3A)
    %mul3A_38 = arith.constant 10000 : i32
    %mul3A_39 = arith.muli %add3A, %mul3A_38 : i32
    %scan3A_40 = arith.constant 0 : i32
    %scan3A_41 = arith.constant 0 : i32
    %scan3A_42 = arith.constant 39 : i32
    %scan3A_43 = arith.addi %scan3A_41, %scan3A_42 : i32
    %scan3A_44 = arith.constant 1 : i32
    %scan3A_45 = scf.for %scan3A_68 = %scan3A_41 to %scan3A_43 step %scan3A_44 iter_args(%scan3A_69 = %scan3A_40) -> (i32)  : i32 {
      %mul3A_70 = arith.constant 2 : i32
      %mul3A_71 = arith.muli %scan3A_68, %mul3A_70 : i32
      %mul3A_72 = arith.constant 128 : i32
      %mul3A_73 = arith.muli %mul3A_71, %mul3A_72 : i32
      %add3A_74 = arith.addi %mul3A_39, %mul3A_73 : i32
      %add3A_75 = arith.constant 1 : i32
      %add3A_76 = arith.addi %mul3A_71, %add3A_75 : i32
      %mul3A_77 = arith.constant 128 : i32
      %mul3A_78 = arith.muli %add3A_76, %mul3A_77 : i32
      %add3A_79 = arith.addi %mul3A_39, %mul3A_78 : i32
      "tpu.region"() ({
        %run_scoped3A = tpu.sem_alloc : memref<!tpu.dma_semaphore, #tpu.memory_space<semaphore_mem>>
        %dma_start3A_93 = tpu.memref_slice %arg3[%add3A_74] : memref<320000xi32, #tpu.memory_space<hbm>> -> memref<128xi32, #tpu.memory_space<hbm>>
        %dma_start3A_94 = tpu.memref_slice %arg3[%add3A_74] : memref<320000xi32, #tpu.memory_space<hbm>> -> memref<128xi32, #tpu.memory_space<hbm>>
        tpu.enqueue_dma source(%dma_start3A_94 : memref<128xi32, #tpu.memory_space<hbm>>) target(%arg9 : memref<128xi32, #tpu.memory_space<vmem>>) target_semaphore(%run_scoped3A : memref<!tpu.dma_semaphore, #tpu.memory_space<semaphore_mem>>)
        %dma_wait3A_95 = tpu.memref_slice %arg3[%add3A_74] : memref<320000xi32, #tpu.memory_space<hbm>> -> memref<128xi32, #tpu.memory_space<hbm>>
        %dma_wait3A_96 = tpu.memref_slice %arg3[%add3A_74] : memref<320000xi32, #tpu.memory_space<hbm>> -> memref<128xi32, #tpu.memory_space<hbm>>
        tpu.wait_dma2 semaphore(%run_scoped3A : memref<!tpu.dma_semaphore, #tpu.memory_space<semaphore_mem>>) src(%dma_wait3A_96 : memref<128xi32, #tpu.memory_space<hbm>>) dst(%arg9 : memref<128xi32, #tpu.memory_space<vmem>>)
        tpu.yield
      }) : () -> ()
      "tpu.region"() ({
        %run_scoped3A = tpu.sem_alloc : memref<!tpu.dma_semaphore, #tpu.memory_space<semaphore_mem>>
        %dma_start3A_93 = tpu.memref_slice %arg4[%add3A_74] : memref<320000xi32, #tpu.memory_space<hbm>> -> memref<128xi32, #tpu.memory_space<hbm>>
        %dma_start3A_94 = tpu.memref_slice %arg4[%add3A_74] : memref<320000xi32, #tpu.memory_space<hbm>> -> memref<128xi32, #tpu.memory_space<hbm>>
        tpu.enqueue_dma source(%dma_start3A_94 : memref<128xi32, #tpu.memory_space<hbm>>) target(%arg11 : memref<128xi32, #tpu.memory_space<vmem>>) target_semaphore(%run_scoped3A : memref<!tpu.dma_semaphore, #tpu.memory_space<semaphore_mem>>)
        %dma_wait3A_95 = tpu.memref_slice %arg4[%add3A_74] : memref<320000xi32, #tpu.memory_space<hbm>> -> memref<128xi32, #tpu.memory_space<hbm>>
        %dma_wait3A_96 = tpu.memref_slice %arg4[%add3A_74] : memref<320000xi32, #tpu.memory_space<hbm>> -> memref<128xi32, #tpu.memory_space<hbm>>
        tpu.wait_dma2 semaphore(%run_scoped3A : memref<!tpu.dma_semaphore, #tpu.memory_space<semaphore_mem>>) src(%dma_wait3A_96 : memref<128xi32, #tpu.memory_space<hbm>>) dst(%arg11 : memref<128xi32, #tpu.memory_space<vmem>>)
        tpu.yield
      }) : () -> ()
      "tpu.region"() ({
        %run_scoped3A = tpu.sem_alloc : memref<!tpu.dma_semaphore, #tpu.memory_space<semaphore_mem>>
        %dma_start3A_93 = tpu.memref_slice %arg3[%add3A_79] : memref<320000xi32, #tpu.memory_space<hbm>> -> memref<128xi32, #tpu.memory_space<hbm>>
        %dma_start3A_94 = tpu.memref_slice %arg3[%add3A_79] : memref<320000xi32, #tpu.memory_space<hbm>> -> memref<128xi32, #tpu.memory_space<hbm>>
        tpu.enqueue_dma source(%dma_start3A_94 : memref<128xi32, #tpu.memory_space<hbm>>) target(%arg10 : memref<128xi32, #tpu.memory_space<vmem>>) target_semaphore(%run_scoped3A : memref<!tpu.dma_semaphore, #tpu.memory_space<semaphore_mem>>)
        %dma_wait3A_95 = tpu.memref_slice %arg3[%add3A_79] : memref<320000xi32, #tpu.memory_space<hbm>> -> memref<128xi32, #tpu.memory_space<hbm>>
        %dma_wait3A_96 = tpu.memref_slice %arg3[%add3A_79] : memref<320000xi32, #tpu.memory_space<hbm>> -> memref<128xi32, #tpu.memory_space<hbm>>
        tpu.wait_dma2 semaphore(%run_scoped3A : memref<!tpu.dma_semaphore, #tpu.memory_space<semaphore_mem>>) src(%dma_wait3A_96 : memref<128xi32, #tpu.memory_space<hbm>>) dst(%arg10 : memref<128xi32, #tpu.memory_space<vmem>>)
        tpu.yield
      }) : () -> ()
      "tpu.region"() ({
        %run_scoped3A = tpu.sem_alloc : memref<!tpu.dma_semaphore, #tpu.memory_space<semaphore_mem>>
        %dma_start3A_93 = tpu.memref_slice %arg4[%add3A_79] : memref<320000xi32, #tpu.memory_space<hbm>> -> memref<128xi32, #tpu.memory_space<hbm>>
        %dma_start3A_94 = tpu.memref_slice %arg4[%add3A_79] : memref<320000xi32, #tpu.memory_space<hbm>> -> memref<128xi32, #tpu.memory_space<hbm>>
        tpu.enqueue_dma source(%dma_start3A_94 : memref<128xi32, #tpu.memory_space<hbm>>) target(%arg12 : memref<128xi32, #tpu.memory_space<vmem>>) target_semaphore(%run_scoped3A : memref<!tpu.dma_semaphore, #tpu.memory_space<semaphore_mem>>)
        %dma_wait3A_95 = tpu.memref_slice %arg4[%add3A_79] : memref<320000xi32, #tpu.memory_space<hbm>> -> memref<128xi32, #tpu.memory_space<hbm>>
        %dma_wait3A_96 = tpu.memref_slice %arg4[%add3A_79] : memref<320000xi32, #tpu.memory_space<hbm>> -> memref<128xi32, #tpu.memory_space<hbm>>
        tpu.wait_dma2 semaphore(%run_scoped3A : memref<!tpu.dma_semaphore, #tpu.memory_space<semaphore_mem>>) src(%dma_wait3A_96 : memref<128xi32, #tpu.memory_space<hbm>>) dst(%arg12 : memref<128xi32, #tpu.memory_space<vmem>>)
        tpu.yield
      }) : () -> ()
      %dma_start3A_80 = arith.constant 0 : i32
      %dma_start3A_81 = arith.constant 0 : i32
      %dma_start3A_82 = tpu.memref_slice %arg2[%dma_start3A_80, %dma_start3A_81] : memref<10000x128xf32, #tpu.memory_space<hbm>> -> memref<10000x128xf32, #tpu.memory_space<hbm>>
      tpu.enqueue_indirect_dma source(%dma_start3A_82 : memref<10000x128xf32, #tpu.memory_space<hbm>>) target(%arg7 : memref<128x128xf32, #tpu.memory_space<vmem>>) offsets(%arg9 : memref<128xi32, #tpu.memory_space<vmem>>) semaphore(%arg17 : memref<!tpu.dma_semaphore, #tpu.memory_space<semaphore_mem>>)
      %dma_start3A_83 = arith.constant 0 : i32
      %dma_start3A_84 = arith.constant 0 : i32
      %dma_start3A_85 = tpu.memref_slice %arg2[%dma_start3A_83, %dma_start3A_84] : memref<10000x128xf32, #tpu.memory_space<hbm>> -> memref<10000x128xf32, #tpu.memory_space<hbm>>
      tpu.enqueue_indirect_dma source(%dma_start3A_85 : memref<10000x128xf32, #tpu.memory_space<hbm>>) target(%arg8 : memref<128x128xf32, #tpu.memory_space<vmem>>) offsets(%arg10 : memref<128xi32, #tpu.memory_space<vmem>>) semaphore(%arg18 : memref<!tpu.dma_semaphore, #tpu.memory_space<semaphore_mem>>)
      %dma_wait3A_86 = arith.constant 0 : i32
      %dma_wait3A_87 = arith.constant 0 : i32
      %dma_wait3A_88 = tpu.memref_slice %arg2[%dma_wait3A_86, %dma_wait3A_87] : memref<10000x128xf32, #tpu.memory_space<hbm>> -> memref<10000x128xf32, #tpu.memory_space<hbm>>
      tpu.wait_indirect_dma semaphore(%arg17 : memref<!tpu.dma_semaphore, #tpu.memory_space<semaphore_mem>>) src(%dma_wait3A_88 : memref<10000x128xf32, #tpu.memory_space<hbm>>) dst(%arg7 : memref<128x128xf32, #tpu.memory_space<vmem>>)
      "tpu.region"() ({
        %run_scoped3A = tpu.sem_alloc : memref<!tpu.dma_semaphore, #tpu.memory_space<semaphore_mem>>
        %dma_start3A_93 = arith.constant 0 : i32
        %dma_start3A_94 = arith.constant 0 : i32
        %dma_start3A_95 = tpu.memref_slice %arg6[%dma_start3A_93, %dma_start3A_94] : memref<10000x128xf32, #tpu.memory_space<vmem_shared>> -> memref<10000x128xf32, #tpu.memory_space<vmem_shared>>
        tpu.enqueue_indirect_dma source(%arg7 : memref<128x128xf32, #tpu.memory_space<vmem>>) target(%dma_start3A_95 : memref<10000x128xf32, #tpu.memory_space<vmem_shared>>) offsets(%arg11 : memref<128xi32, #tpu.memory_space<vmem>>) semaphore(%run_scoped3A : memref<!tpu.dma_semaphore, #tpu.memory_space<semaphore_mem>>) {add = true}
        %dma_wait3A_96 = arith.constant 0 : i32
        %dma_wait3A_97 = arith.constant 0 : i32
        %dma_wait3A_98 = tpu.memref_slice %arg6[%dma_wait3A_96, %dma_wait3A_97] : memref<10000x128xf32, #tpu.memory_space<vmem_shared>> -> memref<10000x128xf32, #tpu.memory_space<vmem_shared>>
        tpu.wait_indirect_dma semaphore(%run_scoped3A : memref<!tpu.dma_semaphore, #tpu.memory_space<semaphore_mem>>) src(%arg7 : memref<128x128xf32, #tpu.memory_space<vmem>>) dst(%dma_wait3A_98 : memref<10000x128xf32, #tpu.memory_space<vmem_shared>>)
        tpu.yield
      }) : () -> ()
      %dma_wait3A_89 = arith.constant 0 : i32
      %dma_wait3A_90 = arith.constant 0 : i32
      %dma_wait3A_91 = tpu.memref_slice %arg2[%dma_wait3A_89, %dma_wait3A_90] : memref<10000x128xf32, #tpu.memory_space<hbm>> -> memref<10000x128xf32, #tpu.memory_space<hbm>>
      tpu.wait_indirect_dma semaphore(%arg18 : memref<!tpu.dma_semaphore, #tpu.memory_space<semaphore_mem>>) src(%dma_wait3A_91 : memref<10000x128xf32, #tpu.memory_space<hbm>>) dst(%arg8 : memref<128x128xf32, #tpu.memory_space<vmem>>)
      "tpu.region"() ({
        %run_scoped3A = tpu.sem_alloc : memref<!tpu.dma_semaphore, #tpu.memory_space<semaphore_mem>>
        %dma_start3A_93 = arith.constant 0 : i32
        %dma_start3A_94 = arith.constant 0 : i32
        %dma_start3A_95 = tpu.memref_slice %arg6[%dma_start3A_93, %dma_start3A_94] : memref<10000x128xf32, #tpu.memory_space<vmem_shared>> -> memref<10000x128xf32, #tpu.memory_space<vmem_shared>>
        tpu.enqueue_indirect_dma source(%arg8 : memref<128x128xf32, #tpu.memory_space<vmem>>) target(%dma_start3A_95 : memref<10000x128xf32, #tpu.memory_space<vmem_shared>>) offsets(%arg12 : memref<128xi32, #tpu.memory_space<vmem>>) semaphore(%run_scoped3A : memref<!tpu.dma_semaphore, #tpu.memory_space<semaphore_mem>>) {add = true}
        %dma_wait3A_96 = arith.constant 0 : i32
        %dma_wait3A_97 = arith.constant 0 : i32
        %dma_wait3A_98 = tpu.memref_slice %arg6[%dma_wait3A_96, %dma_wait3A_97] : memref<10000x128xf32, #tpu.memory_space<vmem_shared>> -> memref<10000x128xf32, #tpu.memory_space<vmem_shared>>
        tpu.wait_indirect_dma semaphore(%run_scoped3A : memref<!tpu.dma_semaphore, #tpu.memory_space<semaphore_mem>>) src(%arg8 : memref<128x128xf32, #tpu.memory_space<vmem>>) dst(%dma_wait3A_98 : memref<10000x128xf32, #tpu.memory_space<vmem_shared>>)
        tpu.yield
      }) : () -> ()
      %scan3A_92 = arith.constant 0 : i32
      scf.yield %scan3A_92 : i32
    }
    %scan3A_46 = arith.constant 39 : i32
    %add3A_47 = arith.constant 9984 : i32
    %add3A_48 = arith.addi %mul3A_39, %add3A_47 : i32
    "tpu.region"() ({
      %run_scoped3A = tpu.sem_alloc : memref<!tpu.dma_semaphore, #tpu.memory_space<semaphore_mem>>
      %dma_start3A_68 = tpu.memref_slice %arg3[%add3A_48] : memref<320000xi32, #tpu.memory_space<hbm>> -> memref<16xi32, #tpu.memory_space<hbm>>
      %dma_start3A_69 = tpu.memref_slice %arg3[%add3A_48] : memref<320000xi32, #tpu.memory_space<hbm>> -> memref<16xi32, #tpu.memory_space<hbm>>
      tpu.enqueue_dma source(%dma_start3A_69 : memref<16xi32, #tpu.memory_space<hbm>>) target(%arg14 : memref<16xi32, #tpu.memory_space<vmem>>) target_semaphore(%run_scoped3A : memref<!tpu.dma_semaphore, #tpu.memory_space<semaphore_mem>>)
      %dma_wait3A_70 = tpu.memref_slice %arg3[%add3A_48] : memref<320000xi32, #tpu.memory_space<hbm>> -> memref<16xi32, #tpu.memory_space<hbm>>
      %dma_wait3A_71 = tpu.memref_slice %arg3[%add3A_48] : memref<320000xi32, #tpu.memory_space<hbm>> -> memref<16xi32, #tpu.memory_space<hbm>>
      tpu.wait_dma2 semaphore(%run_scoped3A : memref<!tpu.dma_semaphore, #tpu.memory_space<semaphore_mem>>) src(%dma_wait3A_71 : memref<16xi32, #tpu.memory_space<hbm>>) dst(%arg14 : memref<16xi32, #tpu.memory_space<vmem>>)
      tpu.yield
    }) : () -> ()
    "tpu.region"() ({
      %run_scoped3A = tpu.sem_alloc : memref<!tpu.dma_semaphore, #tpu.memory_space<semaphore_mem>>
      %dma_start3A_68 = tpu.memref_slice %arg4[%add3A_48] : memref<320000xi32, #tpu.memory_space<hbm>> -> memref<16xi32, #tpu.memory_space<hbm>>
      %dma_start3A_69 = tpu.memref_slice %arg4[%add3A_48] : memref<320000xi32, #tpu.memory_space<hbm>> -> memref<16xi32, #tpu.memory_space<hbm>>
      tpu.enqueue_dma source(%dma_start3A_69 : memref<16xi32, #tpu.memory_space<hbm>>) target(%arg15 : memref<16xi32, #tpu.memory_space<vmem>>) target_semaphore(%run_scoped3A : memref<!tpu.dma_semaphore, #tpu.memory_space<semaphore_mem>>)
      %dma_wait3A_70 = tpu.memref_slice %arg4[%add3A_48] : memref<320000xi32, #tpu.memory_space<hbm>> -> memref<16xi32, #tpu.memory_space<hbm>>
      %dma_wait3A_71 = tpu.memref_slice %arg4[%add3A_48] : memref<320000xi32, #tpu.memory_space<hbm>> -> memref<16xi32, #tpu.memory_space<hbm>>
      tpu.wait_dma2 semaphore(%run_scoped3A : memref<!tpu.dma_semaphore, #tpu.memory_space<semaphore_mem>>) src(%dma_wait3A_71 : memref<16xi32, #tpu.memory_space<hbm>>) dst(%arg15 : memref<16xi32, #tpu.memory_space<vmem>>)
      tpu.yield
    }) : () -> ()
    %dma_start3A = arith.constant 0 : i32
    %dma_start3A_49 = arith.constant 0 : i32
    %dma_start3A_50 = tpu.memref_slice %arg2[%dma_start3A, %dma_start3A_49] : memref<10000x128xf32, #tpu.memory_space<hbm>> -> memref<10000x128xf32, #tpu.memory_space<hbm>>
    tpu.enqueue_indirect_dma source(%dma_start3A_50 : memref<10000x128xf32, #tpu.memory_space<hbm>>) target(%arg13 : memref<16x128xf32, #tpu.memory_space<vmem>>) offsets(%arg14 : memref<16xi32, #tpu.memory_space<vmem>>) semaphore(%arg21 : memref<!tpu.dma_semaphore, #tpu.memory_space<semaphore_mem>>)
    %dma_wait3A = arith.constant 0 : i32
    %dma_wait3A_51 = arith.constant 0 : i32
    %dma_wait3A_52 = tpu.memref_slice %arg2[%dma_wait3A, %dma_wait3A_51] : memref<10000x128xf32, #tpu.memory_space<hbm>> -> memref<10000x128xf32, #tpu.memory_space<hbm>>
    tpu.wait_indirect_dma semaphore(%arg21 : memref<!tpu.dma_semaphore, #tpu.memory_space<semaphore_mem>>) src(%dma_wait3A_52 : memref<10000x128xf32, #tpu.memory_space<hbm>>) dst(%arg13 : memref<16x128xf32, #tpu.memory_space<vmem>>)
    "tpu.region"() ({
      %run_scoped3A = tpu.sem_alloc : memref<!tpu.dma_semaphore, #tpu.memory_space<semaphore_mem>>
      %dma_start3A_68 = arith.constant 0 : i32
      %dma_start3A_69 = arith.constant 0 : i32
      %dma_start3A_70 = tpu.memref_slice %arg6[%dma_start3A_68, %dma_start3A_69] : memref<10000x128xf32, #tpu.memory_space<vmem_shared>> -> memref<10000x128xf32, #tpu.memory_space<vmem_shared>>
      tpu.enqueue_indirect_dma source(%arg13 : memref<16x128xf32, #tpu.memory_space<vmem>>) target(%dma_start3A_70 : memref<10000x128xf32, #tpu.memory_space<vmem_shared>>) offsets(%arg15 : memref<16xi32, #tpu.memory_space<vmem>>) semaphore(%run_scoped3A : memref<!tpu.dma_semaphore, #tpu.memory_space<semaphore_mem>>) {add = true}
      %dma_wait3A_71 = arith.constant 0 : i32
      %dma_wait3A_72 = arith.constant 0 : i32
      %dma_wait3A_73 = tpu.memref_slice %arg6[%dma_wait3A_71, %dma_wait3A_72] : memref<10000x128xf32, #tpu.memory_space<vmem_shared>> -> memref<10000x128xf32, #tpu.memory_space<vmem_shared>>
      tpu.wait_indirect_dma semaphore(%run_scoped3A : memref<!tpu.dma_semaphore, #tpu.memory_space<semaphore_mem>>) src(%arg13 : memref<16x128xf32, #tpu.memory_space<vmem>>) dst(%dma_wait3A_73 : memref<10000x128xf32, #tpu.memory_space<vmem_shared>>)
      tpu.yield
    }) : () -> ()
    %barrier3A_53 = arith.constant 0 : index
    tpu.barrier barrier_id(%barrier3A_53)
    %mul3A_54 = arith.constant 624 : i32
    %mul3A_55 = arith.muli %arg1, %mul3A_54 : i32
    %multiple_of3A_56 = tpu.assume_multiple %mul3A_55, 8 : i32
    %add3A_57 = arith.constant 0 : i32
    %add3A_58 = arith.addi %multiple_of3A_56, %add3A_57 : i32
    "tpu.region"() ({
      %run_scoped3A = tpu.sem_alloc : memref<!tpu.dma_semaphore, #tpu.memory_space<semaphore_mem>>
      %dma_start3A_68 = arith.constant 0 : i32
      %dma_start3A_69 = tpu.memref_slice %arg5[%arg0, %add3A_58, %dma_start3A_68] : memref<2x10000x128xf32, #tpu.memory_space<hbm>> -> memref<1x208x128xf32, #tpu.memory_space<hbm>>
      %dma_start3A_70 = tpu.memref_squeeze %dma_start3A_69 : memref<1x208x128xf32, #tpu.memory_space<hbm>> -> memref<208x128xf32, #tpu.memory_space<hbm>>
      %dma_start3A_71 = arith.constant 0 : i32
      %dma_start3A_72 = tpu.memref_slice %arg6[%add3A_58, %dma_start3A_71] : memref<10000x128xf32, #tpu.memory_space<vmem_shared>> -> memref<208x128xf32, #tpu.memory_space<vmem_shared>>
      tpu.enqueue_dma source(%dma_start3A_72 : memref<208x128xf32, #tpu.memory_space<vmem_shared>>) target(%dma_start3A_70 : memref<208x128xf32, #tpu.memory_space<hbm>>) target_semaphore(%run_scoped3A : memref<!tpu.dma_semaphore, #tpu.memory_space<semaphore_mem>>)
      %dma_wait3A_73 = arith.constant 0 : i32
      %dma_wait3A_74 = tpu.memref_slice %arg5[%arg0, %add3A_58, %dma_wait3A_73] : memref<2x10000x128xf32, #tpu.memory_space<hbm>> -> memref<1x208x128xf32, #tpu.memory_space<hbm>>
      %dma_wait3A_75 = tpu.memref_squeeze %dma_wait3A_74 : memref<1x208x128xf32, #tpu.memory_space<hbm>> -> memref<208x128xf32, #tpu.memory_space<hbm>>
      %dma_wait3A_76 = arith.constant 0 : i32
      %dma_wait3A_77 = tpu.memref_slice %arg6[%add3A_58, %dma_wait3A_76] : memref<10000x128xf32, #tpu.memory_space<vmem_shared>> -> memref<208x128xf32, #tpu.memory_space<vmem_shared>>
      tpu.wait_dma2 semaphore(%run_scoped3A : memref<!tpu.dma_semaphore, #tpu.memory_space<semaphore_mem>>) src(%dma_wait3A_77 : memref<208x128xf32, #tpu.memory_space<vmem_shared>>) dst(%dma_wait3A_75 : memref<208x128xf32, #tpu.memory_space<hbm>>)
      tpu.yield
    }) : () -> ()
    %add3A_59 = arith.constant 208 : i32
    %add3A_60 = arith.addi %multiple_of3A_56, %add3A_59 : i32
    "tpu.region"() ({
      %run_scoped3A = tpu.sem_alloc : memref<!tpu.dma_semaphore, #tpu.memory_space<semaphore_mem>>
      %dma_start3A_68 = arith.constant 0 : i32
      %dma_start3A_69 = tpu.memref_slice %arg5[%arg0, %add3A_60, %dma_start3A_68] : memref<2x10000x128xf32, #tpu.memory_space<hbm>> -> memref<1x208x128xf32, #tpu.memory_space<hbm>>
      %dma_start3A_70 = tpu.memref_squeeze %dma_start3A_69 : memref<1x208x128xf32, #tpu.memory_space<hbm>> -> memref<208x128xf32, #tpu.memory_space<hbm>>
      %dma_start3A_71 = arith.constant 0 : i32
      %dma_start3A_72 = tpu.memref_slice %arg6[%add3A_60, %dma_start3A_71] : memref<10000x128xf32, #tpu.memory_space<vmem_shared>> -> memref<208x128xf32, #tpu.memory_space<vmem_shared>>
      tpu.enqueue_dma source(%dma_start3A_72 : memref<208x128xf32, #tpu.memory_space<vmem_shared>>) target(%dma_start3A_70 : memref<208x128xf32, #tpu.memory_space<hbm>>) target_semaphore(%run_scoped3A : memref<!tpu.dma_semaphore, #tpu.memory_space<semaphore_mem>>)
      %dma_wait3A_73 = arith.constant 0 : i32
      %dma_wait3A_74 = tpu.memref_slice %arg5[%arg0, %add3A_60, %dma_wait3A_73] : memref<2x10000x128xf32, #tpu.memory_space<hbm>> -> memref<1x208x128xf32, #tpu.memory_space<hbm>>
      %dma_wait3A_75 = tpu.memref_squeeze %dma_wait3A_74 : memref<1x208x128xf32, #tpu.memory_space<hbm>> -> memref<208x128xf32, #tpu.memory_space<hbm>>
      %dma_wait3A_76 = arith.constant 0 : i32
      %dma_wait3A_77 = tpu.memref_slice %arg6[%add3A_60, %dma_wait3A_76] : memref<10000x128xf32, #tpu.memory_space<vmem_shared>> -> memref<208x128xf32, #tpu.memory_space<vmem_shared>>
      tpu.wait_dma2 semaphore(%run_scoped3A : memref<!tpu.dma_semaphore, #tpu.memory_space<semaphore_mem>>) src(%dma_wait3A_77 : memref<208x128xf32, #tpu.memory_space<vmem_shared>>) dst(%dma_wait3A_75 : memref<208x128xf32, #tpu.memory_space<hbm>>)
      tpu.yield
    }) : () -> ()
    %add3A_61 = arith.constant 416 : i32
    %add3A_62 = arith.addi %multiple_of3A_56, %add3A_61 : i32
    "tpu.region"() ({
      %run_scoped3A = tpu.sem_alloc : memref<!tpu.dma_semaphore, #tpu.memory_space<semaphore_mem>>
      %dma_start3A_68 = arith.constant 0 : i32
      %dma_start3A_69 = tpu.memref_slice %arg5[%arg0, %add3A_62, %dma_start3A_68] : memref<2x10000x128xf32, #tpu.memory_space<hbm>> -> memref<1x208x128xf32, #tpu.memory_space<hbm>>
      %dma_start3A_70 = tpu.memref_squeeze %dma_start3A_69 : memref<1x208x128xf32, #tpu.memory_space<hbm>> -> memref<208x128xf32, #tpu.memory_space<hbm>>
      %dma_start3A_71 = arith.constant 0 : i32
      %dma_start3A_72 = tpu.memref_slice %arg6[%add3A_62, %dma_start3A_71] : memref<10000x128xf32, #tpu.memory_space<vmem_shared>> -> memref<208x128xf32, #tpu.memory_space<vmem_shared>>
      tpu.enqueue_dma source(%dma_start3A_72 : memref<208x128xf32, #tpu.memory_space<vmem_shared>>) target(%dma_start3A_70 : memref<208x128xf32, #tpu.memory_space<hbm>>) target_semaphore(%run_scoped3A : memref<!tpu.dma_semaphore, #tpu.memory_space<semaphore_mem>>)
      %dma_wait3A_73 = arith.constant 0 : i32
      %dma_wait3A_74 = tpu.memref_slice %arg5[%arg0, %add3A_62, %dma_wait3A_73] : memref<2x10000x128xf32, #tpu.memory_space<hbm>> -> memref<1x208x128xf32, #tpu.memory_space<hbm>>
      %dma_wait3A_75 = tpu.memref_squeeze %dma_wait3A_74 : memref<1x208x128xf32, #tpu.memory_space<hbm>> -> memref<208x128xf32, #tpu.memory_space<hbm>>
      %dma_wait3A_76 = arith.constant 0 : i32
      %dma_wait3A_77 = tpu.memref_slice %arg6[%add3A_62, %dma_wait3A_76] : memref<10000x128xf32, #tpu.memory_space<vmem_shared>> -> memref<208x128xf32, #tpu.memory_space<vmem_shared>>
      tpu.wait_dma2 semaphore(%run_scoped3A : memref<!tpu.dma_semaphore, #tpu.memory_space<semaphore_mem>>) src(%dma_wait3A_77 : memref<208x128xf32, #tpu.memory_space<vmem_shared>>) dst(%dma_wait3A_75 : memref<208x128xf32, #tpu.memory_space<hbm>>)
      tpu.yield
    }) : () -> ()
    %eq3A_63 = arith.constant 15 : i32
    %eq3A_64 = arith.cmpi eq, %arg1, %eq3A_63 : i32
    %convert_element_type3A_65 = arith.extui %eq3A_64 : i1 to i32
    %cond3A_66 = arith.constant 0 : i32
    %cond3A_67 = arith.cmpi ne, %convert_element_type3A_65, %cond3A_66 : i32
    scf.if %cond3A_67 {
      "tpu.region"() ({
        %run_scoped3A = tpu.sem_alloc : memref<!tpu.dma_semaphore, #tpu.memory_space<semaphore_mem>>
        %dma_start3A_68 = arith.constant 9984 : i32
        %dma_start3A_69 = arith.constant 0 : i32
        %dma_start3A_70 = tpu.memref_slice %arg5[%arg0, %dma_start3A_68, %dma_start3A_69] : memref<2x10000x128xf32, #tpu.memory_space<hbm>> -> memref<1x16x128xf32, #tpu.memory_space<hbm>>
        %dma_start3A_71 = tpu.memref_squeeze %dma_start3A_70 : memref<1x16x128xf32, #tpu.memory_space<hbm>> -> memref<16x128xf32, #tpu.memory_space<hbm>>
        %dma_start3A_72 = arith.constant 9984 : i32
        %dma_start3A_73 = arith.constant 0 : i32
        %dma_start3A_74 = tpu.memref_slice %arg6[%dma_start3A_72, %dma_start3A_73] : memref<10000x128xf32, #tpu.memory_space<vmem_shared>> -> memref<16x128xf32, #tpu.memory_space<vmem_shared>>
        tpu.enqueue_dma source(%dma_start3A_74 : memref<16x128xf32, #tpu.memory_space<vmem_shared>>) target(%dma_start3A_71 : memref<16x128xf32, #tpu.memory_space<hbm>>) target_semaphore(%run_scoped3A : memref<!tpu.dma_semaphore, #tpu.memory_space<semaphore_mem>>)
        %dma_wait3A_75 = arith.constant 9984 : i32
        %dma_wait3A_76 = arith.constant 0 : i32
        %dma_wait3A_77 = tpu.memref_slice %arg5[%arg0, %dma_wait3A_75, %dma_wait3A_76] : memref<2x10000x128xf32, #tpu.memory_space<hbm>> -> memref<1x16x128xf32, #tpu.memory_space<hbm>>
        %dma_wait3A_78 = tpu.memref_squeeze %dma_wait3A_77 : memref<1x16x128xf32, #tpu.memory_space<hbm>> -> memref<16x128xf32, #tpu.memory_space<hbm>>
        %dma_wait3A_79 = arith.constant 9984 : i32
        %dma_wait3A_80 = arith.constant 0 : i32
        %dma_wait3A_81 = tpu.memref_slice %arg6[%dma_wait3A_79, %dma_wait3A_80] : memref<10000x128xf32, #tpu.memory_space<vmem_shared>> -> memref<16x128xf32, #tpu.memory_space<vmem_shared>>
        tpu.wait_dma2 semaphore(%run_scoped3A : memref<!tpu.dma_semaphore, #tpu.memory_space<semaphore_mem>>) src(%dma_wait3A_81 : memref<16x128xf32, #tpu.memory_space<vmem_shared>>) dst(%dma_wait3A_78 : memref<16x128xf32, #tpu.memory_space<hbm>>)
        tpu.yield
      }) : () -> ()
    } else {
    }
    return
  }
}

module attributes {stable_mosaic.version = 14 : i64} {
  func.func @body(%arg0: i32, %arg1: memref<2x1000x16xf32, #tpu.memory_space<vmem>>, %arg2: memref<2x1000x128xf32, #tpu.memory_space<vmem>>, %arg3: memref<1000x128xf32, #tpu.memory_space<vmem>>, %arg4: memref<1x128xf32, #tpu.memory_space<vmem>>, %arg5: memref<128x32xf32, #tpu.memory_space<vmem>>, %arg6: memref<1x32xf32, #tpu.memory_space<vmem>>, %arg7: memref<1000x32xf32, #tpu.memory_space<vmem>>) attributes {dimension_semantics = [#tpu.dimension_semantics<arbitrary>], iteration_bounds = array<i64: 10>, scalar_prefetch = 0 : i64, scratch_operands = 0 : i64, tpu.core_type = #tpu.core_type<tc>, window_params = [{transform_indices = @transform_0, window_bounds = array<i64: 2, 1000, 16>}, {transform_indices = @transform_1, window_bounds = array<i64: 2, 1000, 128>}, {transform_indices = @transform_2, window_bounds = array<i64: 1000, 128>}, {pipeline_mode = #tpu.pipeline_mode<synchronous>, transform_indices = @transform_3, window_bounds = array<i64: 1, 128>}, {pipeline_mode = #tpu.pipeline_mode<synchronous>, transform_indices = @transform_4, window_bounds = array<i64: 128, 32>}, {pipeline_mode = #tpu.pipeline_mode<synchronous>, transform_indices = @transform_5, window_bounds = array<i64: 1, 32>}, {transform_indices = @transform_6, window_bounds = array<i64: 1000, 32>}]} {
    %get3A = arith.constant 0 : index
    %get3A_0 = arith.constant 0 : index
    %get3A_1 = arith.constant 0 : index
    %get3A_2 = vector.load %arg1[%get3A, %get3A_0, %get3A_1] : memref<2x1000x16xf32, #tpu.memory_space<vmem>>, vector<2x1000x16xf32>
    %slice3A = vector.extract_strided_slice %get3A_2 {offsets = [0, 0, 0], sizes = [1, 1000, 1], strides = [1, 1, 1]} : vector<2x1000x16xf32> to vector<1x1000x1xf32>
    %squeeze3A = vector.shape_cast %slice3A : vector<1x1000x1xf32> to vector<1000x1xf32>
    %slice3A_3 = vector.extract_strided_slice %get3A_2 {offsets = [1, 0, 0], sizes = [1, 1000, 1], strides = [1, 1, 1]} : vector<2x1000x16xf32> to vector<1x1000x1xf32>
    %squeeze3A_4 = vector.shape_cast %slice3A_3 : vector<1x1000x1xf32> to vector<1000x1xf32>
    %add3A = arith.addf %squeeze3A, %squeeze3A_4 : vector<1000x1xf32>
    %add3A_5 = arith.constant 1.000000e+00 : f32
    %add3A_6 = vector.broadcast %add3A_5 : f32 to vector<1000x1xf32>
    %add3A_7 = arith.addf %add3A, %add3A_6 : vector<1000x1xf32>
    %rsqrt3A = math.rsqrt %add3A_7 : vector<1000x1xf32>
    %get3A_8 = arith.constant 0 : index
    %get3A_9 = arith.constant 0 : index
    %get3A_10 = arith.constant 0 : index
    %get3A_11 = vector.load %arg2[%get3A_8, %get3A_9, %get3A_10] : memref<2x1000x128xf32, #tpu.memory_space<vmem>>, vector<2x1000x128xf32>
    %slice3A_12 = vector.extract_strided_slice %get3A_11 {offsets = [0, 0, 0], sizes = [1, 1000, 128], strides = [1, 1, 1]} : vector<2x1000x128xf32> to vector<1x1000x128xf32>
    %squeeze3A_13 = vector.shape_cast %slice3A_12 : vector<1x1000x128xf32> to vector<1000x128xf32>
    %slice3A_14 = vector.extract_strided_slice %get3A_11 {offsets = [1, 0, 0], sizes = [1, 1000, 128], strides = [1, 1, 1]} : vector<2x1000x128xf32> to vector<1x1000x128xf32>
    %squeeze3A_15 = vector.shape_cast %slice3A_14 : vector<1x1000x128xf32> to vector<1000x128xf32>
    %add3A_16 = arith.addf %squeeze3A_13, %squeeze3A_15 : vector<1000x128xf32>
    %get3A_17 = arith.constant 0 : index
    %get3A_18 = arith.constant 0 : index
    %get3A_19 = vector.load %arg3[%get3A_17, %get3A_18] : memref<1000x128xf32, #tpu.memory_space<vmem>>, vector<1000x128xf32>
    %add3A_20 = arith.addf %add3A_16, %get3A_19 : vector<1000x128xf32>
    %mul3A = vector.broadcast %rsqrt3A : vector<1000x1xf32> to vector<1000x128xf32>
    %mul3A_21 = arith.mulf %mul3A, %add3A_20 : vector<1000x128xf32>
    %get3A_22 = arith.constant 0 : index
    %get3A_23 = arith.constant 0 : index
    %get3A_24 = vector.load %arg4[%get3A_22, %get3A_23] : memref<1x128xf32, #tpu.memory_space<vmem>>, vector<1x128xf32>
    %add3A_25 = vector.broadcast %get3A_24 : vector<1x128xf32> to vector<1000x128xf32>
    %add3A_26 = arith.addf %mul3A_21, %add3A_25 : vector<1000x128xf32>
    %max3A = arith.constant 0.000000e+00 : f32
    %max3A_27 = vector.broadcast %max3A : f32 to vector<1000x128xf32>
    %max3A_28 = arith.maximumf %add3A_26, %max3A_27 : vector<1000x128xf32>
    %get3A_29 = arith.constant 0 : index
    %get3A_30 = arith.constant 0 : index
    %get3A_31 = vector.load %arg5[%get3A_29, %get3A_30] : memref<128x32xf32, #tpu.memory_space<vmem>>, vector<128x32xf32>
    %dot_general3A = arith.constant dense<0.000000e+00> : vector<1000x32xf32>
    %dot_general3A_32 = tpu.matmul %max3A_28, %get3A_31, %dot_general3A {dimension_numbers = #tpu.dot_dimension_numbers<[1], [0], [0], [1], [0, 0, 1, 1], [], []>, transpose_lhs_hint = false} : vector<1000x128xf32>, vector<128x32xf32>, vector<1000x32xf32> -> vector<1000x32xf32>
    %get3A_33 = arith.constant 0 : index
    %get3A_34 = arith.constant 0 : index
    %get3A_35 = vector.load %arg6[%get3A_33, %get3A_34] : memref<1x32xf32, #tpu.memory_space<vmem>>, vector<1x32xf32>
    %add3A_36 = vector.broadcast %get3A_35 : vector<1x32xf32> to vector<1000x32xf32>
    %add3A_37 = arith.addf %dot_general3A_32, %add3A_36 : vector<1000x32xf32>
    %swap3A = arith.constant 0 : index
    %swap3A_38 = arith.constant 0 : index
    %swap3A_39 = vector.load %arg7[%swap3A, %swap3A_38] : memref<1000x32xf32, #tpu.memory_space<vmem>>, vector<1000x32xf32>
    tpu.vector_store %arg7[%swap3A, %swap3A_38], %add3A_37 {strides = array<i32>} : memref<1000x32xf32, #tpu.memory_space<vmem>>, vector<1000x32xf32>,
    return
  }
  func.func @transform_0(%arg0: i32) -> (i32, i32, i32) {
    %c0_i32 = arith.constant 0 : i32
    %c0_i32_0 = arith.constant 0 : i32
    %c0_i32_1 = arith.constant 0 : i32
    return %c0_i32, %arg0, %c0_i32_0 : i32, i32, i32
  }
  func.func @transform_1(%arg0: i32) -> (i32, i32, i32) {
    %c0_i32 = arith.constant 0 : i32
    %c0_i32_0 = arith.constant 0 : i32
    %c0_i32_1 = arith.constant 0 : i32
    return %c0_i32, %arg0, %c0_i32_0 : i32, i32, i32
  }
  func.func @transform_2(%arg0: i32) -> (i32, i32) {
    %c0_i32 = arith.constant 0 : i32
    %c0_i32_0 = arith.constant 0 : i32
    return %arg0, %c0_i32 : i32, i32
  }
  func.func @transform_3(%arg0: i32) -> (i32, i32) {
    %c0_i32 = arith.constant 0 : i32
    %c0_i32_0 = arith.constant 0 : i32
    %c0_i32_1 = arith.constant 0 : i32
    return %c0_i32, %c0_i32_0 : i32, i32
  }
  func.func @transform_4(%arg0: i32) -> (i32, i32) {
    %c0_i32 = arith.constant 0 : i32
    %c0_i32_0 = arith.constant 0 : i32
    %c0_i32_1 = arith.constant 0 : i32
    return %c0_i32, %c0_i32_0 : i32, i32
  }
  func.func @transform_5(%arg0: i32) -> (i32, i32) {
    %c0_i32 = arith.constant 0 : i32
    %c0_i32_0 = arith.constant 0 : i32
    %c0_i32_1 = arith.constant 0 : i32
    return %c0_i32, %c0_i32_0 : i32, i32
  }
  func.func @transform_6(%arg0: i32) -> (i32, i32) {
    %c0_i32 = arith.constant 0 : i32
    %c0_i32_0 = arith.constant 0 : i32
    return %arg0, %c0_i32 : i32, i32
  }
}

module attributes {stable_mosaic.version = 14 : i64} {
  func.func @body(%arg0: i32, %arg1: memref<2x1000x16xf32, #tpu.memory_space<vmem>>, %arg2: memref<1000x128xf32, #tpu.memory_space<vmem>>, %arg3: memref<128x128xf32, #tpu.memory_space<vmem>>, %arg4: memref<1000x128xf32, #tpu.memory_space<vmem>>) attributes {dimension_semantics = [#tpu.dimension_semantics<arbitrary>], iteration_bounds = array<i64: 10>, scalar_prefetch = 0 : i64, scratch_operands = 0 : i64, tpu.core_type = #tpu.core_type<tc>, window_params = [{transform_indices = @transform_0, window_bounds = array<i64: 2, 1000, 16>}, {transform_indices = @transform_1, window_bounds = array<i64: 1000, 128>}, {pipeline_mode = #tpu.pipeline_mode<synchronous>, transform_indices = @transform_2, window_bounds = array<i64: 128, 128>}, {transform_indices = @transform_3, window_bounds = array<i64: 1000, 128>}]} {
    %get3A = arith.constant 0 : index
    %get3A_0 = arith.constant 0 : index
    %get3A_1 = arith.constant 0 : index
    %get3A_2 = vector.load %arg1[%get3A, %get3A_0, %get3A_1] : memref<2x1000x16xf32, #tpu.memory_space<vmem>>, vector<2x1000x16xf32>
    %slice3A = vector.extract_strided_slice %get3A_2 {offsets = [0, 0, 0], sizes = [1, 1000, 1], strides = [1, 1, 1]} : vector<2x1000x16xf32> to vector<1x1000x1xf32>
    %squeeze3A = vector.shape_cast %slice3A : vector<1x1000x1xf32> to vector<1000x1xf32>
    %slice3A_3 = vector.extract_strided_slice %get3A_2 {offsets = [1, 0, 0], sizes = [1, 1000, 1], strides = [1, 1, 1]} : vector<2x1000x16xf32> to vector<1x1000x1xf32>
    %squeeze3A_4 = vector.shape_cast %slice3A_3 : vector<1x1000x1xf32> to vector<1000x1xf32>
    %add3A = arith.addf %squeeze3A, %squeeze3A_4 : vector<1000x1xf32>
    %add3A_5 = arith.constant 1.000000e+00 : f32
    %add3A_6 = vector.broadcast %add3A_5 : f32 to vector<1000x1xf32>
    %add3A_7 = arith.addf %add3A, %add3A_6 : vector<1000x1xf32>
    %rsqrt3A = math.rsqrt %add3A_7 : vector<1000x1xf32>
    %get3A_8 = arith.constant 0 : index
    %get3A_9 = arith.constant 0 : index
    %get3A_10 = vector.load %arg2[%get3A_8, %get3A_9] : memref<1000x128xf32, #tpu.memory_space<vmem>>, vector<1000x128xf32>
    %get3A_11 = arith.constant 0 : index
    %get3A_12 = arith.constant 0 : index
    %get3A_13 = vector.load %arg3[%get3A_11, %get3A_12] : memref<128x128xf32, #tpu.memory_space<vmem>>, vector<128x128xf32>
    %dot_general3A = arith.constant dense<0.000000e+00> : vector<1000x128xf32>
    %dot_general3A_14 = tpu.matmul %get3A_10, %get3A_13, %dot_general3A {dimension_numbers = #tpu.dot_dimension_numbers<[1], [0], [0], [1], [0, 0, 1, 1], [], []>, transpose_lhs_hint = false} : vector<1000x128xf32>, vector<128x128xf32>, vector<1000x128xf32> -> vector<1000x128xf32>
    %mul3A = vector.broadcast %rsqrt3A : vector<1000x1xf32> to vector<1000x128xf32>
    %mul3A_15 = arith.mulf %mul3A, %dot_general3A_14 : vector<1000x128xf32>
    %swap3A = arith.constant 0 : index
    %swap3A_16 = arith.constant 0 : index
    %swap3A_17 = vector.load %arg4[%swap3A, %swap3A_16] : memref<1000x128xf32, #tpu.memory_space<vmem>>, vector<1000x128xf32>
    tpu.vector_store %arg4[%swap3A, %swap3A_16], %mul3A_15 {strides = array<i32>} : memref<1000x128xf32, #tpu.memory_space<vmem>>, vector<1000x128xf32>,
    return
  }
  func.func @transform_0(%arg0: i32) -> (i32, i32, i32) {
    %c0_i32 = arith.constant 0 : i32
    %c0_i32_0 = arith.constant 0 : i32
    %c0_i32_1 = arith.constant 0 : i32
    return %c0_i32, %arg0, %c0_i32_0 : i32, i32, i32
  }
  func.func @transform_1(%arg0: i32) -> (i32, i32) {
    %c0_i32 = arith.constant 0 : i32
    %c0_i32_0 = arith.constant 0 : i32
    return %arg0, %c0_i32 : i32, i32
  }
  func.func @transform_2(%arg0: i32) -> (i32, i32) {
    %c0_i32 = arith.constant 0 : i32
    %c0_i32_0 = arith.constant 0 : i32
    %c0_i32_1 = arith.constant 0 : i32
    return %c0_i32, %c0_i32_0 : i32, i32
  }
  func.func @transform_3(%arg0: i32) -> (i32, i32) {
    %c0_i32 = arith.constant 0 : i32
    %c0_i32_0 = arith.constant 0 : i32
    return %arg0, %c0_i32 : i32, i32
  }
}

module attributes {stable_mosaic.version = 14 : i64} {
  func.func @body(%arg0: i32, %arg1: memref<2x1000x16xf32, #tpu.memory_space<vmem>>, %arg2: memref<2x1000x128xf32, #tpu.memory_space<vmem>>, %arg3: memref<1000x128xf32, #tpu.memory_space<vmem>>, %arg4: memref<1x128xf32, #tpu.memory_space<vmem>>, %arg5: memref<128x128xf32, #tpu.memory_space<vmem>>, %arg6: memref<1000x128xf32, #tpu.memory_space<vmem>>) attributes {dimension_semantics = [#tpu.dimension_semantics<arbitrary>], iteration_bounds = array<i64: 10>, scalar_prefetch = 0 : i64, scratch_operands = 0 : i64, tpu.core_type = #tpu.core_type<tc>, window_params = [{transform_indices = @transform_0, window_bounds = array<i64: 2, 1000, 16>}, {transform_indices = @transform_1, window_bounds = array<i64: 2, 1000, 128>}, {transform_indices = @transform_2, window_bounds = array<i64: 1000, 128>}, {pipeline_mode = #tpu.pipeline_mode<synchronous>, transform_indices = @transform_3, window_bounds = array<i64: 1, 128>}, {pipeline_mode = #tpu.pipeline_mode<synchronous>, transform_indices = @transform_4, window_bounds = array<i64: 128, 128>}, {transform_indices = @transform_5, window_bounds = array<i64: 1000, 128>}]} {
    %get3A = arith.constant 0 : index
    %get3A_0 = arith.constant 0 : index
    %get3A_1 = arith.constant 0 : index
    %get3A_2 = vector.load %arg1[%get3A, %get3A_0, %get3A_1] : memref<2x1000x16xf32, #tpu.memory_space<vmem>>, vector<2x1000x16xf32>
    %slice3A = vector.extract_strided_slice %get3A_2 {offsets = [0, 0, 0], sizes = [1, 1000, 1], strides = [1, 1, 1]} : vector<2x1000x16xf32> to vector<1x1000x1xf32>
    %squeeze3A = vector.shape_cast %slice3A : vector<1x1000x1xf32> to vector<1000x1xf32>
    %slice3A_3 = vector.extract_strided_slice %get3A_2 {offsets = [1, 0, 0], sizes = [1, 1000, 1], strides = [1, 1, 1]} : vector<2x1000x16xf32> to vector<1x1000x1xf32>
    %squeeze3A_4 = vector.shape_cast %slice3A_3 : vector<1x1000x1xf32> to vector<1000x1xf32>
    %add3A = arith.addf %squeeze3A, %squeeze3A_4 : vector<1000x1xf32>
    %add3A_5 = arith.constant 1.000000e+00 : f32
    %add3A_6 = vector.broadcast %add3A_5 : f32 to vector<1000x1xf32>
    %add3A_7 = arith.addf %add3A, %add3A_6 : vector<1000x1xf32>
    %rsqrt3A = math.rsqrt %add3A_7 : vector<1000x1xf32>
    %get3A_8 = arith.constant 0 : index
    %get3A_9 = arith.constant 0 : index
    %get3A_10 = arith.constant 0 : index
    %get3A_11 = vector.load %arg2[%get3A_8, %get3A_9, %get3A_10] : memref<2x1000x128xf32, #tpu.memory_space<vmem>>, vector<2x1000x128xf32>
    %slice3A_12 = vector.extract_strided_slice %get3A_11 {offsets = [0, 0, 0], sizes = [1, 1000, 128], strides = [1, 1, 1]} : vector<2x1000x128xf32> to vector<1x1000x128xf32>
    %squeeze3A_13 = vector.shape_cast %slice3A_12 : vector<1x1000x128xf32> to vector<1000x128xf32>
    %slice3A_14 = vector.extract_strided_slice %get3A_11 {offsets = [1, 0, 0], sizes = [1, 1000, 128], strides = [1, 1, 1]} : vector<2x1000x128xf32> to vector<1x1000x128xf32>
    %squeeze3A_15 = vector.shape_cast %slice3A_14 : vector<1x1000x128xf32> to vector<1000x128xf32>
    %add3A_16 = arith.addf %squeeze3A_13, %squeeze3A_15 : vector<1000x128xf32>
    %get3A_17 = arith.constant 0 : index
    %get3A_18 = arith.constant 0 : index
    %get3A_19 = vector.load %arg3[%get3A_17, %get3A_18] : memref<1000x128xf32, #tpu.memory_space<vmem>>, vector<1000x128xf32>
    %add3A_20 = arith.addf %add3A_16, %get3A_19 : vector<1000x128xf32>
    %mul3A = vector.broadcast %rsqrt3A : vector<1000x1xf32> to vector<1000x128xf32>
    %mul3A_21 = arith.mulf %mul3A, %add3A_20 : vector<1000x128xf32>
    %get3A_22 = arith.constant 0 : index
    %get3A_23 = arith.constant 0 : index
    %get3A_24 = vector.load %arg4[%get3A_22, %get3A_23] : memref<1x128xf32, #tpu.memory_space<vmem>>, vector<1x128xf32>
    %add3A_25 = vector.broadcast %get3A_24 : vector<1x128xf32> to vector<1000x128xf32>
    %add3A_26 = arith.addf %mul3A_21, %add3A_25 : vector<1000x128xf32>
    %max3A = arith.constant 0.000000e+00 : f32
    %max3A_27 = vector.broadcast %max3A : f32 to vector<1000x128xf32>
    %max3A_28 = arith.maximumf %add3A_26, %max3A_27 : vector<1000x128xf32>
    %get3A_29 = arith.constant 0 : index
    %get3A_30 = arith.constant 0 : index
    %get3A_31 = vector.load %arg5[%get3A_29, %get3A_30] : memref<128x128xf32, #tpu.memory_space<vmem>>, vector<128x128xf32>
    %dot_general3A = arith.constant dense<0.000000e+00> : vector<1000x128xf32>
    %dot_general3A_32 = tpu.matmul %max3A_28, %get3A_31, %dot_general3A {dimension_numbers = #tpu.dot_dimension_numbers<[1], [0], [0], [1], [0, 0, 1, 1], [], []>, transpose_lhs_hint = false} : vector<1000x128xf32>, vector<128x128xf32>, vector<1000x128xf32> -> vector<1000x128xf32>
    %mul3A_33 = vector.broadcast %rsqrt3A : vector<1000x1xf32> to vector<1000x128xf32>
    %mul3A_34 = arith.mulf %mul3A_33, %dot_general3A_32 : vector<1000x128xf32>
    %swap3A = arith.constant 0 : index
    %swap3A_35 = arith.constant 0 : index
    %swap3A_36 = vector.load %arg6[%swap3A, %swap3A_35] : memref<1000x128xf32, #tpu.memory_space<vmem>>, vector<1000x128xf32>
    tpu.vector_store %arg6[%swap3A, %swap3A_35], %mul3A_34 {strides = array<i32>} : memref<1000x128xf32, #tpu.memory_space<vmem>>, vector<1000x128xf32>,
    return
  }
  func.func @transform_0(%arg0: i32) -> (i32, i32, i32) {
    %c0_i32 = arith.constant 0 : i32
    %c0_i32_0 = arith.constant 0 : i32
    %c0_i32_1 = arith.constant 0 : i32
    return %c0_i32, %arg0, %c0_i32_0 : i32, i32, i32
  }
  func.func @transform_1(%arg0: i32) -> (i32, i32, i32) {
    %c0_i32 = arith.constant 0 : i32
    %c0_i32_0 = arith.constant 0 : i32
    %c0_i32_1 = arith.constant 0 : i32
    return %c0_i32, %arg0, %c0_i32_0 : i32, i32, i32
  }
  func.func @transform_2(%arg0: i32) -> (i32, i32) {
    %c0_i32 = arith.constant 0 : i32
    %c0_i32_0 = arith.constant 0 : i32
    return %arg0, %c0_i32 : i32, i32
  }
  func.func @transform_3(%arg0: i32) -> (i32, i32) {
    %c0_i32 = arith.constant 0 : i32
    %c0_i32_0 = arith.constant 0 : i32
    %c0_i32_1 = arith.constant 0 : i32
    return %c0_i32, %c0_i32_0 : i32, i32
  }
  func.func @transform_4(%arg0: i32) -> (i32, i32) {
    %c0_i32 = arith.constant 0 : i32
    %c0_i32_0 = arith.constant 0 : i32
    %c0_i32_1 = arith.constant 0 : i32
    return %c0_i32, %c0_i32_0 : i32, i32
  }
  func.func @transform_5(%arg0: i32) -> (i32, i32) {
    %c0_i32 = arith.constant 0 : i32
    %c0_i32_0 = arith.constant 0 : i32
    return %arg0, %c0_i32 : i32, i32
  }
}

</mosaic_0001>

<sc_bundles>
// kernel: kernel.10.cloned.1.call-start
scs
__scs_entry_jumppad:
0x0: {  	(pc) =	sbr.rel $0x88, $3  }
0x1: {  	(tag) =	ssettag $0x0;
	lr =	simm.s32 $0x1  }
0x2: {  	[smem:$0x3F97] =	sst lr;
	_ =	strace $0xD0000000  }
0x3: {  	_ = 	snop  }
0x4: {  	_ = 	snop  }
0x5: {  	_ = 	snop  }
0x6: {  	_ = 	snop  }
0x7: {  	_ = 	snop  }
__scs_overlays_trampoline_lowered:
0x8: {  	[smem:$0x3FA6] =	sst s0  }
0x9: {  	[smem:$0x3FA7] =	sst s1  }
0xa: {  	[smem:$0x3FA8] =	sst s2  }
0xb: {  	[smem:$0x3FA9] =	sst s3  }
0xc: {  	[smem:$0x3FAA] =	sst s4  }
0xd: {  	[smem:$0x3FAB] =	sst s5  }
0xe: {  	[smem:$0x3FAC] =	sst s6  }
0xf: {  	[smem:$0x3FAD] =	sst s7  }
0x10: {  	[smem:$0x3FAE] =	sst s8  }
0x11: {  	[smem:$0x3FAF] =	sst s9;
	s0 =	simm.s32 @!p0 $0x0  }
0x12: {  	s1 =	sld [smem:$0x3F95];
	s0 =	simm.s32 @p0 $0x1  }
0x13: {  	[smem:$0x3FB0] =	sst s0;
	s0 =	simm.s32 @!p1 $0x0  }
0x14: {  	s2 =	sld [smem:$0x3F94];
	s0 =	simm.s32 @p1 $0x1  }
0x15: {  	[smem:$0x3FB1] =	sst s0;
	s0 =	simm.s32 @!p2 $0x0  }
0x16: {  	s3 =	sld [smem:$0x3FDB];
	s0 =	simm.s32 @p2 $0x1  }
0x17: {  	s4 =	simm.s32 $0x1BF5;
	[smem:$0x3FB3] =	sst s0  }
0x18: {  	s0 =	sld [smem:$0x3F96];
	_ =	swait.ge [sflag:s4], $0x0  }
0x19: {  	s7 =	sld [smem:$0x3F97]  }
0x1a: {  	s8 =	sadd.s32 $0xFFFFE003, lr  }
0x1b: {  	s9 =	sadd.s32 $0xFFFFFEF7, lr;
	s5 =	simm.s32 $0xFFFFFFFF;
	p2 =	slt.u32 s8, $0xFFFFF086  }
0x1c: {  	p1 =	slt.u32 s9, $0xF7A;
	s5 =	simm.s32 @!p2 $0x0  }
0x1d: {  	s5 =	simm.s32 @p1 $0x1;
	p0 =	seq.s32 s7, s2  }
0x1e: {  	s7 =	smul.u32 @!p0 $0xF7A, s2;
	p2 =	seq.s32 @!p0 s5, $0x0  }
0x1f: {  	s9 =	smul.u32 $0xF7A, s1;
	s8 =	simm.s32 @!p0 $0x1BF5;
	p2 =	por !p2, p0  }
0x20: {  	[sflag:s8] =	ssyncset.s32 @!p0 $0xFFFFF086;
	s6 =	sadd.s32 @!p0 s3, s7;
	s7 =	simm.s32 @!p0 $0x108  }
0x21: {  	s3 =	sadd.s32 s3, s9;
	s6 =	sadd.s32 @!p0 $0x88, s6;
	s7 =	simm.s32 @p2 $0x1082  }
0x22: {  	[simem:s7], [sflag:s8] =	dma.local @!p0 [hbm:s6], $0xF7A  }
0x23: {  	s9 =	sor.u32 $0xD0000000, s2;
	s6 =	simm.s32 $0x108;
	_ =	swait.ge @!p0 [sflag:s8], $0x0  }
0x24: {  	s3 =	sadd.s32 $0x88, s3;
	s6 =	simm.s32 @!p1 $0x1082;
	[sflag:s4] =	ssyncset.s32 $0xFFFFF086  }
0x25: {  	[simem:s6], [sflag:s4] =	dma.local [hbm:s3], $0xF7A  }
0x26: {  	[smem:$0x3F97] =	sst s1;
	(tag) =	ssettag s2;
	_ =	strace s9  }
0x27: {  	s1 =	sld [smem:$0x3FA7]  }
0x28: {  	s2 =	sld [smem:$0x3FA8]  }
0x29: {  	s4 =	sld [smem:$0x3FAA]  }
0x2a: {  	p0 =	seq.s32 s5, $0x0;
	s5 =	sld [smem:$0x3FAB]  }
0x2b: {  	s6 =	sld [smem:$0x3FAC]  }
0x2c: {  	s7 =	sld [smem:$0x3FAD]  }
0x2d: {  	s3 =	simm.s32 $0x108;
	s8 =	sld [smem:$0x3FAE]  }
0x2e: {  	s3 =	simm.s32 @!p0 $0x1082;
	s9 =	sld [smem:$0x3FAF]  }
0x2f: {  	lr =	sadd.s32 s0, s3;
	s0 =	sld [smem:$0x3FA6]  }
0x30: {  	s3 =	sld [smem:$0x3FA9]  }
0x31: {  	[smem:$0x3FB2] =	sst s10  }
0x32: {  	s10 =	sld [smem:$0x3FB0];
	_ =	sdelay $0x3  }
0x33: {  	p0 =	seq.s32 s10, $0x1;
	s10 =	sld [smem:$0x3FB2];
	_ =	sdelay $0x3  }
0x34: {  	[smem:$0x3FB2] =	sst s10  }
0x35: {  	s10 =	sld [smem:$0x3FB1];
	_ =	sdelay $0x3  }
0x36: {  	p1 =	seq.s32 s10, $0x1;
	s10 =	sld [smem:$0x3FB2];
	_ =	sdelay $0x3  }
0x37: {  	[smem:$0x3FB2] =	sst s10  }
0x38: {  	s10 =	sld [smem:$0x3FB3]  }
0x39: {  	_ = 	snop;
	(pc) =	sbr.ind lr, $3  }
0x3a: {  	_ = 	snop  }
0x3b: {  	_ = 	snop  }
0x3c: {  	p2 =	seq.s32 s10, $0x1;
	s10 =	sld [smem:$0x3FB2]  }
0x3d: {  	_ =	shalt  }
0x3e: {  	_ =	shalt  }
0x3f: {  	_ =	shalt  }
0x40: {  	_ =	shalt  }
0x41: {  	_ =	shalt  }
0x42: {  	_ =	shalt  }
0x43: {  	_ =	shalt  }
0x44: {  	_ =	shalt  }
0x45: {  	_ =	shalt  }
0x46: {  	_ =	shalt  }
0x47: {  	_ =	shalt  }
0x48: {  	_ =	shalt  }
0x49: {  	_ =	shalt  }
0x4a: {  	_ =	shalt  }
0x4b: {  	_ =	shalt  }
0x4c: {  	_ =	shalt  }
0x4d: {  	_ =	shalt  }
0x4e: {  	_ =	shalt  }
0x4f: {  	_ =	shalt  }
0x50: {  	_ =	shalt  }
0x51: {  	_ =	shalt  }
0x52: {  	_ =	shalt  }
0x53: {  	_ =	shalt  }
0x54: {  	_ =	shalt  }
0x55: {  	_ =	shalt  }
0x56: {  	_ =	shalt  }
0x57: {  	_ =	shalt  }
0x58: {  	_ =	shalt  }
0x59: {  	_ =	shalt  }
0x5a: {  	_ =	shalt  }
0x5b: {  	_ =	shalt  }
0x5c: {  	_ =	shalt  }
0x5d: {  	_ =	shalt  }
0x5e: {  	_ =	shalt  }
0x5f: {  	_ =	shalt  }
0x60: {  	_ =	shalt  }
0x61: {  	_ =	shalt  }
0x62: {  	_ =	shalt  }
0x63: {  	_ =	shalt  }
0x64: {  	_ =	shalt  }
0x65: {  	_ =	shalt  }
0x66: {  	_ =	shalt  }
0x67: {  	_ =	shalt  }
0x68: {  	_ =	shalt  }
0x69: {  	_ =	shalt  }
0x6a: {  	_ =	shalt  }
0x6b: {  	_ =	shalt  }
0x6c: {  	_ =	shalt  }
0x6d: {  	_ =	shalt  }
0x6e: {  	_ =	shalt  }
0x6f: {  	_ =	shalt  }
0x70: {  	_ =	shalt  }
0x71: {  	_ =	shalt  }
0x72: {  	_ =	shalt  }
0x73: {  	_ =	shalt  }
0x74: {  	_ =	shalt  }
0x75: {  	_ =	shalt  }
0x76: {  	_ =	shalt  }
0x77: {  	_ =	shalt  }
0x78: {  	_ =	shalt  }
0x79: {  	_ =	shalt  }
0x7a: {  	_ =	shalt  }
0x7b: {  	_ =	shalt  }
0x7c: {  	_ =	shalt  }
0x7d: {  	_ =	shalt  }
0x7e: {  	_ =	shalt  }
0x7f: {  	_ =	shalt  }
0x80: {  	_ =	shalt  }
0x81: {  	_ =	shalt  }
0x82: {  	_ =	shalt  }
0x83: {  	_ =	shalt  }
0x84: {  	_ =	shalt  }
0x85: {  	_ =	shalt  }
0x86: {  	_ =	shalt  }
0x87: {  	_ =	shalt  }
.Lfunc_end0:
.L_simem_size_0:
called_computation_lowered:
.L_overlay_start_0:
0x88: {  	s2 =	sld [smem:$0x3FD9]  }
0x89: {  	s3 =	sld [smem:$0x3FFE];
	_ =	sdelay $0x1  }
0x8a: {  	s1 =	srdreg.scid  }
0x8b: {  	s0 =	sand.u32 $0x1, s1  }
0x8c: {  	s16 =	sshll.u32 s0, $0xA;
	s2 =	sadd.s32 s3, s2  }
0x8d: {  	s2 =	sadd.s32 s2, s16  }
0x8e: {  	[smem:$0x3FBE] =	sst s2  }
0x8f: {  	_ = 	snop  }
0x90: {  	(tm) =	ssettm $0x1  }
0x91: {  	s17 =	sld [smem:$0x3FFB];
	_ =	sdelay $0x3  }
0x92: {  	_ =	strace s17  }
0x93: {  	s2 =	sld [smem:$0x3FFC];
	_ =	sdelay $0x3  }
0x94: {  	_ =	strace s2  }
0x95: {  	s2 =	sld [smem:$0x3FFD];
	_ =	sdelay $0x3  }
0x96: {  	_ =	strace s2  }
0x97: {  	_ =	strace $0x8FFFFFFF  }
0x98: {  	s18 =	sld [smem:$0x3FDB];
	_ =	sdelay $0x1  }
0x99: {  	s19 =	simm.s32 $_scs_section_size  }
0x9a: {  	s4 =	simm.s32 $_size__tile_overlayer_lowered;
	s5 =	simm.s32 $_tile_overlayer_lowered  }
0x9b: {  	s22 =	simm.s32 $0x1BFF;
	s21 =	sshll.u32 s5, $0x1;
	s2 =	sadd.s32 s19, s18  }
0x9c: {  	s6 =	simm.s32 $0x0;
	s20 =	sshll.u32 s4, $0x1;
	s4 =	sadd.s32 s21, s2  }
0x9d: {  	[timem:s6], [sflag:s22] =	dma.local [hbm:s4], s20  }
0x9e: {  	_ =	swait.ge [sflag:s22], s20  }
0x9f: {  	s3 =	ssub.s32 $0x0, s20;
	[sflag:s22] =	ssyncset.done $0x0  }
0xa0: {  	[sflag:s22] =	ssyncadd.s32 s3;
	_ =	sdelay $0x1  }
0xa1: {  	s23 =	simm.s32 $0x1B8B  }
0xa2: {  	_ =	swait.ge [sflag:s23], $0x1  }
0xa3: {  	[sflag:s23] =	ssyncset.done $0x0  }
0xa4: {  	s25 =	simm.s32 $0x1B8E;
	s24 =	sld [smem:$0x3FFE];
	[sflag:s23] =	ssyncadd.s32 $0xFFFFFFFF  }
0xa5: {  	s26 =	simm.s32 $execute0_lowered;
	[smem:$0x3FD2] =	sst s25  }
0xa6: {  	s4 =	sshll.u32 s26, $0x1;
	_ =	strace $0x80000046;
	[dreg:$0x1] =	wrdreg $0xFFFFFFFF  }
0xa7: {  	s28 =	simm.s32 $_size_execute0_lowered;
	s2 =	sadd.s32 s2, s4;
	[dreg:$0x0] =	wrdreg $0x0  }
0xa8: {  	s4 =	sshll.u32 s28, $0x1;
	[dreg:$0x2] =	wrdreg s2  }
0xa9: {  	[dreg:$0x3] =	wrdreg s4  }
0xaa: {  	[dreg:$0x4] =	wrdreg $0xC0  }
0xab: {  	_ =	task [dreg:s6], $0x5FFFF  }
0xac: {  	[dreg:$0x1] =	wrdreg $0xFFFFFFFF  }
0xad: {  	[dreg:$0x0] =	wrdreg $0x60  }
0xae: {  	[dreg:$0x2] =	wrdreg s24  }
0xaf: {  	[dreg:$0x3] =	wrdreg $0x0  }
0xb0: {  	[dreg:$0x4] =	wrdreg $0x9  }
0xb1: {  	_ =	task.clear_ibuf [dreg:s6], $0x5FFFF;
	_ =	strace $0x90000046  }
0xb2: {  	s29 =	simm.s32 $0x9;
	_ =	strace $0x80000048  }
0xb3: {  	_ =	swait.ge [sflag:s29], $0x1  }
0xb4: {  	[sflag:s29] =	ssyncadd.s32 $0xFFFFFFFF  }
0xb5: {  	_ =	strace $0x90000048  }
0xb6: {  	_ =	sfence  }
0xb7: {  	s30 =	sld [smem:$0x0];
	_ =	sdelay $0x2  }
0xb8: {  	s31 =	sshll.u32 s1, $0xD;
	s1 =	sshrl.u32 s1, $0x2  }
0xb9: {  	s3 =	sand.u32 $0x4000, s31;
	s1 =	sadd.s32 s1, s30  }
0xba: {  	s0 =	sor.u32 s3, s0;
	s1 =	sshll.u32 s1, $0x11  }
0xbb: {  	s0 =	sor.u32 s1, s0  }
0xbc: {  	s0 =	sadd.s32 $0x8F2B, s0  }
0xbd: {  	[sflag:s0] =	ssyncadd.remote.s32 $0x1  }
0xbe: {  	_ =	sfence.sel $0xFFFF  }
0xbf: {  	[dreg:$0x0] =	wrdreg $0xFFFFFFFF;
	(pc) =	sbr.abs _section_cstart, $3  }
0xc0: {  	[dreg:$0x1] =	wrdreg $0xFFFFFFFF  }
0xc1: {  	_ =	task.clear_ibuf [dreg:s6], $0x2FFFF;
	_ =	strace $0x9FFFFFFF  }
0xc2: {  	(tm) =	ssettm $0x7FFFFFFF  }
0xc3: {  	_ =	shalt  }
tec
execute0_lowered:
.L_overlay_start_1:
0x0: {  	(tag) =	ssettag $0x1  }
0x1: {  	s0 =	rddreg [dreg:$0x0]  }
0x2: {  	s2 =	rddreg [dreg:$0x1]  }
0x3: {  	s3 =	simm.s32 $0x0;
	s1 =	srdreg.scid;
	s8 =	stileid.u32  }
0x4: {  	s28 =	simm.s32 $0x7010;
	s29 =	simm.s32 $0x1;
	s30 =	simm.s32 $0x6F10  }
0x5: {  	s31 =	simm.s32 $0x80;
	[smem:$0x7FF] =	sst s3;
	s4 =	smul.u32 $0x4E000, s8  }
0x6: {  	s1 =	sand.u32 $0x1, s1;
	s5 =	sadd.s32 $0x2E00, s0;
	s15 =	smul.u32 $0x13800, s8  }
0x7: {  	s0 =	sadd.s32 $0xCC00, s0;
	s19 =	sshll.u32 s8, $0x1;
	s18 =	smul.u32 $0x4E20, s8  }
0x8: {  	p0 =	sne.s32 s8, $0xF;
	_ =	strace $0x80000047;
	s6 =	ssub.s32 $0x2, s1  }
0x9: {  	s17 =	smul.u32 $0x138800, s1;
	s7 =	sshrl.u32 s6, $0x1;
	s4 =	sshrl.u32 s4, $0x2  }
0xa: {  	s6 =	ssub.s32 s6, s7;
	s4 =	sadd.s32 s4, s2;
	s7 =	sor.u32 s1, s19  }
0xb: {  	s14 =	sadd.s32 s15, s17;
	s1 =	smul.u32 $0x2710, s1;
	s9 =	sadd.s32 $0x1800, s4  }
0xc: {  	s20 =	sadd.s32 $0x3000, s4;
	s21 =	sadd.s32 $0x4800, s4;
	[dreg:$0x3] =	wrdreg s9  }
0xd: {  	s22 =	sadd.s32 $0x6000, s4;
	s23 =	sadd.s32 $0x7800, s4;
	[dreg:$0x4] =	wrdreg s20  }
0xe: {  	s10 =	sadd.s32 $0x9000, s4;
	s11 =	sadd.s32 $0xA800, s4;
	[dreg:$0x5] =	wrdreg s21  }
0xf: {  	s12 =	sadd.s32 $0xC000, s4;
	s13 =	sadd.s32 $0xD800, s4;
	[dreg:$0x6] =	wrdreg s22  }
0x10: {  	s7 =	smul.u32 $0x2710, s7;
	s14 =	sshrl.u32 s14, $0x3;
	[dreg:$0x7] =	wrdreg s23  }
0x11: {  	s14 =	sadd.s32 s0, s14;
	s22 =	sadd.s32 $0x6800, s15;
	s23 =	sadd.s32 $0xD000, s15  }
0x12: {  	s1 =	sadd.s32 s1, s18;
	s18 =	sadd.s32 $0x10800, s4;
	s20 =	sadd.s32 $0x12000, s4  }
0x13: {  	s24 =	sadd.s32 s17, s22;
	s16 =	sadd.s32 s17, s23;
	s17 =	sshrl.u32 s17, $0x3  }
0x14: {  	s7 =	sshrl.u32 s7, $0x3;
	s1 =	sshrl.u32 s1, $0x3;
	s25 =	sadd.s32 s22, s2  }
0x15: {  	s26 =	sadd.s32 s23, s2;
	s23 =	smax.u32 s6, $0x1;
	s15 =	sshrl.u32 s24, $0x3  }
0x16: {  	s16 =	sshrl.u32 s16, $0x3;
	s7 =	sadd.s32 s5, s7;
	s19 =	sadd.s32 s1, s5  }
0x17: {  	s24 =	sshrl.u32 s25, $0x3;
	s25 =	sshrl.u32 s26, $0x3;
	s26 =	sadd.s32 $0x138000, s2  }
0x18: {  	s1 =	simm.s32 $0x6F90;
	s5 =	simm.s32 $0x0;
	s15 =	sadd.s32 s0, s15  }
0x19: {  	s16 =	sadd.s32 s0, s16;
	s0 =	sadd.s32 s0, s17;
	s17 =	sadd.s32 $0xF000, s4  }
0x1a: {  	v0 =	vimm.f32 $0.0e+00;
	v1 =	vimm.f32 $1.000000000e+00;
	s21 =	sadd.s32 $0x4E0, s7;
	s22 =	sadd.s32 $0x27000, s0;
	s0 =	simm.s32 $0x2710  }
.LBB2_1:
0x1b: {  	[tilespmem:$0x7010] =	vst v0  }
0x1c: {  	[tilespmem:$0x7090] =	vst v0  }
0x1d: {  	[tilespmem:$0x7110] =	vst v0  }
0x1e: {  	[tilespmem:$0x7190] =	vst v0  }
0x1f: {  	[tilespmem:$0x7210] =	vst v0  }
0x20: {  	[tilespmem:$0x7290] =	vst v0  }
0x21: {  	[tilespmem:$0x7310] =	vst v0  }
0x22: {  	[tilespmem:$0x7390] =	vst v0  }
0x23: {  	[tilespmem:$0x7410] =	vst v0  }
0x24: {  	[tilespmem:$0x7490] =	vst v0  }
0x25: {  	[tilespmem:$0x7510] =	vst v0  }
0x26: {  	[tilespmem:$0x7590] =	vst v0  }
0x27: {  	[tilespmem:$0x7610] =	vst v0  }
0x28: {  	[tilespmem:$0x7690] =	vst v0  }
0x29: {  	[tilespmem:$0x7710] =	vst v0  }
0x2a: {  	[tilespmem:$0x7790] =	vst v0  }
0x2b: {  	[tilespmem:$0x7810] =	vst v0  }
0x2c: {  	[tilespmem:$0x7890] =	vst v0  }
0x2d: {  	[tilespmem:$0x7910] =	vst v0  }
0x2e: {  	[tilespmem:$0x7990] =	vst v0  }
0x2f: {  	[tilespmem:$0x7A10] =	vst v0  }
0x30: {  	[tilespmem:$0x7A90] =	vst v0  }
0x31: {  	[tilespmem:$0x7B10] =	vst v0  }
0x32: {  	[tilespmem:$0x7B90] =	vst v0  }
0x33: {  	[tilespmem:$0x7C10] =	vst v0  }
0x34: {  	[tilespmem:$0x7C90] =	vst v0  }
0x35: {  	[tilespmem:$0x7D10] =	vst v0  }
0x36: {  	[tilespmem:$0x7D90] =	vst v0  }
0x37: {  	[tilespmem:$0x7E10] =	vst v0  }
0x38: {  	[tilespmem:$0x7E90] =	vst v0  }
0x39: {  	[tilespmem:$0x7F10] =	vst v0  }
0x3a: {  	[tilespmem:$0x7F90] =	vst v0  }
0x3b: {  	[tilespmem:$0x8010] =	vst v0  }
0x3c: {  	[tilespmem:$0x8090] =	vst v0  }
0x3d: {  	[tilespmem:$0x8110] =	vst v0  }
0x3e: {  	[tilespmem:$0x8190] =	vst v0  }
0x3f: {  	[tilespmem:$0x8210] =	vst v0  }
0x40: {  	[tilespmem:$0x8290] =	vst v0  }
0x41: {  	[tilespmem:$0x8310] =	vst v0  }
0x42: {  	[tilespmem:$0x8390] =	vst v0  }
0x43: {  	[tilespmem:$0x8410] =	vst v0  }
0x44: {  	[tilespmem:$0x8490] =	vst v0  }
0x45: {  	[tilespmem:$0x8510] =	vst v0  }
0x46: {  	[tilespmem:$0x8590] =	vst v0  }
0x47: {  	[tilespmem:$0x8610] =	vst v0  }
0x48: {  	[tilespmem:$0x8690] =	vst v0  }
0x49: {  	[tilespmem:$0x8710] =	vst v0  }
0x4a: {  	[tilespmem:$0x8790] =	vst v0;
	s6 =	simm.s32 $0x200;
	s7 =	simm.s32 $0x0  }
.LBB2_2:
0x4b: {  	p1 =	sne.s32 s6, $0xFE00;
	[tilespmem:s7+$0x2710] =	vst v1;
	s7 =	smov.u32 s6;
	s6 =	sadd.s32 $0x200, s6  }
.Ltmp0:
0x4c: {  	(pc) =	sbr.rel @p1 .LBB2_2-.Ltmp0, $2  }
0x4d: {  	_ =	sdelay $0x2  }
0x4e: {  	s7 =	sshra.s32 s7, $0x2  }
0x4f: {  	[tilespmem:s7+$0x2710] =	vst v1  }
0x50: {  	[tilespmem:$0x6710] =	vst v1  }
0x51: {  	[tilespmem:$0x6790] =	vst v1  }
0x52: {  	[tilespmem:$0x6810] =	vst v1  }
0x53: {  	[tilespmem:$0x6890] =	vst v1  }
0x54: {  	[tilespmem:$0x6910] =	vst v1  }
0x55: {  	[tilespmem:$0x6990] =	vst v1  }
0x56: {  	[tilespmem:$0x6A10] =	vst v1  }
0x57: {  	[tilespmem:$0x6A90] =	vst v1  }
0x58: {  	[tilespmem:$0x6B10] =	vst v1  }
0x59: {  	[tilespmem:$0x6B90] =	vst v1  }
0x5a: {  	[tilespmem:$0x6C10] =	vst v1  }
0x5b: {  	[tilespmem:$0x6C90] =	vst v1  }
0x5c: {  	[tilespmem:$0x6D10] =	vst v1  }
0x5d: {  	[tilespmem:$0x6D90] =	vst v1  }
0x5e: {  	[tilespmem:$0x6E10] =	vst v1  }
0x5f: {  	[tilespmem:$0x6E90] =	vst v1  }
0x60: {  	[spmem:s4] =	stream.linear.scatter [tilespmem:s28], [sflag:$0x1], $0x1800, $0x38;
	[tilespmem:$0x8810] =	vst v63  }
0x61: {  	_ =	swait.ge [sflag:s29], $0x1800  }
0x62: {  	[sflag:s29] =	ssyncset.done $0x0  }
0x63: {  	s6 =	rddreg [dreg:$0x3];
	[sflag:s29] =	ssyncadd.s32 $0xFFFFE800  }
0x64: {  	[spmem:s6] =	stream.linear.scatter [tilespmem:s28], [sflag:$0x1], $0x1800, $0x38;
	[tilespmem:$0x8810] =	vst v63  }
0x65: {  	_ =	swait.ge [sflag:s29], $0x1800  }
0x66: {  	[sflag:s29] =	ssyncset.done $0x0  }
0x67: {  	s8 =	rddreg [dreg:$0x4];
	[sflag:s29] =	ssyncadd.s32 $0xFFFFE800  }
0x68: {  	[spmem:s8] =	stream.linear.scatter [tilespmem:s28], [sflag:$0x1], $0x1800, $0x38;
	[tilespmem:$0x8810] =	vst v63  }
0x69: {  	_ =	swait.ge [sflag:s29], $0x1800  }
0x6a: {  	[sflag:s29] =	ssyncset.done $0x0  }
0x6b: {  	s9 =	rddreg [dreg:$0x5];
	[sflag:s29] =	ssyncadd.s32 $0xFFFFE800  }
0x6c: {  	[spmem:s9] =	stream.linear.scatter [tilespmem:s28], [sflag:$0x1], $0x1800, $0x38;
	[tilespmem:$0x8810] =	vst v63  }
0x6d: {  	_ =	swait.ge [sflag:s29], $0x1800  }
0x6e: {  	[sflag:s29] =	ssyncset.done $0x0  }
0x6f: {  	s7 =	rddreg [dreg:$0x6];
	[sflag:s29] =	ssyncadd.s32 $0xFFFFE800  }
0x70: {  	[spmem:s7] =	stream.linear.scatter [tilespmem:s28], [sflag:$0x1], $0x1800, $0x38;
	[tilespmem:$0x8810] =	vst v63  }
0x71: {  	_ =	swait.ge [sflag:s29], $0x1800  }
0x72: {  	[sflag:s29] =	ssyncset.done $0x0  }
0x73: {  	s8 =	rddreg [dreg:$0x7];
	[sflag:s29] =	ssyncadd.s32 $0xFFFFE800  }
0x74: {  	[spmem:s8] =	stream.linear.scatter [tilespmem:s28], [sflag:$0x1], $0x1800, $0x38;
	[tilespmem:$0x8810] =	vst v63  }
0x75: {  	_ =	swait.ge [sflag:s29], $0x1800  }
0x76: {  	[sflag:s29] =	ssyncset.done $0x0  }
0x77: {  	[sflag:s29] =	ssyncadd.s32 $0xFFFFE800  }
0x78: {  	[spmem:s10] =	stream.linear.scatter [tilespmem:s28], [sflag:$0x1], $0x1800, $0x38;
	[tilespmem:$0x8810] =	vst v63  }
0x79: {  	_ =	swait.ge [sflag:s29], $0x1800  }
0x7a: {  	[sflag:s29] =	ssyncset.done $0x0  }
0x7b: {  	[sflag:s29] =	ssyncadd.s32 $0xFFFFE800  }
0x7c: {  	[spmem:s11] =	stream.linear.scatter [tilespmem:s28], [sflag:$0x1], $0x1800, $0x38;
	[tilespmem:$0x8810] =	vst v63  }
0x7d: {  	_ =	swait.ge [sflag:s29], $0x1800  }
0x7e: {  	[sflag:s29] =	ssyncset.done $0x0  }
0x7f: {  	[sflag:s29] =	ssyncadd.s32 $0xFFFFE800  }
0x80: {  	[spmem:s12] =	stream.linear.scatter [tilespmem:s28], [sflag:$0x1], $0x1800, $0x38;
	[tilespmem:$0x8810] =	vst v63  }
0x81: {  	_ =	swait.ge [sflag:s29], $0x1800  }
0x82: {  	[sflag:s29] =	ssyncset.done $0x0  }
0x83: {  	[sflag:s29] =	ssyncadd.s32 $0xFFFFE800  }
0x84: {  	[spmem:s13] =	stream.linear.scatter [tilespmem:s28], [sflag:$0x1], $0x1800, $0x38;
	[tilespmem:$0x8810] =	vst v63  }
0x85: {  	_ =	swait.ge [sflag:s29], $0x1800  }
0x86: {  	[sflag:s29] =	ssyncset.done $0x0  }
0x87: {  	[sflag:s29] =	ssyncadd.s32 $0xFFFFE800  }
0x88: {  	[spmem:s17] =	stream.linear.scatter [tilespmem:s28], [sflag:$0x1], $0x1800, $0x38;
	[tilespmem:$0x8810] =	vst v63  }
0x89: {  	_ =	swait.ge [sflag:s29], $0x1800  }
0x8a: {  	[sflag:s29] =	ssyncset.done $0x0  }
0x8b: {  	[sflag:s29] =	ssyncadd.s32 $0xFFFFE800  }
0x8c: {  	[spmem:s18] =	stream.linear.scatter [tilespmem:s28], [sflag:$0x1], $0x1800, $0x38;
	[tilespmem:$0x8810] =	vst v63  }
0x8d: {  	_ =	swait.ge [sflag:s29], $0x1800  }
0x8e: {  	[sflag:s29] =	ssyncset.done $0x0  }
0x8f: {  	[sflag:s29] =	ssyncadd.s32 $0xFFFFE800  }
0x90: {  	[spmem:s20] =	stream.linear.scatter [tilespmem:s28], [sflag:$0x1], $0x1800, $0x38;
	[tilespmem:$0x8810] =	vst v63  }
0x91: {  	_ =	swait.ge [sflag:s29], $0x1800  }
0x92: {  	[sflag:s29] =	ssyncset.done $0x0  }
0x93: {  	s6 =	simm.s32 @!p0 $0x7010;
	[sflag:s29] =	ssyncadd.s32 $0xFFFFE800  }
0x94: {  	[spmem:s26] =	stream.linear.scatter @!p0 [tilespmem:s6], [sflag:$0x1], $0x800, $0x38;
	[tilespmem:$0x8810] =	vst v63  }
0x95: {  	s6 =	simm.s32 @!p0 $0x1  }
0x96: {  	_ =	swait.ge @!p0 [sflag:s6], $0x800  }
0x97: {  	[sflag:s6] =	ssyncset.done @!p0 $0x0  }
0x98: {  	[sflag:s6] =	ssyncadd.s32 @!p0 $0xFFFFF800  }
0x99: {  	s9 =	sadd.s32 $0x0, s19;
	[bflag:$0x0] =	sbarrier.arrive $0xFFFF  }
0x9a: {  	[tilespmem:s30], [sflag:$0x1] =	stream.linear.gather [hbm4b:s9+s3], $0x80, $0x38;
	[tilespmem:$0x8810] =	vst v63  }
0x9b: {  	_ =	swait.ge [sflag:s29], $0x80  }
0x9c: {  	[sflag:s29] =	ssyncset.done $0x0  }
0x9d: {  	[sflag:s29] =	ssyncadd.s32 $0xFFFFFF80  }
0x9e: {  	[spmem:s2] =	stream.indirect.scatter.add.f32 [tilespmem:s0], [sflag:$0x1], $0x10, s30, s31, $0xb8;
	[tilespmem:$0x8810] =	vst v63  }
0x9f: {  	_ =	swait.ge [sflag:s29], $0x800  }
0xa0: {  	s7 =	simm.s32 $0x20;
	s6 =	simm.s32 $0x10;
	[sflag:s29] =	ssyncset.done $0x0  }
.LBB2_4:
0xa1: {  	s8 =	sadd.s32 s6, s19  }
0xa2: {  	[sflag:s29] =	ssyncadd.s32 $0xFFFFF800;
	s6 =	smov.u32 s7;
	s9 =	sadd.s32 $0x10, s7  }
0xa3: {  	[tilespmem:s30], [sflag:$0x1] =	stream.linear.gather [hbm4b:s8+s3], $0x80, $0x38;
	[tilespmem:$0x8810] =	vst v63  }
0xa4: {  	p1 =	sne.s32 s7, $0x4D0;
	_ =	swait.ge [sflag:s29], $0x80  }
.Ltmp1:
0xa5: {  	[sflag:s29] =	ssyncset.done $0x0;
	(pc) =	sbr.rel @p1 .LBB2_4-.Ltmp1, $4  }
0xa6: {  	[sflag:s29] =	ssyncadd.s32 $0xFFFFFF80  }
0xa7: {  	[spmem:s2] =	stream.indirect.scatter.add.f32 [tilespmem:s0], [sflag:$0x1], $0x10, s30, s31, $0xb8;
	[tilespmem:$0x8810] =	vst v63  }
0xa8: {  	_ =	swait.ge [sflag:s29], $0x800  }
0xa9: {  	s7 =	smov.u32 s9;
	[sflag:s29] =	ssyncset.done $0x0  }
0xaa: {  	s6 =	sadd.s32 s6, s19;
	[sflag:s29] =	ssyncadd.s32 $0xFFFFF800  }
0xab: {  	[tilespmem:s30], [sflag:$0x1] =	stream.linear.gather [hbm4b:s6+s3], $0x80, $0x38;
	[tilespmem:$0x8810] =	vst v63  }
0xac: {  	_ =	swait.ge [sflag:s29], $0x80  }
0xad: {  	[sflag:s29] =	ssyncset.done $0x0  }
0xae: {  	[sflag:s29] =	ssyncadd.s32 $0xFFFFFF80  }
0xaf: {  	[spmem:s2] =	stream.indirect.scatter.add.f32 [tilespmem:s0], [sflag:$0x1], $0x10, s30, s31, $0xb8;
	[tilespmem:$0x8810] =	vst v63  }
0xb0: {  	_ =	swait.ge [sflag:s29], $0x800  }
0xb1: {  	[sflag:s29] =	ssyncset.done $0x0  }
0xb2: {  	[sflag:s29] =	ssyncadd.s32 $0xFFFFF800  }
0xb3: {  	[tilespmem:s1], [sflag:$0x1] =	stream.linear.gather [hbm4b:s21+s3], $0x10, $0x38;
	[tilespmem:$0x8810] =	vst v63  }
0xb4: {  	_ =	swait.ge [sflag:s29], $0x10  }
0xb5: {  	[sflag:s29] =	ssyncset.done $0x0  }
0xb6: {  	s9 =	simm.s32 $0x10;
	s7 =	simm.s32 $0x6710;
	[sflag:s29] =	ssyncadd.s32 $0xFFFFFFF0  }
0xb7: {  	[spmem:s2] =	stream.indirect.scatter.add.f32 [tilespmem:s7], [sflag:$0x1], $0x10, s1, s9, $0xb8;
	[tilespmem:$0x8810] =	vst v63  }
0xb8: {  	_ =	swait.ge [sflag:s29], $0x100  }
0xb9: {  	s8 =	stileid.u32;
	[sflag:s29] =	ssyncset.done $0x0  }
0xba: {  	s6 =	sshll.u32 s8, $0x6;
	[sflag:s29] =	ssyncadd.s32 $0xFFFFFF00  }
0xbb: {  	s6 =	sor.u32 $0x1C01, s6;
	s9 =	sshrl.u32 s4, $0x3;
	[bflag:$0x0] =	sbarrier.arrive $0xFFFF  }
0xbc: {  	[hbm:s14], [sflag:s6] =	dma.local [spmem:s9], $0xD00  }
0xbd: {  	_ =	swait.ge [sflag:s29], $0xD00  }
0xbe: {  	[sflag:s29] =	ssyncset.done $0x0  }
0xbf: {  	[sflag:s29] =	ssyncadd.s32 $0xFFFFF300  }
0xc0: {  	[hbm:s15], [sflag:s6] =	dma.local [spmem:s24], $0xD00  }
0xc1: {  	_ =	swait.ge [sflag:s29], $0xD00  }
0xc2: {  	[sflag:s29] =	ssyncset.done $0x0  }
0xc3: {  	[sflag:s29] =	ssyncadd.s32 $0xFFFFF300  }
0xc4: {  	[hbm:s16], [sflag:s6] =	dma.local [spmem:s25], $0xD00  }
0xc5: {  	_ =	swait.ge [sflag:s29], $0xD00  }
0xc6: {  	s5 =	sadd.s32 $0x1, s5;
	[sflag:s29] =	ssyncset.done $0x0  }
0xc7: {  	p1 =	sne.s32 s5, s23;
	s7 =	sshrl.u32 @!p0 s26, $0x3;
	[sflag:s29] =	ssyncadd.s32 $0xFFFFF300  }
0xc8: {  	[hbm:s22], [sflag:s6] =	dma.local @!p0 [spmem:s7], $0x100  }
.Ltmp2:
0xc9: {  	_ = 	snop;
	(pc) =	sbr.rel @p1 .LBB2_1-.Ltmp2, $4  }
0xca: {  	s6 =	simm.s32 @!p0 $0x1  }
0xcb: {  	_ =	swait.ge @!p0 [sflag:s6], $0x100  }
0xcc: {  	[sflag:s6] =	ssyncset.done @!p0 $0x0  }
0xcd: {  	[sflag:s6] =	ssyncadd.s32 @!p0 $0xFFFFFF00  }
0xce: {  	_ =	sfence.sel $0x180000  }
0xcf: {  	[bflag:$0x0] =	sbarrier.arrive $0xFFFF  }
0xd0: {  	_ =	strace $0x90000047  }
0xd1: {  	s0 =	stileid.u32;
	[bflag:$0x2] =	sbarrier.arrive $0xFFFF  }
0xd2: {  	p0 =	sne.s32 s0, $0x0;
	s0 =	rddreg [dreg:$0x2]  }
0xd3: {  	s0 =	sadd.s32 @!p0 $0x100000, s0  }
0xd4: {  	[sflag:s0] =	ssyncadd.tile.s32 @!p0 $0x1;
	_ =	shalt  }
.Lfunc_end2:
_tile_overlayer_lowered:
.L_overlay_start_2:
0xd5: {  	(tag) =	ssettag $0x2  }
0xd6: {  	s0 =	rddreg [dreg:$0x0];
	s2 =	stileid.u32  }
0xd7: {  	s1 =	rddreg [dreg:$0x1];
	p0 =	sne.s32 s2, $0x0  }
0xd8: {  	s3 =	rddreg [dreg:$0x2];
	[bflag:$0x3] =	sbarrier.arrive $0xFFFF;
	s2 =	simm.s32 @!p0 $0x1C01  }
0xd9: {  	[timem:s3], [sflag:s2] =	dma.local @!p0 [hbm:s0], s1  }
0xda: {  	s0 =	simm.s32 @!p0 $0x1  }
0xdb: {  	_ =	swait.ge @!p0 [sflag:s0], s1  }
0xdc: {  	s1 =	ssub.s32 @!p0 $0x0, s1;
	[sflag:s0] =	ssyncset.done @!p0 $0x0  }
0xdd: {  	[sflag:s0] =	ssyncadd.s32 @!p0 s1  }
0xde: {  	[bflag:$0x3] =	sbarrier.arrive $0xFFFF  }
0xdf: {  	_ =	shalt  }

// kernel: kernel.13.cloned.1.call-start
scs
__scs_entry_jumppad:
0x0: {  	(pc) =	sbr.rel $0x88, $3  }
0x1: {  	(tag) =	ssettag $0x0;
	lr =	simm.s32 $0x1  }
0x2: {  	[smem:$0x3F97] =	sst lr;
	_ =	strace $0xD0000000  }
0x3: {  	_ = 	snop  }
0x4: {  	_ = 	snop  }
0x5: {  	_ = 	snop  }
0x6: {  	_ = 	snop  }
0x7: {  	_ = 	snop  }
__scs_overlays_trampoline_lowered:
0x8: {  	[smem:$0x3FA6] =	sst s0  }
0x9: {  	[smem:$0x3FA7] =	sst s1  }
0xa: {  	[smem:$0x3FA8] =	sst s2  }
0xb: {  	[smem:$0x3FA9] =	sst s3  }
0xc: {  	[smem:$0x3FAA] =	sst s4  }
0xd: {  	[smem:$0x3FAB] =	sst s5  }
0xe: {  	[smem:$0x3FAC] =	sst s6  }
0xf: {  	[smem:$0x3FAD] =	sst s7  }
0x10: {  	[smem:$0x3FAE] =	sst s8  }
0x11: {  	[smem:$0x3FAF] =	sst s9;
	s0 =	simm.s32 @!p0 $0x0  }
0x12: {  	s1 =	sld [smem:$0x3F95];
	s0 =	simm.s32 @p0 $0x1  }
0x13: {  	[smem:$0x3FB0] =	sst s0;
	s0 =	simm.s32 @!p1 $0x0  }
0x14: {  	s2 =	sld [smem:$0x3F94];
	s0 =	simm.s32 @p1 $0x1  }
0x15: {  	[smem:$0x3FB1] =	sst s0;
	s0 =	simm.s32 @!p2 $0x0  }
0x16: {  	s3 =	sld [smem:$0x3FDB];
	s0 =	simm.s32 @p2 $0x1  }
0x17: {  	s4 =	simm.s32 $0x1BF5;
	[smem:$0x3FB3] =	sst s0  }
0x18: {  	s0 =	sld [smem:$0x3F96];
	_ =	swait.ge [sflag:s4], $0x0  }
0x19: {  	s7 =	sld [smem:$0x3F97]  }
0x1a: {  	s8 =	sadd.s32 $0xFFFFE003, lr  }
0x1b: {  	s9 =	sadd.s32 $0xFFFFFEF7, lr;
	s5 =	simm.s32 $0xFFFFFFFF;
	p2 =	slt.u32 s8, $0xFFFFF086  }
0x1c: {  	p1 =	slt.u32 s9, $0xF7A;
	s5 =	simm.s32 @!p2 $0x0  }
0x1d: {  	s5 =	simm.s32 @p1 $0x1;
	p0 =	seq.s32 s7, s2  }
0x1e: {  	s7 =	smul.u32 @!p0 $0xF7A, s2;
	p2 =	seq.s32 @!p0 s5, $0x0  }
0x1f: {  	s9 =	smul.u32 $0xF7A, s1;
	s8 =	simm.s32 @!p0 $0x1BF5;
	p2 =	por !p2, p0  }
0x20: {  	[sflag:s8] =	ssyncset.s32 @!p0 $0xFFFFF086;
	s6 =	sadd.s32 @!p0 s3, s7;
	s7 =	simm.s32 @!p0 $0x108  }
0x21: {  	s3 =	sadd.s32 s3, s9;
	s6 =	sadd.s32 @!p0 $0x88, s6;
	s7 =	simm.s32 @p2 $0x1082  }
0x22: {  	[simem:s7], [sflag:s8] =	dma.local @!p0 [hbm:s6], $0xF7A  }
0x23: {  	s9 =	sor.u32 $0xD0000000, s2;
	s6 =	simm.s32 $0x108;
	_ =	swait.ge @!p0 [sflag:s8], $0x0  }
0x24: {  	s3 =	sadd.s32 $0x88, s3;
	s6 =	simm.s32 @!p1 $0x1082;
	[sflag:s4] =	ssyncset.s32 $0xFFFFF086  }
0x25: {  	[simem:s6], [sflag:s4] =	dma.local [hbm:s3], $0xF7A  }
0x26: {  	[smem:$0x3F97] =	sst s1;
	(tag) =	ssettag s2;
	_ =	strace s9  }
0x27: {  	s1 =	sld [smem:$0x3FA7]  }
0x28: {  	s2 =	sld [smem:$0x3FA8]  }
0x29: {  	s4 =	sld [smem:$0x3FAA]  }
0x2a: {  	p0 =	seq.s32 s5, $0x0;
	s5 =	sld [smem:$0x3FAB]  }
0x2b: {  	s6 =	sld [smem:$0x3FAC]  }
0x2c: {  	s7 =	sld [smem:$0x3FAD]  }
0x2d: {  	s3 =	simm.s32 $0x108;
	s8 =	sld [smem:$0x3FAE]  }
0x2e: {  	s3 =	simm.s32 @!p0 $0x1082;
	s9 =	sld [smem:$0x3FAF]  }
0x2f: {  	lr =	sadd.s32 s0, s3;
	s0 =	sld [smem:$0x3FA6]  }
0x30: {  	s3 =	sld [smem:$0x3FA9]  }
0x31: {  	[smem:$0x3FB2] =	sst s10  }
0x32: {  	s10 =	sld [smem:$0x3FB0];
	_ =	sdelay $0x3  }
0x33: {  	p0 =	seq.s32 s10, $0x1;
	s10 =	sld [smem:$0x3FB2];
	_ =	sdelay $0x3  }
0x34: {  	[smem:$0x3FB2] =	sst s10  }
0x35: {  	s10 =	sld [smem:$0x3FB1];
	_ =	sdelay $0x3  }
0x36: {  	p1 =	seq.s32 s10, $0x1;
	s10 =	sld [smem:$0x3FB2];
	_ =	sdelay $0x3  }
0x37: {  	[smem:$0x3FB2] =	sst s10  }
0x38: {  	s10 =	sld [smem:$0x3FB3]  }
0x39: {  	_ = 	snop;
	(pc) =	sbr.ind lr, $3  }
0x3a: {  	_ = 	snop  }
0x3b: {  	_ = 	snop  }
0x3c: {  	p2 =	seq.s32 s10, $0x1;
	s10 =	sld [smem:$0x3FB2]  }
0x3d: {  	_ =	shalt  }
0x3e: {  	_ =	shalt  }
0x3f: {  	_ =	shalt  }
0x40: {  	_ =	shalt  }
0x41: {  	_ =	shalt  }
0x42: {  	_ =	shalt  }
0x43: {  	_ =	shalt  }
0x44: {  	_ =	shalt  }
0x45: {  	_ =	shalt  }
0x46: {  	_ =	shalt  }
0x47: {  	_ =	shalt  }
0x48: {  	_ =	shalt  }
0x49: {  	_ =	shalt  }
0x4a: {  	_ =	shalt  }
0x4b: {  	_ =	shalt  }
0x4c: {  	_ =	shalt  }
0x4d: {  	_ =	shalt  }
0x4e: {  	_ =	shalt  }
0x4f: {  	_ =	shalt  }
0x50: {  	_ =	shalt  }
0x51: {  	_ =	shalt  }
0x52: {  	_ =	shalt  }
0x53: {  	_ =	shalt  }
0x54: {  	_ =	shalt  }
0x55: {  	_ =	shalt  }
0x56: {  	_ =	shalt  }
0x57: {  	_ =	shalt  }
0x58: {  	_ =	shalt  }
0x59: {  	_ =	shalt  }
0x5a: {  	_ =	shalt  }
0x5b: {  	_ =	shalt  }
0x5c: {  	_ =	shalt  }
0x5d: {  	_ =	shalt  }
0x5e: {  	_ =	shalt  }
0x5f: {  	_ =	shalt  }
0x60: {  	_ =	shalt  }
0x61: {  	_ =	shalt  }
0x62: {  	_ =	shalt  }
0x63: {  	_ =	shalt  }
0x64: {  	_ =	shalt  }
0x65: {  	_ =	shalt  }
0x66: {  	_ =	shalt  }
0x67: {  	_ =	shalt  }
0x68: {  	_ =	shalt  }
0x69: {  	_ =	shalt  }
0x6a: {  	_ =	shalt  }
0x6b: {  	_ =	shalt  }
0x6c: {  	_ =	shalt  }
0x6d: {  	_ =	shalt  }
0x6e: {  	_ =	shalt  }
0x6f: {  	_ =	shalt  }
0x70: {  	_ =	shalt  }
0x71: {  	_ =	shalt  }
0x72: {  	_ =	shalt  }
0x73: {  	_ =	shalt  }
0x74: {  	_ =	shalt  }
0x75: {  	_ =	shalt  }
0x76: {  	_ =	shalt  }
0x77: {  	_ =	shalt  }
0x78: {  	_ =	shalt  }
0x79: {  	_ =	shalt  }
0x7a: {  	_ =	shalt  }
0x7b: {  	_ =	shalt  }
0x7c: {  	_ =	shalt  }
0x7d: {  	_ =	shalt  }
0x7e: {  	_ =	shalt  }
0x7f: {  	_ =	shalt  }
0x80: {  	_ =	shalt  }
0x81: {  	_ =	shalt  }
0x82: {  	_ =	shalt  }
0x83: {  	_ =	shalt  }
0x84: {  	_ =	shalt  }
0x85: {  	_ =	shalt  }
0x86: {  	_ =	shalt  }
0x87: {  	_ =	shalt  }
.Lfunc_end0:
.L_simem_size_0:
called_computation.1_lowered:
.L_overlay_start_0:
0x88: {  	s2 =	sld [smem:$0x3FD9]  }
0x89: {  	s3 =	sld [smem:$0x3FFE];
	_ =	sdelay $0x1  }
0x8a: {  	s1 =	srdreg.scid  }
0x8b: {  	s0 =	sand.u32 $0x1, s1  }
0x8c: {  	s17 =	sshll.u32 s0, $0xA;
	s2 =	sadd.s32 s3, s2  }
0x8d: {  	s2 =	sadd.s32 s2, s17  }
0x8e: {  	[smem:$0x3FBE] =	sst s2  }
0x8f: {  	_ = 	snop  }
0x90: {  	s2 =	sld [smem:$0x3FD0];
	(tm) =	ssettm $0x1  }
0x91: {  	s18 =	sld [smem:$0x3FFB];
	_ =	sdelay $0x3  }
0x92: {  	_ =	strace s18  }
0x93: {  	s3 =	sld [smem:$0x3FFC];
	_ =	sdelay $0x3  }
0x94: {  	_ =	strace s3  }
0x95: {  	s3 =	sld [smem:$0x3FFD];
	_ =	sdelay $0x3  }
0x96: {  	_ =	strace s3  }
0x97: {  	_ =	strace $0x8FFFFFFF  }
0x98: {  	s19 =	sld [smem:$0x3FDB];
	_ =	sdelay $0x1  }
0x99: {  	s4 =	simm.s32 $_scs_section_size  }
0x9a: {  	s5 =	simm.s32 $_size__tile_overlayer_lowered;
	s6 =	simm.s32 $_tile_overlayer_lowered  }
0x9b: {  	s22 =	simm.s32 $0x1BFF;
	s21 =	sshll.u32 s6, $0x1;
	s3 =	sadd.s32 s4, s19  }
0x9c: {  	s7 =	simm.s32 $0x0;
	s20 =	sshll.u32 s5, $0x1;
	s5 =	sadd.s32 s21, s3  }
0x9d: {  	[timem:s7], [sflag:s22] =	dma.local [hbm:s5], s20  }
0x9e: {  	_ =	swait.ge [sflag:s22], s20  }
0x9f: {  	s4 =	ssub.s32 $0x0, s20;
	[sflag:s22] =	ssyncset.done $0x0  }
0xa0: {  	[sflag:s22] =	ssyncadd.s32 s4;
	_ =	sdelay $0x1  }
0xa1: {  	s23 =	simm.s32 $0x1B8B  }
0xa2: {  	_ =	swait.ge [sflag:s23], $0x1  }
0xa3: {  	[sflag:s23] =	ssyncset.done $0x0  }
0xa4: {  	s25 =	simm.s32 $0x1B8E;
	s24 =	sld [smem:$0x3FFE];
	[sflag:s23] =	ssyncadd.s32 $0xFFFFFFFF  }
0xa5: {  	s26 =	simm.s32 $execute0_lowered;
	[smem:$0x3FD2] =	sst s25  }
0xa6: {  	s5 =	sshll.u32 s26, $0x1;
	_ =	strace $0x80000049;
	[dreg:$0x1] =	wrdreg $0xFFFFFFFF  }
0xa7: {  	s28 =	simm.s32 $_size_execute0_lowered;
	s3 =	sadd.s32 s3, s5;
	[dreg:$0x0] =	wrdreg $0x0  }
0xa8: {  	s5 =	sshll.u32 s28, $0x1;
	[dreg:$0x2] =	wrdreg s3  }
0xa9: {  	[dreg:$0x3] =	wrdreg s5  }
0xaa: {  	[dreg:$0x4] =	wrdreg $0xC0  }
0xab: {  	_ =	task [dreg:s7], $0x5FFFF  }
0xac: {  	[dreg:$0x1] =	wrdreg $0xFFFFFFFF  }
0xad: {  	[dreg:$0x0] =	wrdreg $0x60  }
0xae: {  	[dreg:$0x2] =	wrdreg s24  }
0xaf: {  	[dreg:$0x3] =	wrdreg s2  }
0xb0: {  	[dreg:$0x4] =	wrdreg $0x0  }
0xb1: {  	[dreg:$0x5] =	wrdreg $0x9  }
0xb2: {  	_ =	task.clear_ibuf [dreg:s7], $0x6FFFF;
	_ =	strace $0x90000049  }
0xb3: {  	s29 =	simm.s32 $0x9;
	_ =	strace $0x8000004B  }
0xb4: {  	_ =	swait.ge [sflag:s29], $0x1  }
0xb5: {  	[sflag:s29] =	ssyncadd.s32 $0xFFFFFFFF  }
0xb6: {  	_ =	strace $0x9000004B  }
0xb7: {  	_ =	sfence  }
0xb8: {  	s30 =	sld [smem:$0x0];
	_ =	sdelay $0x2  }
0xb9: {  	s31 =	sshll.u32 s1, $0xD;
	s1 =	sshrl.u32 s1, $0x2  }
0xba: {  	s3 =	sand.u32 $0x4000, s31;
	s1 =	sadd.s32 s1, s30  }
0xbb: {  	s0 =	sor.u32 s3, s0;
	s1 =	sshll.u32 s1, $0x11  }
0xbc: {  	s0 =	sor.u32 s1, s0  }
0xbd: {  	s0 =	sadd.s32 $0x8F2B, s0  }
0xbe: {  	[sflag:s0] =	ssyncadd.remote.s32 $0x1  }
0xbf: {  	_ =	sfence.sel $0xFFFF  }
0xc0: {  	[dreg:$0x0] =	wrdreg $0xFFFFFFFF;
	(pc) =	sbr.abs _section_cstart, $3  }
0xc1: {  	[dreg:$0x1] =	wrdreg $0xFFFFFFFF  }
0xc2: {  	_ =	task.clear_ibuf [dreg:s7], $0x2FFFF;
	_ =	strace $0x9FFFFFFF  }
0xc3: {  	(tm) =	ssettm $0x7FFFFFFF  }
tec
execute0_lowered:
.L_overlay_start_1:
0x0: {  	(tag) =	ssettag $0x1  }
0x1: {  	s0 =	rddreg [dreg:$0x0]  }
0x2: {  	s3 =	rddreg [dreg:$0x1]  }
0x3: {  	s1 =	rddreg [dreg:$0x2]  }
0x4: {  	s2 =	simm.s32 $0x0;
	s5 =	srdreg.scid;
	s15 =	stileid.u32  }
0x5: {  	[smem:$0x7FF] =	sst s2;
	s4 =	sadd.s32 $0xCC00, s0;
	s19 =	smul.u32 $0x4E000, s15  }
0x6: {  	s6 =	sadd.s32 $0x2E00, s0;
	s7 =	sand.u32 $0x1, s5;
	s25 =	smul.u32 $0x13800, s15  }
0x7: {  	s0 =	sadd.s32 $0x33E00, s0;
	s9 =	sshll.u32 s15, $0x1;
	s13 =	smul.u32 $0x4E20, s15  }
0x8: {  	p0 =	sne.s32 s15, $0xF;
	s15 =	simm.s32 $0x2;
	_ =	strace $0x8000004A  }
0x9: {  	s8 =	ssub.s32 $0x2, s7;
	s9 =	sor.u32 s7, s9;
	s24 =	smul.u32 $0x138800, s7  }
0xa: {  	s7 =	smul.u32 $0x2710, s7;
	s10 =	sshrl.u32 s8, $0x1;
	s5 =	sshrl.u32 s19, $0x2  }
0xb: {  	s9 =	smul.u32 $0x2710, s9;
	s29 =	sadd.s32 $0x6800, s25;
	s8 =	ssub.s32 s8, s10  }
0xc: {  	s5 =	sadd.s32 s5, s1;
	s28 =	sadd.s32 s25, s24;
	s14 =	sadd.s32 s24, s29  }
0xd: {  	s7 =	sadd.s32 s7, s13;
	s10 =	sshrl.u32 s24, $0x3;
	s20 =	sadd.s32 $0x1800, s5  }
0xe: {  	s21 =	sadd.s32 $0x3000, s5;
	s22 =	sadd.s32 $0x4800, s5;
	[dreg:$0x4] =	wrdreg s20  }
0xf: {  	s23 =	sadd.s32 $0x6000, s5;
	s9 =	sshrl.u32 s9, $0x3;
	[dreg:$0x5] =	wrdreg s21  }
0x10: {  	s11 =	sadd.s32 $0x7800, s5;
	s12 =	sadd.s32 $0x9000, s5;
	[dreg:$0x6] =	wrdreg s22  }
0x11: {  	s30 =	sshrl.u32 s14, $0x3;
	s13 =	sadd.s32 $0x80, s7;
	[dreg:$0x7] =	wrdreg s23  }
0x12: {  	s7 =	sshrl.u32 s7, $0x3;
	s16 =	sadd.s32 $0xA800, s5;
	[dreg:$0x8] =	wrdreg s11  }
0x13: {  	s9 =	sadd.s32 $0x4E0, s9;
	[dreg:$0x9] =	wrdreg s12;
	s11 =	sadd.s32 $0xD000, s25  }
0x14: {  	s14 =	sshrl.u32 s13, $0x3;
	s19 =	sadd.s32 s7, s6;
	s20 =	sadd.s32 s7, s3  }
0x15: {  	[dreg:$0xf] =	wrdreg s16;
	s21 =	sadd.s32 s29, s1;
	s23 =	smax.u32 s8, $0x1  }
0x16: {  	s29 =	sadd.s32 $0xF000, s5;
	s7 =	simm.s32 $0x1B880;
	s8 =	simm.s32 $0x1B980  }
0x17: {  	s12 =	simm.s32 $0x13880;
	s13 =	simm.s32 $0x17880;
	s16 =	simm.s32 $0x1C280  }
0x18: {  	s26 =	sadd.s32 s3, s9;
	s9 =	sadd.s32 s6, s9;
	s31 =	sadd.s32 s24, s11  }
0x19: {  	s17 =	sadd.s32 s14, s6;
	s18 =	sadd.s32 s14, s3;
	[dreg:$0x11] =	wrdreg s23  }
0x1a: {  	s22 =	sadd.s32 s11, s1;
	s24 =	sshrl.u32 s21, $0x3;
	[dreg:$0x16] =	wrdreg s29  }
0x1b: {  	s3 =	simm.s32 $0x1C380;
	s6 =	simm.s32 $0x4;
	[dreg:$0xa] =	wrdreg s26  }
0x1c: {  	s11 =	simm.s32 $0x80;
	s14 =	simm.s32 $0x1;
	[dreg:$0xb] =	wrdreg s9  }
0x1d: {  	s21 =	simm.s32 $0x1C300;
	[dreg:$0x12] =	wrdreg s24;
	s25 =	sshrl.u32 s22, $0x3  }
0x1e: {  	s23 =	simm.s32 $0x1BA80;
	s26 =	sadd.s32 $0xC000, s5;
	[dreg:$0x13] =	wrdreg s25  }
0x1f: {  	s9 =	sshrl.u32 s28, $0x3;
	s28 =	sadd.s32 $0xD800, s5;
	[dreg:$0x14] =	wrdreg s26  }
0x20: {  	s22 =	simm.s32 $0x10;
	s9 =	sadd.s32 s0, s9;
	[dreg:$0x15] =	wrdreg s28  }
0x21: {  	s24 =	simm.s32 $0x3;
	[dreg:$0xc] =	wrdreg s9;
	s9 =	sadd.s32 s0, s30  }
0x22: {  	s25 =	simm.s32 $0x0;
	s30 =	sadd.s32 $0x10800, s5;
	[dreg:$0xd] =	wrdreg s9  }
0x23: {  	s9 =	sshrl.u32 s31, $0x3;
	[dreg:$0x17] =	wrdreg s30;
	s31 =	sadd.s32 $0x12000, s5  }
0x24: {  	s9 =	sadd.s32 s0, s9;
	s0 =	sadd.s32 s0, s10;
	[dreg:$0x18] =	wrdreg s31  }
0x25: {  	s10 =	simm.s32 $0x1BA00;
	[dreg:$0xe] =	wrdreg s9;
	s0 =	sadd.s32 $0x27000, s0  }
0x26: {  	v0 =	vimm.f32 $0.0e+00;
	s9 =	simm.s32 $0x1B900;
	[dreg:$0x10] =	wrdreg s0;
	s0 =	sadd.s32 $0x138000, s1  }
.LBB2_1:
0x27: {  	s26 =	simm.s32 $0x0;
	s28 =	simm.s32 $0x200  }
.LBB2_2:
0x28: {  	p1 =	sne.s32 s28, $0x5E00;
	[tilespmem:s26+$0x1C3F0] =	vst v0  }
0x29: {  	[tilespmem:s26+$0x1C380] =	vst v0  }
0x2a: {  	[tilespmem:s26+$0x1C390] =	vst v0  }
.Ltmp0:
0x2b: {  	[tilespmem:s26+$0x1C3A0] =	vst v0;
	(pc) =	sbr.rel @p1 .LBB2_2-.Ltmp0, $4  }
0x2c: {  	[tilespmem:s26+$0x1C3B0] =	vst v0  }
0x2d: {  	[tilespmem:s26+$0x1C3C0] =	vst v0  }
0x2e: {  	[tilespmem:s26+$0x1C3D0] =	vst v0  }
0x2f: {  	[tilespmem:s26+$0x1C3E0] =	vst v0;
	s26 =	sshra.s32 s28, $0x2;
	s28 =	sadd.s32 $0x200, s28  }
0x30: {  	[tilespmem:s26+$0x1C3F0] =	vst v0  }
0x31: {  	[tilespmem:s26+$0x1C380] =	vst v0  }
0x32: {  	[tilespmem:s26+$0x1C390] =	vst v0  }
0x33: {  	[tilespmem:s26+$0x1C3A0] =	vst v0  }
0x34: {  	[tilespmem:s26+$0x1C3B0] =	vst v0  }
0x35: {  	[tilespmem:s26+$0x1C3C0] =	vst v0  }
0x36: {  	[tilespmem:s26+$0x1C3D0] =	vst v0  }
0x37: {  	[tilespmem:s26+$0x1C3E0] =	vst v0  }
0x38: {  	[spmem:s5] =	stream.linear.scatter [tilespmem:s3], [sflag:$0x4], $0x1800, $0x38;
	[tilespmem:$0x1DB80] =	vst v63  }
0x39: {  	_ =	swait.ge [sflag:s6], $0x1800  }
0x3a: {  	[sflag:s6] =	ssyncset.done $0x0  }
0x3b: {  	s31 =	rddreg [dreg:$0x4];
	[sflag:s6] =	ssyncadd.s32 $0xFFFFE800  }
0x3c: {  	[spmem:s31] =	stream.linear.scatter [tilespmem:s3], [sflag:$0x4], $0x1800, $0x38;
	[tilespmem:$0x1DB80] =	vst v63  }
0x3d: {  	_ =	swait.ge [sflag:s6], $0x1800  }
0x3e: {  	[sflag:s6] =	ssyncset.done $0x0  }
0x3f: {  	s29 =	rddreg [dreg:$0x5];
	[sflag:s6] =	ssyncadd.s32 $0xFFFFE800  }
0x40: {  	[spmem:s29] =	stream.linear.scatter [tilespmem:s3], [sflag:$0x4], $0x1800, $0x38;
	[tilespmem:$0x1DB80] =	vst v63  }
0x41: {  	_ =	swait.ge [sflag:s6], $0x1800  }
0x42: {  	[sflag:s6] =	ssyncset.done $0x0  }
0x43: {  	s30 =	rddreg [dreg:$0x6];
	[sflag:s6] =	ssyncadd.s32 $0xFFFFE800  }
0x44: {  	[spmem:s30] =	stream.linear.scatter [tilespmem:s3], [sflag:$0x4], $0x1800, $0x38;
	[tilespmem:$0x1DB80] =	vst v63  }
0x45: {  	_ =	swait.ge [sflag:s6], $0x1800  }
0x46: {  	[sflag:s6] =	ssyncset.done $0x0  }
0x47: {  	s31 =	rddreg [dreg:$0x7];
	[sflag:s6] =	ssyncadd.s32 $0xFFFFE800  }
0x48: {  	[spmem:s31] =	stream.linear.scatter [tilespmem:s3], [sflag:$0x4], $0x1800, $0x38;
	[tilespmem:$0x1DB80] =	vst v63  }
0x49: {  	_ =	swait.ge [sflag:s6], $0x1800  }
0x4a: {  	[sflag:s6] =	ssyncset.done $0x0  }
0x4b: {  	s29 =	rddreg [dreg:$0x8];
	[sflag:s6] =	ssyncadd.s32 $0xFFFFE800  }
0x4c: {  	[spmem:s29] =	stream.linear.scatter [tilespmem:s3], [sflag:$0x4], $0x1800, $0x38;
	[tilespmem:$0x1DB80] =	vst v63  }
0x4d: {  	_ =	swait.ge [sflag:s6], $0x1800  }
0x4e: {  	[sflag:s6] =	ssyncset.done $0x0  }
0x4f: {  	s30 =	rddreg [dreg:$0x9];
	[sflag:s6] =	ssyncadd.s32 $0xFFFFE800  }
0x50: {  	[spmem:s30] =	stream.linear.scatter [tilespmem:s3], [sflag:$0x4], $0x1800, $0x38;
	[tilespmem:$0x1DB80] =	vst v63  }
0x51: {  	_ =	swait.ge [sflag:s6], $0x1800  }
0x52: {  	[sflag:s6] =	ssyncset.done $0x0  }
0x53: {  	s31 =	rddreg [dreg:$0xf];
	[sflag:s6] =	ssyncadd.s32 $0xFFFFE800  }
0x54: {  	[spmem:s31] =	stream.linear.scatter [tilespmem:s3], [sflag:$0x4], $0x1800, $0x38;
	[tilespmem:$0x1DB80] =	vst v63  }
0x55: {  	_ =	swait.ge [sflag:s6], $0x1800  }
0x56: {  	[sflag:s6] =	ssyncset.done $0x0  }
0x57: {  	s29 =	rddreg [dreg:$0x14];
	[sflag:s6] =	ssyncadd.s32 $0xFFFFE800  }
0x58: {  	[spmem:s29] =	stream.linear.scatter [tilespmem:s3], [sflag:$0x4], $0x1800, $0x38;
	[tilespmem:$0x1DB80] =	vst v63  }
0x59: {  	_ =	swait.ge [sflag:s6], $0x1800  }
0x5a: {  	[sflag:s6] =	ssyncset.done $0x0  }
0x5b: {  	s30 =	rddreg [dreg:$0x15];
	[sflag:s6] =	ssyncadd.s32 $0xFFFFE800  }
0x5c: {  	[spmem:s30] =	stream.linear.scatter [tilespmem:s3], [sflag:$0x4], $0x1800, $0x38;
	[tilespmem:$0x1DB80] =	vst v63  }
0x5d: {  	_ =	swait.ge [sflag:s6], $0x1800  }
0x5e: {  	[sflag:s6] =	ssyncset.done $0x0  }
0x5f: {  	s31 =	rddreg [dreg:$0x16];
	[sflag:s6] =	ssyncadd.s32 $0xFFFFE800  }
0x60: {  	[spmem:s31] =	stream.linear.scatter [tilespmem:s3], [sflag:$0x4], $0x1800, $0x38;
	[tilespmem:$0x1DB80] =	vst v63  }
0x61: {  	_ =	swait.ge [sflag:s6], $0x1800  }
0x62: {  	[sflag:s6] =	ssyncset.done $0x0  }
0x63: {  	s29 =	rddreg [dreg:$0x17];
	[sflag:s6] =	ssyncadd.s32 $0xFFFFE800  }
0x64: {  	[spmem:s29] =	stream.linear.scatter [tilespmem:s3], [sflag:$0x4], $0x1800, $0x38;
	[tilespmem:$0x1DB80] =	vst v63  }
0x65: {  	_ =	swait.ge [sflag:s6], $0x1800  }
0x66: {  	[sflag:s6] =	ssyncset.done $0x0  }
0x67: {  	s30 =	rddreg [dreg:$0x18];
	[sflag:s6] =	ssyncadd.s32 $0xFFFFE800  }
0x68: {  	[spmem:s30] =	stream.linear.scatter [tilespmem:s3], [sflag:$0x4], $0x1800, $0x38;
	[tilespmem:$0x1DB80] =	vst v63  }
0x69: {  	_ =	swait.ge [sflag:s6], $0x1800  }
0x6a: {  	[sflag:s6] =	ssyncset.done $0x0  }
0x6b: {  	s26 =	simm.s32 @!p0 $0x1C380;
	[sflag:s6] =	ssyncadd.s32 $0xFFFFE800  }
0x6c: {  	[spmem:s0] =	stream.linear.scatter @!p0 [tilespmem:s26], [sflag:$0x4], $0x800, $0x38;
	[tilespmem:$0x1DB80] =	vst v63  }
0x6d: {  	s26 =	simm.s32 @!p0 $0x4  }
0x6e: {  	_ =	swait.ge @!p0 [sflag:s26], $0x800  }
0x6f: {  	[sflag:s26] =	ssyncset.done @!p0 $0x0  }
0x70: {  	[sflag:s26] =	ssyncadd.s32 @!p0 $0xFFFFF800  }
0x71: {  	s31 =	sadd.s32 $0x0, s20;
	[bflag:$0x0] =	sbarrier.arrive $0xFFFF  }
0x72: {  	[tilespmem:s7], [sflag:$0x4] =	stream.linear.gather [hbm4b:s31+s2], $0x80, $0x38;
	[tilespmem:$0x1DB80] =	vst v63  }
0x73: {  	_ =	swait.ge [sflag:s6], $0x80  }
0x74: {  	[sflag:s6] =	ssyncset.done $0x0  }
0x75: {  	s29 =	sadd.s32 $0x0, s19;
	[sflag:s6] =	ssyncadd.s32 $0xFFFFFF80  }
0x76: {  	[tilespmem:s8], [sflag:$0x4] =	stream.linear.gather [hbm4b:s29+s2], $0x80, $0x38;
	[tilespmem:$0x1DB80] =	vst v63  }
0x77: {  	_ =	swait.ge [sflag:s6], $0x80  }
0x78: {  	[sflag:s6] =	ssyncset.done $0x0  }
0x79: {  	s30 =	sadd.s32 $0x0, s18;
	[sflag:s6] =	ssyncadd.s32 $0xFFFFFF80  }
0x7a: {  	[tilespmem:s9], [sflag:$0x4] =	stream.linear.gather [hbm4b:s30+s2], $0x80, $0x38;
	[tilespmem:$0x1DB80] =	vst v63  }
0x7b: {  	_ =	swait.ge [sflag:s6], $0x80  }
0x7c: {  	[sflag:s6] =	ssyncset.done $0x0  }
0x7d: {  	s31 =	sadd.s32 $0x0, s17;
	[sflag:s6] =	ssyncadd.s32 $0xFFFFFF80  }
0x7e: {  	[tilespmem:s10], [sflag:$0x4] =	stream.linear.gather [hbm4b:s31+s2], $0x80, $0x38;
	[tilespmem:$0x1DB80] =	vst v63  }
0x7f: {  	_ =	swait.ge [sflag:s6], $0x80  }
0x80: {  	[sflag:s6] =	ssyncset.done $0x0  }
0x81: {  	[sflag:s6] =	ssyncadd.s32 $0xFFFFFF80  }
0x82: {  	[tilespmem:s12], [sflag:$0x1] =	stream.indirect.gather [hbm4b:s4+s11], $0x80, s7, s11, $0xb8;
	[tilespmem:$0x1DB80] =	vst v63  }
0x83: {  	_ = 	snop  }
0x84: {  	[tilespmem:s13], [sflag:$0x2] =	stream.indirect.gather [hbm4b:s4+s11], $0x80, s9, s11, $0xb8;
	[tilespmem:$0x1DB80] =	vst v63  }
0x85: {  	_ =	swait.ge [sflag:s14], $0x4000  }
0x86: {  	[sflag:s14] =	ssyncset.done $0x0  }
0x87: {  	[sflag:s14] =	ssyncadd.s32 $0xFFFFC000  }
0x88: {  	[spmem:s1] =	stream.indirect.scatter.add.f32 [tilespmem:s12], [sflag:$0x4], $0x80, s8, s11, $0xb8;
	[tilespmem:$0x1DB80] =	vst v63  }
0x89: {  	_ =	swait.ge [sflag:s6], $0x4000  }
0x8a: {  	[sflag:s6] =	ssyncset.done $0x0  }
0x8b: {  	[sflag:s6] =	ssyncadd.s32 $0xFFFFC000  }
0x8c: {  	_ =	swait.ge [sflag:s15], $0x4000  }
0x8d: {  	[sflag:s15] =	ssyncset.done $0x0  }
0x8e: {  	[sflag:s15] =	ssyncadd.s32 $0xFFFFC000  }
0x8f: {  	[spmem:s1] =	stream.indirect.scatter.add.f32 [tilespmem:s13], [sflag:$0x4], $0x80, s10, s11, $0xb8;
	[tilespmem:$0x1DB80] =	vst v63  }
0x90: {  	_ =	swait.ge [sflag:s6], $0x4000  }
0x91: {  	s28 =	simm.s32 $0x40;
	s26 =	simm.s32 $0x20;
	[sflag:s6] =	ssyncset.done $0x0  }
.LBB2_4:
0x92: {  	s30 =	sadd.s32 s26, s20  }
0x93: {  	[sflag:s6] =	ssyncadd.s32 $0xFFFFC000;
	s31 =	smov.u32 s28;
	s29 =	sadd.s32 $0x20, s28  }
0x94: {  	[tilespmem:s7], [sflag:$0x4] =	stream.linear.gather [hbm4b:s30+s2], $0x80, $0x38;
	[tilespmem:$0x1DB80] =	vst v63  }
0x95: {  	p1 =	sne.s32 s28, $0x4C0;
	_ =	swait.ge [sflag:s6], $0x80  }
0x96: {  	[sflag:s6] =	ssyncset.done $0x0  }
0x97: {  	s28 =	sadd.s32 s26, s19;
	[sflag:s6] =	ssyncadd.s32 $0xFFFFFF80  }
0x98: {  	[tilespmem:s8], [sflag:$0x4] =	stream.linear.gather [hbm4b:s28+s2], $0x80, $0x38;
	[tilespmem:$0x1DB80] =	vst v63  }
0x99: {  	_ =	swait.ge [sflag:s6], $0x80  }
0x9a: {  	[sflag:s6] =	ssyncset.done $0x0  }
0x9b: {  	s28 =	sadd.s32 s26, s18;
	[sflag:s6] =	ssyncadd.s32 $0xFFFFFF80  }
0x9c: {  	[tilespmem:s9], [sflag:$0x4] =	stream.linear.gather [hbm4b:s28+s2], $0x80, $0x38;
	[tilespmem:$0x1DB80] =	vst v63  }
0x9d: {  	_ =	swait.ge [sflag:s6], $0x80  }
0x9e: {  	[sflag:s6] =	ssyncset.done $0x0  }
0x9f: {  	s28 =	sadd.s32 s26, s17;
	s26 =	smov.u32 s31;
	[sflag:s6] =	ssyncadd.s32 $0xFFFFFF80  }
0xa0: {  	[tilespmem:s10], [sflag:$0x4] =	stream.linear.gather [hbm4b:s28+s2], $0x80, $0x38;
	[tilespmem:$0x1DB80] =	vst v63  }
0xa1: {  	_ =	swait.ge [sflag:s6], $0x80  }
0xa2: {  	[sflag:s6] =	ssyncset.done $0x0  }
0xa3: {  	[sflag:s6] =	ssyncadd.s32 $0xFFFFFF80  }
0xa4: {  	[tilespmem:s12], [sflag:$0x1] =	stream.indirect.gather [hbm4b:s4+s11], $0x80, s7, s11, $0xb8;
	[tilespmem:$0x1DB80] =	vst v63  }
0xa5: {  	_ = 	snop  }
0xa6: {  	[tilespmem:s13], [sflag:$0x2] =	stream.indirect.gather [hbm4b:s4+s11], $0x80, s9, s11, $0xb8;
	[tilespmem:$0x1DB80] =	vst v63  }
0xa7: {  	_ =	swait.ge [sflag:s14], $0x4000  }
0xa8: {  	[sflag:s14] =	ssyncset.done $0x0  }
0xa9: {  	[sflag:s14] =	ssyncadd.s32 $0xFFFFC000  }
0xaa: {  	[spmem:s1] =	stream.indirect.scatter.add.f32 [tilespmem:s12], [sflag:$0x4], $0x80, s8, s11, $0xb8;
	[tilespmem:$0x1DB80] =	vst v63  }
0xab: {  	_ =	swait.ge [sflag:s6], $0x4000  }
0xac: {  	[sflag:s6] =	ssyncset.done $0x0  }
0xad: {  	[sflag:s6] =	ssyncadd.s32 $0xFFFFC000  }
0xae: {  	_ =	swait.ge [sflag:s15], $0x4000  }
.Ltmp1:
0xaf: {  	[sflag:s15] =	ssyncset.done $0x0;
	(pc) =	sbr.rel @p1 .LBB2_4-.Ltmp1, $4  }
0xb0: {  	[sflag:s15] =	ssyncadd.s32 $0xFFFFC000  }
0xb1: {  	[spmem:s1] =	stream.indirect.scatter.add.f32 [tilespmem:s13], [sflag:$0x4], $0x80, s10, s11, $0xb8;
	[tilespmem:$0x1DB80] =	vst v63  }
0xb2: {  	_ =	swait.ge [sflag:s6], $0x4000  }
0xb3: {  	s28 =	smov.u32 s29;
	[sflag:s6] =	ssyncset.done $0x0  }
0xb4: {  	s28 =	sadd.s32 s26, s20;
	[sflag:s6] =	ssyncadd.s32 $0xFFFFC000  }
0xb5: {  	[tilespmem:s7], [sflag:$0x4] =	stream.linear.gather [hbm4b:s28+s2], $0x80, $0x38;
	[tilespmem:$0x1DB80] =	vst v63  }
0xb6: {  	_ =	swait.ge [sflag:s6], $0x80  }
0xb7: {  	[sflag:s6] =	ssyncset.done $0x0  }
0xb8: {  	s31 =	sadd.s32 s26, s19;
	[sflag:s6] =	ssyncadd.s32 $0xFFFFFF80  }
0xb9: {  	[tilespmem:s8], [sflag:$0x4] =	stream.linear.gather [hbm4b:s31+s2], $0x80, $0x38;
	[tilespmem:$0x1DB80] =	vst v63  }
0xba: {  	_ =	swait.ge [sflag:s6], $0x80  }
0xbb: {  	[sflag:s6] =	ssyncset.done $0x0  }
0xbc: {  	s29 =	sadd.s32 s26, s18;
	[sflag:s6] =	ssyncadd.s32 $0xFFFFFF80  }
0xbd: {  	[tilespmem:s9], [sflag:$0x4] =	stream.linear.gather [hbm4b:s29+s2], $0x80, $0x38;
	[tilespmem:$0x1DB80] =	vst v63  }
0xbe: {  	_ =	swait.ge [sflag:s6], $0x80  }
0xbf: {  	[sflag:s6] =	ssyncset.done $0x0  }
0xc0: {  	s30 =	sadd.s32 s26, s17;
	[sflag:s6] =	ssyncadd.s32 $0xFFFFFF80  }
0xc1: {  	[tilespmem:s10], [sflag:$0x4] =	stream.linear.gather [hbm4b:s30+s2], $0x80, $0x38;
	[tilespmem:$0x1DB80] =	vst v63  }
0xc2: {  	_ =	swait.ge [sflag:s6], $0x80  }
0xc3: {  	[sflag:s6] =	ssyncset.done $0x0  }
0xc4: {  	[sflag:s6] =	ssyncadd.s32 $0xFFFFFF80  }
0xc5: {  	[tilespmem:s12], [sflag:$0x1] =	stream.indirect.gather [hbm4b:s4+s11], $0x80, s7, s11, $0xb8;
	[tilespmem:$0x1DB80] =	vst v63  }
0xc6: {  	_ = 	snop  }
0xc7: {  	[tilespmem:s13], [sflag:$0x2] =	stream.indirect.gather [hbm4b:s4+s11], $0x80, s9, s11, $0xb8;
	[tilespmem:$0x1DB80] =	vst v63  }
0xc8: {  	_ =	swait.ge [sflag:s14], $0x4000  }
0xc9: {  	[sflag:s14] =	ssyncset.done $0x0  }
0xca: {  	[sflag:s14] =	ssyncadd.s32 $0xFFFFC000  }
0xcb: {  	[spmem:s1] =	stream.indirect.scatter.add.f32 [tilespmem:s12], [sflag:$0x4], $0x80, s8, s11, $0xb8;
	[tilespmem:$0x1DB80] =	vst v63  }
0xcc: {  	_ =	swait.ge [sflag:s6], $0x4000  }
0xcd: {  	[sflag:s6] =	ssyncset.done $0x0  }
0xce: {  	[sflag:s6] =	ssyncadd.s32 $0xFFFFC000  }
0xcf: {  	_ =	swait.ge [sflag:s15], $0x4000  }
0xd0: {  	[sflag:s15] =	ssyncset.done $0x0  }
0xd1: {  	[sflag:s15] =	ssyncadd.s32 $0xFFFFC000  }
0xd2: {  	[spmem:s1] =	stream.indirect.scatter.add.f32 [tilespmem:s13], [sflag:$0x4], $0x80, s10, s11, $0xb8;
	[tilespmem:$0x1DB80] =	vst v63  }
0xd3: {  	_ =	swait.ge [sflag:s6], $0x4000  }
0xd4: {  	[sflag:s6] =	ssyncset.done $0x0  }
0xd5: {  	s31 =	rddreg [dreg:$0xa];
	[sflag:s6] =	ssyncadd.s32 $0xFFFFC000  }
0xd6: {  	[tilespmem:s16], [sflag:$0x4] =	stream.linear.gather [hbm4b:s31+s2], $0x10, $0x38;
	[tilespmem:$0x1DB80] =	vst v63  }
0xd7: {  	_ =	swait.ge [sflag:s6], $0x10  }
0xd8: {  	[sflag:s6] =	ssyncset.done $0x0  }
0xd9: {  	s28 =	rddreg [dreg:$0xb];
	[sflag:s6] =	ssyncadd.s32 $0xFFFFFFF0  }
0xda: {  	[tilespmem:s21], [sflag:$0x4] =	stream.linear.gather [hbm4b:s28+s2], $0x10, $0x38;
	[tilespmem:$0x1DB80] =	vst v63  }
0xdb: {  	_ =	swait.ge [sflag:s6], $0x10  }
0xdc: {  	[sflag:s6] =	ssyncset.done $0x0  }
0xdd: {  	[sflag:s6] =	ssyncadd.s32 $0xFFFFFFF0  }
0xde: {  	[tilespmem:s23], [sflag:$0x3] =	stream.indirect.gather [hbm4b:s4+s22], $0x80, s16, s22, $0xb8;
	[tilespmem:$0x1DB80] =	vst v63  }
0xdf: {  	_ =	swait.ge [sflag:s24], $0x800  }
0xe0: {  	[sflag:s24] =	ssyncset.done $0x0  }
0xe1: {  	[sflag:s24] =	ssyncadd.s32 $0xFFFFF800  }
0xe2: {  	[spmem:s1] =	stream.indirect.scatter.add.f32 [tilespmem:s23], [sflag:$0x4], $0x80, s21, s22, $0xb8;
	[tilespmem:$0x1DB80] =	vst v63  }
0xe3: {  	_ =	swait.ge [sflag:s6], $0x800  }
0xe4: {  	[sflag:s6] =	ssyncset.done $0x0  }
0xe5: {  	s29 =	stileid.u32;
	[sflag:s6] =	ssyncadd.s32 $0xFFFFF800  }
0xe6: {  	s26 =	sshll.u32 s29, $0x6;
	[bflag:$0x0] =	sbarrier.arrive $0xFFFF  }
0xe7: {  	s26 =	sor.u32 $0x1C04, s26;
	s30 =	sshrl.u32 s5, $0x3;
	s29 =	rddreg [dreg:$0xc]  }
0xe8: {  	[hbm:s29], [sflag:s26] =	dma.local [spmem:s30], $0xD00  }
0xe9: {  	_ =	swait.ge [sflag:s6], $0xD00  }
0xea: {  	[sflag:s6] =	ssyncset.done $0x0;
	s31 =	rddreg [dreg:$0xd]  }
0xeb: {  	s30 =	rddreg [dreg:$0x12];
	[sflag:s6] =	ssyncadd.s32 $0xFFFFF300  }
0xec: {  	[hbm:s31], [sflag:s26] =	dma.local [spmem:s30], $0xD00  }
0xed: {  	_ =	swait.ge [sflag:s6], $0xD00  }
0xee: {  	[sflag:s6] =	ssyncset.done $0x0;
	s31 =	rddreg [dreg:$0xe]  }
0xef: {  	s30 =	rddreg [dreg:$0x13];
	[sflag:s6] =	ssyncadd.s32 $0xFFFFF300  }
0xf0: {  	[hbm:s31], [sflag:s26] =	dma.local [spmem:s30], $0xD00  }
0xf1: {  	_ =	swait.ge [sflag:s6], $0xD00  }
0xf2: {  	[sflag:s6] =	ssyncset.done $0x0  }
0xf3: {  	s28 =	sshrl.u32 @!p0 s0, $0x3;
	s29 =	rddreg [dreg:$0x10];
	[sflag:s6] =	ssyncadd.s32 $0xFFFFF300  }
0xf4: {  	[hbm:s29], [sflag:s26] =	dma.local @!p0 [spmem:s28], $0x100  }
0xf5: {  	s26 =	simm.s32 @!p0 $0x4  }
0xf6: {  	_ =	swait.ge @!p0 [sflag:s26], $0x100  }
0xf7: {  	s25 =	sadd.s32 $0x1, s25;
	s31 =	rddreg [dreg:$0x11]  }
0xf8: {  	p1 =	sne.s32 s25, s31  }
.Ltmp2:
0xf9: {  	_ = 	snop;
	(pc) =	sbr.rel @p1 .LBB2_1-.Ltmp2, $3  }
0xfa: {  	_ =	sdelay $0x1  }
0xfb: {  	[sflag:s26] =	ssyncset.done @!p0 $0x0  }
0xfc: {  	[sflag:s26] =	ssyncadd.s32 @!p0 $0xFFFFFF00  }
0xfd: {  	_ =	sfence.sel $0x180000  }
0xfe: {  	[bflag:$0x0] =	sbarrier.arrive $0xFFFF  }
0xff: {  	_ =	strace $0x9000004A  }
0x100: {  	s0 =	stileid.u32;
	[bflag:$0x2] =	sbarrier.arrive $0xFFFF  }
0x101: {  	p0 =	sne.s32 s0, $0x0;
	s0 =	rddreg [dreg:$0x3]  }
0x102: {  	s0 =	sadd.s32 @!p0 $0x100000, s0  }
0x103: {  	[sflag:s0] =	ssyncadd.tile.s32 @!p0 $0x1;
	_ =	shalt  }
.Lfunc_end2:
_tile_overlayer_lowered:
.L_overlay_start_2:
0x104: {  	(tag) =	ssettag $0x2  }
0x105: {  	s0 =	rddreg [dreg:$0x0];
	s2 =	stileid.u32  }
0x106: {  	s1 =	rddreg [dreg:$0x1];
	p0 =	sne.s32 s2, $0x0  }
0x107: {  	s3 =	rddreg [dreg:$0x2];
	[bflag:$0x3] =	sbarrier.arrive $0xFFFF;
	s2 =	simm.s32 @!p0 $0x1C04  }
0x108: {  	[timem:s3], [sflag:s2] =	dma.local @!p0 [hbm:s0], s1  }
0x109: {  	s0 =	simm.s32 @!p0 $0x4  }
0x10a: {  	_ =	swait.ge @!p0 [sflag:s0], s1  }
0x10b: {  	s1 =	ssub.s32 @!p0 $0x0, s1;
	[sflag:s0] =	ssyncset.done @!p0 $0x0  }
0x10c: {  	[sflag:s0] =	ssyncadd.s32 @!p0 s1  }
0x10d: {  	[bflag:$0x3] =	sbarrier.arrive $0xFFFF  }
0x10e: {  	_ =	shalt  }

// kernel: kernel.16.cloned.1.call-start
scs
__scs_entry_jumppad:
0x0: {  	(pc) =	sbr.rel $0x88, $3  }
0x1: {  	(tag) =	ssettag $0x0;
	lr =	simm.s32 $0x1  }
0x2: {  	[smem:$0x3F97] =	sst lr;
	_ =	strace $0xD0000000  }
0x3: {  	_ = 	snop  }
0x4: {  	_ = 	snop  }
0x5: {  	_ = 	snop  }
0x6: {  	_ = 	snop  }
0x7: {  	_ = 	snop  }
__scs_overlays_trampoline_lowered:
0x8: {  	[smem:$0x3FA6] =	sst s0  }
0x9: {  	[smem:$0x3FA7] =	sst s1  }
0xa: {  	[smem:$0x3FA8] =	sst s2  }
0xb: {  	[smem:$0x3FA9] =	sst s3  }
0xc: {  	[smem:$0x3FAA] =	sst s4  }
0xd: {  	[smem:$0x3FAB] =	sst s5  }
0xe: {  	[smem:$0x3FAC] =	sst s6  }
0xf: {  	[smem:$0x3FAD] =	sst s7  }
0x10: {  	[smem:$0x3FAE] =	sst s8  }
0x11: {  	[smem:$0x3FAF] =	sst s9;
	s0 =	simm.s32 @!p0 $0x0  }
0x12: {  	s1 =	sld [smem:$0x3F95];
	s0 =	simm.s32 @p0 $0x1  }
0x13: {  	[smem:$0x3FB0] =	sst s0;
	s0 =	simm.s32 @!p1 $0x0  }
0x14: {  	s2 =	sld [smem:$0x3F94];
	s0 =	simm.s32 @p1 $0x1  }
0x15: {  	[smem:$0x3FB1] =	sst s0;
	s0 =	simm.s32 @!p2 $0x0  }
0x16: {  	s3 =	sld [smem:$0x3FDB];
	s0 =	simm.s32 @p2 $0x1  }
0x17: {  	s4 =	simm.s32 $0x1BF5;
	[smem:$0x3FB3] =	sst s0  }
0x18: {  	s0 =	sld [smem:$0x3F96];
	_ =	swait.ge [sflag:s4], $0x0  }
0x19: {  	s7 =	sld [smem:$0x3F97]  }
0x1a: {  	s8 =	sadd.s32 $0xFFFFE003, lr  }
0x1b: {  	s9 =	sadd.s32 $0xFFFFFEF7, lr;
	s5 =	simm.s32 $0xFFFFFFFF;
	p2 =	slt.u32 s8, $0xFFFFF086  }
0x1c: {  	p1 =	slt.u32 s9, $0xF7A;
	s5 =	simm.s32 @!p2 $0x0  }
0x1d: {  	s5 =	simm.s32 @p1 $0x1;
	p0 =	seq.s32 s7, s2  }
0x1e: {  	s7 =	smul.u32 @!p0 $0xF7A, s2;
	p2 =	seq.s32 @!p0 s5, $0x0  }
0x1f: {  	s9 =	smul.u32 $0xF7A, s1;
	s8 =	simm.s32 @!p0 $0x1BF5;
	p2 =	por !p2, p0  }
0x20: {  	[sflag:s8] =	ssyncset.s32 @!p0 $0xFFFFF086;
	s6 =	sadd.s32 @!p0 s3, s7;
	s7 =	simm.s32 @!p0 $0x108  }
0x21: {  	s3 =	sadd.s32 s3, s9;
	s6 =	sadd.s32 @!p0 $0x88, s6;
	s7 =	simm.s32 @p2 $0x1082  }
0x22: {  	[simem:s7], [sflag:s8] =	dma.local @!p0 [hbm:s6], $0xF7A  }
0x23: {  	s9 =	sor.u32 $0xD0000000, s2;
	s6 =	simm.s32 $0x108;
	_ =	swait.ge @!p0 [sflag:s8], $0x0  }
0x24: {  	s3 =	sadd.s32 $0x88, s3;
	s6 =	simm.s32 @!p1 $0x1082;
	[sflag:s4] =	ssyncset.s32 $0xFFFFF086  }
0x25: {  	[simem:s6], [sflag:s4] =	dma.local [hbm:s3], $0xF7A  }
0x26: {  	[smem:$0x3F97] =	sst s1;
	(tag) =	ssettag s2;
	_ =	strace s9  }
0x27: {  	s1 =	sld [smem:$0x3FA7]  }
0x28: {  	s2 =	sld [smem:$0x3FA8]  }
0x29: {  	s4 =	sld [smem:$0x3FAA]  }
0x2a: {  	p0 =	seq.s32 s5, $0x0;
	s5 =	sld [smem:$0x3FAB]  }
0x2b: {  	s6 =	sld [smem:$0x3FAC]  }
0x2c: {  	s7 =	sld [smem:$0x3FAD]  }
0x2d: {  	s3 =	simm.s32 $0x108;
	s8 =	sld [smem:$0x3FAE]  }
0x2e: {  	s3 =	simm.s32 @!p0 $0x1082;
	s9 =	sld [smem:$0x3FAF]  }
0x2f: {  	lr =	sadd.s32 s0, s3;
	s0 =	sld [smem:$0x3FA6]  }
0x30: {  	s3 =	sld [smem:$0x3FA9]  }
0x31: {  	[smem:$0x3FB2] =	sst s10  }
0x32: {  	s10 =	sld [smem:$0x3FB0];
	_ =	sdelay $0x3  }
0x33: {  	p0 =	seq.s32 s10, $0x1;
	s10 =	sld [smem:$0x3FB2];
	_ =	sdelay $0x3  }
0x34: {  	[smem:$0x3FB2] =	sst s10  }
0x35: {  	s10 =	sld [smem:$0x3FB1];
	_ =	sdelay $0x3  }
0x36: {  	p1 =	seq.s32 s10, $0x1;
	s10 =	sld [smem:$0x3FB2];
	_ =	sdelay $0x3  }
0x37: {  	[smem:$0x3FB2] =	sst s10  }
0x38: {  	s10 =	sld [smem:$0x3FB3]  }
0x39: {  	_ = 	snop;
	(pc) =	sbr.ind lr, $3  }
0x3a: {  	_ = 	snop  }
0x3b: {  	_ = 	snop  }
0x3c: {  	p2 =	seq.s32 s10, $0x1;
	s10 =	sld [smem:$0x3FB2]  }
0x3d: {  	_ =	shalt  }
0x3e: {  	_ =	shalt  }
0x3f: {  	_ =	shalt  }
0x40: {  	_ =	shalt  }
0x41: {  	_ =	shalt  }
0x42: {  	_ =	shalt  }
0x43: {  	_ =	shalt  }
0x44: {  	_ =	shalt  }
0x45: {  	_ =	shalt  }
0x46: {  	_ =	shalt  }
0x47: {  	_ =	shalt  }
0x48: {  	_ =	shalt  }
0x49: {  	_ =	shalt  }
0x4a: {  	_ =	shalt  }
0x4b: {  	_ =	shalt  }
0x4c: {  	_ =	shalt  }
0x4d: {  	_ =	shalt  }
0x4e: {  	_ =	shalt  }
0x4f: {  	_ =	shalt  }
0x50: {  	_ =	shalt  }
0x51: {  	_ =	shalt  }
0x52: {  	_ =	shalt  }
0x53: {  	_ =	shalt  }
0x54: {  	_ =	shalt  }
0x55: {  	_ =	shalt  }
0x56: {  	_ =	shalt  }
0x57: {  	_ =	shalt  }
0x58: {  	_ =	shalt  }
0x59: {  	_ =	shalt  }
0x5a: {  	_ =	shalt  }
0x5b: {  	_ =	shalt  }
0x5c: {  	_ =	shalt  }
0x5d: {  	_ =	shalt  }
0x5e: {  	_ =	shalt  }
0x5f: {  	_ =	shalt  }
0x60: {  	_ =	shalt  }
0x61: {  	_ =	shalt  }
0x62: {  	_ =	shalt  }
0x63: {  	_ =	shalt  }
0x64: {  	_ =	shalt  }
0x65: {  	_ =	shalt  }
0x66: {  	_ =	shalt  }
0x67: {  	_ =	shalt  }
0x68: {  	_ =	shalt  }
0x69: {  	_ =	shalt  }
0x6a: {  	_ =	shalt  }
0x6b: {  	_ =	shalt  }
0x6c: {  	_ =	shalt  }
0x6d: {  	_ =	shalt  }
0x6e: {  	_ =	shalt  }
0x6f: {  	_ =	shalt  }
0x70: {  	_ =	shalt  }
0x71: {  	_ =	shalt  }
0x72: {  	_ =	shalt  }
0x73: {  	_ =	shalt  }
0x74: {  	_ =	shalt  }
0x75: {  	_ =	shalt  }
0x76: {  	_ =	shalt  }
0x77: {  	_ =	shalt  }
0x78: {  	_ =	shalt  }
0x79: {  	_ =	shalt  }
0x7a: {  	_ =	shalt  }
0x7b: {  	_ =	shalt  }
0x7c: {  	_ =	shalt  }
0x7d: {  	_ =	shalt  }
0x7e: {  	_ =	shalt  }
0x7f: {  	_ =	shalt  }
0x80: {  	_ =	shalt  }
0x81: {  	_ =	shalt  }
0x82: {  	_ =	shalt  }
0x83: {  	_ =	shalt  }
0x84: {  	_ =	shalt  }
0x85: {  	_ =	shalt  }
0x86: {  	_ =	shalt  }
0x87: {  	_ =	shalt  }
.Lfunc_end0:
.L_simem_size_0:
called_computation.2_lowered:
.L_overlay_start_0:
0x88: {  	s2 =	sld [smem:$0x3FD9]  }
0x89: {  	s3 =	sld [smem:$0x3FFE];
	_ =	sdelay $0x1  }
0x8a: {  	s1 =	srdreg.scid  }
0x8b: {  	s0 =	sand.u32 $0x1, s1  }
0x8c: {  	s17 =	sshll.u32 s0, $0xA;
	s2 =	sadd.s32 s3, s2  }
0x8d: {  	s2 =	sadd.s32 s2, s17  }
0x8e: {  	[smem:$0x3FBE] =	sst s2  }
0x8f: {  	_ = 	snop  }
0x90: {  	s2 =	sld [smem:$0x3FD0];
	(tm) =	ssettm $0x1  }
0x91: {  	s18 =	sld [smem:$0x3FFB];
	_ =	sdelay $0x3  }
0x92: {  	_ =	strace s18  }
0x93: {  	s3 =	sld [smem:$0x3FFC];
	_ =	sdelay $0x3  }
0x94: {  	_ =	strace s3  }
0x95: {  	s3 =	sld [smem:$0x3FFD];
	_ =	sdelay $0x3  }
0x96: {  	_ =	strace s3  }
0x97: {  	_ =	strace $0x8FFFFFFF  }
0x98: {  	s19 =	sld [smem:$0x3FDB];
	_ =	sdelay $0x1  }
0x99: {  	s4 =	simm.s32 $_scs_section_size  }
0x9a: {  	s5 =	simm.s32 $_size__tile_overlayer_lowered;
	s6 =	simm.s32 $_tile_overlayer_lowered  }
0x9b: {  	s22 =	simm.s32 $0x1BFF;
	s21 =	sshll.u32 s6, $0x1;
	s3 =	sadd.s32 s4, s19  }
0x9c: {  	s7 =	simm.s32 $0x0;
	s20 =	sshll.u32 s5, $0x1;
	s5 =	sadd.s32 s21, s3  }
0x9d: {  	[timem:s7], [sflag:s22] =	dma.local [hbm:s5], s20  }
0x9e: {  	_ =	swait.ge [sflag:s22], s20  }
0x9f: {  	s4 =	ssub.s32 $0x0, s20;
	[sflag:s22] =	ssyncset.done $0x0  }
0xa0: {  	[sflag:s22] =	ssyncadd.s32 s4;
	_ =	sdelay $0x1  }
0xa1: {  	s23 =	simm.s32 $0x1B8B  }
0xa2: {  	_ =	swait.ge [sflag:s23], $0x1  }
0xa3: {  	[sflag:s23] =	ssyncset.done $0x0  }
0xa4: {  	s25 =	simm.s32 $0x1B8E;
	s24 =	sld [smem:$0x3FFE];
	[sflag:s23] =	ssyncadd.s32 $0xFFFFFFFF  }
0xa5: {  	s26 =	simm.s32 $execute0_lowered;
	[smem:$0x3FD2] =	sst s25  }
0xa6: {  	s5 =	sshll.u32 s26, $0x1;
	_ =	strace $0x8000004C;
	[dreg:$0x1] =	wrdreg $0xFFFFFFFF  }
0xa7: {  	s28 =	simm.s32 $_size_execute0_lowered;
	s3 =	sadd.s32 s3, s5;
	[dreg:$0x0] =	wrdreg $0x0  }
0xa8: {  	s5 =	sshll.u32 s28, $0x1;
	[dreg:$0x2] =	wrdreg s3  }
0xa9: {  	[dreg:$0x3] =	wrdreg s5  }
0xaa: {  	[dreg:$0x4] =	wrdreg $0xC0  }
0xab: {  	_ =	task [dreg:s7], $0x5FFFF  }
0xac: {  	[dreg:$0x1] =	wrdreg $0xFFFFFFFF  }
0xad: {  	[dreg:$0x0] =	wrdreg $0x60  }
0xae: {  	[dreg:$0x2] =	wrdreg s24  }
0xaf: {  	[dreg:$0x3] =	wrdreg s2  }
0xb0: {  	[dreg:$0x4] =	wrdreg $0x0  }
0xb1: {  	[dreg:$0x5] =	wrdreg $0x9  }
0xb2: {  	_ =	task.clear_ibuf [dreg:s7], $0x6FFFF;
	_ =	strace $0x9000004C  }
0xb3: {  	s29 =	simm.s32 $0x9;
	_ =	strace $0x8000004E  }
0xb4: {  	_ =	swait.ge [sflag:s29], $0x1  }
0xb5: {  	[sflag:s29] =	ssyncadd.s32 $0xFFFFFFFF  }
0xb6: {  	_ =	strace $0x9000004E  }
0xb7: {  	_ =	sfence  }
0xb8: {  	s30 =	sld [smem:$0x0];
	_ =	sdelay $0x2  }
0xb9: {  	s31 =	sshll.u32 s1, $0xD;
	s1 =	sshrl.u32 s1, $0x2  }
0xba: {  	s3 =	sand.u32 $0x4000, s31;
	s1 =	sadd.s32 s1, s30  }
0xbb: {  	s0 =	sor.u32 s3, s0;
	s1 =	sshll.u32 s1, $0x11  }
0xbc: {  	s0 =	sor.u32 s1, s0  }
0xbd: {  	s0 =	sadd.s32 $0x8F2B, s0  }
0xbe: {  	[sflag:s0] =	ssyncadd.remote.s32 $0x1  }
0xbf: {  	_ =	sfence.sel $0xFFFF  }
0xc0: {  	[dreg:$0x0] =	wrdreg $0xFFFFFFFF;
	(pc) =	sbr.abs _section_cstart, $3  }
0xc1: {  	[dreg:$0x1] =	wrdreg $0xFFFFFFFF  }
0xc2: {  	_ =	task.clear_ibuf [dreg:s7], $0x2FFFF;
	_ =	strace $0x9FFFFFFF  }
0xc3: {  	(tm) =	ssettm $0x7FFFFFFF  }
tec
execute0_lowered:
.L_overlay_start_1:
0x0: {  	(tag) =	ssettag $0x1  }
0x1: {  	s0 =	rddreg [dreg:$0x0]  }
0x2: {  	s3 =	rddreg [dreg:$0x1]  }
0x3: {  	s1 =	rddreg [dreg:$0x2]  }
0x4: {  	s2 =	simm.s32 $0x0;
	s5 =	srdreg.scid;
	s15 =	stileid.u32  }
0x5: {  	[smem:$0x7FF] =	sst s2;
	s4 =	sadd.s32 $0xCC00, s0;
	s19 =	smul.u32 $0x4E000, s15  }
0x6: {  	s6 =	sadd.s32 $0x2E00, s0;
	s7 =	sand.u32 $0x1, s5;
	s25 =	smul.u32 $0x13800, s15  }
0x7: {  	s0 =	sadd.s32 $0x33E00, s0;
	s9 =	sshll.u32 s15, $0x1;
	s13 =	smul.u32 $0x4E20, s15  }
0x8: {  	p0 =	sne.s32 s15, $0xF;
	s15 =	simm.s32 $0x2;
	_ =	strace $0x8000004D  }
0x9: {  	s8 =	ssub.s32 $0x2, s7;
	s9 =	sor.u32 s7, s9;
	s24 =	smul.u32 $0x138800, s7  }
0xa: {  	s7 =	smul.u32 $0x2710, s7;
	s10 =	sshrl.u32 s8, $0x1;
	s5 =	sshrl.u32 s19, $0x2  }
0xb: {  	s9 =	smul.u32 $0x2710, s9;
	s29 =	sadd.s32 $0x6800, s25;
	s8 =	ssub.s32 s8, s10  }
0xc: {  	s5 =	sadd.s32 s5, s1;
	s28 =	sadd.s32 s25, s24;
	s14 =	sadd.s32 s24, s29  }
0xd: {  	s7 =	sadd.s32 s7, s13;
	s10 =	sshrl.u32 s24, $0x3;
	s20 =	sadd.s32 $0x1800, s5  }
0xe: {  	s21 =	sadd.s32 $0x3000, s5;
	s22 =	sadd.s32 $0x4800, s5;
	[dreg:$0x4] =	wrdreg s20  }
0xf: {  	s23 =	sadd.s32 $0x6000, s5;
	s9 =	sshrl.u32 s9, $0x3;
	[dreg:$0x5] =	wrdreg s21  }
0x10: {  	s11 =	sadd.s32 $0x7800, s5;
	s12 =	sadd.s32 $0x9000, s5;
	[dreg:$0x6] =	wrdreg s22  }
0x11: {  	s30 =	sshrl.u32 s14, $0x3;
	s13 =	sadd.s32 $0x80, s7;
	[dreg:$0x7] =	wrdreg s23  }
0x12: {  	s7 =	sshrl.u32 s7, $0x3;
	s16 =	sadd.s32 $0xA800, s5;
	[dreg:$0x8] =	wrdreg s11  }
0x13: {  	s9 =	sadd.s32 $0x4E0, s9;
	[dreg:$0x9] =	wrdreg s12;
	s11 =	sadd.s32 $0xD000, s25  }
0x14: {  	s14 =	sshrl.u32 s13, $0x3;
	s19 =	sadd.s32 s7, s6;
	s20 =	sadd.s32 s7, s3  }
0x15: {  	[dreg:$0xf] =	wrdreg s16;
	s21 =	sadd.s32 s29, s1;
	s23 =	smax.u32 s8, $0x1  }
0x16: {  	s29 =	sadd.s32 $0xF000, s5;
	s7 =	simm.s32 $0x1B880;
	s8 =	simm.s32 $0x1B980  }
0x17: {  	s12 =	simm.s32 $0x13880;
	s13 =	simm.s32 $0x17880;
	s16 =	simm.s32 $0x1C280  }
0x18: {  	s26 =	sadd.s32 s3, s9;
	s9 =	sadd.s32 s6, s9;
	s31 =	sadd.s32 s24, s11  }
0x19: {  	s17 =	sadd.s32 s14, s6;
	s18 =	sadd.s32 s14, s3;
	[dreg:$0x11] =	wrdreg s23  }
0x1a: {  	s22 =	sadd.s32 s11, s1;
	s24 =	sshrl.u32 s21, $0x3;
	[dreg:$0x16] =	wrdreg s29  }
0x1b: {  	s3 =	simm.s32 $0x1C380;
	s6 =	simm.s32 $0x4;
	[dreg:$0xa] =	wrdreg s26  }
0x1c: {  	s11 =	simm.s32 $0x80;
	s14 =	simm.s32 $0x1;
	[dreg:$0xb] =	wrdreg s9  }
0x1d: {  	s21 =	simm.s32 $0x1C300;
	[dreg:$0x12] =	wrdreg s24;
	s25 =	sshrl.u32 s22, $0x3  }
0x1e: {  	s23 =	simm.s32 $0x1BA80;
	s26 =	sadd.s32 $0xC000, s5;
	[dreg:$0x13] =	wrdreg s25  }
0x1f: {  	s9 =	sshrl.u32 s28, $0x3;
	s28 =	sadd.s32 $0xD800, s5;
	[dreg:$0x14] =	wrdreg s26  }
0x20: {  	s22 =	simm.s32 $0x10;
	s9 =	sadd.s32 s0, s9;
	[dreg:$0x15] =	wrdreg s28  }
0x21: {  	s24 =	simm.s32 $0x3;
	[dreg:$0xc] =	wrdreg s9;
	s9 =	sadd.s32 s0, s30  }
0x22: {  	s25 =	simm.s32 $0x0;
	s30 =	sadd.s32 $0x10800, s5;
	[dreg:$0xd] =	wrdreg s9  }
0x23: {  	s9 =	sshrl.u32 s31, $0x3;
	[dreg:$0x17] =	wrdreg s30;
	s31 =	sadd.s32 $0x12000, s5  }
0x24: {  	s9 =	sadd.s32 s0, s9;
	s0 =	sadd.s32 s0, s10;
	[dreg:$0x18] =	wrdreg s31  }
0x25: {  	s10 =	simm.s32 $0x1BA00;
	[dreg:$0xe] =	wrdreg s9;
	s0 =	sadd.s32 $0x27000, s0  }
0x26: {  	v0 =	vimm.f32 $0.0e+00;
	s9 =	simm.s32 $0x1B900;
	[dreg:$0x10] =	wrdreg s0;
	s0 =	sadd.s32 $0x138000, s1  }
.LBB2_1:
0x27: {  	s26 =	simm.s32 $0x0;
	s28 =	simm.s32 $0x200  }
.LBB2_2:
0x28: {  	p1 =	sne.s32 s28, $0x5E00;
	[tilespmem:s26+$0x1C3F0] =	vst v0  }
0x29: {  	[tilespmem:s26+$0x1C380] =	vst v0  }
0x2a: {  	[tilespmem:s26+$0x1C390] =	vst v0  }
.Ltmp0:
0x2b: {  	[tilespmem:s26+$0x1C3A0] =	vst v0;
	(pc) =	sbr.rel @p1 .LBB2_2-.Ltmp0, $4  }
0x2c: {  	[tilespmem:s26+$0x1C3B0] =	vst v0  }
0x2d: {  	[tilespmem:s26+$0x1C3C0] =	vst v0  }
0x2e: {  	[tilespmem:s26+$0x1C3D0] =	vst v0  }
0x2f: {  	[tilespmem:s26+$0x1C3E0] =	vst v0;
	s26 =	sshra.s32 s28, $0x2;
	s28 =	sadd.s32 $0x200, s28  }
0x30: {  	[tilespmem:s26+$0x1C3F0] =	vst v0  }
0x31: {  	[tilespmem:s26+$0x1C380] =	vst v0  }
0x32: {  	[tilespmem:s26+$0x1C390] =	vst v0  }
0x33: {  	[tilespmem:s26+$0x1C3A0] =	vst v0  }
0x34: {  	[tilespmem:s26+$0x1C3B0] =	vst v0  }
0x35: {  	[tilespmem:s26+$0x1C3C0] =	vst v0  }
0x36: {  	[tilespmem:s26+$0x1C3D0] =	vst v0  }
0x37: {  	[tilespmem:s26+$0x1C3E0] =	vst v0  }
0x38: {  	[spmem:s5] =	stream.linear.scatter [tilespmem:s3], [sflag:$0x4], $0x1800, $0x38;
	[tilespmem:$0x1DB80] =	vst v63  }
0x39: {  	_ =	swait.ge [sflag:s6], $0x1800  }
0x3a: {  	[sflag:s6] =	ssyncset.done $0x0  }
0x3b: {  	s31 =	rddreg [dreg:$0x4];
	[sflag:s6] =	ssyncadd.s32 $0xFFFFE800  }
0x3c: {  	[spmem:s31] =	stream.linear.scatter [tilespmem:s3], [sflag:$0x4], $0x1800, $0x38;
	[tilespmem:$0x1DB80] =	vst v63  }
0x3d: {  	_ =	swait.ge [sflag:s6], $0x1800  }
0x3e: {  	[sflag:s6] =	ssyncset.done $0x0  }
0x3f: {  	s29 =	rddreg [dreg:$0x5];
	[sflag:s6] =	ssyncadd.s32 $0xFFFFE800  }
0x40: {  	[spmem:s29] =	stream.linear.scatter [tilespmem:s3], [sflag:$0x4], $0x1800, $0x38;
	[tilespmem:$0x1DB80] =	vst v63  }
0x41: {  	_ =	swait.ge [sflag:s6], $0x1800  }
0x42: {  	[sflag:s6] =	ssyncset.done $0x0  }
0x43: {  	s30 =	rddreg [dreg:$0x6];
	[sflag:s6] =	ssyncadd.s32 $0xFFFFE800  }
0x44: {  	[spmem:s30] =	stream.linear.scatter [tilespmem:s3], [sflag:$0x4], $0x1800, $0x38;
	[tilespmem:$0x1DB80] =	vst v63  }
0x45: {  	_ =	swait.ge [sflag:s6], $0x1800  }
0x46: {  	[sflag:s6] =	ssyncset.done $0x0  }
0x47: {  	s31 =	rddreg [dreg:$0x7];
	[sflag:s6] =	ssyncadd.s32 $0xFFFFE800  }
0x48: {  	[spmem:s31] =	stream.linear.scatter [tilespmem:s3], [sflag:$0x4], $0x1800, $0x38;
	[tilespmem:$0x1DB80] =	vst v63  }
0x49: {  	_ =	swait.ge [sflag:s6], $0x1800  }
0x4a: {  	[sflag:s6] =	ssyncset.done $0x0  }
0x4b: {  	s29 =	rddreg [dreg:$0x8];
	[sflag:s6] =	ssyncadd.s32 $0xFFFFE800  }
0x4c: {  	[spmem:s29] =	stream.linear.scatter [tilespmem:s3], [sflag:$0x4], $0x1800, $0x38;
	[tilespmem:$0x1DB80] =	vst v63  }
0x4d: {  	_ =	swait.ge [sflag:s6], $0x1800  }
0x4e: {  	[sflag:s6] =	ssyncset.done $0x0  }
0x4f: {  	s30 =	rddreg [dreg:$0x9];
	[sflag:s6] =	ssyncadd.s32 $0xFFFFE800  }
0x50: {  	[spmem:s30] =	stream.linear.scatter [tilespmem:s3], [sflag:$0x4], $0x1800, $0x38;
	[tilespmem:$0x1DB80] =	vst v63  }
0x51: {  	_ =	swait.ge [sflag:s6], $0x1800  }
0x52: {  	[sflag:s6] =	ssyncset.done $0x0  }
0x53: {  	s31 =	rddreg [dreg:$0xf];
	[sflag:s6] =	ssyncadd.s32 $0xFFFFE800  }
0x54: {  	[spmem:s31] =	stream.linear.scatter [tilespmem:s3], [sflag:$0x4], $0x1800, $0x38;
	[tilespmem:$0x1DB80] =	vst v63  }
0x55: {  	_ =	swait.ge [sflag:s6], $0x1800  }
0x56: {  	[sflag:s6] =	ssyncset.done $0x0  }
0x57: {  	s29 =	rddreg [dreg:$0x14];
	[sflag:s6] =	ssyncadd.s32 $0xFFFFE800  }
0x58: {  	[spmem:s29] =	stream.linear.scatter [tilespmem:s3], [sflag:$0x4], $0x1800, $0x38;
	[tilespmem:$0x1DB80] =	vst v63  }
0x59: {  	_ =	swait.ge [sflag:s6], $0x1800  }
0x5a: {  	[sflag:s6] =	ssyncset.done $0x0  }
0x5b: {  	s30 =	rddreg [dreg:$0x15];
	[sflag:s6] =	ssyncadd.s32 $0xFFFFE800  }
0x5c: {  	[spmem:s30] =	stream.linear.scatter [tilespmem:s3], [sflag:$0x4], $0x1800, $0x38;
	[tilespmem:$0x1DB80] =	vst v63  }
0x5d: {  	_ =	swait.ge [sflag:s6], $0x1800  }
0x5e: {  	[sflag:s6] =	ssyncset.done $0x0  }
0x5f: {  	s31 =	rddreg [dreg:$0x16];
	[sflag:s6] =	ssyncadd.s32 $0xFFFFE800  }
0x60: {  	[spmem:s31] =	stream.linear.scatter [tilespmem:s3], [sflag:$0x4], $0x1800, $0x38;
	[tilespmem:$0x1DB80] =	vst v63  }
0x61: {  	_ =	swait.ge [sflag:s6], $0x1800  }
0x62: {  	[sflag:s6] =	ssyncset.done $0x0  }
0x63: {  	s29 =	rddreg [dreg:$0x17];
	[sflag:s6] =	ssyncadd.s32 $0xFFFFE800  }
0x64: {  	[spmem:s29] =	stream.linear.scatter [tilespmem:s3], [sflag:$0x4], $0x1800, $0x38;
	[tilespmem:$0x1DB80] =	vst v63  }
0x65: {  	_ =	swait.ge [sflag:s6], $0x1800  }
0x66: {  	[sflag:s6] =	ssyncset.done $0x0  }
0x67: {  	s30 =	rddreg [dreg:$0x18];
	[sflag:s6] =	ssyncadd.s32 $0xFFFFE800  }
0x68: {  	[spmem:s30] =	stream.linear.scatter [tilespmem:s3], [sflag:$0x4], $0x1800, $0x38;
	[tilespmem:$0x1DB80] =	vst v63  }
0x69: {  	_ =	swait.ge [sflag:s6], $0x1800  }
0x6a: {  	[sflag:s6] =	ssyncset.done $0x0  }
0x6b: {  	s26 =	simm.s32 @!p0 $0x1C380;
	[sflag:s6] =	ssyncadd.s32 $0xFFFFE800  }
0x6c: {  	[spmem:s0] =	stream.linear.scatter @!p0 [tilespmem:s26], [sflag:$0x4], $0x800, $0x38;
	[tilespmem:$0x1DB80] =	vst v63  }
0x6d: {  	s26 =	simm.s32 @!p0 $0x4  }
0x6e: {  	_ =	swait.ge @!p0 [sflag:s26], $0x800  }
0x6f: {  	[sflag:s26] =	ssyncset.done @!p0 $0x0  }
0x70: {  	[sflag:s26] =	ssyncadd.s32 @!p0 $0xFFFFF800  }
0x71: {  	s31 =	sadd.s32 $0x0, s20;
	[bflag:$0x0] =	sbarrier.arrive $0xFFFF  }
0x72: {  	[tilespmem:s7], [sflag:$0x4] =	stream.linear.gather [hbm4b:s31+s2], $0x80, $0x38;
	[tilespmem:$0x1DB80] =	vst v63  }
0x73: {  	_ =	swait.ge [sflag:s6], $0x80  }
0x74: {  	[sflag:s6] =	ssyncset.done $0x0  }
0x75: {  	s29 =	sadd.s32 $0x0, s19;
	[sflag:s6] =	ssyncadd.s32 $0xFFFFFF80  }
0x76: {  	[tilespmem:s8], [sflag:$0x4] =	stream.linear.gather [hbm4b:s29+s2], $0x80, $0x38;
	[tilespmem:$0x1DB80] =	vst v63  }
0x77: {  	_ =	swait.ge [sflag:s6], $0x80  }
0x78: {  	[sflag:s6] =	ssyncset.done $0x0  }
0x79: {  	s30 =	sadd.s32 $0x0, s18;
	[sflag:s6] =	ssyncadd.s32 $0xFFFFFF80  }
0x7a: {  	[tilespmem:s9], [sflag:$0x4] =	stream.linear.gather [hbm4b:s30+s2], $0x80, $0x38;
	[tilespmem:$0x1DB80] =	vst v63  }
0x7b: {  	_ =	swait.ge [sflag:s6], $0x80  }
0x7c: {  	[sflag:s6] =	ssyncset.done $0x0  }
0x7d: {  	s31 =	sadd.s32 $0x0, s17;
	[sflag:s6] =	ssyncadd.s32 $0xFFFFFF80  }
0x7e: {  	[tilespmem:s10], [sflag:$0x4] =	stream.linear.gather [hbm4b:s31+s2], $0x80, $0x38;
	[tilespmem:$0x1DB80] =	vst v63  }
0x7f: {  	_ =	swait.ge [sflag:s6], $0x80  }
0x80: {  	[sflag:s6] =	ssyncset.done $0x0  }
0x81: {  	[sflag:s6] =	ssyncadd.s32 $0xFFFFFF80  }
0x82: {  	[tilespmem:s12], [sflag:$0x1] =	stream.indirect.gather [hbm4b:s4+s11], $0x80, s7, s11, $0xb8;
	[tilespmem:$0x1DB80] =	vst v63  }
0x83: {  	_ = 	snop  }
0x84: {  	[tilespmem:s13], [sflag:$0x2] =	stream.indirect.gather [hbm4b:s4+s11], $0x80, s9, s11, $0xb8;
	[tilespmem:$0x1DB80] =	vst v63  }
0x85: {  	_ =	swait.ge [sflag:s14], $0x4000  }
0x86: {  	[sflag:s14] =	ssyncset.done $0x0  }
0x87: {  	[sflag:s14] =	ssyncadd.s32 $0xFFFFC000  }
0x88: {  	[spmem:s1] =	stream.indirect.scatter.add.f32 [tilespmem:s12], [sflag:$0x4], $0x80, s8, s11, $0xb8;
	[tilespmem:$0x1DB80] =	vst v63  }
0x89: {  	_ =	swait.ge [sflag:s6], $0x4000  }
0x8a: {  	[sflag:s6] =	ssyncset.done $0x0  }
0x8b: {  	[sflag:s6] =	ssyncadd.s32 $0xFFFFC000  }
0x8c: {  	_ =	swait.ge [sflag:s15], $0x4000  }
0x8d: {  	[sflag:s15] =	ssyncset.done $0x0  }
0x8e: {  	[sflag:s15] =	ssyncadd.s32 $0xFFFFC000  }
0x8f: {  	[spmem:s1] =	stream.indirect.scatter.add.f32 [tilespmem:s13], [sflag:$0x4], $0x80, s10, s11, $0xb8;
	[tilespmem:$0x1DB80] =	vst v63  }
0x90: {  	_ =	swait.ge [sflag:s6], $0x4000  }
0x91: {  	s28 =	simm.s32 $0x40;
	s26 =	simm.s32 $0x20;
	[sflag:s6] =	ssyncset.done $0x0  }
.LBB2_4:
0x92: {  	s30 =	sadd.s32 s26, s20  }
0x93: {  	[sflag:s6] =	ssyncadd.s32 $0xFFFFC000;
	s31 =	smov.u32 s28;
	s29 =	sadd.s32 $0x20, s28  }
0x94: {  	[tilespmem:s7], [sflag:$0x4] =	stream.linear.gather [hbm4b:s30+s2], $0x80, $0x38;
	[tilespmem:$0x1DB80] =	vst v63  }
0x95: {  	p1 =	sne.s32 s28, $0x4C0;
	_ =	swait.ge [sflag:s6], $0x80  }
0x96: {  	[sflag:s6] =	ssyncset.done $0x0  }
0x97: {  	s28 =	sadd.s32 s26, s19;
	[sflag:s6] =	ssyncadd.s32 $0xFFFFFF80  }
0x98: {  	[tilespmem:s8], [sflag:$0x4] =	stream.linear.gather [hbm4b:s28+s2], $0x80, $0x38;
	[tilespmem:$0x1DB80] =	vst v63  }
0x99: {  	_ =	swait.ge [sflag:s6], $0x80  }
0x9a: {  	[sflag:s6] =	ssyncset.done $0x0  }
0x9b: {  	s28 =	sadd.s32 s26, s18;
	[sflag:s6] =	ssyncadd.s32 $0xFFFFFF80  }
0x9c: {  	[tilespmem:s9], [sflag:$0x4] =	stream.linear.gather [hbm4b:s28+s2], $0x80, $0x38;
	[tilespmem:$0x1DB80] =	vst v63  }
0x9d: {  	_ =	swait.ge [sflag:s6], $0x80  }
0x9e: {  	[sflag:s6] =	ssyncset.done $0x0  }
0x9f: {  	s28 =	sadd.s32 s26, s17;
	s26 =	smov.u32 s31;
	[sflag:s6] =	ssyncadd.s32 $0xFFFFFF80  }
0xa0: {  	[tilespmem:s10], [sflag:$0x4] =	stream.linear.gather [hbm4b:s28+s2], $0x80, $0x38;
	[tilespmem:$0x1DB80] =	vst v63  }
0xa1: {  	_ =	swait.ge [sflag:s6], $0x80  }
0xa2: {  	[sflag:s6] =	ssyncset.done $0x0  }
0xa3: {  	[sflag:s6] =	ssyncadd.s32 $0xFFFFFF80  }
0xa4: {  	[tilespmem:s12], [sflag:$0x1] =	stream.indirect.gather [hbm4b:s4+s11], $0x80, s7, s11, $0xb8;
	[tilespmem:$0x1DB80] =	vst v63  }
0xa5: {  	_ = 	snop  }
0xa6: {  	[tilespmem:s13], [sflag:$0x2] =	stream.indirect.gather [hbm4b:s4+s11], $0x80, s9, s11, $0xb8;
	[tilespmem:$0x1DB80] =	vst v63  }
0xa7: {  	_ =	swait.ge [sflag:s14], $0x4000  }
0xa8: {  	[sflag:s14] =	ssyncset.done $0x0  }
0xa9: {  	[sflag:s14] =	ssyncadd.s32 $0xFFFFC000  }
0xaa: {  	[spmem:s1] =	stream.indirect.scatter.add.f32 [tilespmem:s12], [sflag:$0x4], $0x80, s8, s11, $0xb8;
	[tilespmem:$0x1DB80] =	vst v63  }
0xab: {  	_ =	swait.ge [sflag:s6], $0x4000  }
0xac: {  	[sflag:s6] =	ssyncset.done $0x0  }
0xad: {  	[sflag:s6] =	ssyncadd.s32 $0xFFFFC000  }
0xae: {  	_ =	swait.ge [sflag:s15], $0x4000  }
.Ltmp1:
0xaf: {  	[sflag:s15] =	ssyncset.done $0x0;
	(pc) =	sbr.rel @p1 .LBB2_4-.Ltmp1, $4  }
0xb0: {  	[sflag:s15] =	ssyncadd.s32 $0xFFFFC000  }
0xb1: {  	[spmem:s1] =	stream.indirect.scatter.add.f32 [tilespmem:s13], [sflag:$0x4], $0x80, s10, s11, $0xb8;
	[tilespmem:$0x1DB80] =	vst v63  }
0xb2: {  	_ =	swait.ge [sflag:s6], $0x4000  }
0xb3: {  	s28 =	smov.u32 s29;
	[sflag:s6] =	ssyncset.done $0x0  }
0xb4: {  	s28 =	sadd.s32 s26, s20;
	[sflag:s6] =	ssyncadd.s32 $0xFFFFC000  }
0xb5: {  	[tilespmem:s7], [sflag:$0x4] =	stream.linear.gather [hbm4b:s28+s2], $0x80, $0x38;
	[tilespmem:$0x1DB80] =	vst v63  }
0xb6: {  	_ =	swait.ge [sflag:s6], $0x80  }
0xb7: {  	[sflag:s6] =	ssyncset.done $0x0  }
0xb8: {  	s31 =	sadd.s32 s26, s19;
	[sflag:s6] =	ssyncadd.s32 $0xFFFFFF80  }
0xb9: {  	[tilespmem:s8], [sflag:$0x4] =	stream.linear.gather [hbm4b:s31+s2], $0x80, $0x38;
	[tilespmem:$0x1DB80] =	vst v63  }
0xba: {  	_ =	swait.ge [sflag:s6], $0x80  }
0xbb: {  	[sflag:s6] =	ssyncset.done $0x0  }
0xbc: {  	s29 =	sadd.s32 s26, s18;
	[sflag:s6] =	ssyncadd.s32 $0xFFFFFF80  }
0xbd: {  	[tilespmem:s9], [sflag:$0x4] =	stream.linear.gather [hbm4b:s29+s2], $0x80, $0x38;
	[tilespmem:$0x1DB80] =	vst v63  }
0xbe: {  	_ =	swait.ge [sflag:s6], $0x80  }
0xbf: {  	[sflag:s6] =	ssyncset.done $0x0  }
0xc0: {  	s30 =	sadd.s32 s26, s17;
	[sflag:s6] =	ssyncadd.s32 $0xFFFFFF80  }
0xc1: {  	[tilespmem:s10], [sflag:$0x4] =	stream.linear.gather [hbm4b:s30+s2], $0x80, $0x38;
	[tilespmem:$0x1DB80] =	vst v63  }
0xc2: {  	_ =	swait.ge [sflag:s6], $0x80  }
0xc3: {  	[sflag:s6] =	ssyncset.done $0x0  }
0xc4: {  	[sflag:s6] =	ssyncadd.s32 $0xFFFFFF80  }
0xc5: {  	[tilespmem:s12], [sflag:$0x1] =	stream.indirect.gather [hbm4b:s4+s11], $0x80, s7, s11, $0xb8;
	[tilespmem:$0x1DB80] =	vst v63  }
0xc6: {  	_ = 	snop  }
0xc7: {  	[tilespmem:s13], [sflag:$0x2] =	stream.indirect.gather [hbm4b:s4+s11], $0x80, s9, s11, $0xb8;
	[tilespmem:$0x1DB80] =	vst v63  }
0xc8: {  	_ =	swait.ge [sflag:s14], $0x4000  }
0xc9: {  	[sflag:s14] =	ssyncset.done $0x0  }
0xca: {  	[sflag:s14] =	ssyncadd.s32 $0xFFFFC000  }
0xcb: {  	[spmem:s1] =	stream.indirect.scatter.add.f32 [tilespmem:s12], [sflag:$0x4], $0x80, s8, s11, $0xb8;
	[tilespmem:$0x1DB80] =	vst v63  }
0xcc: {  	_ =	swait.ge [sflag:s6], $0x4000  }
0xcd: {  	[sflag:s6] =	ssyncset.done $0x0  }
0xce: {  	[sflag:s6] =	ssyncadd.s32 $0xFFFFC000  }
0xcf: {  	_ =	swait.ge [sflag:s15], $0x4000  }
0xd0: {  	[sflag:s15] =	ssyncset.done $0x0  }
0xd1: {  	[sflag:s15] =	ssyncadd.s32 $0xFFFFC000  }
0xd2: {  	[spmem:s1] =	stream.indirect.scatter.add.f32 [tilespmem:s13], [sflag:$0x4], $0x80, s10, s11, $0xb8;
	[tilespmem:$0x1DB80] =	vst v63  }
0xd3: {  	_ =	swait.ge [sflag:s6], $0x4000  }
0xd4: {  	[sflag:s6] =	ssyncset.done $0x0  }
0xd5: {  	s31 =	rddreg [dreg:$0xa];
	[sflag:s6] =	ssyncadd.s32 $0xFFFFC000  }
0xd6: {  	[tilespmem:s16], [sflag:$0x4] =	stream.linear.gather [hbm4b:s31+s2], $0x10, $0x38;
	[tilespmem:$0x1DB80] =	vst v63  }
0xd7: {  	_ =	swait.ge [sflag:s6], $0x10  }
0xd8: {  	[sflag:s6] =	ssyncset.done $0x0  }
0xd9: {  	s28 =	rddreg [dreg:$0xb];
	[sflag:s6] =	ssyncadd.s32 $0xFFFFFFF0  }
0xda: {  	[tilespmem:s21], [sflag:$0x4] =	stream.linear.gather [hbm4b:s28+s2], $0x10, $0x38;
	[tilespmem:$0x1DB80] =	vst v63  }
0xdb: {  	_ =	swait.ge [sflag:s6], $0x10  }
0xdc: {  	[sflag:s6] =	ssyncset.done $0x0  }
0xdd: {  	[sflag:s6] =	ssyncadd.s32 $0xFFFFFFF0  }
0xde: {  	[tilespmem:s23], [sflag:$0x3] =	stream.indirect.gather [hbm4b:s4+s22], $0x80, s16, s22, $0xb8;
	[tilespmem:$0x1DB80] =	vst v63  }
0xdf: {  	_ =	swait.ge [sflag:s24], $0x800  }
0xe0: {  	[sflag:s24] =	ssyncset.done $0x0  }
0xe1: {  	[sflag:s24] =	ssyncadd.s32 $0xFFFFF800  }
0xe2: {  	[spmem:s1] =	stream.indirect.scatter.add.f32 [tilespmem:s23], [sflag:$0x4], $0x80, s21, s22, $0xb8;
	[tilespmem:$0x1DB80] =	vst v63  }
0xe3: {  	_ =	swait.ge [sflag:s6], $0x800  }
0xe4: {  	[sflag:s6] =	ssyncset.done $0x0  }
0xe5: {  	s29 =	stileid.u32;
	[sflag:s6] =	ssyncadd.s32 $0xFFFFF800  }
0xe6: {  	s26 =	sshll.u32 s29, $0x6;
	[bflag:$0x0] =	sbarrier.arrive $0xFFFF  }
0xe7: {  	s26 =	sor.u32 $0x1C04, s26;
	s30 =	sshrl.u32 s5, $0x3;
	s29 =	rddreg [dreg:$0xc]  }
0xe8: {  	[hbm:s29], [sflag:s26] =	dma.local [spmem:s30], $0xD00  }
0xe9: {  	_ =	swait.ge [sflag:s6], $0xD00  }
0xea: {  	[sflag:s6] =	ssyncset.done $0x0;
	s31 =	rddreg [dreg:$0xd]  }
0xeb: {  	s30 =	rddreg [dreg:$0x12];
	[sflag:s6] =	ssyncadd.s32 $0xFFFFF300  }
0xec: {  	[hbm:s31], [sflag:s26] =	dma.local [spmem:s30], $0xD00  }
0xed: {  	_ =	swait.ge [sflag:s6], $0xD00  }
0xee: {  	[sflag:s6] =	ssyncset.done $0x0;
	s31 =	rddreg [dreg:$0xe]  }
0xef: {  	s30 =	rddreg [dreg:$0x13];
	[sflag:s6] =	ssyncadd.s32 $0xFFFFF300  }
0xf0: {  	[hbm:s31], [sflag:s26] =	dma.local [spmem:s30], $0xD00  }
0xf1: {  	_ =	swait.ge [sflag:s6], $0xD00  }
0xf2: {  	[sflag:s6] =	ssyncset.done $0x0  }
0xf3: {  	s28 =	sshrl.u32 @!p0 s0, $0x3;
	s29 =	rddreg [dreg:$0x10];
	[sflag:s6] =	ssyncadd.s32 $0xFFFFF300  }
0xf4: {  	[hbm:s29], [sflag:s26] =	dma.local @!p0 [spmem:s28], $0x100  }
0xf5: {  	s26 =	simm.s32 @!p0 $0x4  }
0xf6: {  	_ =	swait.ge @!p0 [sflag:s26], $0x100  }
0xf7: {  	s25 =	sadd.s32 $0x1, s25;
	s31 =	rddreg [dreg:$0x11]  }
0xf8: {  	p1 =	sne.s32 s25, s31  }
.Ltmp2:
0xf9: {  	_ = 	snop;
	(pc) =	sbr.rel @p1 .LBB2_1-.Ltmp2, $3  }
0xfa: {  	_ =	sdelay $0x1  }
0xfb: {  	[sflag:s26] =	ssyncset.done @!p0 $0x0  }
0xfc: {  	[sflag:s26] =	ssyncadd.s32 @!p0 $0xFFFFFF00  }
0xfd: {  	_ =	sfence.sel $0x180000  }
0xfe: {  	[bflag:$0x0] =	sbarrier.arrive $0xFFFF  }
0xff: {  	_ =	strace $0x9000004D  }
0x100: {  	s0 =	stileid.u32;
	[bflag:$0x2] =	sbarrier.arrive $0xFFFF  }
0x101: {  	p0 =	sne.s32 s0, $0x0;
	s0 =	rddreg [dreg:$0x3]  }
0x102: {  	s0 =	sadd.s32 @!p0 $0x100000, s0  }
0x103: {  	[sflag:s0] =	ssyncadd.tile.s32 @!p0 $0x1;
	_ =	shalt  }
.Lfunc_end2:
_tile_overlayer_lowered:
.L_overlay_start_2:
0x104: {  	(tag) =	ssettag $0x2  }
0x105: {  	s0 =	rddreg [dreg:$0x0];
	s2 =	stileid.u32  }
0x106: {  	s1 =	rddreg [dreg:$0x1];
	p0 =	sne.s32 s2, $0x0  }
0x107: {  	s3 =	rddreg [dreg:$0x2];
	[bflag:$0x3] =	sbarrier.arrive $0xFFFF;
	s2 =	simm.s32 @!p0 $0x1C04  }
0x108: {  	[timem:s3], [sflag:s2] =	dma.local @!p0 [hbm:s0], s1  }
0x109: {  	s0 =	simm.s32 @!p0 $0x4  }
0x10a: {  	_ =	swait.ge @!p0 [sflag:s0], s1  }
0x10b: {  	s1 =	ssub.s32 @!p0 $0x0, s1;
	[sflag:s0] =	ssyncset.done @!p0 $0x0  }
0x10c: {  	[sflag:s0] =	ssyncadd.s32 @!p0 s1  }
0x10d: {  	[bflag:$0x3] =	sbarrier.arrive $0xFFFF  }
0x10e: {  	_ =	shalt  }

// kernel: kernel.19.cloned.1.call-start
scs
__scs_entry_jumppad:
0x0: {  	(pc) =	sbr.rel $0x88, $3  }
0x1: {  	(tag) =	ssettag $0x0;
	lr =	simm.s32 $0x1  }
0x2: {  	[smem:$0x3F97] =	sst lr;
	_ =	strace $0xD0000000  }
0x3: {  	_ = 	snop  }
0x4: {  	_ = 	snop  }
0x5: {  	_ = 	snop  }
0x6: {  	_ = 	snop  }
0x7: {  	_ = 	snop  }
__scs_overlays_trampoline_lowered:
0x8: {  	[smem:$0x3FA6] =	sst s0  }
0x9: {  	[smem:$0x3FA7] =	sst s1  }
0xa: {  	[smem:$0x3FA8] =	sst s2  }
0xb: {  	[smem:$0x3FA9] =	sst s3  }
0xc: {  	[smem:$0x3FAA] =	sst s4  }
0xd: {  	[smem:$0x3FAB] =	sst s5  }
0xe: {  	[smem:$0x3FAC] =	sst s6  }
0xf: {  	[smem:$0x3FAD] =	sst s7  }
0x10: {  	[smem:$0x3FAE] =	sst s8  }
0x11: {  	[smem:$0x3FAF] =	sst s9;
	s0 =	simm.s32 @!p0 $0x0  }
0x12: {  	s1 =	sld [smem:$0x3F95];
	s0 =	simm.s32 @p0 $0x1  }
0x13: {  	[smem:$0x3FB0] =	sst s0;
	s0 =	simm.s32 @!p1 $0x0  }
0x14: {  	s2 =	sld [smem:$0x3F94];
	s0 =	simm.s32 @p1 $0x1  }
0x15: {  	[smem:$0x3FB1] =	sst s0;
	s0 =	simm.s32 @!p2 $0x0  }
0x16: {  	s3 =	sld [smem:$0x3FDB];
	s0 =	simm.s32 @p2 $0x1  }
0x17: {  	s4 =	simm.s32 $0x1BF5;
	[smem:$0x3FB3] =	sst s0  }
0x18: {  	s0 =	sld [smem:$0x3F96];
	_ =	swait.ge [sflag:s4], $0x0  }
0x19: {  	s7 =	sld [smem:$0x3F97]  }
0x1a: {  	s8 =	sadd.s32 $0xFFFFE003, lr  }
0x1b: {  	s9 =	sadd.s32 $0xFFFFFEF7, lr;
	s5 =	simm.s32 $0xFFFFFFFF;
	p2 =	slt.u32 s8, $0xFFFFF086  }
0x1c: {  	p1 =	slt.u32 s9, $0xF7A;
	s5 =	simm.s32 @!p2 $0x0  }
0x1d: {  	s5 =	simm.s32 @p1 $0x1;
	p0 =	seq.s32 s7, s2  }
0x1e: {  	s7 =	smul.u32 @!p0 $0xF7A, s2;
	p2 =	seq.s32 @!p0 s5, $0x0  }
0x1f: {  	s9 =	smul.u32 $0xF7A, s1;
	s8 =	simm.s32 @!p0 $0x1BF5;
	p2 =	por !p2, p0  }
0x20: {  	[sflag:s8] =	ssyncset.s32 @!p0 $0xFFFFF086;
	s6 =	sadd.s32 @!p0 s3, s7;
	s7 =	simm.s32 @!p0 $0x108  }
0x21: {  	s3 =	sadd.s32 s3, s9;
	s6 =	sadd.s32 @!p0 $0x88, s6;
	s7 =	simm.s32 @p2 $0x1082  }
0x22: {  	[simem:s7], [sflag:s8] =	dma.local @!p0 [hbm:s6], $0xF7A  }
0x23: {  	s9 =	sor.u32 $0xD0000000, s2;
	s6 =	simm.s32 $0x108;
	_ =	swait.ge @!p0 [sflag:s8], $0x0  }
0x24: {  	s3 =	sadd.s32 $0x88, s3;
	s6 =	simm.s32 @!p1 $0x1082;
	[sflag:s4] =	ssyncset.s32 $0xFFFFF086  }
0x25: {  	[simem:s6], [sflag:s4] =	dma.local [hbm:s3], $0xF7A  }
0x26: {  	[smem:$0x3F97] =	sst s1;
	(tag) =	ssettag s2;
	_ =	strace s9  }
0x27: {  	s1 =	sld [smem:$0x3FA7]  }
0x28: {  	s2 =	sld [smem:$0x3FA8]  }
0x29: {  	s4 =	sld [smem:$0x3FAA]  }
0x2a: {  	p0 =	seq.s32 s5, $0x0;
	s5 =	sld [smem:$0x3FAB]  }
0x2b: {  	s6 =	sld [smem:$0x3FAC]  }
0x2c: {  	s7 =	sld [smem:$0x3FAD]  }
0x2d: {  	s3 =	simm.s32 $0x108;
	s8 =	sld [smem:$0x3FAE]  }
0x2e: {  	s3 =	simm.s32 @!p0 $0x1082;
	s9 =	sld [smem:$0x3FAF]  }
0x2f: {  	lr =	sadd.s32 s0, s3;
	s0 =	sld [smem:$0x3FA6]  }
0x30: {  	s3 =	sld [smem:$0x3FA9]  }
0x31: {  	[smem:$0x3FB2] =	sst s10  }
0x32: {  	s10 =	sld [smem:$0x3FB0];
	_ =	sdelay $0x3  }
0x33: {  	p0 =	seq.s32 s10, $0x1;
	s10 =	sld [smem:$0x3FB2];
	_ =	sdelay $0x3  }
0x34: {  	[smem:$0x3FB2] =	sst s10  }
0x35: {  	s10 =	sld [smem:$0x3FB1];
	_ =	sdelay $0x3  }
0x36: {  	p1 =	seq.s32 s10, $0x1;
	s10 =	sld [smem:$0x3FB2];
	_ =	sdelay $0x3  }
0x37: {  	[smem:$0x3FB2] =	sst s10  }
0x38: {  	s10 =	sld [smem:$0x3FB3]  }
0x39: {  	_ = 	snop;
	(pc) =	sbr.ind lr, $3  }
0x3a: {  	_ = 	snop  }
0x3b: {  	_ = 	snop  }
0x3c: {  	p2 =	seq.s32 s10, $0x1;
	s10 =	sld [smem:$0x3FB2]  }
0x3d: {  	_ =	shalt  }
0x3e: {  	_ =	shalt  }
0x3f: {  	_ =	shalt  }
0x40: {  	_ =	shalt  }
0x41: {  	_ =	shalt  }
0x42: {  	_ =	shalt  }
0x43: {  	_ =	shalt  }
0x44: {  	_ =	shalt  }
0x45: {  	_ =	shalt  }
0x46: {  	_ =	shalt  }
0x47: {  	_ =	shalt  }
0x48: {  	_ =	shalt  }
0x49: {  	_ =	shalt  }
0x4a: {  	_ =	shalt  }
0x4b: {  	_ =	shalt  }
0x4c: {  	_ =	shalt  }
0x4d: {  	_ =	shalt  }
0x4e: {  	_ =	shalt  }
0x4f: {  	_ =	shalt  }
0x50: {  	_ =	shalt  }
0x51: {  	_ =	shalt  }
0x52: {  	_ =	shalt  }
0x53: {  	_ =	shalt  }
0x54: {  	_ =	shalt  }
0x55: {  	_ =	shalt  }
0x56: {  	_ =	shalt  }
0x57: {  	_ =	shalt  }
0x58: {  	_ =	shalt  }
0x59: {  	_ =	shalt  }
0x5a: {  	_ =	shalt  }
0x5b: {  	_ =	shalt  }
0x5c: {  	_ =	shalt  }
0x5d: {  	_ =	shalt  }
0x5e: {  	_ =	shalt  }
0x5f: {  	_ =	shalt  }
0x60: {  	_ =	shalt  }
0x61: {  	_ =	shalt  }
0x62: {  	_ =	shalt  }
0x63: {  	_ =	shalt  }
0x64: {  	_ =	shalt  }
0x65: {  	_ =	shalt  }
0x66: {  	_ =	shalt  }
0x67: {  	_ =	shalt  }
0x68: {  	_ =	shalt  }
0x69: {  	_ =	shalt  }
0x6a: {  	_ =	shalt  }
0x6b: {  	_ =	shalt  }
0x6c: {  	_ =	shalt  }
0x6d: {  	_ =	shalt  }
0x6e: {  	_ =	shalt  }
0x6f: {  	_ =	shalt  }
0x70: {  	_ =	shalt  }
0x71: {  	_ =	shalt  }
0x72: {  	_ =	shalt  }
0x73: {  	_ =	shalt  }
0x74: {  	_ =	shalt  }
0x75: {  	_ =	shalt  }
0x76: {  	_ =	shalt  }
0x77: {  	_ =	shalt  }
0x78: {  	_ =	shalt  }
0x79: {  	_ =	shalt  }
0x7a: {  	_ =	shalt  }
0x7b: {  	_ =	shalt  }
0x7c: {  	_ =	shalt  }
0x7d: {  	_ =	shalt  }
0x7e: {  	_ =	shalt  }
0x7f: {  	_ =	shalt  }
0x80: {  	_ =	shalt  }
0x81: {  	_ =	shalt  }
0x82: {  	_ =	shalt  }
0x83: {  	_ =	shalt  }
0x84: {  	_ =	shalt  }
0x85: {  	_ =	shalt  }
0x86: {  	_ =	shalt  }
0x87: {  	_ =	shalt  }
.Lfunc_end0:
.L_simem_size_0:
called_computation.3_lowered:
.L_overlay_start_0:
0x88: {  	s2 =	sld [smem:$0x3FD9]  }
0x89: {  	s3 =	sld [smem:$0x3FFE];
	_ =	sdelay $0x1  }
0x8a: {  	s1 =	srdreg.scid  }
0x8b: {  	s0 =	sand.u32 $0x1, s1  }
0x8c: {  	s17 =	sshll.u32 s0, $0xA;
	s2 =	sadd.s32 s3, s2  }
0x8d: {  	s2 =	sadd.s32 s2, s17  }
0x8e: {  	[smem:$0x3FBE] =	sst s2  }
0x8f: {  	_ = 	snop  }
0x90: {  	s2 =	sld [smem:$0x3FD0];
	(tm) =	ssettm $0x1  }
0x91: {  	s18 =	sld [smem:$0x3FFB];
	_ =	sdelay $0x3  }
0x92: {  	_ =	strace s18  }
0x93: {  	s3 =	sld [smem:$0x3FFC];
	_ =	sdelay $0x3  }
0x94: {  	_ =	strace s3  }
0x95: {  	s3 =	sld [smem:$0x3FFD];
	_ =	sdelay $0x3  }
0x96: {  	_ =	strace s3  }
0x97: {  	_ =	strace $0x8FFFFFFF  }
0x98: {  	s19 =	sld [smem:$0x3FDB];
	_ =	sdelay $0x1  }
0x99: {  	s4 =	simm.s32 $_scs_section_size  }
0x9a: {  	s5 =	simm.s32 $_size__tile_overlayer_lowered;
	s6 =	simm.s32 $_tile_overlayer_lowered  }
0x9b: {  	s22 =	simm.s32 $0x1BFF;
	s21 =	sshll.u32 s6, $0x1;
	s3 =	sadd.s32 s4, s19  }
0x9c: {  	s7 =	simm.s32 $0x0;
	s20 =	sshll.u32 s5, $0x1;
	s5 =	sadd.s32 s21, s3  }
0x9d: {  	[timem:s7], [sflag:s22] =	dma.local [hbm:s5], s20  }
0x9e: {  	_ =	swait.ge [sflag:s22], s20  }
0x9f: {  	s4 =	ssub.s32 $0x0, s20;
	[sflag:s22] =	ssyncset.done $0x0  }
0xa0: {  	[sflag:s22] =	ssyncadd.s32 s4;
	_ =	sdelay $0x1  }
0xa1: {  	s23 =	simm.s32 $0x1B8B  }
0xa2: {  	_ =	swait.ge [sflag:s23], $0x1  }
0xa3: {  	[sflag:s23] =	ssyncset.done $0x0  }
0xa4: {  	s25 =	simm.s32 $0x1B8E;
	s24 =	sld [smem:$0x3FFE];
	[sflag:s23] =	ssyncadd.s32 $0xFFFFFFFF  }
0xa5: {  	s26 =	simm.s32 $execute0_lowered;
	[smem:$0x3FD2] =	sst s25  }
0xa6: {  	s5 =	sshll.u32 s26, $0x1;
	_ =	strace $0x8000004F;
	[dreg:$0x1] =	wrdreg $0xFFFFFFFF  }
0xa7: {  	s28 =	simm.s32 $_size_execute0_lowered;
	s3 =	sadd.s32 s3, s5;
	[dreg:$0x0] =	wrdreg $0x0  }
0xa8: {  	s5 =	sshll.u32 s28, $0x1;
	[dreg:$0x2] =	wrdreg s3  }
0xa9: {  	[dreg:$0x3] =	wrdreg s5  }
0xaa: {  	[dreg:$0x4] =	wrdreg $0xC0  }
0xab: {  	_ =	task [dreg:s7], $0x5FFFF  }
0xac: {  	[dreg:$0x1] =	wrdreg $0xFFFFFFFF  }
0xad: {  	[dreg:$0x0] =	wrdreg $0x60  }
0xae: {  	[dreg:$0x2] =	wrdreg s24  }
0xaf: {  	[dreg:$0x3] =	wrdreg s2  }
0xb0: {  	[dreg:$0x4] =	wrdreg $0x0  }
0xb1: {  	[dreg:$0x5] =	wrdreg $0x9  }
0xb2: {  	_ =	task.clear_ibuf [dreg:s7], $0x6FFFF;
	_ =	strace $0x9000004F  }
0xb3: {  	s29 =	simm.s32 $0x9;
	_ =	strace $0x80000051  }
0xb4: {  	_ =	swait.ge [sflag:s29], $0x1  }
0xb5: {  	[sflag:s29] =	ssyncadd.s32 $0xFFFFFFFF  }
0xb6: {  	_ =	strace $0x90000051  }
0xb7: {  	_ =	sfence  }
0xb8: {  	s30 =	sld [smem:$0x0];
	_ =	sdelay $0x2  }
0xb9: {  	s31 =	sshll.u32 s1, $0xD;
	s1 =	sshrl.u32 s1, $0x2  }
0xba: {  	s3 =	sand.u32 $0x4000, s31;
	s1 =	sadd.s32 s1, s30  }
0xbb: {  	s0 =	sor.u32 s3, s0;
	s1 =	sshll.u32 s1, $0x11  }
0xbc: {  	s0 =	sor.u32 s1, s0  }
0xbd: {  	s0 =	sadd.s32 $0x8F2B, s0  }
0xbe: {  	[sflag:s0] =	ssyncadd.remote.s32 $0x1  }
0xbf: {  	_ =	sfence.sel $0xFFFF  }
0xc0: {  	[dreg:$0x0] =	wrdreg $0xFFFFFFFF;
	(pc) =	sbr.abs _section_cstart, $3  }
0xc1: {  	[dreg:$0x1] =	wrdreg $0xFFFFFFFF  }
0xc2: {  	_ =	task.clear_ibuf [dreg:s7], $0x2FFFF;
	_ =	strace $0x9FFFFFFF  }
0xc3: {  	(tm) =	ssettm $0x7FFFFFFF  }
tec
execute0_lowered:
.L_overlay_start_1:
0x0: {  	(tag) =	ssettag $0x1  }
0x1: {  	s0 =	rddreg [dreg:$0x0]  }
0x2: {  	s3 =	rddreg [dreg:$0x1]  }
0x3: {  	s1 =	rddreg [dreg:$0x2]  }
0x4: {  	s2 =	simm.s32 $0x0;
	s5 =	srdreg.scid;
	s15 =	stileid.u32  }
0x5: {  	[smem:$0x7FF] =	sst s2;
	s4 =	sadd.s32 $0xCC00, s0;
	s19 =	smul.u32 $0x4E000, s15  }
0x6: {  	s6 =	sadd.s32 $0x2E00, s0;
	s7 =	sand.u32 $0x1, s5;
	s25 =	smul.u32 $0x13800, s15  }
0x7: {  	s0 =	sadd.s32 $0x33E00, s0;
	s9 =	sshll.u32 s15, $0x1;
	s13 =	smul.u32 $0x4E20, s15  }
0x8: {  	p0 =	sne.s32 s15, $0xF;
	s15 =	simm.s32 $0x2;
	_ =	strace $0x80000050  }
0x9: {  	s8 =	ssub.s32 $0x2, s7;
	s9 =	sor.u32 s7, s9;
	s24 =	smul.u32 $0x138800, s7  }
0xa: {  	s7 =	smul.u32 $0x2710, s7;
	s10 =	sshrl.u32 s8, $0x1;
	s5 =	sshrl.u32 s19, $0x2  }
0xb: {  	s9 =	smul.u32 $0x2710, s9;
	s29 =	sadd.s32 $0x6800, s25;
	s8 =	ssub.s32 s8, s10  }
0xc: {  	s5 =	sadd.s32 s5, s1;
	s28 =	sadd.s32 s25, s24;
	s14 =	sadd.s32 s24, s29  }
0xd: {  	s7 =	sadd.s32 s7, s13;
	s10 =	sshrl.u32 s24, $0x3;
	s20 =	sadd.s32 $0x1800, s5  }
0xe: {  	s21 =	sadd.s32 $0x3000, s5;
	s22 =	sadd.s32 $0x4800, s5;
	[dreg:$0x4] =	wrdreg s20  }
0xf: {  	s23 =	sadd.s32 $0x6000, s5;
	s9 =	sshrl.u32 s9, $0x3;
	[dreg:$0x5] =	wrdreg s21  }
0x10: {  	s11 =	sadd.s32 $0x7800, s5;
	s12 =	sadd.s32 $0x9000, s5;
	[dreg:$0x6] =	wrdreg s22  }
0x11: {  	s30 =	sshrl.u32 s14, $0x3;
	s13 =	sadd.s32 $0x80, s7;
	[dreg:$0x7] =	wrdreg s23  }
0x12: {  	s7 =	sshrl.u32 s7, $0x3;
	s16 =	sadd.s32 $0xA800, s5;
	[dreg:$0x8] =	wrdreg s11  }
0x13: {  	s9 =	sadd.s32 $0x4E0, s9;
	[dreg:$0x9] =	wrdreg s12;
	s11 =	sadd.s32 $0xD000, s25  }
0x14: {  	s14 =	sshrl.u32 s13, $0x3;
	s19 =	sadd.s32 s7, s6;
	s20 =	sadd.s32 s7, s3  }
0x15: {  	[dreg:$0xf] =	wrdreg s16;
	s21 =	sadd.s32 s29, s1;
	s23 =	smax.u32 s8, $0x1  }
0x16: {  	s29 =	sadd.s32 $0xF000, s5;
	s7 =	simm.s32 $0x1B880;
	s8 =	simm.s32 $0x1B980  }
0x17: {  	s12 =	simm.s32 $0x13880;
	s13 =	simm.s32 $0x17880;
	s16 =	simm.s32 $0x1C280  }
0x18: {  	s26 =	sadd.s32 s3, s9;
	s9 =	sadd.s32 s6, s9;
	s31 =	sadd.s32 s24, s11  }
0x19: {  	s17 =	sadd.s32 s14, s6;
	s18 =	sadd.s32 s14, s3;
	[dreg:$0x11] =	wrdreg s23  }
0x1a: {  	s22 =	sadd.s32 s11, s1;
	s24 =	sshrl.u32 s21, $0x3;
	[dreg:$0x16] =	wrdreg s29  }
0x1b: {  	s3 =	simm.s32 $0x1C380;
	s6 =	simm.s32 $0x4;
	[dreg:$0xa] =	wrdreg s26  }
0x1c: {  	s11 =	simm.s32 $0x80;
	s14 =	simm.s32 $0x1;
	[dreg:$0xb] =	wrdreg s9  }
0x1d: {  	s21 =	simm.s32 $0x1C300;
	[dreg:$0x12] =	wrdreg s24;
	s25 =	sshrl.u32 s22, $0x3  }
0x1e: {  	s23 =	simm.s32 $0x1BA80;
	s26 =	sadd.s32 $0xC000, s5;
	[dreg:$0x13] =	wrdreg s25  }
0x1f: {  	s9 =	sshrl.u32 s28, $0x3;
	s28 =	sadd.s32 $0xD800, s5;
	[dreg:$0x14] =	wrdreg s26  }
0x20: {  	s22 =	simm.s32 $0x10;
	s9 =	sadd.s32 s0, s9;
	[dreg:$0x15] =	wrdreg s28  }
0x21: {  	s24 =	simm.s32 $0x3;
	[dreg:$0xc] =	wrdreg s9;
	s9 =	sadd.s32 s0, s30  }
0x22: {  	s25 =	simm.s32 $0x0;
	s30 =	sadd.s32 $0x10800, s5;
	[dreg:$0xd] =	wrdreg s9  }
0x23: {  	s9 =	sshrl.u32 s31, $0x3;
	[dreg:$0x17] =	wrdreg s30;
	s31 =	sadd.s32 $0x12000, s5  }
0x24: {  	s9 =	sadd.s32 s0, s9;
	s0 =	sadd.s32 s0, s10;
	[dreg:$0x18] =	wrdreg s31  }
0x25: {  	s10 =	simm.s32 $0x1BA00;
	[dreg:$0xe] =	wrdreg s9;
	s0 =	sadd.s32 $0x27000, s0  }
0x26: {  	v0 =	vimm.f32 $0.0e+00;
	s9 =	simm.s32 $0x1B900;
	[dreg:$0x10] =	wrdreg s0;
	s0 =	sadd.s32 $0x138000, s1  }
.LBB2_1:
0x27: {  	s26 =	simm.s32 $0x0;
	s28 =	simm.s32 $0x200  }
.LBB2_2:
0x28: {  	p1 =	sne.s32 s28, $0x5E00;
	[tilespmem:s26+$0x1C3F0] =	vst v0  }
0x29: {  	[tilespmem:s26+$0x1C380] =	vst v0  }
0x2a: {  	[tilespmem:s26+$0x1C390] =	vst v0  }
.Ltmp0:
0x2b: {  	[tilespmem:s26+$0x1C3A0] =	vst v0;
	(pc) =	sbr.rel @p1 .LBB2_2-.Ltmp0, $4  }
0x2c: {  	[tilespmem:s26+$0x1C3B0] =	vst v0  }
0x2d: {  	[tilespmem:s26+$0x1C3C0] =	vst v0  }
0x2e: {  	[tilespmem:s26+$0x1C3D0] =	vst v0  }
0x2f: {  	[tilespmem:s26+$0x1C3E0] =	vst v0;
	s26 =	sshra.s32 s28, $0x2;
	s28 =	sadd.s32 $0x200, s28  }
0x30: {  	[tilespmem:s26+$0x1C3F0] =	vst v0  }
0x31: {  	[tilespmem:s26+$0x1C380] =	vst v0  }
0x32: {  	[tilespmem:s26+$0x1C390] =	vst v0  }
0x33: {  	[tilespmem:s26+$0x1C3A0] =	vst v0  }
0x34: {  	[tilespmem:s26+$0x1C3B0] =	vst v0  }
0x35: {  	[tilespmem:s26+$0x1C3C0] =	vst v0  }
0x36: {  	[tilespmem:s26+$0x1C3D0] =	vst v0  }
0x37: {  	[tilespmem:s26+$0x1C3E0] =	vst v0  }
0x38: {  	[spmem:s5] =	stream.linear.scatter [tilespmem:s3], [sflag:$0x4], $0x1800, $0x38;
	[tilespmem:$0x1DB80] =	vst v63  }
0x39: {  	_ =	swait.ge [sflag:s6], $0x1800  }
0x3a: {  	[sflag:s6] =	ssyncset.done $0x0  }
0x3b: {  	s31 =	rddreg [dreg:$0x4];
	[sflag:s6] =	ssyncadd.s32 $0xFFFFE800  }
0x3c: {  	[spmem:s31] =	stream.linear.scatter [tilespmem:s3], [sflag:$0x4], $0x1800, $0x38;
	[tilespmem:$0x1DB80] =	vst v63  }
0x3d: {  	_ =	swait.ge [sflag:s6], $0x1800  }
0x3e: {  	[sflag:s6] =	ssyncset.done $0x0  }
0x3f: {  	s29 =	rddreg [dreg:$0x5];
	[sflag:s6] =	ssyncadd.s32 $0xFFFFE800  }
0x40: {  	[spmem:s29] =	stream.linear.scatter [tilespmem:s3], [sflag:$0x4], $0x1800, $0x38;
	[tilespmem:$0x1DB80] =	vst v63  }
0x41: {  	_ =	swait.ge [sflag:s6], $0x1800  }
0x42: {  	[sflag:s6] =	ssyncset.done $0x0  }
0x43: {  	s30 =	rddreg [dreg:$0x6];
	[sflag:s6] =	ssyncadd.s32 $0xFFFFE800  }
0x44: {  	[spmem:s30] =	stream.linear.scatter [tilespmem:s3], [sflag:$0x4], $0x1800, $0x38;
	[tilespmem:$0x1DB80] =	vst v63  }
0x45: {  	_ =	swait.ge [sflag:s6], $0x1800  }
0x46: {  	[sflag:s6] =	ssyncset.done $0x0  }
0x47: {  	s31 =	rddreg [dreg:$0x7];
	[sflag:s6] =	ssyncadd.s32 $0xFFFFE800  }
0x48: {  	[spmem:s31] =	stream.linear.scatter [tilespmem:s3], [sflag:$0x4], $0x1800, $0x38;
	[tilespmem:$0x1DB80] =	vst v63  }
0x49: {  	_ =	swait.ge [sflag:s6], $0x1800  }
0x4a: {  	[sflag:s6] =	ssyncset.done $0x0  }
0x4b: {  	s29 =	rddreg [dreg:$0x8];
	[sflag:s6] =	ssyncadd.s32 $0xFFFFE800  }
0x4c: {  	[spmem:s29] =	stream.linear.scatter [tilespmem:s3], [sflag:$0x4], $0x1800, $0x38;
	[tilespmem:$0x1DB80] =	vst v63  }
0x4d: {  	_ =	swait.ge [sflag:s6], $0x1800  }
0x4e: {  	[sflag:s6] =	ssyncset.done $0x0  }
0x4f: {  	s30 =	rddreg [dreg:$0x9];
	[sflag:s6] =	ssyncadd.s32 $0xFFFFE800  }
0x50: {  	[spmem:s30] =	stream.linear.scatter [tilespmem:s3], [sflag:$0x4], $0x1800, $0x38;
	[tilespmem:$0x1DB80] =	vst v63  }
0x51: {  	_ =	swait.ge [sflag:s6], $0x1800  }
0x52: {  	[sflag:s6] =	ssyncset.done $0x0  }
0x53: {  	s31 =	rddreg [dreg:$0xf];
	[sflag:s6] =	ssyncadd.s32 $0xFFFFE800  }
0x54: {  	[spmem:s31] =	stream.linear.scatter [tilespmem:s3], [sflag:$0x4], $0x1800, $0x38;
	[tilespmem:$0x1DB80] =	vst v63  }
0x55: {  	_ =	swait.ge [sflag:s6], $0x1800  }
0x56: {  	[sflag:s6] =	ssyncset.done $0x0  }
0x57: {  	s29 =	rddreg [dreg:$0x14];
	[sflag:s6] =	ssyncadd.s32 $0xFFFFE800  }
0x58: {  	[spmem:s29] =	stream.linear.scatter [tilespmem:s3], [sflag:$0x4], $0x1800, $0x38;
	[tilespmem:$0x1DB80] =	vst v63  }
0x59: {  	_ =	swait.ge [sflag:s6], $0x1800  }
0x5a: {  	[sflag:s6] =	ssyncset.done $0x0  }
0x5b: {  	s30 =	rddreg [dreg:$0x15];
	[sflag:s6] =	ssyncadd.s32 $0xFFFFE800  }
0x5c: {  	[spmem:s30] =	stream.linear.scatter [tilespmem:s3], [sflag:$0x4], $0x1800, $0x38;
	[tilespmem:$0x1DB80] =	vst v63  }
0x5d: {  	_ =	swait.ge [sflag:s6], $0x1800  }
0x5e: {  	[sflag:s6] =	ssyncset.done $0x0  }
0x5f: {  	s31 =	rddreg [dreg:$0x16];
	[sflag:s6] =	ssyncadd.s32 $0xFFFFE800  }
0x60: {  	[spmem:s31] =	stream.linear.scatter [tilespmem:s3], [sflag:$0x4], $0x1800, $0x38;
	[tilespmem:$0x1DB80] =	vst v63  }
0x61: {  	_ =	swait.ge [sflag:s6], $0x1800  }
0x62: {  	[sflag:s6] =	ssyncset.done $0x0  }
0x63: {  	s29 =	rddreg [dreg:$0x17];
	[sflag:s6] =	ssyncadd.s32 $0xFFFFE800  }
0x64: {  	[spmem:s29] =	stream.linear.scatter [tilespmem:s3], [sflag:$0x4], $0x1800, $0x38;
	[tilespmem:$0x1DB80] =	vst v63  }
0x65: {  	_ =	swait.ge [sflag:s6], $0x1800  }
0x66: {  	[sflag:s6] =	ssyncset.done $0x0  }
0x67: {  	s30 =	rddreg [dreg:$0x18];
	[sflag:s6] =	ssyncadd.s32 $0xFFFFE800  }
0x68: {  	[spmem:s30] =	stream.linear.scatter [tilespmem:s3], [sflag:$0x4], $0x1800, $0x38;
	[tilespmem:$0x1DB80] =	vst v63  }
0x69: {  	_ =	swait.ge [sflag:s6], $0x1800  }
0x6a: {  	[sflag:s6] =	ssyncset.done $0x0  }
0x6b: {  	s26 =	simm.s32 @!p0 $0x1C380;
	[sflag:s6] =	ssyncadd.s32 $0xFFFFE800  }
0x6c: {  	[spmem:s0] =	stream.linear.scatter @!p0 [tilespmem:s26], [sflag:$0x4], $0x800, $0x38;
	[tilespmem:$0x1DB80] =	vst v63  }
0x6d: {  	s26 =	simm.s32 @!p0 $0x4  }
0x6e: {  	_ =	swait.ge @!p0 [sflag:s26], $0x800  }
0x6f: {  	[sflag:s26] =	ssyncset.done @!p0 $0x0  }
0x70: {  	[sflag:s26] =	ssyncadd.s32 @!p0 $0xFFFFF800  }
0x71: {  	s31 =	sadd.s32 $0x0, s20;
	[bflag:$0x0] =	sbarrier.arrive $0xFFFF  }
0x72: {  	[tilespmem:s7], [sflag:$0x4] =	stream.linear.gather [hbm4b:s31+s2], $0x80, $0x38;
	[tilespmem:$0x1DB80] =	vst v63  }
0x73: {  	_ =	swait.ge [sflag:s6], $0x80  }
0x74: {  	[sflag:s6] =	ssyncset.done $0x0  }
0x75: {  	s29 =	sadd.s32 $0x0, s19;
	[sflag:s6] =	ssyncadd.s32 $0xFFFFFF80  }
0x76: {  	[tilespmem:s8], [sflag:$0x4] =	stream.linear.gather [hbm4b:s29+s2], $0x80, $0x38;
	[tilespmem:$0x1DB80] =	vst v63  }
0x77: {  	_ =	swait.ge [sflag:s6], $0x80  }
0x78: {  	[sflag:s6] =	ssyncset.done $0x0  }
0x79: {  	s30 =	sadd.s32 $0x0, s18;
	[sflag:s6] =	ssyncadd.s32 $0xFFFFFF80  }
0x7a: {  	[tilespmem:s9], [sflag:$0x4] =	stream.linear.gather [hbm4b:s30+s2], $0x80, $0x38;
	[tilespmem:$0x1DB80] =	vst v63  }
0x7b: {  	_ =	swait.ge [sflag:s6], $0x80  }
0x7c: {  	[sflag:s6] =	ssyncset.done $0x0  }
0x7d: {  	s31 =	sadd.s32 $0x0, s17;
	[sflag:s6] =	ssyncadd.s32 $0xFFFFFF80  }
0x7e: {  	[tilespmem:s10], [sflag:$0x4] =	stream.linear.gather [hbm4b:s31+s2], $0x80, $0x38;
	[tilespmem:$0x1DB80] =	vst v63  }
0x7f: {  	_ =	swait.ge [sflag:s6], $0x80  }
0x80: {  	[sflag:s6] =	ssyncset.done $0x0  }
0x81: {  	[sflag:s6] =	ssyncadd.s32 $0xFFFFFF80  }
0x82: {  	[tilespmem:s12], [sflag:$0x1] =	stream.indirect.gather [hbm4b:s4+s11], $0x80, s7, s11, $0xb8;
	[tilespmem:$0x1DB80] =	vst v63  }
0x83: {  	_ = 	snop  }
0x84: {  	[tilespmem:s13], [sflag:$0x2] =	stream.indirect.gather [hbm4b:s4+s11], $0x80, s9, s11, $0xb8;
	[tilespmem:$0x1DB80] =	vst v63  }
0x85: {  	_ =	swait.ge [sflag:s14], $0x4000  }
0x86: {  	[sflag:s14] =	ssyncset.done $0x0  }
0x87: {  	[sflag:s14] =	ssyncadd.s32 $0xFFFFC000  }
0x88: {  	[spmem:s1] =	stream.indirect.scatter.add.f32 [tilespmem:s12], [sflag:$0x4], $0x80, s8, s11, $0xb8;
	[tilespmem:$0x1DB80] =	vst v63  }
0x89: {  	_ =	swait.ge [sflag:s6], $0x4000  }
0x8a: {  	[sflag:s6] =	ssyncset.done $0x0  }
0x8b: {  	[sflag:s6] =	ssyncadd.s32 $0xFFFFC000  }
0x8c: {  	_ =	swait.ge [sflag:s15], $0x4000  }
0x8d: {  	[sflag:s15] =	ssyncset.done $0x0  }
0x8e: {  	[sflag:s15] =	ssyncadd.s32 $0xFFFFC000  }
0x8f: {  	[spmem:s1] =	stream.indirect.scatter.add.f32 [tilespmem:s13], [sflag:$0x4], $0x80, s10, s11, $0xb8;
	[tilespmem:$0x1DB80] =	vst v63  }
0x90: {  	_ =	swait.ge [sflag:s6], $0x4000  }
0x91: {  	s28 =	simm.s32 $0x40;
	s26 =	simm.s32 $0x20;
	[sflag:s6] =	ssyncset.done $0x0  }
.LBB2_4:
0x92: {  	s30 =	sadd.s32 s26, s20  }
0x93: {  	[sflag:s6] =	ssyncadd.s32 $0xFFFFC000;
	s31 =	smov.u32 s28;
	s29 =	sadd.s32 $0x20, s28  }
0x94: {  	[tilespmem:s7], [sflag:$0x4] =	stream.linear.gather [hbm4b:s30+s2], $0x80, $0x38;
	[tilespmem:$0x1DB80] =	vst v63  }
0x95: {  	p1 =	sne.s32 s28, $0x4C0;
	_ =	swait.ge [sflag:s6], $0x80  }
0x96: {  	[sflag:s6] =	ssyncset.done $0x0  }
0x97: {  	s28 =	sadd.s32 s26, s19;
	[sflag:s6] =	ssyncadd.s32 $0xFFFFFF80  }
0x98: {  	[tilespmem:s8], [sflag:$0x4] =	stream.linear.gather [hbm4b:s28+s2], $0x80, $0x38;
	[tilespmem:$0x1DB80] =	vst v63  }
0x99: {  	_ =	swait.ge [sflag:s6], $0x80  }
0x9a: {  	[sflag:s6] =	ssyncset.done $0x0  }
0x9b: {  	s28 =	sadd.s32 s26, s18;
	[sflag:s6] =	ssyncadd.s32 $0xFFFFFF80  }
0x9c: {  	[tilespmem:s9], [sflag:$0x4] =	stream.linear.gather [hbm4b:s28+s2], $0x80, $0x38;
	[tilespmem:$0x1DB80] =	vst v63  }
0x9d: {  	_ =	swait.ge [sflag:s6], $0x80  }
0x9e: {  	[sflag:s6] =	ssyncset.done $0x0  }
0x9f: {  	s28 =	sadd.s32 s26, s17;
	s26 =	smov.u32 s31;
	[sflag:s6] =	ssyncadd.s32 $0xFFFFFF80  }
0xa0: {  	[tilespmem:s10], [sflag:$0x4] =	stream.linear.gather [hbm4b:s28+s2], $0x80, $0x38;
	[tilespmem:$0x1DB80] =	vst v63  }
0xa1: {  	_ =	swait.ge [sflag:s6], $0x80  }
0xa2: {  	[sflag:s6] =	ssyncset.done $0x0  }
0xa3: {  	[sflag:s6] =	ssyncadd.s32 $0xFFFFFF80  }
0xa4: {  	[tilespmem:s12], [sflag:$0x1] =	stream.indirect.gather [hbm4b:s4+s11], $0x80, s7, s11, $0xb8;
	[tilespmem:$0x1DB80] =	vst v63  }
0xa5: {  	_ = 	snop  }
0xa6: {  	[tilespmem:s13], [sflag:$0x2] =	stream.indirect.gather [hbm4b:s4+s11], $0x80, s9, s11, $0xb8;
	[tilespmem:$0x1DB80] =	vst v63  }
0xa7: {  	_ =	swait.ge [sflag:s14], $0x4000  }
0xa8: {  	[sflag:s14] =	ssyncset.done $0x0  }
0xa9: {  	[sflag:s14] =	ssyncadd.s32 $0xFFFFC000  }
0xaa: {  	[spmem:s1] =	stream.indirect.scatter.add.f32 [tilespmem:s12], [sflag:$0x4], $0x80, s8, s11, $0xb8;
	[tilespmem:$0x1DB80] =	vst v63  }
0xab: {  	_ =	swait.ge [sflag:s6], $0x4000  }
0xac: {  	[sflag:s6] =	ssyncset.done $0x0  }
0xad: {  	[sflag:s6] =	ssyncadd.s32 $0xFFFFC000  }
0xae: {  	_ =	swait.ge [sflag:s15], $0x4000  }
.Ltmp1:
0xaf: {  	[sflag:s15] =	ssyncset.done $0x0;
	(pc) =	sbr.rel @p1 .LBB2_4-.Ltmp1, $4  }
0xb0: {  	[sflag:s15] =	ssyncadd.s32 $0xFFFFC000  }
0xb1: {  	[spmem:s1] =	stream.indirect.scatter.add.f32 [tilespmem:s13], [sflag:$0x4], $0x80, s10, s11, $0xb8;
	[tilespmem:$0x1DB80] =	vst v63  }
0xb2: {  	_ =	swait.ge [sflag:s6], $0x4000  }
0xb3: {  	s28 =	smov.u32 s29;
	[sflag:s6] =	ssyncset.done $0x0  }
0xb4: {  	s28 =	sadd.s32 s26, s20;
	[sflag:s6] =	ssyncadd.s32 $0xFFFFC000  }
0xb5: {  	[tilespmem:s7], [sflag:$0x4] =	stream.linear.gather [hbm4b:s28+s2], $0x80, $0x38;
	[tilespmem:$0x1DB80] =	vst v63  }
0xb6: {  	_ =	swait.ge [sflag:s6], $0x80  }
0xb7: {  	[sflag:s6] =	ssyncset.done $0x0  }
0xb8: {  	s31 =	sadd.s32 s26, s19;
	[sflag:s6] =	ssyncadd.s32 $0xFFFFFF80  }
0xb9: {  	[tilespmem:s8], [sflag:$0x4] =	stream.linear.gather [hbm4b:s31+s2], $0x80, $0x38;
	[tilespmem:$0x1DB80] =	vst v63  }
0xba: {  	_ =	swait.ge [sflag:s6], $0x80  }
0xbb: {  	[sflag:s6] =	ssyncset.done $0x0  }
0xbc: {  	s29 =	sadd.s32 s26, s18;
	[sflag:s6] =	ssyncadd.s32 $0xFFFFFF80  }
0xbd: {  	[tilespmem:s9], [sflag:$0x4] =	stream.linear.gather [hbm4b:s29+s2], $0x80, $0x38;
	[tilespmem:$0x1DB80] =	vst v63  }
0xbe: {  	_ =	swait.ge [sflag:s6], $0x80  }
0xbf: {  	[sflag:s6] =	ssyncset.done $0x0  }
0xc0: {  	s30 =	sadd.s32 s26, s17;
	[sflag:s6] =	ssyncadd.s32 $0xFFFFFF80  }
0xc1: {  	[tilespmem:s10], [sflag:$0x4] =	stream.linear.gather [hbm4b:s30+s2], $0x80, $0x38;
	[tilespmem:$0x1DB80] =	vst v63  }
0xc2: {  	_ =	swait.ge [sflag:s6], $0x80  }
0xc3: {  	[sflag:s6] =	ssyncset.done $0x0  }
0xc4: {  	[sflag:s6] =	ssyncadd.s32 $0xFFFFFF80  }
0xc5: {  	[tilespmem:s12], [sflag:$0x1] =	stream.indirect.gather [hbm4b:s4+s11], $0x80, s7, s11, $0xb8;
	[tilespmem:$0x1DB80] =	vst v63  }
0xc6: {  	_ = 	snop  }
0xc7: {  	[tilespmem:s13], [sflag:$0x2] =	stream.indirect.gather [hbm4b:s4+s11], $0x80, s9, s11, $0xb8;
	[tilespmem:$0x1DB80] =	vst v63  }
0xc8: {  	_ =	swait.ge [sflag:s14], $0x4000  }
0xc9: {  	[sflag:s14] =	ssyncset.done $0x0  }
0xca: {  	[sflag:s14] =	ssyncadd.s32 $0xFFFFC000  }
0xcb: {  	[spmem:s1] =	stream.indirect.scatter.add.f32 [tilespmem:s12], [sflag:$0x4], $0x80, s8, s11, $0xb8;
	[tilespmem:$0x1DB80] =	vst v63  }
0xcc: {  	_ =	swait.ge [sflag:s6], $0x4000  }
0xcd: {  	[sflag:s6] =	ssyncset.done $0x0  }
0xce: {  	[sflag:s6] =	ssyncadd.s32 $0xFFFFC000  }
0xcf: {  	_ =	swait.ge [sflag:s15], $0x4000  }
0xd0: {  	[sflag:s15] =	ssyncset.done $0x0  }
0xd1: {  	[sflag:s15] =	ssyncadd.s32 $0xFFFFC000  }
0xd2: {  	[spmem:s1] =	stream.indirect.scatter.add.f32 [tilespmem:s13], [sflag:$0x4], $0x80, s10, s11, $0xb8;
	[tilespmem:$0x1DB80] =	vst v63  }
0xd3: {  	_ =	swait.ge [sflag:s6], $0x4000  }
0xd4: {  	[sflag:s6] =	ssyncset.done $0x0  }
0xd5: {  	s31 =	rddreg [dreg:$0xa];
	[sflag:s6] =	ssyncadd.s32 $0xFFFFC000  }
0xd6: {  	[tilespmem:s16], [sflag:$0x4] =	stream.linear.gather [hbm4b:s31+s2], $0x10, $0x38;
	[tilespmem:$0x1DB80] =	vst v63  }
0xd7: {  	_ =	swait.ge [sflag:s6], $0x10  }
0xd8: {  	[sflag:s6] =	ssyncset.done $0x0  }
0xd9: {  	s28 =	rddreg [dreg:$0xb];
	[sflag:s6] =	ssyncadd.s32 $0xFFFFFFF0  }
0xda: {  	[tilespmem:s21], [sflag:$0x4] =	stream.linear.gather [hbm4b:s28+s2], $0x10, $0x38;
	[tilespmem:$0x1DB80] =	vst v63  }
0xdb: {  	_ =	swait.ge [sflag:s6], $0x10  }
0xdc: {  	[sflag:s6] =	ssyncset.done $0x0  }
0xdd: {  	[sflag:s6] =	ssyncadd.s32 $0xFFFFFFF0  }
0xde: {  	[tilespmem:s23], [sflag:$0x3] =	stream.indirect.gather [hbm4b:s4+s22], $0x80, s16, s22, $0xb8;
	[tilespmem:$0x1DB80] =	vst v63  }
0xdf: {  	_ =	swait.ge [sflag:s24], $0x800  }
0xe0: {  	[sflag:s24] =	ssyncset.done $0x0  }
0xe1: {  	[sflag:s24] =	ssyncadd.s32 $0xFFFFF800  }
0xe2: {  	[spmem:s1] =	stream.indirect.scatter.add.f32 [tilespmem:s23], [sflag:$0x4], $0x80, s21, s22, $0xb8;
	[tilespmem:$0x1DB80] =	vst v63  }
0xe3: {  	_ =	swait.ge [sflag:s6], $0x800  }
0xe4: {  	[sflag:s6] =	ssyncset.done $0x0  }
0xe5: {  	s29 =	stileid.u32;
	[sflag:s6] =	ssyncadd.s32 $0xFFFFF800  }
0xe6: {  	s26 =	sshll.u32 s29, $0x6;
	[bflag:$0x0] =	sbarrier.arrive $0xFFFF  }
0xe7: {  	s26 =	sor.u32 $0x1C04, s26;
	s30 =	sshrl.u32 s5, $0x3;
	s29 =	rddreg [dreg:$0xc]  }
0xe8: {  	[hbm:s29], [sflag:s26] =	dma.local [spmem:s30], $0xD00  }
0xe9: {  	_ =	swait.ge [sflag:s6], $0xD00  }
0xea: {  	[sflag:s6] =	ssyncset.done $0x0;
	s31 =	rddreg [dreg:$0xd]  }
0xeb: {  	s30 =	rddreg [dreg:$0x12];
	[sflag:s6] =	ssyncadd.s32 $0xFFFFF300  }
0xec: {  	[hbm:s31], [sflag:s26] =	dma.local [spmem:s30], $0xD00  }
0xed: {  	_ =	swait.ge [sflag:s6], $0xD00  }
0xee: {  	[sflag:s6] =	ssyncset.done $0x0;
	s31 =	rddreg [dreg:$0xe]  }
0xef: {  	s30 =	rddreg [dreg:$0x13];
	[sflag:s6] =	ssyncadd.s32 $0xFFFFF300  }
0xf0: {  	[hbm:s31], [sflag:s26] =	dma.local [spmem:s30], $0xD00  }
0xf1: {  	_ =	swait.ge [sflag:s6], $0xD00  }
0xf2: {  	[sflag:s6] =	ssyncset.done $0x0  }
0xf3: {  	s28 =	sshrl.u32 @!p0 s0, $0x3;
	s29 =	rddreg [dreg:$0x10];
	[sflag:s6] =	ssyncadd.s32 $0xFFFFF300  }
0xf4: {  	[hbm:s29], [sflag:s26] =	dma.local @!p0 [spmem:s28], $0x100  }
0xf5: {  	s26 =	simm.s32 @!p0 $0x4  }
0xf6: {  	_ =	swait.ge @!p0 [sflag:s26], $0x100  }
0xf7: {  	s25 =	sadd.s32 $0x1, s25;
	s31 =	rddreg [dreg:$0x11]  }
0xf8: {  	p1 =	sne.s32 s25, s31  }
.Ltmp2:
0xf9: {  	_ = 	snop;
	(pc) =	sbr.rel @p1 .LBB2_1-.Ltmp2, $3  }
0xfa: {  	_ =	sdelay $0x1  }
0xfb: {  	[sflag:s26] =	ssyncset.done @!p0 $0x0  }
0xfc: {  	[sflag:s26] =	ssyncadd.s32 @!p0 $0xFFFFFF00  }
0xfd: {  	_ =	sfence.sel $0x180000  }
0xfe: {  	[bflag:$0x0] =	sbarrier.arrive $0xFFFF  }
0xff: {  	_ =	strace $0x90000050  }
0x100: {  	s0 =	stileid.u32;
	[bflag:$0x2] =	sbarrier.arrive $0xFFFF  }
0x101: {  	p0 =	sne.s32 s0, $0x0;
	s0 =	rddreg [dreg:$0x3]  }
0x102: {  	s0 =	sadd.s32 @!p0 $0x100000, s0  }
0x103: {  	[sflag:s0] =	ssyncadd.tile.s32 @!p0 $0x1;
	_ =	shalt  }
.Lfunc_end2:
_tile_overlayer_lowered:
.L_overlay_start_2:
0x104: {  	(tag) =	ssettag $0x2  }
0x105: {  	s0 =	rddreg [dreg:$0x0];
	s2 =	stileid.u32  }
0x106: {  	s1 =	rddreg [dreg:$0x1];
	p0 =	sne.s32 s2, $0x0  }
0x107: {  	s3 =	rddreg [dreg:$0x2];
	[bflag:$0x3] =	sbarrier.arrive $0xFFFF;
	s2 =	simm.s32 @!p0 $0x1C04  }
0x108: {  	[timem:s3], [sflag:s2] =	dma.local @!p0 [hbm:s0], s1  }
0x109: {  	s0 =	simm.s32 @!p0 $0x4  }
0x10a: {  	_ =	swait.ge @!p0 [sflag:s0], s1  }
0x10b: {  	s1 =	ssub.s32 @!p0 $0x0, s1;
	[sflag:s0] =	ssyncset.done @!p0 $0x0  }
0x10c: {  	[sflag:s0] =	ssyncadd.s32 @!p0 s1  }
0x10d: {  	[bflag:$0x3] =	sbarrier.arrive $0xFFFF  }
0x10e: {  	_ =	shalt  }

</sc_bundles>
